<compile_context>
chip_gen: v7x
topology: tpu7x:2x2x1
jax: 0.10.2.dev20260603
libtpu: 0.0.44.dev20260713+nightly
codegen_flags: <defaults>
</compile_context>

<pallas_src>
import functools

import jax
import jax.numpy as jnp
import numpy as np
from jax import lax
from jax.experimental import pallas as pl
from jax.experimental.pallas import tpu as pltpu
from jax.experimental.pallas import tpu_sc as plsc

NUM_EMB = 8192
EMB_DIM = 256
NUM_SAMPLES = 5
COMMIT = 0.25
N_TOK = 4608

TN = 256
TS = 64
N_BLOCKS = N_TOK // TN
N_TILES = NUM_EMB // TS

NW = 32
TOK_W = N_TOK // NW
CHUNK = 48
N_CHUNKS_SC = TOK_W // CHUNK


def _i32(v):
    v = int(np.uint32(v))
    return np.int32(v - (1 << 32) if v >= (1 << 31) else v)


_K0 = np.int32(0)
_K1 = np.int32(42)
_K2 = _i32(0 ^ 42 ^ 0x1BD11BDA)
_ROT_A = (13, 15, 26, 6)
_ROT_B = (17, 29, 16, 24)


def _rotl(x, d):
    return jax.lax.bitwise_or(
        jax.lax.shift_left(x, np.int32(d)),
        jax.lax.shift_right_logical(x, np.int32(32 - d)))


def _four_rounds(v0, v1, rots):
    for r in rots:
        v0 = v0 + v1
        v1 = _rotl(v1, r)
        v1 = jax.lax.bitwise_xor(v0, v1)
    return v0, v1


def _threefry_bits(v1):
    v0 = v1
    v1 = jax.lax.bitwise_xor(v0, _rotl(v1, _ROT_A[0]))
    for r in _ROT_A[1:]:
        v0 = v0 + v1
        v1 = _rotl(v1, r)
        v1 = jax.lax.bitwise_xor(v0, v1)
    v0 = v0 + _K1
    v1 = v1 + _i32(int(_K2) + 1)
    v0, v1 = _four_rounds(v0, v1, _ROT_B)
    v0 = v0 + _K2
    v1 = v1 + _i32(int(_K0) + 2)
    v0, v1 = _four_rounds(v0, v1, _ROT_A)
    v0 = v0 + _K0
    v1 = v1 + _i32(int(_K1) + 3)
    v0, v1 = _four_rounds(v0, v1, _ROT_B)
    v0 = v0 + _K1
    v1 = v1 + _i32(int(_K2) + 4)
    v0, v1 = _four_rounds(v0, v1, _ROT_A)
    v0 = v0 + _K2
    v1 = v1 + _i32(int(_K0) + 5)
    return jax.lax.bitwise_xor(v0, v1)


def _neg_gumbel_from_bits(bits):
    fb = jax.lax.bitwise_or(
        jax.lax.shift_right_logical(bits, np.int32(9)),
        np.int32(0x3F800000))
    u = jax.lax.bitcast_convert_type(fb, jnp.float32) - np.float32(1.0)
    return jnp.log(-jnp.log(u))



def _sampler_body(x_ref, w_ref, out_ref, logits_ref, w2_ref):
    b = pl.program_id(0)
    s = pl.program_id(1)

    @pl.when(jnp.logical_and(b == 0, s == 0))
    def _():
        wv = w_ref[...]
        w2_ref[...] = jnp.sum(wv * wv, axis=1, keepdims=True)

    @pl.when(s == 0)
    def _():
        wv = w_ref[...]
        xb = x_ref[...]
        x2 = jnp.sum(xb * xb, axis=1)
        mm = jax.lax.dot_general(
            wv, xb, (((1,), (1,)), ((), ())),
            preferred_element_type=jnp.float32)
        dist = (w2_ref[...] + x2[None, :]) - np.float32(2.0) * mm
        logits_ref[...] = -dist

    jj = jax.lax.broadcasted_iota(jnp.int32, (TS, TN), 0)
    ti = jax.lax.broadcasted_iota(jnp.int32, (TS, TN), 1)
    row_ctr = ti * np.int32(NUM_EMB) + jj
    s_base = (s * np.int32(N_TOK * NUM_EMB) + b * np.int32(TN * NUM_EMB)
              + _K1)

    def tile_step(t, carry):
        best, btile = carry
        off = pl.multiple_of(t * TS, TS)
        v1 = row_ctr + (s_base + t * np.int32(TS))
        ng = _neg_gumbel_from_bits(_threefry_bits(v1))
        val = logits_ref[pl.ds(off, TS), :] - ng
        take = val > best
        return (jnp.where(take, val, best), jnp.where(take, t, btile))

    init = (jnp.full((TS, TN), -np.inf, jnp.float32),
            jnp.zeros((TS, TN), jnp.int32))
    best, btile = jax.lax.fori_loop(0, N_TILES, tile_step, init)
    bidx = jj + btile * np.int32(TS)
    rowmax = jnp.max(best, axis=0, keepdims=True)
    cand = jnp.where(best == rowmax, bidx, np.int32(1 << 30))
    out_ref[...] = jnp.min(cand, axis=0, keepdims=True)[None]


def _sample_tokens(xf, w):
    out = pl.pallas_call(
        _sampler_body,
        grid=(N_BLOCKS, NUM_SAMPLES),
        in_specs=[
            pl.BlockSpec((TN, EMB_DIM), lambda b, s: (b, 0)),
            pl.BlockSpec((NUM_EMB, EMB_DIM), lambda b, s: (0, 0)),
        ],
        out_specs=pl.BlockSpec((1, 1, TN), lambda b, s: (s, 0, b)),
        out_shape=jax.ShapeDtypeStruct((NUM_SAMPLES, 1, N_TOK), jnp.int32),
        scratch_shapes=[pltpu.VMEM((NUM_EMB, TN), jnp.float32),
                        pltpu.VMEM((NUM_EMB, 1), jnp.float32)],
        compiler_params=pltpu.CompilerParams(
            dimension_semantics=("arbitrary", "arbitrary")),
    )(xf, w)
    return out.reshape(NUM_SAMPLES, N_TOK)



def _gather_body(w_hbm, samples_hbm, x_hbm,
                 qst_hbm, hist_hbm, sse_hbm,
                 idx_v, rows_v, x_v, hist_v, sse_v, sem):
    wid = lax.axis_index("s") * 2 + lax.axis_index("c")
    base = wid * TOK_W

    def zero_step(i, _):
        hist_v[pl.ds(i * 16, 16)] = jnp.zeros((16,), jnp.float32)
        return 0
    lax.fori_loop(0, NUM_EMB // 16, zero_step, 0)

    ones16 = jnp.ones((16,), jnp.float32)
    sse = jnp.zeros((16,), jnp.float32)

    for chunk in range(N_CHUNKS_SC):
        cbase = base + chunk * CHUNK
        pltpu.sync_copy(x_hbm.at[pl.ds(cbase, CHUNK)], x_v)
        for s in range(NUM_SAMPLES):
            pltpu.sync_copy(samples_hbm.at[pl.ds(s * N_TOK + cbase, CHUNK)],
                            idx_v.at[s])
        copies = [
            pltpu.async_copy(w_hbm.at[idx_v.at[s]], rows_v.at[s], sem)
            for s in range(NUM_SAMPLES)
        ]
        for c in copies:
            c.wait()

        for s in range(NUM_SAMPLES):
            for k in range(CHUNK // 16):
                plsc.addupdate_scatter(
                    hist_v, [idx_v[s, pl.ds(k * 16, 16)]], ones16)

        def tok_step(t, sse_c):
            for o in range(EMB_DIM // 16):
                sl = pl.ds(o * 16, 16)
                acc = ((rows_v[0, t, sl] + rows_v[1, t, sl])
                       + (rows_v[2, t, sl] + rows_v[3, t, sl])
                       + rows_v[4, t, sl])
                q = acc / np.float32(NUM_SAMPLES)
                xv = x_v[t, sl]
                d = q - xv
                x_v[t, sl] = xv + d
                sse_c = sse_c + d * d
            return sse_c
        sse = lax.fori_loop(0, CHUNK, tok_step, sse)

        pltpu.sync_copy(x_v, qst_hbm.at[pl.ds(cbase, CHUNK)])

    sse_v[...] = sse
    pltpu.sync_copy(sse_v, sse_hbm.at[pl.ds(wid * 16, 16)])
    pltpu.sync_copy(hist_v, hist_hbm.at[pl.ds(wid * NUM_EMB, NUM_EMB)])


def _gather_stage(w, samples, xf):
    mesh = plsc.VectorSubcoreMesh(core_axis_name="c", subcore_axis_name="s")
    kfn = functools.partial(
        pl.kernel, mesh=mesh,
        out_type=[
            jax.ShapeDtypeStruct((N_TOK, EMB_DIM), jnp.float32),
            jax.ShapeDtypeStruct((NW * NUM_EMB,), jnp.float32),
            jax.ShapeDtypeStruct((NW * 16,), jnp.float32),
        ],
        scratch_types=[
            pltpu.VMEM((NUM_SAMPLES, CHUNK), jnp.int32),
            pltpu.VMEM((NUM_SAMPLES, CHUNK, EMB_DIM), jnp.float32),
            pltpu.VMEM((CHUNK, EMB_DIM), jnp.float32),
            pltpu.VMEM((NUM_EMB,), jnp.float32),
            pltpu.VMEM((16,), jnp.float32),
            pltpu.SemaphoreType.DMA,
        ],
        compiler_params=pltpu.CompilerParams(needs_layout_passes=False),
    )(_gather_body)
    return kfn(w, samples, xf)



def _finalize_body(hist_ref, sse_ref, loss_ref, perp_ref):
    hist = jnp.sum(hist_ref[...], axis=0, keepdims=True)
    p = hist * np.float32(1.0 / NUM_SAMPLES) / np.float32(N_TOK)
    ent = jnp.sum(p * jnp.log(p + np.float32(1e-10)), axis=1, keepdims=True)
    perp_ref[...] = jnp.exp(-ent)
    sse = jnp.sum(jnp.sum(sse_ref[...], axis=0, keepdims=True),
                  axis=1, keepdims=True)
    loss_ref[...] = np.float32(COMMIT) * (
        sse / np.float32(N_TOK * EMB_DIM))


def _finalize(hist_parts, sse_parts):
    return pl.pallas_call(
        _finalize_body,
        out_shape=[jax.ShapeDtypeStruct((1, 1), jnp.float32),
                   jax.ShapeDtypeStruct((1, 1), jnp.float32)],
    )(hist_parts, sse_parts)


def kernel(x, W):
    xf = x.reshape(-1, EMB_DIM)
    samples = _sample_tokens(xf, W)
    qst, hist_parts, sse_parts = _gather_stage(W, samples.reshape(-1), xf)
    loss2, perp2 = _finalize(hist_parts.reshape(NW, NUM_EMB),
                             sse_parts.reshape(NW, 16))
    return (qst.reshape(x.shape), loss2[0, 0], perp2[0, 0])

# --- scband reference (transcript-rebuilt; emitter-appended) ---
"""Pipeline reference for scband-vqembedding-16758962389518 (READ-ONLY COPY).

The authoritative reference and input builder live on the scoring server;
editing this copy changes nothing except your own understanding.
"""

import jax, jax.numpy as jnp
import numpy as np

NUM_EMB = 8192
EMB_DIM = 256
NUM_SAMPLES = 5
COMMIT = 0.25

def setup_inputs(seed: int = 0):
    key = jax.random.key(seed)
    k1, k2 = jax.random.split(key)
    x = jax.random.normal(k1, (8, 576, 256), dtype=jnp.float32)
    W = jax.random.uniform(k2, (NUM_EMB, EMB_DIM), dtype=jnp.float32, minval=-1.0 / 512, maxval=1.0 / 512)
    return {"x": x, "W": W}

def reference(x, W):
    x_flat = x.reshape(-1, EMB_DIM)
    xf = jax.lax.stop_gradient(x_flat)
    Wg = jax.lax.stop_gradient(W)
    # distances = ||e||^2 + ||x||^2 - 2 x e^T (torch.addmm with alpha=-2, beta=1)
    distances = (jnp.sum(Wg ** 2, axis=1)[None, :]
                 + jnp.sum(xf ** 2, axis=1, keepdims=True)
                 - 2.0 * (xf @ Wg.T))
    N = xf.shape[0]
    skey = jax.random.key(42)
    # Categorical(logits=-distances).sample((NUM_SAMPLES,)) -> int[NUM_SAMPLES, N]
    samples = jax.random.categorical(skey, -distances, axis=-1, shape=(NUM_SAMPLES, N))
    # mean of one-hot scatters over the sample axis, done as a scatter-add
    rows = jnp.broadcast_to(jnp.arange(N), (NUM_SAMPLES, N)).reshape(-1)
    encodings = jnp.zeros((N, NUM_EMB), dtype=jnp.float32).at[rows, samples.reshape(-1)].add(1.0 / NUM_SAMPLES)
    # quantized = mean over samples of embedding lookups (gather)
    quantized = jnp.mean(jnp.take(Wg, samples, axis=0), axis=0)
    quantized = quantized.reshape(x.shape)
    e_latent_loss = jnp.mean((x - jax.lax.stop_gradient(quantized)) ** 2)
    loss = COMMIT * e_latent_loss
    quantized_st = x + jax.lax.stop_gradient(quantized - x)
    avg_probs = jnp.mean(encodings, axis=0)
    perplexity = jnp.exp(-jnp.sum(avg_probs * jnp.log(avg_probs + 1e-10)))
    return (quantized_st, loss, perplexity)

if __name__ == "__main__":
    import jax
    _d = setup_inputs()
    print(jax.jit(kernel)(*tuple(_d.values())))

</pallas_src>

<mosaic_0001>
#map = affine_map<(d0, d1) -> (0, 0)>
#map1 = affine_map<(d0, d1) -> (0)>
module attributes {stable_mosaic.version = 14 : i64} {
  func.func @_gather_body(%arg0: i32, %arg1: i32, %arg2: memref<8192x256xf32, #tpu.memory_space<hbm>>, %arg3: memref<23040xi32, #tpu.memory_space<hbm>>, %arg4: memref<4608x256xf32, #tpu.memory_space<hbm>>, %arg5: memref<4608x256xf32, #tpu.memory_space<hbm>>, %arg6: memref<262144xf32, #tpu.memory_space<hbm>>, %arg7: memref<512xf32, #tpu.memory_space<hbm>>, %arg8: memref<5x48xi32, #tpu.memory_space<vmem>>, %arg9: memref<5x48x256xf32, #tpu.memory_space<vmem>>, %arg10: memref<48x256xf32, #tpu.memory_space<vmem>>, %arg11: memref<8192xf32, #tpu.memory_space<vmem>>, %arg12: memref<16xf32, #tpu.memory_space<vmem>>, %arg13: memref<!tpu.dma_semaphore, #tpu.memory_space<semaphore_mem>>) attributes {dimension_semantics = [#tpu.dimension_semantics<core_parallel>, #tpu.dimension_semantics<subcore_parallel>], iteration_bounds = array<i64: 2, 16>, scalar_prefetch = 0 : i64, scratch_operands = 6 : i64, tpu.core_type = #tpu.core_type<sc_vector_subcore>, window_params = [{transform_indices = #map}, {transform_indices = #map1}, {transform_indices = #map}, {transform_indices = #map}, {transform_indices = #map1}, {transform_indices = #map1}]} {
    %mul3A = arith.constant 2 : i32
    %mul3A_0 = arith.muli %arg1, %mul3A : i32
    %add3A = arith.addi %mul3A_0, %arg0 : i32
    %mul3A_1 = arith.constant 144 : i32
    %mul3A_2 = arith.muli %add3A, %mul3A_1 : i32
    %scan3A = arith.constant 0 : i32
    %scan3A_3 = arith.constant 0 : i32
    %scan3A_4 = arith.constant 512 : i32
    %scan3A_5 = arith.addi %scan3A_3, %scan3A_4 : i32
    %scan3A_6 = arith.constant 1 : i32
    %scan3A_7 = scf.for %scan3A_622 = %scan3A_3 to %scan3A_5 step %scan3A_6 iter_args(%scan3A_623 = %scan3A) -> (i32)  : i32 {
      %broadcast_in_dim3A_624 = arith.constant 0.000000e+00 : f32
      %broadcast_in_dim3A_625 = vector.broadcast %broadcast_in_dim3A_624 : f32 to vector<16xf32>
      %mul3A_626 = arith.constant 16 : i32
      %mul3A_627 = arith.muli %scan3A_622, %mul3A_626 : i32
      %swap3A_628 = arith.index_cast %mul3A_627 : i32 to index
      %swap3A_629 = tpu.vector_load %arg11[%swap3A_628] {strides = array<i32>} : memref<8192xf32, #tpu.memory_space<vmem>>, vector<16xf32>,
      tpu.vector_store %arg11[%swap3A_628], %broadcast_in_dim3A_625 {strides = array<i32>} : memref<8192xf32, #tpu.memory_space<vmem>>, vector<16xf32>,
      %scan3A_630 = arith.constant 0 : i32
      scf.yield %scan3A_630 : i32
    }
    %scan3A_8 = arith.constant 512 : i32
    %broadcast_in_dim3A = arith.constant 1.000000e+00 : f32
    %broadcast_in_dim3A_9 = vector.broadcast %broadcast_in_dim3A : f32 to vector<16xf32>
    %broadcast_in_dim3A_10 = arith.constant 0.000000e+00 : f32
    %broadcast_in_dim3A_11 = vector.broadcast %broadcast_in_dim3A_10 : f32 to vector<16xf32>
    %add3A_12 = arith.constant 0 : i32
    %add3A_13 = arith.addi %mul3A_2, %add3A_12 : i32
    "tpu.region"() ({
      %run_scoped3A_622 = tpu.sem_alloc : memref<!tpu.dma_semaphore, #tpu.memory_space<semaphore_mem>>
      %dma_start3A_623 = arith.constant 0 : i32
      %dma_start3A_624 = tpu.memref_slice %arg4[%add3A_13, %dma_start3A_623] : memref<4608x256xf32, #tpu.memory_space<hbm>> -> memref<48x256xf32, #tpu.memory_space<hbm>>
      %dma_start3A_625 = arith.constant 0 : i32
      %dma_start3A_626 = tpu.memref_slice %arg4[%add3A_13, %dma_start3A_625] : memref<4608x256xf32, #tpu.memory_space<hbm>> -> memref<48x256xf32, #tpu.memory_space<hbm>>
      tpu.enqueue_dma source(%dma_start3A_626 : memref<48x256xf32, #tpu.memory_space<hbm>>) target(%arg10 : memref<48x256xf32, #tpu.memory_space<vmem>>) target_semaphore(%run_scoped3A_622 : memref<!tpu.dma_semaphore, #tpu.memory_space<semaphore_mem>>)
      %dma_wait3A_627 = arith.constant 0 : i32
      %dma_wait3A_628 = tpu.memref_slice %arg4[%add3A_13, %dma_wait3A_627] : memref<4608x256xf32, #tpu.memory_space<hbm>> -> memref<48x256xf32, #tpu.memory_space<hbm>>
      %dma_wait3A_629 = arith.constant 0 : i32
      %dma_wait3A_630 = tpu.memref_slice %arg4[%add3A_13, %dma_wait3A_629] : memref<4608x256xf32, #tpu.memory_space<hbm>> -> memref<48x256xf32, #tpu.memory_space<hbm>>
      tpu.wait_dma2 semaphore(%run_scoped3A_622 : memref<!tpu.dma_semaphore, #tpu.memory_space<semaphore_mem>>) src(%dma_wait3A_630 : memref<48x256xf32, #tpu.memory_space<hbm>>) dst(%arg10 : memref<48x256xf32, #tpu.memory_space<vmem>>)
      tpu.yield
    }) : () -> ()
    %add3A_14 = arith.constant 0 : i32
    %add3A_15 = arith.addi %add3A_14, %add3A_13 : i32
    %run_scoped3A = arith.constant 0 : i32
    "tpu.region"() ({
      %run_scoped3A_622 = tpu.sem_alloc : memref<!tpu.dma_semaphore, #tpu.memory_space<semaphore_mem>>
      %dma_start3A_623 = arith.constant 0 : i32
      %dma_start3A_624 = tpu.memref_slice %arg8[%run_scoped3A, %dma_start3A_623] : memref<5x48xi32, #tpu.memory_space<vmem>> -> memref<1x48xi32, #tpu.memory_space<vmem>>
      %dma_start3A_625 = tpu.memref_squeeze %dma_start3A_624 : memref<1x48xi32, #tpu.memory_space<vmem>> -> memref<48xi32, #tpu.memory_space<vmem>>
      %dma_start3A_626 = tpu.memref_slice %arg3[%add3A_15] : memref<23040xi32, #tpu.memory_space<hbm>> -> memref<48xi32, #tpu.memory_space<hbm>>
      %dma_start3A_627 = arith.constant 0 : i32
      %dma_start3A_628 = tpu.memref_slice %arg8[%run_scoped3A, %dma_start3A_627] : memref<5x48xi32, #tpu.memory_space<vmem>> -> memref<1x48xi32, #tpu.memory_space<vmem>>
      %dma_start3A_629 = tpu.memref_squeeze %dma_start3A_628 : memref<1x48xi32, #tpu.memory_space<vmem>> -> memref<48xi32, #tpu.memory_space<vmem>>
      %dma_start3A_630 = tpu.memref_slice %arg3[%add3A_15] : memref<23040xi32, #tpu.memory_space<hbm>> -> memref<48xi32, #tpu.memory_space<hbm>>
      tpu.enqueue_dma source(%dma_start3A_630 : memref<48xi32, #tpu.memory_space<hbm>>) target(%dma_start3A_629 : memref<48xi32, #tpu.memory_space<vmem>>) target_semaphore(%run_scoped3A_622 : memref<!tpu.dma_semaphore, #tpu.memory_space<semaphore_mem>>)
      %dma_wait3A_631 = arith.constant 0 : i32
      %dma_wait3A_632 = tpu.memref_slice %arg8[%run_scoped3A, %dma_wait3A_631] : memref<5x48xi32, #tpu.memory_space<vmem>> -> memref<1x48xi32, #tpu.memory_space<vmem>>
      %dma_wait3A_633 = tpu.memref_squeeze %dma_wait3A_632 : memref<1x48xi32, #tpu.memory_space<vmem>> -> memref<48xi32, #tpu.memory_space<vmem>>
      %dma_wait3A_634 = tpu.memref_slice %arg3[%add3A_15] : memref<23040xi32, #tpu.memory_space<hbm>> -> memref<48xi32, #tpu.memory_space<hbm>>
      %dma_wait3A_635 = arith.constant 0 : i32
      %dma_wait3A_636 = tpu.memref_slice %arg8[%run_scoped3A, %dma_wait3A_635] : memref<5x48xi32, #tpu.memory_space<vmem>> -> memref<1x48xi32, #tpu.memory_space<vmem>>
      %dma_wait3A_637 = tpu.memref_squeeze %dma_wait3A_636 : memref<1x48xi32, #tpu.memory_space<vmem>> -> memref<48xi32, #tpu.memory_space<vmem>>
      %dma_wait3A_638 = tpu.memref_slice %arg3[%add3A_15] : memref<23040xi32, #tpu.memory_space<hbm>> -> memref<48xi32, #tpu.memory_space<hbm>>
      tpu.wait_dma2 semaphore(%run_scoped3A_622 : memref<!tpu.dma_semaphore, #tpu.memory_space<semaphore_mem>>) src(%dma_wait3A_638 : memref<48xi32, #tpu.memory_space<hbm>>) dst(%dma_wait3A_637 : memref<48xi32, #tpu.memory_space<vmem>>)
      tpu.yield
    }) : () -> ()
    %add3A_16 = arith.constant 4608 : i32
    %add3A_17 = arith.addi %add3A_16, %add3A_13 : i32
    %run_scoped3A_18 = arith.constant 1 : i32
    "tpu.region"() ({
      %run_scoped3A_622 = tpu.sem_alloc : memref<!tpu.dma_semaphore, #tpu.memory_space<semaphore_mem>>
      %dma_start3A_623 = arith.constant 0 : i32
      %dma_start3A_624 = tpu.memref_slice %arg8[%run_scoped3A_18, %dma_start3A_623] : memref<5x48xi32, #tpu.memory_space<vmem>> -> memref<1x48xi32, #tpu.memory_space<vmem>>
      %dma_start3A_625 = tpu.memref_squeeze %dma_start3A_624 : memref<1x48xi32, #tpu.memory_space<vmem>> -> memref<48xi32, #tpu.memory_space<vmem>>
      %dma_start3A_626 = tpu.memref_slice %arg3[%add3A_17] : memref<23040xi32, #tpu.memory_space<hbm>> -> memref<48xi32, #tpu.memory_space<hbm>>
      %dma_start3A_627 = arith.constant 0 : i32
      %dma_start3A_628 = tpu.memref_slice %arg8[%run_scoped3A_18, %dma_start3A_627] : memref<5x48xi32, #tpu.memory_space<vmem>> -> memref<1x48xi32, #tpu.memory_space<vmem>>
      %dma_start3A_629 = tpu.memref_squeeze %dma_start3A_628 : memref<1x48xi32, #tpu.memory_space<vmem>> -> memref<48xi32, #tpu.memory_space<vmem>>
      %dma_start3A_630 = tpu.memref_slice %arg3[%add3A_17] : memref<23040xi32, #tpu.memory_space<hbm>> -> memref<48xi32, #tpu.memory_space<hbm>>
      tpu.enqueue_dma source(%dma_start3A_630 : memref<48xi32, #tpu.memory_space<hbm>>) target(%dma_start3A_629 : memref<48xi32, #tpu.memory_space<vmem>>) target_semaphore(%run_scoped3A_622 : memref<!tpu.dma_semaphore, #tpu.memory_space<semaphore_mem>>)
      %dma_wait3A_631 = arith.constant 0 : i32
      %dma_wait3A_632 = tpu.memref_slice %arg8[%run_scoped3A_18, %dma_wait3A_631] : memref<5x48xi32, #tpu.memory_space<vmem>> -> memref<1x48xi32, #tpu.memory_space<vmem>>
      %dma_wait3A_633 = tpu.memref_squeeze %dma_wait3A_632 : memref<1x48xi32, #tpu.memory_space<vmem>> -> memref<48xi32, #tpu.memory_space<vmem>>
      %dma_wait3A_634 = tpu.memref_slice %arg3[%add3A_17] : memref<23040xi32, #tpu.memory_space<hbm>> -> memref<48xi32, #tpu.memory_space<hbm>>
      %dma_wait3A_635 = arith.constant 0 : i32
      %dma_wait3A_636 = tpu.memref_slice %arg8[%run_scoped3A_18, %dma_wait3A_635] : memref<5x48xi32, #tpu.memory_space<vmem>> -> memref<1x48xi32, #tpu.memory_space<vmem>>
      %dma_wait3A_637 = tpu.memref_squeeze %dma_wait3A_636 : memref<1x48xi32, #tpu.memory_space<vmem>> -> memref<48xi32, #tpu.memory_space<vmem>>
      %dma_wait3A_638 = tpu.memref_slice %arg3[%add3A_17] : memref<23040xi32, #tpu.memory_space<hbm>> -> memref<48xi32, #tpu.memory_space<hbm>>
      tpu.wait_dma2 semaphore(%run_scoped3A_622 : memref<!tpu.dma_semaphore, #tpu.memory_space<semaphore_mem>>) src(%dma_wait3A_638 : memref<48xi32, #tpu.memory_space<hbm>>) dst(%dma_wait3A_637 : memref<48xi32, #tpu.memory_space<vmem>>)
      tpu.yield
    }) : () -> ()
    %add3A_19 = arith.constant 9216 : i32
    %add3A_20 = arith.addi %add3A_19, %add3A_13 : i32
    %run_scoped3A_21 = arith.constant 2 : i32
    "tpu.region"() ({
      %run_scoped3A_622 = tpu.sem_alloc : memref<!tpu.dma_semaphore, #tpu.memory_space<semaphore_mem>>
      %dma_start3A_623 = arith.constant 0 : i32
      %dma_start3A_624 = tpu.memref_slice %arg8[%run_scoped3A_21, %dma_start3A_623] : memref<5x48xi32, #tpu.memory_space<vmem>> -> memref<1x48xi32, #tpu.memory_space<vmem>>
      %dma_start3A_625 = tpu.memref_squeeze %dma_start3A_624 : memref<1x48xi32, #tpu.memory_space<vmem>> -> memref<48xi32, #tpu.memory_space<vmem>>
      %dma_start3A_626 = tpu.memref_slice %arg3[%add3A_20] : memref<23040xi32, #tpu.memory_space<hbm>> -> memref<48xi32, #tpu.memory_space<hbm>>
      %dma_start3A_627 = arith.constant 0 : i32
      %dma_start3A_628 = tpu.memref_slice %arg8[%run_scoped3A_21, %dma_start3A_627] : memref<5x48xi32, #tpu.memory_space<vmem>> -> memref<1x48xi32, #tpu.memory_space<vmem>>
      %dma_start3A_629 = tpu.memref_squeeze %dma_start3A_628 : memref<1x48xi32, #tpu.memory_space<vmem>> -> memref<48xi32, #tpu.memory_space<vmem>>
      %dma_start3A_630 = tpu.memref_slice %arg3[%add3A_20] : memref<23040xi32, #tpu.memory_space<hbm>> -> memref<48xi32, #tpu.memory_space<hbm>>
      tpu.enqueue_dma source(%dma_start3A_630 : memref<48xi32, #tpu.memory_space<hbm>>) target(%dma_start3A_629 : memref<48xi32, #tpu.memory_space<vmem>>) target_semaphore(%run_scoped3A_622 : memref<!tpu.dma_semaphore, #tpu.memory_space<semaphore_mem>>)
      %dma_wait3A_631 = arith.constant 0 : i32
      %dma_wait3A_632 = tpu.memref_slice %arg8[%run_scoped3A_21, %dma_wait3A_631] : memref<5x48xi32, #tpu.memory_space<vmem>> -> memref<1x48xi32, #tpu.memory_space<vmem>>
      %dma_wait3A_633 = tpu.memref_squeeze %dma_wait3A_632 : memref<1x48xi32, #tpu.memory_space<vmem>> -> memref<48xi32, #tpu.memory_space<vmem>>
      %dma_wait3A_634 = tpu.memref_slice %arg3[%add3A_20] : memref<23040xi32, #tpu.memory_space<hbm>> -> memref<48xi32, #tpu.memory_space<hbm>>
      %dma_wait3A_635 = arith.constant 0 : i32
      %dma_wait3A_636 = tpu.memref_slice %arg8[%run_scoped3A_21, %dma_wait3A_635] : memref<5x48xi32, #tpu.memory_space<vmem>> -> memref<1x48xi32, #tpu.memory_space<vmem>>
      %dma_wait3A_637 = tpu.memref_squeeze %dma_wait3A_636 : memref<1x48xi32, #tpu.memory_space<vmem>> -> memref<48xi32, #tpu.memory_space<vmem>>
      %dma_wait3A_638 = tpu.memref_slice %arg3[%add3A_20] : memref<23040xi32, #tpu.memory_space<hbm>> -> memref<48xi32, #tpu.memory_space<hbm>>
      tpu.wait_dma2 semaphore(%run_scoped3A_622 : memref<!tpu.dma_semaphore, #tpu.memory_space<semaphore_mem>>) src(%dma_wait3A_638 : memref<48xi32, #tpu.memory_space<hbm>>) dst(%dma_wait3A_637 : memref<48xi32, #tpu.memory_space<vmem>>)
      tpu.yield
    }) : () -> ()
    %add3A_22 = arith.constant 13824 : i32
    %add3A_23 = arith.addi %add3A_22, %add3A_13 : i32
    %run_scoped3A_24 = arith.constant 3 : i32
    "tpu.region"() ({
      %run_scoped3A_622 = tpu.sem_alloc : memref<!tpu.dma_semaphore, #tpu.memory_space<semaphore_mem>>
      %dma_start3A_623 = arith.constant 0 : i32
      %dma_start3A_624 = tpu.memref_slice %arg8[%run_scoped3A_24, %dma_start3A_623] : memref<5x48xi32, #tpu.memory_space<vmem>> -> memref<1x48xi32, #tpu.memory_space<vmem>>
      %dma_start3A_625 = tpu.memref_squeeze %dma_start3A_624 : memref<1x48xi32, #tpu.memory_space<vmem>> -> memref<48xi32, #tpu.memory_space<vmem>>
      %dma_start3A_626 = tpu.memref_slice %arg3[%add3A_23] : memref<23040xi32, #tpu.memory_space<hbm>> -> memref<48xi32, #tpu.memory_space<hbm>>
      %dma_start3A_627 = arith.constant 0 : i32
      %dma_start3A_628 = tpu.memref_slice %arg8[%run_scoped3A_24, %dma_start3A_627] : memref<5x48xi32, #tpu.memory_space<vmem>> -> memref<1x48xi32, #tpu.memory_space<vmem>>
      %dma_start3A_629 = tpu.memref_squeeze %dma_start3A_628 : memref<1x48xi32, #tpu.memory_space<vmem>> -> memref<48xi32, #tpu.memory_space<vmem>>
      %dma_start3A_630 = tpu.memref_slice %arg3[%add3A_23] : memref<23040xi32, #tpu.memory_space<hbm>> -> memref<48xi32, #tpu.memory_space<hbm>>
      tpu.enqueue_dma source(%dma_start3A_630 : memref<48xi32, #tpu.memory_space<hbm>>) target(%dma_start3A_629 : memref<48xi32, #tpu.memory_space<vmem>>) target_semaphore(%run_scoped3A_622 : memref<!tpu.dma_semaphore, #tpu.memory_space<semaphore_mem>>)
      %dma_wait3A_631 = arith.constant 0 : i32
      %dma_wait3A_632 = tpu.memref_slice %arg8[%run_scoped3A_24, %dma_wait3A_631] : memref<5x48xi32, #tpu.memory_space<vmem>> -> memref<1x48xi32, #tpu.memory_space<vmem>>
      %dma_wait3A_633 = tpu.memref_squeeze %dma_wait3A_632 : memref<1x48xi32, #tpu.memory_space<vmem>> -> memref<48xi32, #tpu.memory_space<vmem>>
      %dma_wait3A_634 = tpu.memref_slice %arg3[%add3A_23] : memref<23040xi32, #tpu.memory_space<hbm>> -> memref<48xi32, #tpu.memory_space<hbm>>
      %dma_wait3A_635 = arith.constant 0 : i32
      %dma_wait3A_636 = tpu.memref_slice %arg8[%run_scoped3A_24, %dma_wait3A_635] : memref<5x48xi32, #tpu.memory_space<vmem>> -> memref<1x48xi32, #tpu.memory_space<vmem>>
      %dma_wait3A_637 = tpu.memref_squeeze %dma_wait3A_636 : memref<1x48xi32, #tpu.memory_space<vmem>> -> memref<48xi32, #tpu.memory_space<vmem>>
      %dma_wait3A_638 = tpu.memref_slice %arg3[%add3A_23] : memref<23040xi32, #tpu.memory_space<hbm>> -> memref<48xi32, #tpu.memory_space<hbm>>
      tpu.wait_dma2 semaphore(%run_scoped3A_622 : memref<!tpu.dma_semaphore, #tpu.memory_space<semaphore_mem>>) src(%dma_wait3A_638 : memref<48xi32, #tpu.memory_space<hbm>>) dst(%dma_wait3A_637 : memref<48xi32, #tpu.memory_space<vmem>>)
      tpu.yield
    }) : () -> ()
    %add3A_25 = arith.constant 18432 : i32
    %add3A_26 = arith.addi %add3A_25, %add3A_13 : i32
    %run_scoped3A_27 = arith.constant 4 : i32
    "tpu.region"() ({
      %run_scoped3A_622 = tpu.sem_alloc : memref<!tpu.dma_semaphore, #tpu.memory_space<semaphore_mem>>
      %dma_start3A_623 = arith.constant 0 : i32
      %dma_start3A_624 = tpu.memref_slice %arg8[%run_scoped3A_27, %dma_start3A_623] : memref<5x48xi32, #tpu.memory_space<vmem>> -> memref<1x48xi32, #tpu.memory_space<vmem>>
      %dma_start3A_625 = tpu.memref_squeeze %dma_start3A_624 : memref<1x48xi32, #tpu.memory_space<vmem>> -> memref<48xi32, #tpu.memory_space<vmem>>
      %dma_start3A_626 = tpu.memref_slice %arg3[%add3A_26] : memref<23040xi32, #tpu.memory_space<hbm>> -> memref<48xi32, #tpu.memory_space<hbm>>
      %dma_start3A_627 = arith.constant 0 : i32
      %dma_start3A_628 = tpu.memref_slice %arg8[%run_scoped3A_27, %dma_start3A_627] : memref<5x48xi32, #tpu.memory_space<vmem>> -> memref<1x48xi32, #tpu.memory_space<vmem>>
      %dma_start3A_629 = tpu.memref_squeeze %dma_start3A_628 : memref<1x48xi32, #tpu.memory_space<vmem>> -> memref<48xi32, #tpu.memory_space<vmem>>
      %dma_start3A_630 = tpu.memref_slice %arg3[%add3A_26] : memref<23040xi32, #tpu.memory_space<hbm>> -> memref<48xi32, #tpu.memory_space<hbm>>
      tpu.enqueue_dma source(%dma_start3A_630 : memref<48xi32, #tpu.memory_space<hbm>>) target(%dma_start3A_629 : memref<48xi32, #tpu.memory_space<vmem>>) target_semaphore(%run_scoped3A_622 : memref<!tpu.dma_semaphore, #tpu.memory_space<semaphore_mem>>)
      %dma_wait3A_631 = arith.constant 0 : i32
      %dma_wait3A_632 = tpu.memref_slice %arg8[%run_scoped3A_27, %dma_wait3A_631] : memref<5x48xi32, #tpu.memory_space<vmem>> -> memref<1x48xi32, #tpu.memory_space<vmem>>
      %dma_wait3A_633 = tpu.memref_squeeze %dma_wait3A_632 : memref<1x48xi32, #tpu.memory_space<vmem>> -> memref<48xi32, #tpu.memory_space<vmem>>
      %dma_wait3A_634 = tpu.memref_slice %arg3[%add3A_26] : memref<23040xi32, #tpu.memory_space<hbm>> -> memref<48xi32, #tpu.memory_space<hbm>>
      %dma_wait3A_635 = arith.constant 0 : i32
      %dma_wait3A_636 = tpu.memref_slice %arg8[%run_scoped3A_27, %dma_wait3A_635] : memref<5x48xi32, #tpu.memory_space<vmem>> -> memref<1x48xi32, #tpu.memory_space<vmem>>
      %dma_wait3A_637 = tpu.memref_squeeze %dma_wait3A_636 : memref<1x48xi32, #tpu.memory_space<vmem>> -> memref<48xi32, #tpu.memory_space<vmem>>
      %dma_wait3A_638 = tpu.memref_slice %arg3[%add3A_26] : memref<23040xi32, #tpu.memory_space<hbm>> -> memref<48xi32, #tpu.memory_space<hbm>>
      tpu.wait_dma2 semaphore(%run_scoped3A_622 : memref<!tpu.dma_semaphore, #tpu.memory_space<semaphore_mem>>) src(%dma_wait3A_638 : memref<48xi32, #tpu.memory_space<hbm>>) dst(%dma_wait3A_637 : memref<48xi32, #tpu.memory_space<vmem>>)
      tpu.yield
    }) : () -> ()
    %dma_start3A = arith.constant 0 : i32
    %dma_start3A_28 = arith.constant 0 : i32
    %dma_start3A_29 = arith.constant 0 : i32
    %dma_start3A_30 = arith.constant 0 : i32
    %dma_start3A_31 = tpu.memref_slice %arg9[%dma_start3A_28, %dma_start3A_29, %dma_start3A_30] : memref<5x48x256xf32, #tpu.memory_space<vmem>> -> memref<1x48x256xf32, #tpu.memory_space<vmem>>
    %dma_start3A_32 = tpu.memref_squeeze %dma_start3A_31 : memref<1x48x256xf32, #tpu.memory_space<vmem>> -> memref<48x256xf32, #tpu.memory_space<vmem>>
    %dma_start3A_33 = arith.constant 0 : i32
    %dma_start3A_34 = tpu.memref_slice %arg8[%dma_start3A, %dma_start3A_33] : memref<5x48xi32, #tpu.memory_space<vmem>> -> memref<1x48xi32, #tpu.memory_space<vmem>>
    %dma_start3A_35 = tpu.memref_squeeze %dma_start3A_34 : memref<1x48xi32, #tpu.memory_space<vmem>> -> memref<48xi32, #tpu.memory_space<vmem>>
    %dma_start3A_36 = arith.constant 0 : i32
    %dma_start3A_37 = arith.constant 0 : i32
    %dma_start3A_38 = tpu.memref_slice %arg2[%dma_start3A_36, %dma_start3A_37] : memref<8192x256xf32, #tpu.memory_space<hbm>> -> memref<8192x256xf32, #tpu.memory_space<hbm>>
    tpu.enqueue_indirect_dma source(%dma_start3A_38 : memref<8192x256xf32, #tpu.memory_space<hbm>>) target(%dma_start3A_32 : memref<48x256xf32, #tpu.memory_space<vmem>>) offsets(%dma_start3A_35 : memref<48xi32, #tpu.memory_space<vmem>>) semaphore(%arg13 : memref<!tpu.dma_semaphore, #tpu.memory_space<semaphore_mem>>)
    %dma_start3A_39 = arith.constant 1 : i32
    %dma_start3A_40 = arith.constant 1 : i32
    %dma_start3A_41 = arith.constant 0 : i32
    %dma_start3A_42 = arith.constant 0 : i32
    %dma_start3A_43 = tpu.memref_slice %arg9[%dma_start3A_40, %dma_start3A_41, %dma_start3A_42] : memref<5x48x256xf32, #tpu.memory_space<vmem>> -> memref<1x48x256xf32, #tpu.memory_space<vmem>>
    %dma_start3A_44 = tpu.memref_squeeze %dma_start3A_43 : memref<1x48x256xf32, #tpu.memory_space<vmem>> -> memref<48x256xf32, #tpu.memory_space<vmem>>
    %dma_start3A_45 = arith.constant 0 : i32
    %dma_start3A_46 = tpu.memref_slice %arg8[%dma_start3A_39, %dma_start3A_45] : memref<5x48xi32, #tpu.memory_space<vmem>> -> memref<1x48xi32, #tpu.memory_space<vmem>>
    %dma_start3A_47 = tpu.memref_squeeze %dma_start3A_46 : memref<1x48xi32, #tpu.memory_space<vmem>> -> memref<48xi32, #tpu.memory_space<vmem>>
    %dma_start3A_48 = arith.constant 0 : i32
    %dma_start3A_49 = arith.constant 0 : i32
    %dma_start3A_50 = tpu.memref_slice %arg2[%dma_start3A_48, %dma_start3A_49] : memref<8192x256xf32, #tpu.memory_space<hbm>> -> memref<8192x256xf32, #tpu.memory_space<hbm>>
    tpu.enqueue_indirect_dma source(%dma_start3A_50 : memref<8192x256xf32, #tpu.memory_space<hbm>>) target(%dma_start3A_44 : memref<48x256xf32, #tpu.memory_space<vmem>>) offsets(%dma_start3A_47 : memref<48xi32, #tpu.memory_space<vmem>>) semaphore(%arg13 : memref<!tpu.dma_semaphore, #tpu.memory_space<semaphore_mem>>)
    %dma_start3A_51 = arith.constant 2 : i32
    %dma_start3A_52 = arith.constant 2 : i32
    %dma_start3A_53 = arith.constant 0 : i32
    %dma_start3A_54 = arith.constant 0 : i32
    %dma_start3A_55 = tpu.memref_slice %arg9[%dma_start3A_52, %dma_start3A_53, %dma_start3A_54] : memref<5x48x256xf32, #tpu.memory_space<vmem>> -> memref<1x48x256xf32, #tpu.memory_space<vmem>>
    %dma_start3A_56 = tpu.memref_squeeze %dma_start3A_55 : memref<1x48x256xf32, #tpu.memory_space<vmem>> -> memref<48x256xf32, #tpu.memory_space<vmem>>
    %dma_start3A_57 = arith.constant 0 : i32
    %dma_start3A_58 = tpu.memref_slice %arg8[%dma_start3A_51, %dma_start3A_57] : memref<5x48xi32, #tpu.memory_space<vmem>> -> memref<1x48xi32, #tpu.memory_space<vmem>>
    %dma_start3A_59 = tpu.memref_squeeze %dma_start3A_58 : memref<1x48xi32, #tpu.memory_space<vmem>> -> memref<48xi32, #tpu.memory_space<vmem>>
    %dma_start3A_60 = arith.constant 0 : i32
    %dma_start3A_61 = arith.constant 0 : i32
    %dma_start3A_62 = tpu.memref_slice %arg2[%dma_start3A_60, %dma_start3A_61] : memref<8192x256xf32, #tpu.memory_space<hbm>> -> memref<8192x256xf32, #tpu.memory_space<hbm>>
    tpu.enqueue_indirect_dma source(%dma_start3A_62 : memref<8192x256xf32, #tpu.memory_space<hbm>>) target(%dma_start3A_56 : memref<48x256xf32, #tpu.memory_space<vmem>>) offsets(%dma_start3A_59 : memref<48xi32, #tpu.memory_space<vmem>>) semaphore(%arg13 : memref<!tpu.dma_semaphore, #tpu.memory_space<semaphore_mem>>)
    %dma_start3A_63 = arith.constant 3 : i32
    %dma_start3A_64 = arith.constant 3 : i32
    %dma_start3A_65 = arith.constant 0 : i32
    %dma_start3A_66 = arith.constant 0 : i32
    %dma_start3A_67 = tpu.memref_slice %arg9[%dma_start3A_64, %dma_start3A_65, %dma_start3A_66] : memref<5x48x256xf32, #tpu.memory_space<vmem>> -> memref<1x48x256xf32, #tpu.memory_space<vmem>>
    %dma_start3A_68 = tpu.memref_squeeze %dma_start3A_67 : memref<1x48x256xf32, #tpu.memory_space<vmem>> -> memref<48x256xf32, #tpu.memory_space<vmem>>
    %dma_start3A_69 = arith.constant 0 : i32
    %dma_start3A_70 = tpu.memref_slice %arg8[%dma_start3A_63, %dma_start3A_69] : memref<5x48xi32, #tpu.memory_space<vmem>> -> memref<1x48xi32, #tpu.memory_space<vmem>>
    %dma_start3A_71 = tpu.memref_squeeze %dma_start3A_70 : memref<1x48xi32, #tpu.memory_space<vmem>> -> memref<48xi32, #tpu.memory_space<vmem>>
    %dma_start3A_72 = arith.constant 0 : i32
    %dma_start3A_73 = arith.constant 0 : i32
    %dma_start3A_74 = tpu.memref_slice %arg2[%dma_start3A_72, %dma_start3A_73] : memref<8192x256xf32, #tpu.memory_space<hbm>> -> memref<8192x256xf32, #tpu.memory_space<hbm>>
    tpu.enqueue_indirect_dma source(%dma_start3A_74 : memref<8192x256xf32, #tpu.memory_space<hbm>>) target(%dma_start3A_68 : memref<48x256xf32, #tpu.memory_space<vmem>>) offsets(%dma_start3A_71 : memref<48xi32, #tpu.memory_space<vmem>>) semaphore(%arg13 : memref<!tpu.dma_semaphore, #tpu.memory_space<semaphore_mem>>)
    %dma_start3A_75 = arith.constant 4 : i32
    %dma_start3A_76 = arith.constant 4 : i32
    %dma_start3A_77 = arith.constant 0 : i32
    %dma_start3A_78 = arith.constant 0 : i32
    %dma_start3A_79 = tpu.memref_slice %arg9[%dma_start3A_76, %dma_start3A_77, %dma_start3A_78] : memref<5x48x256xf32, #tpu.memory_space<vmem>> -> memref<1x48x256xf32, #tpu.memory_space<vmem>>
    %dma_start3A_80 = tpu.memref_squeeze %dma_start3A_79 : memref<1x48x256xf32, #tpu.memory_space<vmem>> -> memref<48x256xf32, #tpu.memory_space<vmem>>
    %dma_start3A_81 = arith.constant 0 : i32
    %dma_start3A_82 = tpu.memref_slice %arg8[%dma_start3A_75, %dma_start3A_81] : memref<5x48xi32, #tpu.memory_space<vmem>> -> memref<1x48xi32, #tpu.memory_space<vmem>>
    %dma_start3A_83 = tpu.memref_squeeze %dma_start3A_82 : memref<1x48xi32, #tpu.memory_space<vmem>> -> memref<48xi32, #tpu.memory_space<vmem>>
    %dma_start3A_84 = arith.constant 0 : i32
    %dma_start3A_85 = arith.constant 0 : i32
    %dma_start3A_86 = tpu.memref_slice %arg2[%dma_start3A_84, %dma_start3A_85] : memref<8192x256xf32, #tpu.memory_space<hbm>> -> memref<8192x256xf32, #tpu.memory_space<hbm>>
    tpu.enqueue_indirect_dma source(%dma_start3A_86 : memref<8192x256xf32, #tpu.memory_space<hbm>>) target(%dma_start3A_80 : memref<48x256xf32, #tpu.memory_space<vmem>>) offsets(%dma_start3A_83 : memref<48xi32, #tpu.memory_space<vmem>>) semaphore(%arg13 : memref<!tpu.dma_semaphore, #tpu.memory_space<semaphore_mem>>)
    %dma_wait3A = arith.constant 0 : i32
    %dma_wait3A_87 = arith.constant 0 : i32
    %dma_wait3A_88 = arith.constant 0 : i32
    %dma_wait3A_89 = arith.constant 0 : i32
    %dma_wait3A_90 = tpu.memref_slice %arg9[%dma_wait3A_87, %dma_wait3A_88, %dma_wait3A_89] : memref<5x48x256xf32, #tpu.memory_space<vmem>> -> memref<1x48x256xf32, #tpu.memory_space<vmem>>
    %dma_wait3A_91 = tpu.memref_squeeze %dma_wait3A_90 : memref<1x48x256xf32, #tpu.memory_space<vmem>> -> memref<48x256xf32, #tpu.memory_space<vmem>>
    %dma_wait3A_92 = arith.constant 0 : i32
    %dma_wait3A_93 = tpu.memref_slice %arg8[%dma_wait3A, %dma_wait3A_92] : memref<5x48xi32, #tpu.memory_space<vmem>> -> memref<1x48xi32, #tpu.memory_space<vmem>>
    %dma_wait3A_94 = tpu.memref_squeeze %dma_wait3A_93 : memref<1x48xi32, #tpu.memory_space<vmem>> -> memref<48xi32, #tpu.memory_space<vmem>>
    %dma_wait3A_95 = arith.constant 0 : i32
    %dma_wait3A_96 = arith.constant 0 : i32
    %dma_wait3A_97 = tpu.memref_slice %arg2[%dma_wait3A_95, %dma_wait3A_96] : memref<8192x256xf32, #tpu.memory_space<hbm>> -> memref<8192x256xf32, #tpu.memory_space<hbm>>
    tpu.wait_indirect_dma semaphore(%arg13 : memref<!tpu.dma_semaphore, #tpu.memory_space<semaphore_mem>>) src(%dma_wait3A_97 : memref<8192x256xf32, #tpu.memory_space<hbm>>) dst(%dma_wait3A_91 : memref<48x256xf32, #tpu.memory_space<vmem>>)
    %dma_wait3A_98 = arith.constant 1 : i32
    %dma_wait3A_99 = arith.constant 1 : i32
    %dma_wait3A_100 = arith.constant 0 : i32
    %dma_wait3A_101 = arith.constant 0 : i32
    %dma_wait3A_102 = tpu.memref_slice %arg9[%dma_wait3A_99, %dma_wait3A_100, %dma_wait3A_101] : memref<5x48x256xf32, #tpu.memory_space<vmem>> -> memref<1x48x256xf32, #tpu.memory_space<vmem>>
    %dma_wait3A_103 = tpu.memref_squeeze %dma_wait3A_102 : memref<1x48x256xf32, #tpu.memory_space<vmem>> -> memref<48x256xf32, #tpu.memory_space<vmem>>
    %dma_wait3A_104 = arith.constant 0 : i32
    %dma_wait3A_105 = tpu.memref_slice %arg8[%dma_wait3A_98, %dma_wait3A_104] : memref<5x48xi32, #tpu.memory_space<vmem>> -> memref<1x48xi32, #tpu.memory_space<vmem>>
    %dma_wait3A_106 = tpu.memref_squeeze %dma_wait3A_105 : memref<1x48xi32, #tpu.memory_space<vmem>> -> memref<48xi32, #tpu.memory_space<vmem>>
    %dma_wait3A_107 = arith.constant 0 : i32
    %dma_wait3A_108 = arith.constant 0 : i32
    %dma_wait3A_109 = tpu.memref_slice %arg2[%dma_wait3A_107, %dma_wait3A_108] : memref<8192x256xf32, #tpu.memory_space<hbm>> -> memref<8192x256xf32, #tpu.memory_space<hbm>>
    tpu.wait_indirect_dma semaphore(%arg13 : memref<!tpu.dma_semaphore, #tpu.memory_space<semaphore_mem>>) src(%dma_wait3A_109 : memref<8192x256xf32, #tpu.memory_space<hbm>>) dst(%dma_wait3A_103 : memref<48x256xf32, #tpu.memory_space<vmem>>)
    %dma_wait3A_110 = arith.constant 2 : i32
    %dma_wait3A_111 = arith.constant 2 : i32
    %dma_wait3A_112 = arith.constant 0 : i32
    %dma_wait3A_113 = arith.constant 0 : i32
    %dma_wait3A_114 = tpu.memref_slice %arg9[%dma_wait3A_111, %dma_wait3A_112, %dma_wait3A_113] : memref<5x48x256xf32, #tpu.memory_space<vmem>> -> memref<1x48x256xf32, #tpu.memory_space<vmem>>
    %dma_wait3A_115 = tpu.memref_squeeze %dma_wait3A_114 : memref<1x48x256xf32, #tpu.memory_space<vmem>> -> memref<48x256xf32, #tpu.memory_space<vmem>>
    %dma_wait3A_116 = arith.constant 0 : i32
    %dma_wait3A_117 = tpu.memref_slice %arg8[%dma_wait3A_110, %dma_wait3A_116] : memref<5x48xi32, #tpu.memory_space<vmem>> -> memref<1x48xi32, #tpu.memory_space<vmem>>
    %dma_wait3A_118 = tpu.memref_squeeze %dma_wait3A_117 : memref<1x48xi32, #tpu.memory_space<vmem>> -> memref<48xi32, #tpu.memory_space<vmem>>
    %dma_wait3A_119 = arith.constant 0 : i32
    %dma_wait3A_120 = arith.constant 0 : i32
    %dma_wait3A_121 = tpu.memref_slice %arg2[%dma_wait3A_119, %dma_wait3A_120] : memref<8192x256xf32, #tpu.memory_space<hbm>> -> memref<8192x256xf32, #tpu.memory_space<hbm>>
    tpu.wait_indirect_dma semaphore(%arg13 : memref<!tpu.dma_semaphore, #tpu.memory_space<semaphore_mem>>) src(%dma_wait3A_121 : memref<8192x256xf32, #tpu.memory_space<hbm>>) dst(%dma_wait3A_115 : memref<48x256xf32, #tpu.memory_space<vmem>>)
    %dma_wait3A_122 = arith.constant 3 : i32
    %dma_wait3A_123 = arith.constant 3 : i32
    %dma_wait3A_124 = arith.constant 0 : i32
    %dma_wait3A_125 = arith.constant 0 : i32
    %dma_wait3A_126 = tpu.memref_slice %arg9[%dma_wait3A_123, %dma_wait3A_124, %dma_wait3A_125] : memref<5x48x256xf32, #tpu.memory_space<vmem>> -> memref<1x48x256xf32, #tpu.memory_space<vmem>>
    %dma_wait3A_127 = tpu.memref_squeeze %dma_wait3A_126 : memref<1x48x256xf32, #tpu.memory_space<vmem>> -> memref<48x256xf32, #tpu.memory_space<vmem>>
    %dma_wait3A_128 = arith.constant 0 : i32
    %dma_wait3A_129 = tpu.memref_slice %arg8[%dma_wait3A_122, %dma_wait3A_128] : memref<5x48xi32, #tpu.memory_space<vmem>> -> memref<1x48xi32, #tpu.memory_space<vmem>>
    %dma_wait3A_130 = tpu.memref_squeeze %dma_wait3A_129 : memref<1x48xi32, #tpu.memory_space<vmem>> -> memref<48xi32, #tpu.memory_space<vmem>>
    %dma_wait3A_131 = arith.constant 0 : i32
    %dma_wait3A_132 = arith.constant 0 : i32
    %dma_wait3A_133 = tpu.memref_slice %arg2[%dma_wait3A_131, %dma_wait3A_132] : memref<8192x256xf32, #tpu.memory_space<hbm>> -> memref<8192x256xf32, #tpu.memory_space<hbm>>
    tpu.wait_indirect_dma semaphore(%arg13 : memref<!tpu.dma_semaphore, #tpu.memory_space<semaphore_mem>>) src(%dma_wait3A_133 : memref<8192x256xf32, #tpu.memory_space<hbm>>) dst(%dma_wait3A_127 : memref<48x256xf32, #tpu.memory_space<vmem>>)
    %dma_wait3A_134 = arith.constant 4 : i32
    %dma_wait3A_135 = arith.constant 4 : i32
    %dma_wait3A_136 = arith.constant 0 : i32
    %dma_wait3A_137 = arith.constant 0 : i32
    %dma_wait3A_138 = tpu.memref_slice %arg9[%dma_wait3A_135, %dma_wait3A_136, %dma_wait3A_137] : memref<5x48x256xf32, #tpu.memory_space<vmem>> -> memref<1x48x256xf32, #tpu.memory_space<vmem>>
    %dma_wait3A_139 = tpu.memref_squeeze %dma_wait3A_138 : memref<1x48x256xf32, #tpu.memory_space<vmem>> -> memref<48x256xf32, #tpu.memory_space<vmem>>
    %dma_wait3A_140 = arith.constant 0 : i32
    %dma_wait3A_141 = tpu.memref_slice %arg8[%dma_wait3A_134, %dma_wait3A_140] : memref<5x48xi32, #tpu.memory_space<vmem>> -> memref<1x48xi32, #tpu.memory_space<vmem>>
    %dma_wait3A_142 = tpu.memref_squeeze %dma_wait3A_141 : memref<1x48xi32, #tpu.memory_space<vmem>> -> memref<48xi32, #tpu.memory_space<vmem>>
    %dma_wait3A_143 = arith.constant 0 : i32
    %dma_wait3A_144 = arith.constant 0 : i32
    %dma_wait3A_145 = tpu.memref_slice %arg2[%dma_wait3A_143, %dma_wait3A_144] : memref<8192x256xf32, #tpu.memory_space<hbm>> -> memref<8192x256xf32, #tpu.memory_space<hbm>>
    tpu.wait_indirect_dma semaphore(%arg13 : memref<!tpu.dma_semaphore, #tpu.memory_space<semaphore_mem>>) src(%dma_wait3A_145 : memref<8192x256xf32, #tpu.memory_space<hbm>>) dst(%dma_wait3A_139 : memref<48x256xf32, #tpu.memory_space<vmem>>)
    %get3A = arith.constant 0 : i32
    %get3A_146 = arith.index_cast %get3A : i32 to index
    %get3A_147 = arith.constant 0 : index
    %get3A_148 = tpu.vector_load %arg8[%get3A_146, %get3A_147] {strides = array<i32>} : memref<5x48xi32, #tpu.memory_space<vmem>>, vector<16xi32>,
    tpu.vector_store_idx %arg11[%get3A_148], %broadcast_in_dim3A_9 {add = true} : memref<8192xf32, #tpu.memory_space<vmem>>[vector<16xi32>], vector<16xf32>,
    %get3A_149 = arith.constant 0 : i32
    %get3A_150 = arith.index_cast %get3A_149 : i32 to index
    %get3A_151 = arith.constant 16 : index
    %get3A_152 = tpu.vector_load %arg8[%get3A_150, %get3A_151] {strides = array<i32>} : memref<5x48xi32, #tpu.memory_space<vmem>>, vector<16xi32>,
    tpu.vector_store_idx %arg11[%get3A_152], %broadcast_in_dim3A_9 {add = true} : memref<8192xf32, #tpu.memory_space<vmem>>[vector<16xi32>], vector<16xf32>,
    %get3A_153 = arith.constant 0 : i32
    %get3A_154 = arith.index_cast %get3A_153 : i32 to index
    %get3A_155 = arith.constant 32 : index
    %get3A_156 = tpu.vector_load %arg8[%get3A_154, %get3A_155] {strides = array<i32>} : memref<5x48xi32, #tpu.memory_space<vmem>>, vector<16xi32>,
    tpu.vector_store_idx %arg11[%get3A_156], %broadcast_in_dim3A_9 {add = true} : memref<8192xf32, #tpu.memory_space<vmem>>[vector<16xi32>], vector<16xf32>,
    %get3A_157 = arith.constant 1 : i32
    %get3A_158 = arith.index_cast %get3A_157 : i32 to index
    %get3A_159 = arith.constant 0 : index
    %get3A_160 = tpu.vector_load %arg8[%get3A_158, %get3A_159] {strides = array<i32>} : memref<5x48xi32, #tpu.memory_space<vmem>>, vector<16xi32>,
    tpu.vector_store_idx %arg11[%get3A_160], %broadcast_in_dim3A_9 {add = true} : memref<8192xf32, #tpu.memory_space<vmem>>[vector<16xi32>], vector<16xf32>,
    %get3A_161 = arith.constant 1 : i32
    %get3A_162 = arith.index_cast %get3A_161 : i32 to index
    %get3A_163 = arith.constant 16 : index
    %get3A_164 = tpu.vector_load %arg8[%get3A_162, %get3A_163] {strides = array<i32>} : memref<5x48xi32, #tpu.memory_space<vmem>>, vector<16xi32>,
    tpu.vector_store_idx %arg11[%get3A_164], %broadcast_in_dim3A_9 {add = true} : memref<8192xf32, #tpu.memory_space<vmem>>[vector<16xi32>], vector<16xf32>,
    %get3A_165 = arith.constant 1 : i32
    %get3A_166 = arith.index_cast %get3A_165 : i32 to index
    %get3A_167 = arith.constant 32 : index
    %get3A_168 = tpu.vector_load %arg8[%get3A_166, %get3A_167] {strides = array<i32>} : memref<5x48xi32, #tpu.memory_space<vmem>>, vector<16xi32>,
    tpu.vector_store_idx %arg11[%get3A_168], %broadcast_in_dim3A_9 {add = true} : memref<8192xf32, #tpu.memory_space<vmem>>[vector<16xi32>], vector<16xf32>,
    %get3A_169 = arith.constant 2 : i32
    %get3A_170 = arith.index_cast %get3A_169 : i32 to index
    %get3A_171 = arith.constant 0 : index
    %get3A_172 = tpu.vector_load %arg8[%get3A_170, %get3A_171] {strides = array<i32>} : memref<5x48xi32, #tpu.memory_space<vmem>>, vector<16xi32>,
    tpu.vector_store_idx %arg11[%get3A_172], %broadcast_in_dim3A_9 {add = true} : memref<8192xf32, #tpu.memory_space<vmem>>[vector<16xi32>], vector<16xf32>,
    %get3A_173 = arith.constant 2 : i32
    %get3A_174 = arith.index_cast %get3A_173 : i32 to index
    %get3A_175 = arith.constant 16 : index
    %get3A_176 = tpu.vector_load %arg8[%get3A_174, %get3A_175] {strides = array<i32>} : memref<5x48xi32, #tpu.memory_space<vmem>>, vector<16xi32>,
    tpu.vector_store_idx %arg11[%get3A_176], %broadcast_in_dim3A_9 {add = true} : memref<8192xf32, #tpu.memory_space<vmem>>[vector<16xi32>], vector<16xf32>,
    %get3A_177 = arith.constant 2 : i32
    %get3A_178 = arith.index_cast %get3A_177 : i32 to index
    %get3A_179 = arith.constant 32 : index
    %get3A_180 = tpu.vector_load %arg8[%get3A_178, %get3A_179] {strides = array<i32>} : memref<5x48xi32, #tpu.memory_space<vmem>>, vector<16xi32>,
    tpu.vector_store_idx %arg11[%get3A_180], %broadcast_in_dim3A_9 {add = true} : memref<8192xf32, #tpu.memory_space<vmem>>[vector<16xi32>], vector<16xf32>,
    %get3A_181 = arith.constant 3 : i32
    %get3A_182 = arith.index_cast %get3A_181 : i32 to index
    %get3A_183 = arith.constant 0 : index
    %get3A_184 = tpu.vector_load %arg8[%get3A_182, %get3A_183] {strides = array<i32>} : memref<5x48xi32, #tpu.memory_space<vmem>>, vector<16xi32>,
    tpu.vector_store_idx %arg11[%get3A_184], %broadcast_in_dim3A_9 {add = true} : memref<8192xf32, #tpu.memory_space<vmem>>[vector<16xi32>], vector<16xf32>,
    %get3A_185 = arith.constant 3 : i32
    %get3A_186 = arith.index_cast %get3A_185 : i32 to index
    %get3A_187 = arith.constant 16 : index
    %get3A_188 = tpu.vector_load %arg8[%get3A_186, %get3A_187] {strides = array<i32>} : memref<5x48xi32, #tpu.memory_space<vmem>>, vector<16xi32>,
    tpu.vector_store_idx %arg11[%get3A_188], %broadcast_in_dim3A_9 {add = true} : memref<8192xf32, #tpu.memory_space<vmem>>[vector<16xi32>], vector<16xf32>,
    %get3A_189 = arith.constant 3 : i32
    %get3A_190 = arith.index_cast %get3A_189 : i32 to index
    %get3A_191 = arith.constant 32 : index
    %get3A_192 = tpu.vector_load %arg8[%get3A_190, %get3A_191] {strides = array<i32>} : memref<5x48xi32, #tpu.memory_space<vmem>>, vector<16xi32>,
    tpu.vector_store_idx %arg11[%get3A_192], %broadcast_in_dim3A_9 {add = true} : memref<8192xf32, #tpu.memory_space<vmem>>[vector<16xi32>], vector<16xf32>,
    %get3A_193 = arith.constant 4 : i32
    %get3A_194 = arith.index_cast %get3A_193 : i32 to index
    %get3A_195 = arith.constant 0 : index
    %get3A_196 = tpu.vector_load %arg8[%get3A_194, %get3A_195] {strides = array<i32>} : memref<5x48xi32, #tpu.memory_space<vmem>>, vector<16xi32>,
    tpu.vector_store_idx %arg11[%get3A_196], %broadcast_in_dim3A_9 {add = true} : memref<8192xf32, #tpu.memory_space<vmem>>[vector<16xi32>], vector<16xf32>,
    %get3A_197 = arith.constant 4 : i32
    %get3A_198 = arith.index_cast %get3A_197 : i32 to index
    %get3A_199 = arith.constant 16 : index
    %get3A_200 = tpu.vector_load %arg8[%get3A_198, %get3A_199] {strides = array<i32>} : memref<5x48xi32, #tpu.memory_space<vmem>>, vector<16xi32>,
    tpu.vector_store_idx %arg11[%get3A_200], %broadcast_in_dim3A_9 {add = true} : memref<8192xf32, #tpu.memory_space<vmem>>[vector<16xi32>], vector<16xf32>,
    %get3A_201 = arith.constant 4 : i32
    %get3A_202 = arith.index_cast %get3A_201 : i32 to index
    %get3A_203 = arith.constant 32 : index
    %get3A_204 = tpu.vector_load %arg8[%get3A_202, %get3A_203] {strides = array<i32>} : memref<5x48xi32, #tpu.memory_space<vmem>>, vector<16xi32>,
    tpu.vector_store_idx %arg11[%get3A_204], %broadcast_in_dim3A_9 {add = true} : memref<8192xf32, #tpu.memory_space<vmem>>[vector<16xi32>], vector<16xf32>,
    %scan3A_205 = arith.constant 0 : i32
    %scan3A_206 = arith.constant 48 : i32
    %scan3A_207 = arith.addi %scan3A_205, %scan3A_206 : i32
    %scan3A_208 = arith.constant 1 : i32
    %scan3A_209 = scf.for %scan3A_622 = %scan3A_205 to %scan3A_207 step %scan3A_208 iter_args(%scan3A_623 = %broadcast_in_dim3A_11) -> (vector<16xf32>)  : i32 {
      %get3A_624 = arith.constant 0 : i32
      %get3A_625 = arith.index_cast %get3A_624 : i32 to index
      %get3A_626 = arith.index_cast %scan3A_622 : i32 to index
      %get3A_627 = arith.constant 0 : index
      %get3A_628 = tpu.vector_load %arg9[%get3A_625, %get3A_626, %get3A_627] {strides = array<i32>} : memref<5x48x256xf32, #tpu.memory_space<vmem>>, vector<16xf32>,
      %get3A_629 = arith.constant 1 : i32
      %get3A_630 = arith.index_cast %get3A_629 : i32 to index
      %get3A_631 = arith.index_cast %scan3A_622 : i32 to index
      %get3A_632 = arith.constant 0 : index
      %get3A_633 = tpu.vector_load %arg9[%get3A_630, %get3A_631, %get3A_632] {strides = array<i32>} : memref<5x48x256xf32, #tpu.memory_space<vmem>>, vector<16xf32>,
      %add3A_634 = arith.addf %get3A_628, %get3A_633 : vector<16xf32>
      %get3A_635 = arith.constant 2 : i32
      %get3A_636 = arith.index_cast %get3A_635 : i32 to index
      %get3A_637 = arith.index_cast %scan3A_622 : i32 to index
      %get3A_638 = arith.constant 0 : index
      %get3A_639 = tpu.vector_load %arg9[%get3A_636, %get3A_637, %get3A_638] {strides = array<i32>} : memref<5x48x256xf32, #tpu.memory_space<vmem>>, vector<16xf32>,
      %get3A_640 = arith.constant 3 : i32
      %get3A_641 = arith.index_cast %get3A_640 : i32 to index
      %get3A_642 = arith.index_cast %scan3A_622 : i32 to index
      %get3A_643 = arith.constant 0 : index
      %get3A_644 = tpu.vector_load %arg9[%get3A_641, %get3A_642, %get3A_643] {strides = array<i32>} : memref<5x48x256xf32, #tpu.memory_space<vmem>>, vector<16xf32>,
      %add3A_645 = arith.addf %get3A_639, %get3A_644 : vector<16xf32>
      %add3A_646 = arith.addf %add3A_634, %add3A_645 : vector<16xf32>
      %get3A_647 = arith.constant 4 : i32
      %get3A_648 = arith.index_cast %get3A_647 : i32 to index
      %get3A_649 = arith.index_cast %scan3A_622 : i32 to index
      %get3A_650 = arith.constant 0 : index
      %get3A_651 = tpu.vector_load %arg9[%get3A_648, %get3A_649, %get3A_650] {strides = array<i32>} : memref<5x48x256xf32, #tpu.memory_space<vmem>>, vector<16xf32>,
      %add3A_652 = arith.addf %add3A_646, %get3A_651 : vector<16xf32>
      %div3A = arith.constant 5.000000e+00 : f32
      %div3A_653 = vector.broadcast %div3A : f32 to vector<16xf32>
      %div3A_654 = arith.divf %add3A_652, %div3A_653 : vector<16xf32>
      %get3A_655 = arith.index_cast %scan3A_622 : i32 to index
      %get3A_656 = arith.constant 0 : index
      %get3A_657 = tpu.vector_load %arg10[%get3A_655, %get3A_656] {strides = array<i32>} : memref<48x256xf32, #tpu.memory_space<vmem>>, vector<16xf32>,
      %sub3A = arith.subf %div3A_654, %get3A_657 : vector<16xf32>
      %add3A_658 = arith.addf %get3A_657, %sub3A : vector<16xf32>
      %swap3A_659 = arith.index_cast %scan3A_622 : i32 to index
      %swap3A_660 = arith.constant 0 : index
      %swap3A_661 = tpu.vector_load %arg10[%swap3A_659, %swap3A_660] {strides = array<i32>} : memref<48x256xf32, #tpu.memory_space<vmem>>, vector<16xf32>,
      tpu.vector_store %arg10[%swap3A_659, %swap3A_660], %add3A_658 {strides = array<i32>} : memref<48x256xf32, #tpu.memory_space<vmem>>, vector<16xf32>,
      %mul3A_662 = arith.mulf %sub3A, %sub3A : vector<16xf32>
      %add3A_663 = arith.addf %scan3A_623, %mul3A_662 : vector<16xf32>
      %get3A_664 = arith.constant 0 : i32
      %get3A_665 = arith.index_cast %get3A_664 : i32 to index
      %get3A_666 = arith.index_cast %scan3A_622 : i32 to index
      %get3A_667 = arith.constant 16 : index
      %get3A_668 = tpu.vector_load %arg9[%get3A_665, %get3A_666, %get3A_667] {strides = array<i32>} : memref<5x48x256xf32, #tpu.memory_space<vmem>>, vector<16xf32>,
      %get3A_669 = arith.constant 1 : i32
      %get3A_670 = arith.index_cast %get3A_669 : i32 to index
      %get3A_671 = arith.index_cast %scan3A_622 : i32 to index
      %get3A_672 = arith.constant 16 : index
      %get3A_673 = tpu.vector_load %arg9[%get3A_670, %get3A_671, %get3A_672] {strides = array<i32>} : memref<5x48x256xf32, #tpu.memory_space<vmem>>, vector<16xf32>,
      %add3A_674 = arith.addf %get3A_668, %get3A_673 : vector<16xf32>
      %get3A_675 = arith.constant 2 : i32
      %get3A_676 = arith.index_cast %get3A_675 : i32 to index
      %get3A_677 = arith.index_cast %scan3A_622 : i32 to index
      %get3A_678 = arith.constant 16 : index
      %get3A_679 = tpu.vector_load %arg9[%get3A_676, %get3A_677, %get3A_678] {strides = array<i32>} : memref<5x48x256xf32, #tpu.memory_space<vmem>>, vector<16xf32>,
      %get3A_680 = arith.constant 3 : i32
      %get3A_681 = arith.index_cast %get3A_680 : i32 to index
      %get3A_682 = arith.index_cast %scan3A_622 : i32 to index
      %get3A_683 = arith.constant 16 : index
      %get3A_684 = tpu.vector_load %arg9[%get3A_681, %get3A_682, %get3A_683] {strides = array<i32>} : memref<5x48x256xf32, #tpu.memory_space<vmem>>, vector<16xf32>,
      %add3A_685 = arith.addf %get3A_679, %get3A_684 : vector<16xf32>
      %add3A_686 = arith.addf %add3A_674, %add3A_685 : vector<16xf32>
      %get3A_687 = arith.constant 4 : i32
      %get3A_688 = arith.index_cast %get3A_687 : i32 to index
      %get3A_689 = arith.index_cast %scan3A_622 : i32 to index
      %get3A_690 = arith.constant 16 : index
      %get3A_691 = tpu.vector_load %arg9[%get3A_688, %get3A_689, %get3A_690] {strides = array<i32>} : memref<5x48x256xf32, #tpu.memory_space<vmem>>, vector<16xf32>,
      %add3A_692 = arith.addf %add3A_686, %get3A_691 : vector<16xf32>
      %div3A_693 = arith.constant 5.000000e+00 : f32
      %div3A_694 = vector.broadcast %div3A_693 : f32 to vector<16xf32>
      %div3A_695 = arith.divf %add3A_692, %div3A_694 : vector<16xf32>
      %get3A_696 = arith.index_cast %scan3A_622 : i32 to index
      %get3A_697 = arith.constant 16 : index
      %get3A_698 = tpu.vector_load %arg10[%get3A_696, %get3A_697] {strides = array<i32>} : memref<48x256xf32, #tpu.memory_space<vmem>>, vector<16xf32>,
      %sub3A_699 = arith.subf %div3A_695, %get3A_698 : vector<16xf32>
      %add3A_700 = arith.addf %get3A_698, %sub3A_699 : vector<16xf32>
      %swap3A_701 = arith.index_cast %scan3A_622 : i32 to index
      %swap3A_702 = arith.constant 16 : index
      %swap3A_703 = tpu.vector_load %arg10[%swap3A_701, %swap3A_702] {strides = array<i32>} : memref<48x256xf32, #tpu.memory_space<vmem>>, vector<16xf32>,
      tpu.vector_store %arg10[%swap3A_701, %swap3A_702], %add3A_700 {strides = array<i32>} : memref<48x256xf32, #tpu.memory_space<vmem>>, vector<16xf32>,
      %mul3A_704 = arith.mulf %sub3A_699, %sub3A_699 : vector<16xf32>
      %add3A_705 = arith.addf %add3A_663, %mul3A_704 : vector<16xf32>
      %get3A_706 = arith.constant 0 : i32
      %get3A_707 = arith.index_cast %get3A_706 : i32 to index
      %get3A_708 = arith.index_cast %scan3A_622 : i32 to index
      %get3A_709 = arith.constant 32 : index
      %get3A_710 = tpu.vector_load %arg9[%get3A_707, %get3A_708, %get3A_709] {strides = array<i32>} : memref<5x48x256xf32, #tpu.memory_space<vmem>>, vector<16xf32>,
      %get3A_711 = arith.constant 1 : i32
      %get3A_712 = arith.index_cast %get3A_711 : i32 to index
      %get3A_713 = arith.index_cast %scan3A_622 : i32 to index
      %get3A_714 = arith.constant 32 : index
      %get3A_715 = tpu.vector_load %arg9[%get3A_712, %get3A_713, %get3A_714] {strides = array<i32>} : memref<5x48x256xf32, #tpu.memory_space<vmem>>, vector<16xf32>,
      %add3A_716 = arith.addf %get3A_710, %get3A_715 : vector<16xf32>
      %get3A_717 = arith.constant 2 : i32
      %get3A_718 = arith.index_cast %get3A_717 : i32 to index
      %get3A_719 = arith.index_cast %scan3A_622 : i32 to index
      %get3A_720 = arith.constant 32 : index
      %get3A_721 = tpu.vector_load %arg9[%get3A_718, %get3A_719, %get3A_720] {strides = array<i32>} : memref<5x48x256xf32, #tpu.memory_space<vmem>>, vector<16xf32>,
      %get3A_722 = arith.constant 3 : i32
      %get3A_723 = arith.index_cast %get3A_722 : i32 to index
      %get3A_724 = arith.index_cast %scan3A_622 : i32 to index
      %get3A_725 = arith.constant 32 : index
      %get3A_726 = tpu.vector_load %arg9[%get3A_723, %get3A_724, %get3A_725] {strides = array<i32>} : memref<5x48x256xf32, #tpu.memory_space<vmem>>, vector<16xf32>,
      %add3A_727 = arith.addf %get3A_721, %get3A_726 : vector<16xf32>
      %add3A_728 = arith.addf %add3A_716, %add3A_727 : vector<16xf32>
      %get3A_729 = arith.constant 4 : i32
      %get3A_730 = arith.index_cast %get3A_729 : i32 to index
      %get3A_731 = arith.index_cast %scan3A_622 : i32 to index
      %get3A_732 = arith.constant 32 : index
      %get3A_733 = tpu.vector_load %arg9[%get3A_730, %get3A_731, %get3A_732] {strides = array<i32>} : memref<5x48x256xf32, #tpu.memory_space<vmem>>, vector<16xf32>,
      %add3A_734 = arith.addf %add3A_728, %get3A_733 : vector<16xf32>
      %div3A_735 = arith.constant 5.000000e+00 : f32
      %div3A_736 = vector.broadcast %div3A_735 : f32 to vector<16xf32>
      %div3A_737 = arith.divf %add3A_734, %div3A_736 : vector<16xf32>
      %get3A_738 = arith.index_cast %scan3A_622 : i32 to index
      %get3A_739 = arith.constant 32 : index
      %get3A_740 = tpu.vector_load %arg10[%get3A_738, %get3A_739] {strides = array<i32>} : memref<48x256xf32, #tpu.memory_space<vmem>>, vector<16xf32>,
      %sub3A_741 = arith.subf %div3A_737, %get3A_740 : vector<16xf32>
      %add3A_742 = arith.addf %get3A_740, %sub3A_741 : vector<16xf32>
      %swap3A_743 = arith.index_cast %scan3A_622 : i32 to index
      %swap3A_744 = arith.constant 32 : index
      %swap3A_745 = tpu.vector_load %arg10[%swap3A_743, %swap3A_744] {strides = array<i32>} : memref<48x256xf32, #tpu.memory_space<vmem>>, vector<16xf32>,
      tpu.vector_store %arg10[%swap3A_743, %swap3A_744], %add3A_742 {strides = array<i32>} : memref<48x256xf32, #tpu.memory_space<vmem>>, vector<16xf32>,
      %mul3A_746 = arith.mulf %sub3A_741, %sub3A_741 : vector<16xf32>
      %add3A_747 = arith.addf %add3A_705, %mul3A_746 : vector<16xf32>
      %get3A_748 = arith.constant 0 : i32
      %get3A_749 = arith.index_cast %get3A_748 : i32 to index
      %get3A_750 = arith.index_cast %scan3A_622 : i32 to index
      %get3A_751 = arith.constant 48 : index
      %get3A_752 = tpu.vector_load %arg9[%get3A_749, %get3A_750, %get3A_751] {strides = array<i32>} : memref<5x48x256xf32, #tpu.memory_space<vmem>>, vector<16xf32>,
      %get3A_753 = arith.constant 1 : i32
      %get3A_754 = arith.index_cast %get3A_753 : i32 to index
      %get3A_755 = arith.index_cast %scan3A_622 : i32 to index
      %get3A_756 = arith.constant 48 : index
      %get3A_757 = tpu.vector_load %arg9[%get3A_754, %get3A_755, %get3A_756] {strides = array<i32>} : memref<5x48x256xf32, #tpu.memory_space<vmem>>, vector<16xf32>,
      %add3A_758 = arith.addf %get3A_752, %get3A_757 : vector<16xf32>
      %get3A_759 = arith.constant 2 : i32
      %get3A_760 = arith.index_cast %get3A_759 : i32 to index
      %get3A_761 = arith.index_cast %scan3A_622 : i32 to index
      %get3A_762 = arith.constant 48 : index
      %get3A_763 = tpu.vector_load %arg9[%get3A_760, %get3A_761, %get3A_762] {strides = array<i32>} : memref<5x48x256xf32, #tpu.memory_space<vmem>>, vector<16xf32>,
      %get3A_764 = arith.constant 3 : i32
      %get3A_765 = arith.index_cast %get3A_764 : i32 to index
      %get3A_766 = arith.index_cast %scan3A_622 : i32 to index
      %get3A_767 = arith.constant 48 : index
      %get3A_768 = tpu.vector_load %arg9[%get3A_765, %get3A_766, %get3A_767] {strides = array<i32>} : memref<5x48x256xf32, #tpu.memory_space<vmem>>, vector<16xf32>,
      %add3A_769 = arith.addf %get3A_763, %get3A_768 : vector<16xf32>
      %add3A_770 = arith.addf %add3A_758, %add3A_769 : vector<16xf32>
      %get3A_771 = arith.constant 4 : i32
      %get3A_772 = arith.index_cast %get3A_771 : i32 to index
      %get3A_773 = arith.index_cast %scan3A_622 : i32 to index
      %get3A_774 = arith.constant 48 : index
      %get3A_775 = tpu.vector_load %arg9[%get3A_772, %get3A_773, %get3A_774] {strides = array<i32>} : memref<5x48x256xf32, #tpu.memory_space<vmem>>, vector<16xf32>,
      %add3A_776 = arith.addf %add3A_770, %get3A_775 : vector<16xf32>
      %div3A_777 = arith.constant 5.000000e+00 : f32
      %div3A_778 = vector.broadcast %div3A_777 : f32 to vector<16xf32>
      %div3A_779 = arith.divf %add3A_776, %div3A_778 : vector<16xf32>
      %get3A_780 = arith.index_cast %scan3A_622 : i32 to index
      %get3A_781 = arith.constant 48 : index
      %get3A_782 = tpu.vector_load %arg10[%get3A_780, %get3A_781] {strides = array<i32>} : memref<48x256xf32, #tpu.memory_space<vmem>>, vector<16xf32>,
      %sub3A_783 = arith.subf %div3A_779, %get3A_782 : vector<16xf32>
      %add3A_784 = arith.addf %get3A_782, %sub3A_783 : vector<16xf32>
      %swap3A_785 = arith.index_cast %scan3A_622 : i32 to index
      %swap3A_786 = arith.constant 48 : index
      %swap3A_787 = tpu.vector_load %arg10[%swap3A_785, %swap3A_786] {strides = array<i32>} : memref<48x256xf32, #tpu.memory_space<vmem>>, vector<16xf32>,
      tpu.vector_store %arg10[%swap3A_785, %swap3A_786], %add3A_784 {strides = array<i32>} : memref<48x256xf32, #tpu.memory_space<vmem>>, vector<16xf32>,
      %mul3A_788 = arith.mulf %sub3A_783, %sub3A_783 : vector<16xf32>
      %add3A_789 = arith.addf %add3A_747, %mul3A_788 : vector<16xf32>
      %get3A_790 = arith.constant 0 : i32
      %get3A_791 = arith.index_cast %get3A_790 : i32 to index
      %get3A_792 = arith.index_cast %scan3A_622 : i32 to index
      %get3A_793 = arith.constant 64 : index
      %get3A_794 = tpu.vector_load %arg9[%get3A_791, %get3A_792, %get3A_793] {strides = array<i32>} : memref<5x48x256xf32, #tpu.memory_space<vmem>>, vector<16xf32>,
      %get3A_795 = arith.constant 1 : i32
      %get3A_796 = arith.index_cast %get3A_795 : i32 to index
      %get3A_797 = arith.index_cast %scan3A_622 : i32 to index
      %get3A_798 = arith.constant 64 : index
      %get3A_799 = tpu.vector_load %arg9[%get3A_796, %get3A_797, %get3A_798] {strides = array<i32>} : memref<5x48x256xf32, #tpu.memory_space<vmem>>, vector<16xf32>,
      %add3A_800 = arith.addf %get3A_794, %get3A_799 : vector<16xf32>
      %get3A_801 = arith.constant 2 : i32
      %get3A_802 = arith.index_cast %get3A_801 : i32 to index
      %get3A_803 = arith.index_cast %scan3A_622 : i32 to index
      %get3A_804 = arith.constant 64 : index
      %get3A_805 = tpu.vector_load %arg9[%get3A_802, %get3A_803, %get3A_804] {strides = array<i32>} : memref<5x48x256xf32, #tpu.memory_space<vmem>>, vector<16xf32>,
      %get3A_806 = arith.constant 3 : i32
      %get3A_807 = arith.index_cast %get3A_806 : i32 to index
      %get3A_808 = arith.index_cast %scan3A_622 : i32 to index
      %get3A_809 = arith.constant 64 : index
      %get3A_810 = tpu.vector_load %arg9[%get3A_807, %get3A_808, %get3A_809] {strides = array<i32>} : memref<5x48x256xf32, #tpu.memory_space<vmem>>, vector<16xf32>,
      %add3A_811 = arith.addf %get3A_805, %get3A_810 : vector<16xf32>
      %add3A_812 = arith.addf %add3A_800, %add3A_811 : vector<16xf32>
      %get3A_813 = arith.constant 4 : i32
      %get3A_814 = arith.index_cast %get3A_813 : i32 to index
      %get3A_815 = arith.index_cast %scan3A_622 : i32 to index
      %get3A_816 = arith.constant 64 : index
      %get3A_817 = tpu.vector_load %arg9[%get3A_814, %get3A_815, %get3A_816] {strides = array<i32>} : memref<5x48x256xf32, #tpu.memory_space<vmem>>, vector<16xf32>,
      %add3A_818 = arith.addf %add3A_812, %get3A_817 : vector<16xf32>
      %div3A_819 = arith.constant 5.000000e+00 : f32
      %div3A_820 = vector.broadcast %div3A_819 : f32 to vector<16xf32>
      %div3A_821 = arith.divf %add3A_818, %div3A_820 : vector<16xf32>
      %get3A_822 = arith.index_cast %scan3A_622 : i32 to index
      %get3A_823 = arith.constant 64 : index
      %get3A_824 = tpu.vector_load %arg10[%get3A_822, %get3A_823] {strides = array<i32>} : memref<48x256xf32, #tpu.memory_space<vmem>>, vector<16xf32>,
      %sub3A_825 = arith.subf %div3A_821, %get3A_824 : vector<16xf32>
      %add3A_826 = arith.addf %get3A_824, %sub3A_825 : vector<16xf32>
      %swap3A_827 = arith.index_cast %scan3A_622 : i32 to index
      %swap3A_828 = arith.constant 64 : index
      %swap3A_829 = tpu.vector_load %arg10[%swap3A_827, %swap3A_828] {strides = array<i32>} : memref<48x256xf32, #tpu.memory_space<vmem>>, vector<16xf32>,
      tpu.vector_store %arg10[%swap3A_827, %swap3A_828], %add3A_826 {strides = array<i32>} : memref<48x256xf32, #tpu.memory_space<vmem>>, vector<16xf32>,
      %mul3A_830 = arith.mulf %sub3A_825, %sub3A_825 : vector<16xf32>
      %add3A_831 = arith.addf %add3A_789, %mul3A_830 : vector<16xf32>
      %get3A_832 = arith.constant 0 : i32
      %get3A_833 = arith.index_cast %get3A_832 : i32 to index
      %get3A_834 = arith.index_cast %scan3A_622 : i32 to index
      %get3A_835 = arith.constant 80 : index
      %get3A_836 = tpu.vector_load %arg9[%get3A_833, %get3A_834, %get3A_835] {strides = array<i32>} : memref<5x48x256xf32, #tpu.memory_space<vmem>>, vector<16xf32>,
      %get3A_837 = arith.constant 1 : i32
      %get3A_838 = arith.index_cast %get3A_837 : i32 to index
      %get3A_839 = arith.index_cast %scan3A_622 : i32 to index
      %get3A_840 = arith.constant 80 : index
      %get3A_841 = tpu.vector_load %arg9[%get3A_838, %get3A_839, %get3A_840] {strides = array<i32>} : memref<5x48x256xf32, #tpu.memory_space<vmem>>, vector<16xf32>,
      %add3A_842 = arith.addf %get3A_836, %get3A_841 : vector<16xf32>
      %get3A_843 = arith.constant 2 : i32
      %get3A_844 = arith.index_cast %get3A_843 : i32 to index
      %get3A_845 = arith.index_cast %scan3A_622 : i32 to index
      %get3A_846 = arith.constant 80 : index
      %get3A_847 = tpu.vector_load %arg9[%get3A_844, %get3A_845, %get3A_846] {strides = array<i32>} : memref<5x48x256xf32, #tpu.memory_space<vmem>>, vector<16xf32>,
      %get3A_848 = arith.constant 3 : i32
      %get3A_849 = arith.index_cast %get3A_848 : i32 to index
      %get3A_850 = arith.index_cast %scan3A_622 : i32 to index
      %get3A_851 = arith.constant 80 : index
      %get3A_852 = tpu.vector_load %arg9[%get3A_849, %get3A_850, %get3A_851] {strides = array<i32>} : memref<5x48x256xf32, #tpu.memory_space<vmem>>, vector<16xf32>,
      %add3A_853 = arith.addf %get3A_847, %get3A_852 : vector<16xf32>
      %add3A_854 = arith.addf %add3A_842, %add3A_853 : vector<16xf32>
      %get3A_855 = arith.constant 4 : i32
      %get3A_856 = arith.index_cast %get3A_855 : i32 to index
      %get3A_857 = arith.index_cast %scan3A_622 : i32 to index
      %get3A_858 = arith.constant 80 : index
      %get3A_859 = tpu.vector_load %arg9[%get3A_856, %get3A_857, %get3A_858] {strides = array<i32>} : memref<5x48x256xf32, #tpu.memory_space<vmem>>, vector<16xf32>,
      %add3A_860 = arith.addf %add3A_854, %get3A_859 : vector<16xf32>
      %div3A_861 = arith.constant 5.000000e+00 : f32
      %div3A_862 = vector.broadcast %div3A_861 : f32 to vector<16xf32>
      %div3A_863 = arith.divf %add3A_860, %div3A_862 : vector<16xf32>
      %get3A_864 = arith.index_cast %scan3A_622 : i32 to index
      %get3A_865 = arith.constant 80 : index
      %get3A_866 = tpu.vector_load %arg10[%get3A_864, %get3A_865] {strides = array<i32>} : memref<48x256xf32, #tpu.memory_space<vmem>>, vector<16xf32>,
      %sub3A_867 = arith.subf %div3A_863, %get3A_866 : vector<16xf32>
      %add3A_868 = arith.addf %get3A_866, %sub3A_867 : vector<16xf32>
      %swap3A_869 = arith.index_cast %scan3A_622 : i32 to index
      %swap3A_870 = arith.constant 80 : index
      %swap3A_871 = tpu.vector_load %arg10[%swap3A_869, %swap3A_870] {strides = array<i32>} : memref<48x256xf32, #tpu.memory_space<vmem>>, vector<16xf32>,
      tpu.vector_store %arg10[%swap3A_869, %swap3A_870], %add3A_868 {strides = array<i32>} : memref<48x256xf32, #tpu.memory_space<vmem>>, vector<16xf32>,
      %mul3A_872 = arith.mulf %sub3A_867, %sub3A_867 : vector<16xf32>
      %add3A_873 = arith.addf %add3A_831, %mul3A_872 : vector<16xf32>
      %get3A_874 = arith.constant 0 : i32
      %get3A_875 = arith.index_cast %get3A_874 : i32 to index
      %get3A_876 = arith.index_cast %scan3A_622 : i32 to index
      %get3A_877 = arith.constant 96 : index
      %get3A_878 = tpu.vector_load %arg9[%get3A_875, %get3A_876, %get3A_877] {strides = array<i32>} : memref<5x48x256xf32, #tpu.memory_space<vmem>>, vector<16xf32>,
      %get3A_879 = arith.constant 1 : i32
      %get3A_880 = arith.index_cast %get3A_879 : i32 to index
      %get3A_881 = arith.index_cast %scan3A_622 : i32 to index
      %get3A_882 = arith.constant 96 : index
      %get3A_883 = tpu.vector_load %arg9[%get3A_880, %get3A_881, %get3A_882] {strides = array<i32>} : memref<5x48x256xf32, #tpu.memory_space<vmem>>, vector<16xf32>,
      %add3A_884 = arith.addf %get3A_878, %get3A_883 : vector<16xf32>
      %get3A_885 = arith.constant 2 : i32
      %get3A_886 = arith.index_cast %get3A_885 : i32 to index
      %get3A_887 = arith.index_cast %scan3A_622 : i32 to index
      %get3A_888 = arith.constant 96 : index
      %get3A_889 = tpu.vector_load %arg9[%get3A_886, %get3A_887, %get3A_888] {strides = array<i32>} : memref<5x48x256xf32, #tpu.memory_space<vmem>>, vector<16xf32>,
      %get3A_890 = arith.constant 3 : i32
      %get3A_891 = arith.index_cast %get3A_890 : i32 to index
      %get3A_892 = arith.index_cast %scan3A_622 : i32 to index
      %get3A_893 = arith.constant 96 : index
      %get3A_894 = tpu.vector_load %arg9[%get3A_891, %get3A_892, %get3A_893] {strides = array<i32>} : memref<5x48x256xf32, #tpu.memory_space<vmem>>, vector<16xf32>,
      %add3A_895 = arith.addf %get3A_889, %get3A_894 : vector<16xf32>
      %add3A_896 = arith.addf %add3A_884, %add3A_895 : vector<16xf32>
      %get3A_897 = arith.constant 4 : i32
      %get3A_898 = arith.index_cast %get3A_897 : i32 to index
      %get3A_899 = arith.index_cast %scan3A_622 : i32 to index
      %get3A_900 = arith.constant 96 : index
      %get3A_901 = tpu.vector_load %arg9[%get3A_898, %get3A_899, %get3A_900] {strides = array<i32>} : memref<5x48x256xf32, #tpu.memory_space<vmem>>, vector<16xf32>,
      %add3A_902 = arith.addf %add3A_896, %get3A_901 : vector<16xf32>
      %div3A_903 = arith.constant 5.000000e+00 : f32
      %div3A_904 = vector.broadcast %div3A_903 : f32 to vector<16xf32>
      %div3A_905 = arith.divf %add3A_902, %div3A_904 : vector<16xf32>
      %get3A_906 = arith.index_cast %scan3A_622 : i32 to index
      %get3A_907 = arith.constant 96 : index
      %get3A_908 = tpu.vector_load %arg10[%get3A_906, %get3A_907] {strides = array<i32>} : memref<48x256xf32, #tpu.memory_space<vmem>>, vector<16xf32>,
      %sub3A_909 = arith.subf %div3A_905, %get3A_908 : vector<16xf32>
      %add3A_910 = arith.addf %get3A_908, %sub3A_909 : vector<16xf32>
      %swap3A_911 = arith.index_cast %scan3A_622 : i32 to index
      %swap3A_912 = arith.constant 96 : index
      %swap3A_913 = tpu.vector_load %arg10[%swap3A_911, %swap3A_912] {strides = array<i32>} : memref<48x256xf32, #tpu.memory_space<vmem>>, vector<16xf32>,
      tpu.vector_store %arg10[%swap3A_911, %swap3A_912], %add3A_910 {strides = array<i32>} : memref<48x256xf32, #tpu.memory_space<vmem>>, vector<16xf32>,
      %mul3A_914 = arith.mulf %sub3A_909, %sub3A_909 : vector<16xf32>
      %add3A_915 = arith.addf %add3A_873, %mul3A_914 : vector<16xf32>
      %get3A_916 = arith.constant 0 : i32
      %get3A_917 = arith.index_cast %get3A_916 : i32 to index
      %get3A_918 = arith.index_cast %scan3A_622 : i32 to index
      %get3A_919 = arith.constant 112 : index
      %get3A_920 = tpu.vector_load %arg9[%get3A_917, %get3A_918, %get3A_919] {strides = array<i32>} : memref<5x48x256xf32, #tpu.memory_space<vmem>>, vector<16xf32>,
      %get3A_921 = arith.constant 1 : i32
      %get3A_922 = arith.index_cast %get3A_921 : i32 to index
      %get3A_923 = arith.index_cast %scan3A_622 : i32 to index
      %get3A_924 = arith.constant 112 : index
      %get3A_925 = tpu.vector_load %arg9[%get3A_922, %get3A_923, %get3A_924] {strides = array<i32>} : memref<5x48x256xf32, #tpu.memory_space<vmem>>, vector<16xf32>,
      %add3A_926 = arith.addf %get3A_920, %get3A_925 : vector<16xf32>
      %get3A_927 = arith.constant 2 : i32
      %get3A_928 = arith.index_cast %get3A_927 : i32 to index
      %get3A_929 = arith.index_cast %scan3A_622 : i32 to index
      %get3A_930 = arith.constant 112 : index
      %get3A_931 = tpu.vector_load %arg9[%get3A_928, %get3A_929, %get3A_930] {strides = array<i32>} : memref<5x48x256xf32, #tpu.memory_space<vmem>>, vector<16xf32>,
      %get3A_932 = arith.constant 3 : i32
      %get3A_933 = arith.index_cast %get3A_932 : i32 to index
      %get3A_934 = arith.index_cast %scan3A_622 : i32 to index
      %get3A_935 = arith.constant 112 : index
      %get3A_936 = tpu.vector_load %arg9[%get3A_933, %get3A_934, %get3A_935] {strides = array<i32>} : memref<5x48x256xf32, #tpu.memory_space<vmem>>, vector<16xf32>,
      %add3A_937 = arith.addf %get3A_931, %get3A_936 : vector<16xf32>
      %add3A_938 = arith.addf %add3A_926, %add3A_937 : vector<16xf32>
      %get3A_939 = arith.constant 4 : i32
      %get3A_940 = arith.index_cast %get3A_939 : i32 to index
      %get3A_941 = arith.index_cast %scan3A_622 : i32 to index
      %get3A_942 = arith.constant 112 : index
      %get3A_943 = tpu.vector_load %arg9[%get3A_940, %get3A_941, %get3A_942] {strides = array<i32>} : memref<5x48x256xf32, #tpu.memory_space<vmem>>, vector<16xf32>,
      %add3A_944 = arith.addf %add3A_938, %get3A_943 : vector<16xf32>
      %div3A_945 = arith.constant 5.000000e+00 : f32
      %div3A_946 = vector.broadcast %div3A_945 : f32 to vector<16xf32>
      %div3A_947 = arith.divf %add3A_944, %div3A_946 : vector<16xf32>
      %get3A_948 = arith.index_cast %scan3A_622 : i32 to index
      %get3A_949 = arith.constant 112 : index
      %get3A_950 = tpu.vector_load %arg10[%get3A_948, %get3A_949] {strides = array<i32>} : memref<48x256xf32, #tpu.memory_space<vmem>>, vector<16xf32>,
      %sub3A_951 = arith.subf %div3A_947, %get3A_950 : vector<16xf32>
      %add3A_952 = arith.addf %get3A_950, %sub3A_951 : vector<16xf32>
      %swap3A_953 = arith.index_cast %scan3A_622 : i32 to index
      %swap3A_954 = arith.constant 112 : index
      %swap3A_955 = tpu.vector_load %arg10[%swap3A_953, %swap3A_954] {strides = array<i32>} : memref<48x256xf32, #tpu.memory_space<vmem>>, vector<16xf32>,
      tpu.vector_store %arg10[%swap3A_953, %swap3A_954], %add3A_952 {strides = array<i32>} : memref<48x256xf32, #tpu.memory_space<vmem>>, vector<16xf32>,
      %mul3A_956 = arith.mulf %sub3A_951, %sub3A_951 : vector<16xf32>
      %add3A_957 = arith.addf %add3A_915, %mul3A_956 : vector<16xf32>
      %get3A_958 = arith.constant 0 : i32
      %get3A_959 = arith.index_cast %get3A_958 : i32 to index
      %get3A_960 = arith.index_cast %scan3A_622 : i32 to index
      %get3A_961 = arith.constant 128 : index
      %get3A_962 = tpu.vector_load %arg9[%get3A_959, %get3A_960, %get3A_961] {strides = array<i32>} : memref<5x48x256xf32, #tpu.memory_space<vmem>>, vector<16xf32>,
      %get3A_963 = arith.constant 1 : i32
      %get3A_964 = arith.index_cast %get3A_963 : i32 to index
      %get3A_965 = arith.index_cast %scan3A_622 : i32 to index
      %get3A_966 = arith.constant 128 : index
      %get3A_967 = tpu.vector_load %arg9[%get3A_964, %get3A_965, %get3A_966] {strides = array<i32>} : memref<5x48x256xf32, #tpu.memory_space<vmem>>, vector<16xf32>,
      %add3A_968 = arith.addf %get3A_962, %get3A_967 : vector<16xf32>
      %get3A_969 = arith.constant 2 : i32
      %get3A_970 = arith.index_cast %get3A_969 : i32 to index
      %get3A_971 = arith.index_cast %scan3A_622 : i32 to index
      %get3A_972 = arith.constant 128 : index
      %get3A_973 = tpu.vector_load %arg9[%get3A_970, %get3A_971, %get3A_972] {strides = array<i32>} : memref<5x48x256xf32, #tpu.memory_space<vmem>>, vector<16xf32>,
      %get3A_974 = arith.constant 3 : i32
      %get3A_975 = arith.index_cast %get3A_974 : i32 to index
      %get3A_976 = arith.index_cast %scan3A_622 : i32 to index
      %get3A_977 = arith.constant 128 : index
      %get3A_978 = tpu.vector_load %arg9[%get3A_975, %get3A_976, %get3A_977] {strides = array<i32>} : memref<5x48x256xf32, #tpu.memory_space<vmem>>, vector<16xf32>,
      %add3A_979 = arith.addf %get3A_973, %get3A_978 : vector<16xf32>
      %add3A_980 = arith.addf %add3A_968, %add3A_979 : vector<16xf32>
      %get3A_981 = arith.constant 4 : i32
      %get3A_982 = arith.index_cast %get3A_981 : i32 to index
      %get3A_983 = arith.index_cast %scan3A_622 : i32 to index
      %get3A_984 = arith.constant 128 : index
      %get3A_985 = tpu.vector_load %arg9[%get3A_982, %get3A_983, %get3A_984] {strides = array<i32>} : memref<5x48x256xf32, #tpu.memory_space<vmem>>, vector<16xf32>,
      %add3A_986 = arith.addf %add3A_980, %get3A_985 : vector<16xf32>
      %div3A_987 = arith.constant 5.000000e+00 : f32
      %div3A_988 = vector.broadcast %div3A_987 : f32 to vector<16xf32>
      %div3A_989 = arith.divf %add3A_986, %div3A_988 : vector<16xf32>
      %get3A_990 = arith.index_cast %scan3A_622 : i32 to index
      %get3A_991 = arith.constant 128 : index
      %get3A_992 = tpu.vector_load %arg10[%get3A_990, %get3A_991] {strides = array<i32>} : memref<48x256xf32, #tpu.memory_space<vmem>>, vector<16xf32>,
      %sub3A_993 = arith.subf %div3A_989, %get3A_992 : vector<16xf32>
      %add3A_994 = arith.addf %get3A_992, %sub3A_993 : vector<16xf32>
      %swap3A_995 = arith.index_cast %scan3A_622 : i32 to index
      %swap3A_996 = arith.constant 128 : index
      %swap3A_997 = tpu.vector_load %arg10[%swap3A_995, %swap3A_996] {strides = array<i32>} : memref<48x256xf32, #tpu.memory_space<vmem>>, vector<16xf32>,
      tpu.vector_store %arg10[%swap3A_995, %swap3A_996], %add3A_994 {strides = array<i32>} : memref<48x256xf32, #tpu.memory_space<vmem>>, vector<16xf32>,
      %mul3A_998 = arith.mulf %sub3A_993, %sub3A_993 : vector<16xf32>
      %add3A_999 = arith.addf %add3A_957, %mul3A_998 : vector<16xf32>
      %get3A_1000 = arith.constant 0 : i32
      %get3A_1001 = arith.index_cast %get3A_1000 : i32 to index
      %get3A_1002 = arith.index_cast %scan3A_622 : i32 to index
      %get3A_1003 = arith.constant 144 : index
      %get3A_1004 = tpu.vector_load %arg9[%get3A_1001, %get3A_1002, %get3A_1003] {strides = array<i32>} : memref<5x48x256xf32, #tpu.memory_space<vmem>>, vector<16xf32>,
      %get3A_1005 = arith.constant 1 : i32
      %get3A_1006 = arith.index_cast %get3A_1005 : i32 to index
      %get3A_1007 = arith.index_cast %scan3A_622 : i32 to index
      %get3A_1008 = arith.constant 144 : index
      %get3A_1009 = tpu.vector_load %arg9[%get3A_1006, %get3A_1007, %get3A_1008] {strides = array<i32>} : memref<5x48x256xf32, #tpu.memory_space<vmem>>, vector<16xf32>,
      %add3A_1010 = arith.addf %get3A_1004, %get3A_1009 : vector<16xf32>
      %get3A_1011 = arith.constant 2 : i32
      %get3A_1012 = arith.index_cast %get3A_1011 : i32 to index
      %get3A_1013 = arith.index_cast %scan3A_622 : i32 to index
      %get3A_1014 = arith.constant 144 : index
      %get3A_1015 = tpu.vector_load %arg9[%get3A_1012, %get3A_1013, %get3A_1014] {strides = array<i32>} : memref<5x48x256xf32, #tpu.memory_space<vmem>>, vector<16xf32>,
      %get3A_1016 = arith.constant 3 : i32
      %get3A_1017 = arith.index_cast %get3A_1016 : i32 to index
      %get3A_1018 = arith.index_cast %scan3A_622 : i32 to index
      %get3A_1019 = arith.constant 144 : index
      %get3A_1020 = tpu.vector_load %arg9[%get3A_1017, %get3A_1018, %get3A_1019] {strides = array<i32>} : memref<5x48x256xf32, #tpu.memory_space<vmem>>, vector<16xf32>,
      %add3A_1021 = arith.addf %get3A_1015, %get3A_1020 : vector<16xf32>
      %add3A_1022 = arith.addf %add3A_1010, %add3A_1021 : vector<16xf32>
      %get3A_1023 = arith.constant 4 : i32
      %get3A_1024 = arith.index_cast %get3A_1023 : i32 to index
      %get3A_1025 = arith.index_cast %scan3A_622 : i32 to index
      %get3A_1026 = arith.constant 144 : index
      %get3A_1027 = tpu.vector_load %arg9[%get3A_1024, %get3A_1025, %get3A_1026] {strides = array<i32>} : memref<5x48x256xf32, #tpu.memory_space<vmem>>, vector<16xf32>,
      %add3A_1028 = arith.addf %add3A_1022, %get3A_1027 : vector<16xf32>
      %div3A_1029 = arith.constant 5.000000e+00 : f32
      %div3A_1030 = vector.broadcast %div3A_1029 : f32 to vector<16xf32>
      %div3A_1031 = arith.divf %add3A_1028, %div3A_1030 : vector<16xf32>
      %get3A_1032 = arith.index_cast %scan3A_622 : i32 to index
      %get3A_1033 = arith.constant 144 : index
      %get3A_1034 = tpu.vector_load %arg10[%get3A_1032, %get3A_1033] {strides = array<i32>} : memref<48x256xf32, #tpu.memory_space<vmem>>, vector<16xf32>,
      %sub3A_1035 = arith.subf %div3A_1031, %get3A_1034 : vector<16xf32>
      %add3A_1036 = arith.addf %get3A_1034, %sub3A_1035 : vector<16xf32>
      %swap3A_1037 = arith.index_cast %scan3A_622 : i32 to index
      %swap3A_1038 = arith.constant 144 : index
      %swap3A_1039 = tpu.vector_load %arg10[%swap3A_1037, %swap3A_1038] {strides = array<i32>} : memref<48x256xf32, #tpu.memory_space<vmem>>, vector<16xf32>,
      tpu.vector_store %arg10[%swap3A_1037, %swap3A_1038], %add3A_1036 {strides = array<i32>} : memref<48x256xf32, #tpu.memory_space<vmem>>, vector<16xf32>,
      %mul3A_1040 = arith.mulf %sub3A_1035, %sub3A_1035 : vector<16xf32>
      %add3A_1041 = arith.addf %add3A_999, %mul3A_1040 : vector<16xf32>
      %get3A_1042 = arith.constant 0 : i32
      %get3A_1043 = arith.index_cast %get3A_1042 : i32 to index
      %get3A_1044 = arith.index_cast %scan3A_622 : i32 to index
      %get3A_1045 = arith.constant 160 : index
      %get3A_1046 = tpu.vector_load %arg9[%get3A_1043, %get3A_1044, %get3A_1045] {strides = array<i32>} : memref<5x48x256xf32, #tpu.memory_space<vmem>>, vector<16xf32>,
      %get3A_1047 = arith.constant 1 : i32
      %get3A_1048 = arith.index_cast %get3A_1047 : i32 to index
      %get3A_1049 = arith.index_cast %scan3A_622 : i32 to index
      %get3A_1050 = arith.constant 160 : index
      %get3A_1051 = tpu.vector_load %arg9[%get3A_1048, %get3A_1049, %get3A_1050] {strides = array<i32>} : memref<5x48x256xf32, #tpu.memory_space<vmem>>, vector<16xf32>,
      %add3A_1052 = arith.addf %get3A_1046, %get3A_1051 : vector<16xf32>
      %get3A_1053 = arith.constant 2 : i32
      %get3A_1054 = arith.index_cast %get3A_1053 : i32 to index
      %get3A_1055 = arith.index_cast %scan3A_622 : i32 to index
      %get3A_1056 = arith.constant 160 : index
      %get3A_1057 = tpu.vector_load %arg9[%get3A_1054, %get3A_1055, %get3A_1056] {strides = array<i32>} : memref<5x48x256xf32, #tpu.memory_space<vmem>>, vector<16xf32>,
      %get3A_1058 = arith.constant 3 : i32
      %get3A_1059 = arith.index_cast %get3A_1058 : i32 to index
      %get3A_1060 = arith.index_cast %scan3A_622 : i32 to index
      %get3A_1061 = arith.constant 160 : index
      %get3A_1062 = tpu.vector_load %arg9[%get3A_1059, %get3A_1060, %get3A_1061] {strides = array<i32>} : memref<5x48x256xf32, #tpu.memory_space<vmem>>, vector<16xf32>,
      %add3A_1063 = arith.addf %get3A_1057, %get3A_1062 : vector<16xf32>
      %add3A_1064 = arith.addf %add3A_1052, %add3A_1063 : vector<16xf32>
      %get3A_1065 = arith.constant 4 : i32
      %get3A_1066 = arith.index_cast %get3A_1065 : i32 to index
      %get3A_1067 = arith.index_cast %scan3A_622 : i32 to index
      %get3A_1068 = arith.constant 160 : index
      %get3A_1069 = tpu.vector_load %arg9[%get3A_1066, %get3A_1067, %get3A_1068] {strides = array<i32>} : memref<5x48x256xf32, #tpu.memory_space<vmem>>, vector<16xf32>,
      %add3A_1070 = arith.addf %add3A_1064, %get3A_1069 : vector<16xf32>
      %div3A_1071 = arith.constant 5.000000e+00 : f32
      %div3A_1072 = vector.broadcast %div3A_1071 : f32 to vector<16xf32>
      %div3A_1073 = arith.divf %add3A_1070, %div3A_1072 : vector<16xf32>
      %get3A_1074 = arith.index_cast %scan3A_622 : i32 to index
      %get3A_1075 = arith.constant 160 : index
      %get3A_1076 = tpu.vector_load %arg10[%get3A_1074, %get3A_1075] {strides = array<i32>} : memref<48x256xf32, #tpu.memory_space<vmem>>, vector<16xf32>,
      %sub3A_1077 = arith.subf %div3A_1073, %get3A_1076 : vector<16xf32>
      %add3A_1078 = arith.addf %get3A_1076, %sub3A_1077 : vector<16xf32>
      %swap3A_1079 = arith.index_cast %scan3A_622 : i32 to index
      %swap3A_1080 = arith.constant 160 : index
      %swap3A_1081 = tpu.vector_load %arg10[%swap3A_1079, %swap3A_1080] {strides = array<i32>} : memref<48x256xf32, #tpu.memory_space<vmem>>, vector<16xf32>,
      tpu.vector_store %arg10[%swap3A_1079, %swap3A_1080], %add3A_1078 {strides = array<i32>} : memref<48x256xf32, #tpu.memory_space<vmem>>, vector<16xf32>,
      %mul3A_1082 = arith.mulf %sub3A_1077, %sub3A_1077 : vector<16xf32>
      %add3A_1083 = arith.addf %add3A_1041, %mul3A_1082 : vector<16xf32>
      %get3A_1084 = arith.constant 0 : i32
      %get3A_1085 = arith.index_cast %get3A_1084 : i32 to index
      %get3A_1086 = arith.index_cast %scan3A_622 : i32 to index
      %get3A_1087 = arith.constant 176 : index
      %get3A_1088 = tpu.vector_load %arg9[%get3A_1085, %get3A_1086, %get3A_1087] {strides = array<i32>} : memref<5x48x256xf32, #tpu.memory_space<vmem>>, vector<16xf32>,
      %get3A_1089 = arith.constant 1 : i32
      %get3A_1090 = arith.index_cast %get3A_1089 : i32 to index
      %get3A_1091 = arith.index_cast %scan3A_622 : i32 to index
      %get3A_1092 = arith.constant 176 : index
      %get3A_1093 = tpu.vector_load %arg9[%get3A_1090, %get3A_1091, %get3A_1092] {strides = array<i32>} : memref<5x48x256xf32, #tpu.memory_space<vmem>>, vector<16xf32>,
      %add3A_1094 = arith.addf %get3A_1088, %get3A_1093 : vector<16xf32>
      %get3A_1095 = arith.constant 2 : i32
      %get3A_1096 = arith.index_cast %get3A_1095 : i32 to index
      %get3A_1097 = arith.index_cast %scan3A_622 : i32 to index
      %get3A_1098 = arith.constant 176 : index
      %get3A_1099 = tpu.vector_load %arg9[%get3A_1096, %get3A_1097, %get3A_1098] {strides = array<i32>} : memref<5x48x256xf32, #tpu.memory_space<vmem>>, vector<16xf32>,
      %get3A_1100 = arith.constant 3 : i32
      %get3A_1101 = arith.index_cast %get3A_1100 : i32 to index
      %get3A_1102 = arith.index_cast %scan3A_622 : i32 to index
      %get3A_1103 = arith.constant 176 : index
      %get3A_1104 = tpu.vector_load %arg9[%get3A_1101, %get3A_1102, %get3A_1103] {strides = array<i32>} : memref<5x48x256xf32, #tpu.memory_space<vmem>>, vector<16xf32>,
      %add3A_1105 = arith.addf %get3A_1099, %get3A_1104 : vector<16xf32>
      %add3A_1106 = arith.addf %add3A_1094, %add3A_1105 : vector<16xf32>
      %get3A_1107 = arith.constant 4 : i32
      %get3A_1108 = arith.index_cast %get3A_1107 : i32 to index
      %get3A_1109 = arith.index_cast %scan3A_622 : i32 to index
      %get3A_1110 = arith.constant 176 : index
      %get3A_1111 = tpu.vector_load %arg9[%get3A_1108, %get3A_1109, %get3A_1110] {strides = array<i32>} : memref<5x48x256xf32, #tpu.memory_space<vmem>>, vector<16xf32>,
      %add3A_1112 = arith.addf %add3A_1106, %get3A_1111 : vector<16xf32>
      %div3A_1113 = arith.constant 5.000000e+00 : f32
      %div3A_1114 = vector.broadcast %div3A_1113 : f32 to vector<16xf32>
      %div3A_1115 = arith.divf %add3A_1112, %div3A_1114 : vector<16xf32>
      %get3A_1116 = arith.index_cast %scan3A_622 : i32 to index
      %get3A_1117 = arith.constant 176 : index
      %get3A_1118 = tpu.vector_load %arg10[%get3A_1116, %get3A_1117] {strides = array<i32>} : memref<48x256xf32, #tpu.memory_space<vmem>>, vector<16xf32>,
      %sub3A_1119 = arith.subf %div3A_1115, %get3A_1118 : vector<16xf32>
      %add3A_1120 = arith.addf %get3A_1118, %sub3A_1119 : vector<16xf32>
      %swap3A_1121 = arith.index_cast %scan3A_622 : i32 to index
      %swap3A_1122 = arith.constant 176 : index
      %swap3A_1123 = tpu.vector_load %arg10[%swap3A_1121, %swap3A_1122] {strides = array<i32>} : memref<48x256xf32, #tpu.memory_space<vmem>>, vector<16xf32>,
      tpu.vector_store %arg10[%swap3A_1121, %swap3A_1122], %add3A_1120 {strides = array<i32>} : memref<48x256xf32, #tpu.memory_space<vmem>>, vector<16xf32>,
      %mul3A_1124 = arith.mulf %sub3A_1119, %sub3A_1119 : vector<16xf32>
      %add3A_1125 = arith.addf %add3A_1083, %mul3A_1124 : vector<16xf32>
      %get3A_1126 = arith.constant 0 : i32
      %get3A_1127 = arith.index_cast %get3A_1126 : i32 to index
      %get3A_1128 = arith.index_cast %scan3A_622 : i32 to index
      %get3A_1129 = arith.constant 192 : index
      %get3A_1130 = tpu.vector_load %arg9[%get3A_1127, %get3A_1128, %get3A_1129] {strides = array<i32>} : memref<5x48x256xf32, #tpu.memory_space<vmem>>, vector<16xf32>,
      %get3A_1131 = arith.constant 1 : i32
      %get3A_1132 = arith.index_cast %get3A_1131 : i32 to index
      %get3A_1133 = arith.index_cast %scan3A_622 : i32 to index
      %get3A_1134 = arith.constant 192 : index
      %get3A_1135 = tpu.vector_load %arg9[%get3A_1132, %get3A_1133, %get3A_1134] {strides = array<i32>} : memref<5x48x256xf32, #tpu.memory_space<vmem>>, vector<16xf32>,
      %add3A_1136 = arith.addf %get3A_1130, %get3A_1135 : vector<16xf32>
      %get3A_1137 = arith.constant 2 : i32
      %get3A_1138 = arith.index_cast %get3A_1137 : i32 to index
      %get3A_1139 = arith.index_cast %scan3A_622 : i32 to index
      %get3A_1140 = arith.constant 192 : index
      %get3A_1141 = tpu.vector_load %arg9[%get3A_1138, %get3A_1139, %get3A_1140] {strides = array<i32>} : memref<5x48x256xf32, #tpu.memory_space<vmem>>, vector<16xf32>,
      %get3A_1142 = arith.constant 3 : i32
      %get3A_1143 = arith.index_cast %get3A_1142 : i32 to index
      %get3A_1144 = arith.index_cast %scan3A_622 : i32 to index
      %get3A_1145 = arith.constant 192 : index
      %get3A_1146 = tpu.vector_load %arg9[%get3A_1143, %get3A_1144, %get3A_1145] {strides = array<i32>} : memref<5x48x256xf32, #tpu.memory_space<vmem>>, vector<16xf32>,
      %add3A_1147 = arith.addf %get3A_1141, %get3A_1146 : vector<16xf32>
      %add3A_1148 = arith.addf %add3A_1136, %add3A_1147 : vector<16xf32>
      %get3A_1149 = arith.constant 4 : i32
      %get3A_1150 = arith.index_cast %get3A_1149 : i32 to index
      %get3A_1151 = arith.index_cast %scan3A_622 : i32 to index
      %get3A_1152 = arith.constant 192 : index
      %get3A_1153 = tpu.vector_load %arg9[%get3A_1150, %get3A_1151, %get3A_1152] {strides = array<i32>} : memref<5x48x256xf32, #tpu.memory_space<vmem>>, vector<16xf32>,
      %add3A_1154 = arith.addf %add3A_1148, %get3A_1153 : vector<16xf32>
      %div3A_1155 = arith.constant 5.000000e+00 : f32
      %div3A_1156 = vector.broadcast %div3A_1155 : f32 to vector<16xf32>
      %div3A_1157 = arith.divf %add3A_1154, %div3A_1156 : vector<16xf32>
      %get3A_1158 = arith.index_cast %scan3A_622 : i32 to index
      %get3A_1159 = arith.constant 192 : index
      %get3A_1160 = tpu.vector_load %arg10[%get3A_1158, %get3A_1159] {strides = array<i32>} : memref<48x256xf32, #tpu.memory_space<vmem>>, vector<16xf32>,
      %sub3A_1161 = arith.subf %div3A_1157, %get3A_1160 : vector<16xf32>
      %add3A_1162 = arith.addf %get3A_1160, %sub3A_1161 : vector<16xf32>
      %swap3A_1163 = arith.index_cast %scan3A_622 : i32 to index
      %swap3A_1164 = arith.constant 192 : index
      %swap3A_1165 = tpu.vector_load %arg10[%swap3A_1163, %swap3A_1164] {strides = array<i32>} : memref<48x256xf32, #tpu.memory_space<vmem>>, vector<16xf32>,
      tpu.vector_store %arg10[%swap3A_1163, %swap3A_1164], %add3A_1162 {strides = array<i32>} : memref<48x256xf32, #tpu.memory_space<vmem>>, vector<16xf32>,
      %mul3A_1166 = arith.mulf %sub3A_1161, %sub3A_1161 : vector<16xf32>
      %add3A_1167 = arith.addf %add3A_1125, %mul3A_1166 : vector<16xf32>
      %get3A_1168 = arith.constant 0 : i32
      %get3A_1169 = arith.index_cast %get3A_1168 : i32 to index
      %get3A_1170 = arith.index_cast %scan3A_622 : i32 to index
      %get3A_1171 = arith.constant 208 : index
      %get3A_1172 = tpu.vector_load %arg9[%get3A_1169, %get3A_1170, %get3A_1171] {strides = array<i32>} : memref<5x48x256xf32, #tpu.memory_space<vmem>>, vector<16xf32>,
      %get3A_1173 = arith.constant 1 : i32
      %get3A_1174 = arith.index_cast %get3A_1173 : i32 to index
      %get3A_1175 = arith.index_cast %scan3A_622 : i32 to index
      %get3A_1176 = arith.constant 208 : index
      %get3A_1177 = tpu.vector_load %arg9[%get3A_1174, %get3A_1175, %get3A_1176] {strides = array<i32>} : memref<5x48x256xf32, #tpu.memory_space<vmem>>, vector<16xf32>,
      %add3A_1178 = arith.addf %get3A_1172, %get3A_1177 : vector<16xf32>
      %get3A_1179 = arith.constant 2 : i32
      %get3A_1180 = arith.index_cast %get3A_1179 : i32 to index
      %get3A_1181 = arith.index_cast %scan3A_622 : i32 to index
      %get3A_1182 = arith.constant 208 : index
      %get3A_1183 = tpu.vector_load %arg9[%get3A_1180, %get3A_1181, %get3A_1182] {strides = array<i32>} : memref<5x48x256xf32, #tpu.memory_space<vmem>>, vector<16xf32>,
      %get3A_1184 = arith.constant 3 : i32
      %get3A_1185 = arith.index_cast %get3A_1184 : i32 to index
      %get3A_1186 = arith.index_cast %scan3A_622 : i32 to index
      %get3A_1187 = arith.constant 208 : index
      %get3A_1188 = tpu.vector_load %arg9[%get3A_1185, %get3A_1186, %get3A_1187] {strides = array<i32>} : memref<5x48x256xf32, #tpu.memory_space<vmem>>, vector<16xf32>,
      %add3A_1189 = arith.addf %get3A_1183, %get3A_1188 : vector<16xf32>
      %add3A_1190 = arith.addf %add3A_1178, %add3A_1189 : vector<16xf32>
      %get3A_1191 = arith.constant 4 : i32
      %get3A_1192 = arith.index_cast %get3A_1191 : i32 to index
      %get3A_1193 = arith.index_cast %scan3A_622 : i32 to index
      %get3A_1194 = arith.constant 208 : index
      %get3A_1195 = tpu.vector_load %arg9[%get3A_1192, %get3A_1193, %get3A_1194] {strides = array<i32>} : memref<5x48x256xf32, #tpu.memory_space<vmem>>, vector<16xf32>,
      %add3A_1196 = arith.addf %add3A_1190, %get3A_1195 : vector<16xf32>
      %div3A_1197 = arith.constant 5.000000e+00 : f32
      %div3A_1198 = vector.broadcast %div3A_1197 : f32 to vector<16xf32>
      %div3A_1199 = arith.divf %add3A_1196, %div3A_1198 : vector<16xf32>
      %get3A_1200 = arith.index_cast %scan3A_622 : i32 to index
      %get3A_1201 = arith.constant 208 : index
      %get3A_1202 = tpu.vector_load %arg10[%get3A_1200, %get3A_1201] {strides = array<i32>} : memref<48x256xf32, #tpu.memory_space<vmem>>, vector<16xf32>,
      %sub3A_1203 = arith.subf %div3A_1199, %get3A_1202 : vector<16xf32>
      %add3A_1204 = arith.addf %get3A_1202, %sub3A_1203 : vector<16xf32>
      %swap3A_1205 = arith.index_cast %scan3A_622 : i32 to index
      %swap3A_1206 = arith.constant 208 : index
      %swap3A_1207 = tpu.vector_load %arg10[%swap3A_1205, %swap3A_1206] {strides = array<i32>} : memref<48x256xf32, #tpu.memory_space<vmem>>, vector<16xf32>,
      tpu.vector_store %arg10[%swap3A_1205, %swap3A_1206], %add3A_1204 {strides = array<i32>} : memref<48x256xf32, #tpu.memory_space<vmem>>, vector<16xf32>,
      %mul3A_1208 = arith.mulf %sub3A_1203, %sub3A_1203 : vector<16xf32>
      %add3A_1209 = arith.addf %add3A_1167, %mul3A_1208 : vector<16xf32>
      %get3A_1210 = arith.constant 0 : i32
      %get3A_1211 = arith.index_cast %get3A_1210 : i32 to index
      %get3A_1212 = arith.index_cast %scan3A_622 : i32 to index
      %get3A_1213 = arith.constant 224 : index
      %get3A_1214 = tpu.vector_load %arg9[%get3A_1211, %get3A_1212, %get3A_1213] {strides = array<i32>} : memref<5x48x256xf32, #tpu.memory_space<vmem>>, vector<16xf32>,
      %get3A_1215 = arith.constant 1 : i32
      %get3A_1216 = arith.index_cast %get3A_1215 : i32 to index
      %get3A_1217 = arith.index_cast %scan3A_622 : i32 to index
      %get3A_1218 = arith.constant 224 : index
      %get3A_1219 = tpu.vector_load %arg9[%get3A_1216, %get3A_1217, %get3A_1218] {strides = array<i32>} : memref<5x48x256xf32, #tpu.memory_space<vmem>>, vector<16xf32>,
      %add3A_1220 = arith.addf %get3A_1214, %get3A_1219 : vector<16xf32>
      %get3A_1221 = arith.constant 2 : i32
      %get3A_1222 = arith.index_cast %get3A_1221 : i32 to index
      %get3A_1223 = arith.index_cast %scan3A_622 : i32 to index
      %get3A_1224 = arith.constant 224 : index
      %get3A_1225 = tpu.vector_load %arg9[%get3A_1222, %get3A_1223, %get3A_1224] {strides = array<i32>} : memref<5x48x256xf32, #tpu.memory_space<vmem>>, vector<16xf32>,
      %get3A_1226 = arith.constant 3 : i32
      %get3A_1227 = arith.index_cast %get3A_1226 : i32 to index
      %get3A_1228 = arith.index_cast %scan3A_622 : i32 to index
      %get3A_1229 = arith.constant 224 : index
      %get3A_1230 = tpu.vector_load %arg9[%get3A_1227, %get3A_1228, %get3A_1229] {strides = array<i32>} : memref<5x48x256xf32, #tpu.memory_space<vmem>>, vector<16xf32>,
      %add3A_1231 = arith.addf %get3A_1225, %get3A_1230 : vector<16xf32>
      %add3A_1232 = arith.addf %add3A_1220, %add3A_1231 : vector<16xf32>
      %get3A_1233 = arith.constant 4 : i32
      %get3A_1234 = arith.index_cast %get3A_1233 : i32 to index
      %get3A_1235 = arith.index_cast %scan3A_622 : i32 to index
      %get3A_1236 = arith.constant 224 : index
      %get3A_1237 = tpu.vector_load %arg9[%get3A_1234, %get3A_1235, %get3A_1236] {strides = array<i32>} : memref<5x48x256xf32, #tpu.memory_space<vmem>>, vector<16xf32>,
      %add3A_1238 = arith.addf %add3A_1232, %get3A_1237 : vector<16xf32>
      %div3A_1239 = arith.constant 5.000000e+00 : f32
      %div3A_1240 = vector.broadcast %div3A_1239 : f32 to vector<16xf32>
      %div3A_1241 = arith.divf %add3A_1238, %div3A_1240 : vector<16xf32>
      %get3A_1242 = arith.index_cast %scan3A_622 : i32 to index
      %get3A_1243 = arith.constant 224 : index
      %get3A_1244 = tpu.vector_load %arg10[%get3A_1242, %get3A_1243] {strides = array<i32>} : memref<48x256xf32, #tpu.memory_space<vmem>>, vector<16xf32>,
      %sub3A_1245 = arith.subf %div3A_1241, %get3A_1244 : vector<16xf32>
      %add3A_1246 = arith.addf %get3A_1244, %sub3A_1245 : vector<16xf32>
      %swap3A_1247 = arith.index_cast %scan3A_622 : i32 to index
      %swap3A_1248 = arith.constant 224 : index
      %swap3A_1249 = tpu.vector_load %arg10[%swap3A_1247, %swap3A_1248] {strides = array<i32>} : memref<48x256xf32, #tpu.memory_space<vmem>>, vector<16xf32>,
      tpu.vector_store %arg10[%swap3A_1247, %swap3A_1248], %add3A_1246 {strides = array<i32>} : memref<48x256xf32, #tpu.memory_space<vmem>>, vector<16xf32>,
      %mul3A_1250 = arith.mulf %sub3A_1245, %sub3A_1245 : vector<16xf32>
      %add3A_1251 = arith.addf %add3A_1209, %mul3A_1250 : vector<16xf32>
      %get3A_1252 = arith.constant 0 : i32
      %get3A_1253 = arith.index_cast %get3A_1252 : i32 to index
      %get3A_1254 = arith.index_cast %scan3A_622 : i32 to index
      %get3A_1255 = arith.constant 240 : index
      %get3A_1256 = tpu.vector_load %arg9[%get3A_1253, %get3A_1254, %get3A_1255] {strides = array<i32>} : memref<5x48x256xf32, #tpu.memory_space<vmem>>, vector<16xf32>,
      %get3A_1257 = arith.constant 1 : i32
      %get3A_1258 = arith.index_cast %get3A_1257 : i32 to index
      %get3A_1259 = arith.index_cast %scan3A_622 : i32 to index
      %get3A_1260 = arith.constant 240 : index
      %get3A_1261 = tpu.vector_load %arg9[%get3A_1258, %get3A_1259, %get3A_1260] {strides = array<i32>} : memref<5x48x256xf32, #tpu.memory_space<vmem>>, vector<16xf32>,
      %add3A_1262 = arith.addf %get3A_1256, %get3A_1261 : vector<16xf32>
      %get3A_1263 = arith.constant 2 : i32
      %get3A_1264 = arith.index_cast %get3A_1263 : i32 to index
      %get3A_1265 = arith.index_cast %scan3A_622 : i32 to index
      %get3A_1266 = arith.constant 240 : index
      %get3A_1267 = tpu.vector_load %arg9[%get3A_1264, %get3A_1265, %get3A_1266] {strides = array<i32>} : memref<5x48x256xf32, #tpu.memory_space<vmem>>, vector<16xf32>,
      %get3A_1268 = arith.constant 3 : i32
      %get3A_1269 = arith.index_cast %get3A_1268 : i32 to index
      %get3A_1270 = arith.index_cast %scan3A_622 : i32 to index
      %get3A_1271 = arith.constant 240 : index
      %get3A_1272 = tpu.vector_load %arg9[%get3A_1269, %get3A_1270, %get3A_1271] {strides = array<i32>} : memref<5x48x256xf32, #tpu.memory_space<vmem>>, vector<16xf32>,
      %add3A_1273 = arith.addf %get3A_1267, %get3A_1272 : vector<16xf32>
      %add3A_1274 = arith.addf %add3A_1262, %add3A_1273 : vector<16xf32>
      %get3A_1275 = arith.constant 4 : i32
      %get3A_1276 = arith.index_cast %get3A_1275 : i32 to index
      %get3A_1277 = arith.index_cast %scan3A_622 : i32 to index
      %get3A_1278 = arith.constant 240 : index
      %get3A_1279 = tpu.vector_load %arg9[%get3A_1276, %get3A_1277, %get3A_1278] {strides = array<i32>} : memref<5x48x256xf32, #tpu.memory_space<vmem>>, vector<16xf32>,
      %add3A_1280 = arith.addf %add3A_1274, %get3A_1279 : vector<16xf32>
      %div3A_1281 = arith.constant 5.000000e+00 : f32
      %div3A_1282 = vector.broadcast %div3A_1281 : f32 to vector<16xf32>
      %div3A_1283 = arith.divf %add3A_1280, %div3A_1282 : vector<16xf32>
      %get3A_1284 = arith.index_cast %scan3A_622 : i32 to index
      %get3A_1285 = arith.constant 240 : index
      %get3A_1286 = tpu.vector_load %arg10[%get3A_1284, %get3A_1285] {strides = array<i32>} : memref<48x256xf32, #tpu.memory_space<vmem>>, vector<16xf32>,
      %sub3A_1287 = arith.subf %div3A_1283, %get3A_1286 : vector<16xf32>
      %add3A_1288 = arith.addf %get3A_1286, %sub3A_1287 : vector<16xf32>
      %swap3A_1289 = arith.index_cast %scan3A_622 : i32 to index
      %swap3A_1290 = arith.constant 240 : index
      %swap3A_1291 = tpu.vector_load %arg10[%swap3A_1289, %swap3A_1290] {strides = array<i32>} : memref<48x256xf32, #tpu.memory_space<vmem>>, vector<16xf32>,
      tpu.vector_store %arg10[%swap3A_1289, %swap3A_1290], %add3A_1288 {strides = array<i32>} : memref<48x256xf32, #tpu.memory_space<vmem>>, vector<16xf32>,
      %mul3A_1292 = arith.mulf %sub3A_1287, %sub3A_1287 : vector<16xf32>
      %add3A_1293 = arith.addf %add3A_1251, %mul3A_1292 : vector<16xf32>
      scf.yield %add3A_1293 : vector<16xf32>
    }
    %scan3A_210 = arith.constant 48 : i32
    "tpu.region"() ({
      %run_scoped3A_622 = tpu.sem_alloc : memref<!tpu.dma_semaphore, #tpu.memory_space<semaphore_mem>>
      %dma_start3A_623 = arith.constant 0 : i32
      %dma_start3A_624 = tpu.memref_slice %arg5[%add3A_13, %dma_start3A_623] : memref<4608x256xf32, #tpu.memory_space<hbm>> -> memref<48x256xf32, #tpu.memory_space<hbm>>
      %dma_start3A_625 = arith.constant 0 : i32
      %dma_start3A_626 = tpu.memref_slice %arg5[%add3A_13, %dma_start3A_625] : memref<4608x256xf32, #tpu.memory_space<hbm>> -> memref<48x256xf32, #tpu.memory_space<hbm>>
      tpu.enqueue_dma source(%arg10 : memref<48x256xf32, #tpu.memory_space<vmem>>) target(%dma_start3A_626 : memref<48x256xf32, #tpu.memory_space<hbm>>) target_semaphore(%run_scoped3A_622 : memref<!tpu.dma_semaphore, #tpu.memory_space<semaphore_mem>>)
      %dma_wait3A_627 = arith.constant 0 : i32
      %dma_wait3A_628 = tpu.memref_slice %arg5[%add3A_13, %dma_wait3A_627] : memref<4608x256xf32, #tpu.memory_space<hbm>> -> memref<48x256xf32, #tpu.memory_space<hbm>>
      %dma_wait3A_629 = arith.constant 0 : i32
      %dma_wait3A_630 = tpu.memref_slice %arg5[%add3A_13, %dma_wait3A_629] : memref<4608x256xf32, #tpu.memory_space<hbm>> -> memref<48x256xf32, #tpu.memory_space<hbm>>
      tpu.wait_dma2 semaphore(%run_scoped3A_622 : memref<!tpu.dma_semaphore, #tpu.memory_space<semaphore_mem>>) src(%arg10 : memref<48x256xf32, #tpu.memory_space<vmem>>) dst(%dma_wait3A_630 : memref<48x256xf32, #tpu.memory_space<hbm>>)
      tpu.yield
    }) : () -> ()
    %add3A_211 = arith.constant 48 : i32
    %add3A_212 = arith.addi %mul3A_2, %add3A_211 : i32
    "tpu.region"() ({
      %run_scoped3A_622 = tpu.sem_alloc : memref<!tpu.dma_semaphore, #tpu.memory_space<semaphore_mem>>
      %dma_start3A_623 = arith.constant 0 : i32
      %dma_start3A_624 = tpu.memref_slice %arg4[%add3A_212, %dma_start3A_623] : memref<4608x256xf32, #tpu.memory_space<hbm>> -> memref<48x256xf32, #tpu.memory_space<hbm>>
      %dma_start3A_625 = arith.constant 0 : i32
      %dma_start3A_626 = tpu.memref_slice %arg4[%add3A_212, %dma_start3A_625] : memref<4608x256xf32, #tpu.memory_space<hbm>> -> memref<48x256xf32, #tpu.memory_space<hbm>>
      tpu.enqueue_dma source(%dma_start3A_626 : memref<48x256xf32, #tpu.memory_space<hbm>>) target(%arg10 : memref<48x256xf32, #tpu.memory_space<vmem>>) target_semaphore(%run_scoped3A_622 : memref<!tpu.dma_semaphore, #tpu.memory_space<semaphore_mem>>)
      %dma_wait3A_627 = arith.constant 0 : i32
      %dma_wait3A_628 = tpu.memref_slice %arg4[%add3A_212, %dma_wait3A_627] : memref<4608x256xf32, #tpu.memory_space<hbm>> -> memref<48x256xf32, #tpu.memory_space<hbm>>
      %dma_wait3A_629 = arith.constant 0 : i32
      %dma_wait3A_630 = tpu.memref_slice %arg4[%add3A_212, %dma_wait3A_629] : memref<4608x256xf32, #tpu.memory_space<hbm>> -> memref<48x256xf32, #tpu.memory_space<hbm>>
      tpu.wait_dma2 semaphore(%run_scoped3A_622 : memref<!tpu.dma_semaphore, #tpu.memory_space<semaphore_mem>>) src(%dma_wait3A_630 : memref<48x256xf32, #tpu.memory_space<hbm>>) dst(%arg10 : memref<48x256xf32, #tpu.memory_space<vmem>>)
      tpu.yield
    }) : () -> ()
    %add3A_213 = arith.constant 0 : i32
    %add3A_214 = arith.addi %add3A_213, %add3A_212 : i32
    %run_scoped3A_215 = arith.constant 0 : i32
    "tpu.region"() ({
      %run_scoped3A_622 = tpu.sem_alloc : memref<!tpu.dma_semaphore, #tpu.memory_space<semaphore_mem>>
      %dma_start3A_623 = arith.constant 0 : i32
      %dma_start3A_624 = tpu.memref_slice %arg8[%run_scoped3A_215, %dma_start3A_623] : memref<5x48xi32, #tpu.memory_space<vmem>> -> memref<1x48xi32, #tpu.memory_space<vmem>>
      %dma_start3A_625 = tpu.memref_squeeze %dma_start3A_624 : memref<1x48xi32, #tpu.memory_space<vmem>> -> memref<48xi32, #tpu.memory_space<vmem>>
      %dma_start3A_626 = tpu.memref_slice %arg3[%add3A_214] : memref<23040xi32, #tpu.memory_space<hbm>> -> memref<48xi32, #tpu.memory_space<hbm>>
      %dma_start3A_627 = arith.constant 0 : i32
      %dma_start3A_628 = tpu.memref_slice %arg8[%run_scoped3A_215, %dma_start3A_627] : memref<5x48xi32, #tpu.memory_space<vmem>> -> memref<1x48xi32, #tpu.memory_space<vmem>>
      %dma_start3A_629 = tpu.memref_squeeze %dma_start3A_628 : memref<1x48xi32, #tpu.memory_space<vmem>> -> memref<48xi32, #tpu.memory_space<vmem>>
      %dma_start3A_630 = tpu.memref_slice %arg3[%add3A_214] : memref<23040xi32, #tpu.memory_space<hbm>> -> memref<48xi32, #tpu.memory_space<hbm>>
      tpu.enqueue_dma source(%dma_start3A_630 : memref<48xi32, #tpu.memory_space<hbm>>) target(%dma_start3A_629 : memref<48xi32, #tpu.memory_space<vmem>>) target_semaphore(%run_scoped3A_622 : memref<!tpu.dma_semaphore, #tpu.memory_space<semaphore_mem>>)
      %dma_wait3A_631 = arith.constant 0 : i32
      %dma_wait3A_632 = tpu.memref_slice %arg8[%run_scoped3A_215, %dma_wait3A_631] : memref<5x48xi32, #tpu.memory_space<vmem>> -> memref<1x48xi32, #tpu.memory_space<vmem>>
      %dma_wait3A_633 = tpu.memref_squeeze %dma_wait3A_632 : memref<1x48xi32, #tpu.memory_space<vmem>> -> memref<48xi32, #tpu.memory_space<vmem>>
      %dma_wait3A_634 = tpu.memref_slice %arg3[%add3A_214] : memref<23040xi32, #tpu.memory_space<hbm>> -> memref<48xi32, #tpu.memory_space<hbm>>
      %dma_wait3A_635 = arith.constant 0 : i32
      %dma_wait3A_636 = tpu.memref_slice %arg8[%run_scoped3A_215, %dma_wait3A_635] : memref<5x48xi32, #tpu.memory_space<vmem>> -> memref<1x48xi32, #tpu.memory_space<vmem>>
      %dma_wait3A_637 = tpu.memref_squeeze %dma_wait3A_636 : memref<1x48xi32, #tpu.memory_space<vmem>> -> memref<48xi32, #tpu.memory_space<vmem>>
      %dma_wait3A_638 = tpu.memref_slice %arg3[%add3A_214] : memref<23040xi32, #tpu.memory_space<hbm>> -> memref<48xi32, #tpu.memory_space<hbm>>
      tpu.wait_dma2 semaphore(%run_scoped3A_622 : memref<!tpu.dma_semaphore, #tpu.memory_space<semaphore_mem>>) src(%dma_wait3A_638 : memref<48xi32, #tpu.memory_space<hbm>>) dst(%dma_wait3A_637 : memref<48xi32, #tpu.memory_space<vmem>>)
      tpu.yield
    }) : () -> ()
    %add3A_216 = arith.constant 4608 : i32
    %add3A_217 = arith.addi %add3A_216, %add3A_212 : i32
    %run_scoped3A_218 = arith.constant 1 : i32
    "tpu.region"() ({
      %run_scoped3A_622 = tpu.sem_alloc : memref<!tpu.dma_semaphore, #tpu.memory_space<semaphore_mem>>
      %dma_start3A_623 = arith.constant 0 : i32
      %dma_start3A_624 = tpu.memref_slice %arg8[%run_scoped3A_218, %dma_start3A_623] : memref<5x48xi32, #tpu.memory_space<vmem>> -> memref<1x48xi32, #tpu.memory_space<vmem>>
      %dma_start3A_625 = tpu.memref_squeeze %dma_start3A_624 : memref<1x48xi32, #tpu.memory_space<vmem>> -> memref<48xi32, #tpu.memory_space<vmem>>
      %dma_start3A_626 = tpu.memref_slice %arg3[%add3A_217] : memref<23040xi32, #tpu.memory_space<hbm>> -> memref<48xi32, #tpu.memory_space<hbm>>
      %dma_start3A_627 = arith.constant 0 : i32
      %dma_start3A_628 = tpu.memref_slice %arg8[%run_scoped3A_218, %dma_start3A_627] : memref<5x48xi32, #tpu.memory_space<vmem>> -> memref<1x48xi32, #tpu.memory_space<vmem>>
      %dma_start3A_629 = tpu.memref_squeeze %dma_start3A_628 : memref<1x48xi32, #tpu.memory_space<vmem>> -> memref<48xi32, #tpu.memory_space<vmem>>
      %dma_start3A_630 = tpu.memref_slice %arg3[%add3A_217] : memref<23040xi32, #tpu.memory_space<hbm>> -> memref<48xi32, #tpu.memory_space<hbm>>
      tpu.enqueue_dma source(%dma_start3A_630 : memref<48xi32, #tpu.memory_space<hbm>>) target(%dma_start3A_629 : memref<48xi32, #tpu.memory_space<vmem>>) target_semaphore(%run_scoped3A_622 : memref<!tpu.dma_semaphore, #tpu.memory_space<semaphore_mem>>)
      %dma_wait3A_631 = arith.constant 0 : i32
      %dma_wait3A_632 = tpu.memref_slice %arg8[%run_scoped3A_218, %dma_wait3A_631] : memref<5x48xi32, #tpu.memory_space<vmem>> -> memref<1x48xi32, #tpu.memory_space<vmem>>
      %dma_wait3A_633 = tpu.memref_squeeze %dma_wait3A_632 : memref<1x48xi32, #tpu.memory_space<vmem>> -> memref<48xi32, #tpu.memory_space<vmem>>
      %dma_wait3A_634 = tpu.memref_slice %arg3[%add3A_217] : memref<23040xi32, #tpu.memory_space<hbm>> -> memref<48xi32, #tpu.memory_space<hbm>>
      %dma_wait3A_635 = arith.constant 0 : i32
      %dma_wait3A_636 = tpu.memref_slice %arg8[%run_scoped3A_218, %dma_wait3A_635] : memref<5x48xi32, #tpu.memory_space<vmem>> -> memref<1x48xi32, #tpu.memory_space<vmem>>
      %dma_wait3A_637 = tpu.memref_squeeze %dma_wait3A_636 : memref<1x48xi32, #tpu.memory_space<vmem>> -> memref<48xi32, #tpu.memory_space<vmem>>
      %dma_wait3A_638 = tpu.memref_slice %arg3[%add3A_217] : memref<23040xi32, #tpu.memory_space<hbm>> -> memref<48xi32, #tpu.memory_space<hbm>>
      tpu.wait_dma2 semaphore(%run_scoped3A_622 : memref<!tpu.dma_semaphore, #tpu.memory_space<semaphore_mem>>) src(%dma_wait3A_638 : memref<48xi32, #tpu.memory_space<hbm>>) dst(%dma_wait3A_637 : memref<48xi32, #tpu.memory_space<vmem>>)
      tpu.yield
    }) : () -> ()
    %add3A_219 = arith.constant 9216 : i32
    %add3A_220 = arith.addi %add3A_219, %add3A_212 : i32
    %run_scoped3A_221 = arith.constant 2 : i32
    "tpu.region"() ({
      %run_scoped3A_622 = tpu.sem_alloc : memref<!tpu.dma_semaphore, #tpu.memory_space<semaphore_mem>>
      %dma_start3A_623 = arith.constant 0 : i32
      %dma_start3A_624 = tpu.memref_slice %arg8[%run_scoped3A_221, %dma_start3A_623] : memref<5x48xi32, #tpu.memory_space<vmem>> -> memref<1x48xi32, #tpu.memory_space<vmem>>
      %dma_start3A_625 = tpu.memref_squeeze %dma_start3A_624 : memref<1x48xi32, #tpu.memory_space<vmem>> -> memref<48xi32, #tpu.memory_space<vmem>>
      %dma_start3A_626 = tpu.memref_slice %arg3[%add3A_220] : memref<23040xi32, #tpu.memory_space<hbm>> -> memref<48xi32, #tpu.memory_space<hbm>>
      %dma_start3A_627 = arith.constant 0 : i32
      %dma_start3A_628 = tpu.memref_slice %arg8[%run_scoped3A_221, %dma_start3A_627] : memref<5x48xi32, #tpu.memory_space<vmem>> -> memref<1x48xi32, #tpu.memory_space<vmem>>
      %dma_start3A_629 = tpu.memref_squeeze %dma_start3A_628 : memref<1x48xi32, #tpu.memory_space<vmem>> -> memref<48xi32, #tpu.memory_space<vmem>>
      %dma_start3A_630 = tpu.memref_slice %arg3[%add3A_220] : memref<23040xi32, #tpu.memory_space<hbm>> -> memref<48xi32, #tpu.memory_space<hbm>>
      tpu.enqueue_dma source(%dma_start3A_630 : memref<48xi32, #tpu.memory_space<hbm>>) target(%dma_start3A_629 : memref<48xi32, #tpu.memory_space<vmem>>) target_semaphore(%run_scoped3A_622 : memref<!tpu.dma_semaphore, #tpu.memory_space<semaphore_mem>>)
      %dma_wait3A_631 = arith.constant 0 : i32
      %dma_wait3A_632 = tpu.memref_slice %arg8[%run_scoped3A_221, %dma_wait3A_631] : memref<5x48xi32, #tpu.memory_space<vmem>> -> memref<1x48xi32, #tpu.memory_space<vmem>>
      %dma_wait3A_633 = tpu.memref_squeeze %dma_wait3A_632 : memref<1x48xi32, #tpu.memory_space<vmem>> -> memref<48xi32, #tpu.memory_space<vmem>>
      %dma_wait3A_634 = tpu.memref_slice %arg3[%add3A_220] : memref<23040xi32, #tpu.memory_space<hbm>> -> memref<48xi32, #tpu.memory_space<hbm>>
      %dma_wait3A_635 = arith.constant 0 : i32
      %dma_wait3A_636 = tpu.memref_slice %arg8[%run_scoped3A_221, %dma_wait3A_635] : memref<5x48xi32, #tpu.memory_space<vmem>> -> memref<1x48xi32, #tpu.memory_space<vmem>>
      %dma_wait3A_637 = tpu.memref_squeeze %dma_wait3A_636 : memref<1x48xi32, #tpu.memory_space<vmem>> -> memref<48xi32, #tpu.memory_space<vmem>>
      %dma_wait3A_638 = tpu.memref_slice %arg3[%add3A_220] : memref<23040xi32, #tpu.memory_space<hbm>> -> memref<48xi32, #tpu.memory_space<hbm>>
      tpu.wait_dma2 semaphore(%run_scoped3A_622 : memref<!tpu.dma_semaphore, #tpu.memory_space<semaphore_mem>>) src(%dma_wait3A_638 : memref<48xi32, #tpu.memory_space<hbm>>) dst(%dma_wait3A_637 : memref<48xi32, #tpu.memory_space<vmem>>)
      tpu.yield
    }) : () -> ()
    %add3A_222 = arith.constant 13824 : i32
    %add3A_223 = arith.addi %add3A_222, %add3A_212 : i32
    %run_scoped3A_224 = arith.constant 3 : i32
    "tpu.region"() ({
      %run_scoped3A_622 = tpu.sem_alloc : memref<!tpu.dma_semaphore, #tpu.memory_space<semaphore_mem>>
      %dma_start3A_623 = arith.constant 0 : i32
      %dma_start3A_624 = tpu.memref_slice %arg8[%run_scoped3A_224, %dma_start3A_623] : memref<5x48xi32, #tpu.memory_space<vmem>> -> memref<1x48xi32, #tpu.memory_space<vmem>>
      %dma_start3A_625 = tpu.memref_squeeze %dma_start3A_624 : memref<1x48xi32, #tpu.memory_space<vmem>> -> memref<48xi32, #tpu.memory_space<vmem>>
      %dma_start3A_626 = tpu.memref_slice %arg3[%add3A_223] : memref<23040xi32, #tpu.memory_space<hbm>> -> memref<48xi32, #tpu.memory_space<hbm>>
      %dma_start3A_627 = arith.constant 0 : i32
      %dma_start3A_628 = tpu.memref_slice %arg8[%run_scoped3A_224, %dma_start3A_627] : memref<5x48xi32, #tpu.memory_space<vmem>> -> memref<1x48xi32, #tpu.memory_space<vmem>>
      %dma_start3A_629 = tpu.memref_squeeze %dma_start3A_628 : memref<1x48xi32, #tpu.memory_space<vmem>> -> memref<48xi32, #tpu.memory_space<vmem>>
      %dma_start3A_630 = tpu.memref_slice %arg3[%add3A_223] : memref<23040xi32, #tpu.memory_space<hbm>> -> memref<48xi32, #tpu.memory_space<hbm>>
      tpu.enqueue_dma source(%dma_start3A_630 : memref<48xi32, #tpu.memory_space<hbm>>) target(%dma_start3A_629 : memref<48xi32, #tpu.memory_space<vmem>>) target_semaphore(%run_scoped3A_622 : memref<!tpu.dma_semaphore, #tpu.memory_space<semaphore_mem>>)
      %dma_wait3A_631 = arith.constant 0 : i32
      %dma_wait3A_632 = tpu.memref_slice %arg8[%run_scoped3A_224, %dma_wait3A_631] : memref<5x48xi32, #tpu.memory_space<vmem>> -> memref<1x48xi32, #tpu.memory_space<vmem>>
      %dma_wait3A_633 = tpu.memref_squeeze %dma_wait3A_632 : memref<1x48xi32, #tpu.memory_space<vmem>> -> memref<48xi32, #tpu.memory_space<vmem>>
      %dma_wait3A_634 = tpu.memref_slice %arg3[%add3A_223] : memref<23040xi32, #tpu.memory_space<hbm>> -> memref<48xi32, #tpu.memory_space<hbm>>
      %dma_wait3A_635 = arith.constant 0 : i32
      %dma_wait3A_636 = tpu.memref_slice %arg8[%run_scoped3A_224, %dma_wait3A_635] : memref<5x48xi32, #tpu.memory_space<vmem>> -> memref<1x48xi32, #tpu.memory_space<vmem>>
      %dma_wait3A_637 = tpu.memref_squeeze %dma_wait3A_636 : memref<1x48xi32, #tpu.memory_space<vmem>> -> memref<48xi32, #tpu.memory_space<vmem>>
      %dma_wait3A_638 = tpu.memref_slice %arg3[%add3A_223] : memref<23040xi32, #tpu.memory_space<hbm>> -> memref<48xi32, #tpu.memory_space<hbm>>
      tpu.wait_dma2 semaphore(%run_scoped3A_622 : memref<!tpu.dma_semaphore, #tpu.memory_space<semaphore_mem>>) src(%dma_wait3A_638 : memref<48xi32, #tpu.memory_space<hbm>>) dst(%dma_wait3A_637 : memref<48xi32, #tpu.memory_space<vmem>>)
      tpu.yield
    }) : () -> ()
    %add3A_225 = arith.constant 18432 : i32
    %add3A_226 = arith.addi %add3A_225, %add3A_212 : i32
    %run_scoped3A_227 = arith.constant 4 : i32
    "tpu.region"() ({
      %run_scoped3A_622 = tpu.sem_alloc : memref<!tpu.dma_semaphore, #tpu.memory_space<semaphore_mem>>
      %dma_start3A_623 = arith.constant 0 : i32
      %dma_start3A_624 = tpu.memref_slice %arg8[%run_scoped3A_227, %dma_start3A_623] : memref<5x48xi32, #tpu.memory_space<vmem>> -> memref<1x48xi32, #tpu.memory_space<vmem>>
      %dma_start3A_625 = tpu.memref_squeeze %dma_start3A_624 : memref<1x48xi32, #tpu.memory_space<vmem>> -> memref<48xi32, #tpu.memory_space<vmem>>
      %dma_start3A_626 = tpu.memref_slice %arg3[%add3A_226] : memref<23040xi32, #tpu.memory_space<hbm>> -> memref<48xi32, #tpu.memory_space<hbm>>
      %dma_start3A_627 = arith.constant 0 : i32
      %dma_start3A_628 = tpu.memref_slice %arg8[%run_scoped3A_227, %dma_start3A_627] : memref<5x48xi32, #tpu.memory_space<vmem>> -> memref<1x48xi32, #tpu.memory_space<vmem>>
      %dma_start3A_629 = tpu.memref_squeeze %dma_start3A_628 : memref<1x48xi32, #tpu.memory_space<vmem>> -> memref<48xi32, #tpu.memory_space<vmem>>
      %dma_start3A_630 = tpu.memref_slice %arg3[%add3A_226] : memref<23040xi32, #tpu.memory_space<hbm>> -> memref<48xi32, #tpu.memory_space<hbm>>
      tpu.enqueue_dma source(%dma_start3A_630 : memref<48xi32, #tpu.memory_space<hbm>>) target(%dma_start3A_629 : memref<48xi32, #tpu.memory_space<vmem>>) target_semaphore(%run_scoped3A_622 : memref<!tpu.dma_semaphore, #tpu.memory_space<semaphore_mem>>)
      %dma_wait3A_631 = arith.constant 0 : i32
      %dma_wait3A_632 = tpu.memref_slice %arg8[%run_scoped3A_227, %dma_wait3A_631] : memref<5x48xi32, #tpu.memory_space<vmem>> -> memref<1x48xi32, #tpu.memory_space<vmem>>
      %dma_wait3A_633 = tpu.memref_squeeze %dma_wait3A_632 : memref<1x48xi32, #tpu.memory_space<vmem>> -> memref<48xi32, #tpu.memory_space<vmem>>
      %dma_wait3A_634 = tpu.memref_slice %arg3[%add3A_226] : memref<23040xi32, #tpu.memory_space<hbm>> -> memref<48xi32, #tpu.memory_space<hbm>>
      %dma_wait3A_635 = arith.constant 0 : i32
      %dma_wait3A_636 = tpu.memref_slice %arg8[%run_scoped3A_227, %dma_wait3A_635] : memref<5x48xi32, #tpu.memory_space<vmem>> -> memref<1x48xi32, #tpu.memory_space<vmem>>
      %dma_wait3A_637 = tpu.memref_squeeze %dma_wait3A_636 : memref<1x48xi32, #tpu.memory_space<vmem>> -> memref<48xi32, #tpu.memory_space<vmem>>
      %dma_wait3A_638 = tpu.memref_slice %arg3[%add3A_226] : memref<23040xi32, #tpu.memory_space<hbm>> -> memref<48xi32, #tpu.memory_space<hbm>>
      tpu.wait_dma2 semaphore(%run_scoped3A_622 : memref<!tpu.dma_semaphore, #tpu.memory_space<semaphore_mem>>) src(%dma_wait3A_638 : memref<48xi32, #tpu.memory_space<hbm>>) dst(%dma_wait3A_637 : memref<48xi32, #tpu.memory_space<vmem>>)
      tpu.yield
    }) : () -> ()
    %dma_start3A_228 = arith.constant 0 : i32
    %dma_start3A_229 = arith.constant 0 : i32
    %dma_start3A_230 = arith.constant 0 : i32
    %dma_start3A_231 = arith.constant 0 : i32
    %dma_start3A_232 = tpu.memref_slice %arg9[%dma_start3A_229, %dma_start3A_230, %dma_start3A_231] : memref<5x48x256xf32, #tpu.memory_space<vmem>> -> memref<1x48x256xf32, #tpu.memory_space<vmem>>
    %dma_start3A_233 = tpu.memref_squeeze %dma_start3A_232 : memref<1x48x256xf32, #tpu.memory_space<vmem>> -> memref<48x256xf32, #tpu.memory_space<vmem>>
    %dma_start3A_234 = arith.constant 0 : i32
    %dma_start3A_235 = tpu.memref_slice %arg8[%dma_start3A_228, %dma_start3A_234] : memref<5x48xi32, #tpu.memory_space<vmem>> -> memref<1x48xi32, #tpu.memory_space<vmem>>
    %dma_start3A_236 = tpu.memref_squeeze %dma_start3A_235 : memref<1x48xi32, #tpu.memory_space<vmem>> -> memref<48xi32, #tpu.memory_space<vmem>>
    %dma_start3A_237 = arith.constant 0 : i32
    %dma_start3A_238 = arith.constant 0 : i32
    %dma_start3A_239 = tpu.memref_slice %arg2[%dma_start3A_237, %dma_start3A_238] : memref<8192x256xf32, #tpu.memory_space<hbm>> -> memref<8192x256xf32, #tpu.memory_space<hbm>>
    tpu.enqueue_indirect_dma source(%dma_start3A_239 : memref<8192x256xf32, #tpu.memory_space<hbm>>) target(%dma_start3A_233 : memref<48x256xf32, #tpu.memory_space<vmem>>) offsets(%dma_start3A_236 : memref<48xi32, #tpu.memory_space<vmem>>) semaphore(%arg13 : memref<!tpu.dma_semaphore, #tpu.memory_space<semaphore_mem>>)
    %dma_start3A_240 = arith.constant 1 : i32
    %dma_start3A_241 = arith.constant 1 : i32
    %dma_start3A_242 = arith.constant 0 : i32
    %dma_start3A_243 = arith.constant 0 : i32
    %dma_start3A_244 = tpu.memref_slice %arg9[%dma_start3A_241, %dma_start3A_242, %dma_start3A_243] : memref<5x48x256xf32, #tpu.memory_space<vmem>> -> memref<1x48x256xf32, #tpu.memory_space<vmem>>
    %dma_start3A_245 = tpu.memref_squeeze %dma_start3A_244 : memref<1x48x256xf32, #tpu.memory_space<vmem>> -> memref<48x256xf32, #tpu.memory_space<vmem>>
    %dma_start3A_246 = arith.constant 0 : i32
    %dma_start3A_247 = tpu.memref_slice %arg8[%dma_start3A_240, %dma_start3A_246] : memref<5x48xi32, #tpu.memory_space<vmem>> -> memref<1x48xi32, #tpu.memory_space<vmem>>
    %dma_start3A_248 = tpu.memref_squeeze %dma_start3A_247 : memref<1x48xi32, #tpu.memory_space<vmem>> -> memref<48xi32, #tpu.memory_space<vmem>>
    %dma_start3A_249 = arith.constant 0 : i32
    %dma_start3A_250 = arith.constant 0 : i32
    %dma_start3A_251 = tpu.memref_slice %arg2[%dma_start3A_249, %dma_start3A_250] : memref<8192x256xf32, #tpu.memory_space<hbm>> -> memref<8192x256xf32, #tpu.memory_space<hbm>>
    tpu.enqueue_indirect_dma source(%dma_start3A_251 : memref<8192x256xf32, #tpu.memory_space<hbm>>) target(%dma_start3A_245 : memref<48x256xf32, #tpu.memory_space<vmem>>) offsets(%dma_start3A_248 : memref<48xi32, #tpu.memory_space<vmem>>) semaphore(%arg13 : memref<!tpu.dma_semaphore, #tpu.memory_space<semaphore_mem>>)
    %dma_start3A_252 = arith.constant 2 : i32
    %dma_start3A_253 = arith.constant 2 : i32
    %dma_start3A_254 = arith.constant 0 : i32
    %dma_start3A_255 = arith.constant 0 : i32
    %dma_start3A_256 = tpu.memref_slice %arg9[%dma_start3A_253, %dma_start3A_254, %dma_start3A_255] : memref<5x48x256xf32, #tpu.memory_space<vmem>> -> memref<1x48x256xf32, #tpu.memory_space<vmem>>
    %dma_start3A_257 = tpu.memref_squeeze %dma_start3A_256 : memref<1x48x256xf32, #tpu.memory_space<vmem>> -> memref<48x256xf32, #tpu.memory_space<vmem>>
    %dma_start3A_258 = arith.constant 0 : i32
    %dma_start3A_259 = tpu.memref_slice %arg8[%dma_start3A_252, %dma_start3A_258] : memref<5x48xi32, #tpu.memory_space<vmem>> -> memref<1x48xi32, #tpu.memory_space<vmem>>
    %dma_start3A_260 = tpu.memref_squeeze %dma_start3A_259 : memref<1x48xi32, #tpu.memory_space<vmem>> -> memref<48xi32, #tpu.memory_space<vmem>>
    %dma_start3A_261 = arith.constant 0 : i32
    %dma_start3A_262 = arith.constant 0 : i32
    %dma_start3A_263 = tpu.memref_slice %arg2[%dma_start3A_261, %dma_start3A_262] : memref<8192x256xf32, #tpu.memory_space<hbm>> -> memref<8192x256xf32, #tpu.memory_space<hbm>>
    tpu.enqueue_indirect_dma source(%dma_start3A_263 : memref<8192x256xf32, #tpu.memory_space<hbm>>) target(%dma_start3A_257 : memref<48x256xf32, #tpu.memory_space<vmem>>) offsets(%dma_start3A_260 : memref<48xi32, #tpu.memory_space<vmem>>) semaphore(%arg13 : memref<!tpu.dma_semaphore, #tpu.memory_space<semaphore_mem>>)
    %dma_start3A_264 = arith.constant 3 : i32
    %dma_start3A_265 = arith.constant 3 : i32
    %dma_start3A_266 = arith.constant 0 : i32
    %dma_start3A_267 = arith.constant 0 : i32
    %dma_start3A_268 = tpu.memref_slice %arg9[%dma_start3A_265, %dma_start3A_266, %dma_start3A_267] : memref<5x48x256xf32, #tpu.memory_space<vmem>> -> memref<1x48x256xf32, #tpu.memory_space<vmem>>
    %dma_start3A_269 = tpu.memref_squeeze %dma_start3A_268 : memref<1x48x256xf32, #tpu.memory_space<vmem>> -> memref<48x256xf32, #tpu.memory_space<vmem>>
    %dma_start3A_270 = arith.constant 0 : i32
    %dma_start3A_271 = tpu.memref_slice %arg8[%dma_start3A_264, %dma_start3A_270] : memref<5x48xi32, #tpu.memory_space<vmem>> -> memref<1x48xi32, #tpu.memory_space<vmem>>
    %dma_start3A_272 = tpu.memref_squeeze %dma_start3A_271 : memref<1x48xi32, #tpu.memory_space<vmem>> -> memref<48xi32, #tpu.memory_space<vmem>>
    %dma_start3A_273 = arith.constant 0 : i32
    %dma_start3A_274 = arith.constant 0 : i32
    %dma_start3A_275 = tpu.memref_slice %arg2[%dma_start3A_273, %dma_start3A_274] : memref<8192x256xf32, #tpu.memory_space<hbm>> -> memref<8192x256xf32, #tpu.memory_space<hbm>>
    tpu.enqueue_indirect_dma source(%dma_start3A_275 : memref<8192x256xf32, #tpu.memory_space<hbm>>) target(%dma_start3A_269 : memref<48x256xf32, #tpu.memory_space<vmem>>) offsets(%dma_start3A_272 : memref<48xi32, #tpu.memory_space<vmem>>) semaphore(%arg13 : memref<!tpu.dma_semaphore, #tpu.memory_space<semaphore_mem>>)
    %dma_start3A_276 = arith.constant 4 : i32
    %dma_start3A_277 = arith.constant 4 : i32
    %dma_start3A_278 = arith.constant 0 : i32
    %dma_start3A_279 = arith.constant 0 : i32
    %dma_start3A_280 = tpu.memref_slice %arg9[%dma_start3A_277, %dma_start3A_278, %dma_start3A_279] : memref<5x48x256xf32, #tpu.memory_space<vmem>> -> memref<1x48x256xf32, #tpu.memory_space<vmem>>
    %dma_start3A_281 = tpu.memref_squeeze %dma_start3A_280 : memref<1x48x256xf32, #tpu.memory_space<vmem>> -> memref<48x256xf32, #tpu.memory_space<vmem>>
    %dma_start3A_282 = arith.constant 0 : i32
    %dma_start3A_283 = tpu.memref_slice %arg8[%dma_start3A_276, %dma_start3A_282] : memref<5x48xi32, #tpu.memory_space<vmem>> -> memref<1x48xi32, #tpu.memory_space<vmem>>
    %dma_start3A_284 = tpu.memref_squeeze %dma_start3A_283 : memref<1x48xi32, #tpu.memory_space<vmem>> -> memref<48xi32, #tpu.memory_space<vmem>>
    %dma_start3A_285 = arith.constant 0 : i32
    %dma_start3A_286 = arith.constant 0 : i32
    %dma_start3A_287 = tpu.memref_slice %arg2[%dma_start3A_285, %dma_start3A_286] : memref<8192x256xf32, #tpu.memory_space<hbm>> -> memref<8192x256xf32, #tpu.memory_space<hbm>>
    tpu.enqueue_indirect_dma source(%dma_start3A_287 : memref<8192x256xf32, #tpu.memory_space<hbm>>) target(%dma_start3A_281 : memref<48x256xf32, #tpu.memory_space<vmem>>) offsets(%dma_start3A_284 : memref<48xi32, #tpu.memory_space<vmem>>) semaphore(%arg13 : memref<!tpu.dma_semaphore, #tpu.memory_space<semaphore_mem>>)
    %dma_wait3A_288 = arith.constant 0 : i32
    %dma_wait3A_289 = arith.constant 0 : i32
    %dma_wait3A_290 = arith.constant 0 : i32
    %dma_wait3A_291 = arith.constant 0 : i32
    %dma_wait3A_292 = tpu.memref_slice %arg9[%dma_wait3A_289, %dma_wait3A_290, %dma_wait3A_291] : memref<5x48x256xf32, #tpu.memory_space<vmem>> -> memref<1x48x256xf32, #tpu.memory_space<vmem>>
    %dma_wait3A_293 = tpu.memref_squeeze %dma_wait3A_292 : memref<1x48x256xf32, #tpu.memory_space<vmem>> -> memref<48x256xf32, #tpu.memory_space<vmem>>
    %dma_wait3A_294 = arith.constant 0 : i32
    %dma_wait3A_295 = tpu.memref_slice %arg8[%dma_wait3A_288, %dma_wait3A_294] : memref<5x48xi32, #tpu.memory_space<vmem>> -> memref<1x48xi32, #tpu.memory_space<vmem>>
    %dma_wait3A_296 = tpu.memref_squeeze %dma_wait3A_295 : memref<1x48xi32, #tpu.memory_space<vmem>> -> memref<48xi32, #tpu.memory_space<vmem>>
    %dma_wait3A_297 = arith.constant 0 : i32
    %dma_wait3A_298 = arith.constant 0 : i32
    %dma_wait3A_299 = tpu.memref_slice %arg2[%dma_wait3A_297, %dma_wait3A_298] : memref<8192x256xf32, #tpu.memory_space<hbm>> -> memref<8192x256xf32, #tpu.memory_space<hbm>>
    tpu.wait_indirect_dma semaphore(%arg13 : memref<!tpu.dma_semaphore, #tpu.memory_space<semaphore_mem>>) src(%dma_wait3A_299 : memref<8192x256xf32, #tpu.memory_space<hbm>>) dst(%dma_wait3A_293 : memref<48x256xf32, #tpu.memory_space<vmem>>)
    %dma_wait3A_300 = arith.constant 1 : i32
    %dma_wait3A_301 = arith.constant 1 : i32
    %dma_wait3A_302 = arith.constant 0 : i32
    %dma_wait3A_303 = arith.constant 0 : i32
    %dma_wait3A_304 = tpu.memref_slice %arg9[%dma_wait3A_301, %dma_wait3A_302, %dma_wait3A_303] : memref<5x48x256xf32, #tpu.memory_space<vmem>> -> memref<1x48x256xf32, #tpu.memory_space<vmem>>
    %dma_wait3A_305 = tpu.memref_squeeze %dma_wait3A_304 : memref<1x48x256xf32, #tpu.memory_space<vmem>> -> memref<48x256xf32, #tpu.memory_space<vmem>>
    %dma_wait3A_306 = arith.constant 0 : i32
    %dma_wait3A_307 = tpu.memref_slice %arg8[%dma_wait3A_300, %dma_wait3A_306] : memref<5x48xi32, #tpu.memory_space<vmem>> -> memref<1x48xi32, #tpu.memory_space<vmem>>
    %dma_wait3A_308 = tpu.memref_squeeze %dma_wait3A_307 : memref<1x48xi32, #tpu.memory_space<vmem>> -> memref<48xi32, #tpu.memory_space<vmem>>
    %dma_wait3A_309 = arith.constant 0 : i32
    %dma_wait3A_310 = arith.constant 0 : i32
    %dma_wait3A_311 = tpu.memref_slice %arg2[%dma_wait3A_309, %dma_wait3A_310] : memref<8192x256xf32, #tpu.memory_space<hbm>> -> memref<8192x256xf32, #tpu.memory_space<hbm>>
    tpu.wait_indirect_dma semaphore(%arg13 : memref<!tpu.dma_semaphore, #tpu.memory_space<semaphore_mem>>) src(%dma_wait3A_311 : memref<8192x256xf32, #tpu.memory_space<hbm>>) dst(%dma_wait3A_305 : memref<48x256xf32, #tpu.memory_space<vmem>>)
    %dma_wait3A_312 = arith.constant 2 : i32
    %dma_wait3A_313 = arith.constant 2 : i32
    %dma_wait3A_314 = arith.constant 0 : i32
    %dma_wait3A_315 = arith.constant 0 : i32
    %dma_wait3A_316 = tpu.memref_slice %arg9[%dma_wait3A_313, %dma_wait3A_314, %dma_wait3A_315] : memref<5x48x256xf32, #tpu.memory_space<vmem>> -> memref<1x48x256xf32, #tpu.memory_space<vmem>>
    %dma_wait3A_317 = tpu.memref_squeeze %dma_wait3A_316 : memref<1x48x256xf32, #tpu.memory_space<vmem>> -> memref<48x256xf32, #tpu.memory_space<vmem>>
    %dma_wait3A_318 = arith.constant 0 : i32
    %dma_wait3A_319 = tpu.memref_slice %arg8[%dma_wait3A_312, %dma_wait3A_318] : memref<5x48xi32, #tpu.memory_space<vmem>> -> memref<1x48xi32, #tpu.memory_space<vmem>>
    %dma_wait3A_320 = tpu.memref_squeeze %dma_wait3A_319 : memref<1x48xi32, #tpu.memory_space<vmem>> -> memref<48xi32, #tpu.memory_space<vmem>>
    %dma_wait3A_321 = arith.constant 0 : i32
    %dma_wait3A_322 = arith.constant 0 : i32
    %dma_wait3A_323 = tpu.memref_slice %arg2[%dma_wait3A_321, %dma_wait3A_322] : memref<8192x256xf32, #tpu.memory_space<hbm>> -> memref<8192x256xf32, #tpu.memory_space<hbm>>
    tpu.wait_indirect_dma semaphore(%arg13 : memref<!tpu.dma_semaphore, #tpu.memory_space<semaphore_mem>>) src(%dma_wait3A_323 : memref<8192x256xf32, #tpu.memory_space<hbm>>) dst(%dma_wait3A_317 : memref<48x256xf32, #tpu.memory_space<vmem>>)
    %dma_wait3A_324 = arith.constant 3 : i32
    %dma_wait3A_325 = arith.constant 3 : i32
    %dma_wait3A_326 = arith.constant 0 : i32
    %dma_wait3A_327 = arith.constant 0 : i32
    %dma_wait3A_328 = tpu.memref_slice %arg9[%dma_wait3A_325, %dma_wait3A_326, %dma_wait3A_327] : memref<5x48x256xf32, #tpu.memory_space<vmem>> -> memref<1x48x256xf32, #tpu.memory_space<vmem>>
    %dma_wait3A_329 = tpu.memref_squeeze %dma_wait3A_328 : memref<1x48x256xf32, #tpu.memory_space<vmem>> -> memref<48x256xf32, #tpu.memory_space<vmem>>
    %dma_wait3A_330 = arith.constant 0 : i32
    %dma_wait3A_331 = tpu.memref_slice %arg8[%dma_wait3A_324, %dma_wait3A_330] : memref<5x48xi32, #tpu.memory_space<vmem>> -> memref<1x48xi32, #tpu.memory_space<vmem>>
    %dma_wait3A_332 = tpu.memref_squeeze %dma_wait3A_331 : memref<1x48xi32, #tpu.memory_space<vmem>> -> memref<48xi32, #tpu.memory_space<vmem>>
    %dma_wait3A_333 = arith.constant 0 : i32
    %dma_wait3A_334 = arith.constant 0 : i32
    %dma_wait3A_335 = tpu.memref_slice %arg2[%dma_wait3A_333, %dma_wait3A_334] : memref<8192x256xf32, #tpu.memory_space<hbm>> -> memref<8192x256xf32, #tpu.memory_space<hbm>>
    tpu.wait_indirect_dma semaphore(%arg13 : memref<!tpu.dma_semaphore, #tpu.memory_space<semaphore_mem>>) src(%dma_wait3A_335 : memref<8192x256xf32, #tpu.memory_space<hbm>>) dst(%dma_wait3A_329 : memref<48x256xf32, #tpu.memory_space<vmem>>)
    %dma_wait3A_336 = arith.constant 4 : i32
    %dma_wait3A_337 = arith.constant 4 : i32
    %dma_wait3A_338 = arith.constant 0 : i32
    %dma_wait3A_339 = arith.constant 0 : i32
    %dma_wait3A_340 = tpu.memref_slice %arg9[%dma_wait3A_337, %dma_wait3A_338, %dma_wait3A_339] : memref<5x48x256xf32, #tpu.memory_space<vmem>> -> memref<1x48x256xf32, #tpu.memory_space<vmem>>
    %dma_wait3A_341 = tpu.memref_squeeze %dma_wait3A_340 : memref<1x48x256xf32, #tpu.memory_space<vmem>> -> memref<48x256xf32, #tpu.memory_space<vmem>>
    %dma_wait3A_342 = arith.constant 0 : i32
    %dma_wait3A_343 = tpu.memref_slice %arg8[%dma_wait3A_336, %dma_wait3A_342] : memref<5x48xi32, #tpu.memory_space<vmem>> -> memref<1x48xi32, #tpu.memory_space<vmem>>
    %dma_wait3A_344 = tpu.memref_squeeze %dma_wait3A_343 : memref<1x48xi32, #tpu.memory_space<vmem>> -> memref<48xi32, #tpu.memory_space<vmem>>
    %dma_wait3A_345 = arith.constant 0 : i32
    %dma_wait3A_346 = arith.constant 0 : i32
    %dma_wait3A_347 = tpu.memref_slice %arg2[%dma_wait3A_345, %dma_wait3A_346] : memref<8192x256xf32, #tpu.memory_space<hbm>> -> memref<8192x256xf32, #tpu.memory_space<hbm>>
    tpu.wait_indirect_dma semaphore(%arg13 : memref<!tpu.dma_semaphore, #tpu.memory_space<semaphore_mem>>) src(%dma_wait3A_347 : memref<8192x256xf32, #tpu.memory_space<hbm>>) dst(%dma_wait3A_341 : memref<48x256xf32, #tpu.memory_space<vmem>>)
    %get3A_348 = arith.constant 0 : i32
    %get3A_349 = arith.index_cast %get3A_348 : i32 to index
    %get3A_350 = arith.constant 0 : index
    %get3A_351 = tpu.vector_load %arg8[%get3A_349, %get3A_350] {strides = array<i32>} : memref<5x48xi32, #tpu.memory_space<vmem>>, vector<16xi32>,
    tpu.vector_store_idx %arg11[%get3A_351], %broadcast_in_dim3A_9 {add = true} : memref<8192xf32, #tpu.memory_space<vmem>>[vector<16xi32>], vector<16xf32>,
    %get3A_352 = arith.constant 0 : i32
    %get3A_353 = arith.index_cast %get3A_352 : i32 to index
    %get3A_354 = arith.constant 16 : index
    %get3A_355 = tpu.vector_load %arg8[%get3A_353, %get3A_354] {strides = array<i32>} : memref<5x48xi32, #tpu.memory_space<vmem>>, vector<16xi32>,
    tpu.vector_store_idx %arg11[%get3A_355], %broadcast_in_dim3A_9 {add = true} : memref<8192xf32, #tpu.memory_space<vmem>>[vector<16xi32>], vector<16xf32>,
    %get3A_356 = arith.constant 0 : i32
    %get3A_357 = arith.index_cast %get3A_356 : i32 to index
    %get3A_358 = arith.constant 32 : index
    %get3A_359 = tpu.vector_load %arg8[%get3A_357, %get3A_358] {strides = array<i32>} : memref<5x48xi32, #tpu.memory_space<vmem>>, vector<16xi32>,
    tpu.vector_store_idx %arg11[%get3A_359], %broadcast_in_dim3A_9 {add = true} : memref<8192xf32, #tpu.memory_space<vmem>>[vector<16xi32>], vector<16xf32>,
    %get3A_360 = arith.constant 1 : i32
    %get3A_361 = arith.index_cast %get3A_360 : i32 to index
    %get3A_362 = arith.constant 0 : index
    %get3A_363 = tpu.vector_load %arg8[%get3A_361, %get3A_362] {strides = array<i32>} : memref<5x48xi32, #tpu.memory_space<vmem>>, vector<16xi32>,
    tpu.vector_store_idx %arg11[%get3A_363], %broadcast_in_dim3A_9 {add = true} : memref<8192xf32, #tpu.memory_space<vmem>>[vector<16xi32>], vector<16xf32>,
    %get3A_364 = arith.constant 1 : i32
    %get3A_365 = arith.index_cast %get3A_364 : i32 to index
    %get3A_366 = arith.constant 16 : index
    %get3A_367 = tpu.vector_load %arg8[%get3A_365, %get3A_366] {strides = array<i32>} : memref<5x48xi32, #tpu.memory_space<vmem>>, vector<16xi32>,
    tpu.vector_store_idx %arg11[%get3A_367], %broadcast_in_dim3A_9 {add = true} : memref<8192xf32, #tpu.memory_space<vmem>>[vector<16xi32>], vector<16xf32>,
    %get3A_368 = arith.constant 1 : i32
    %get3A_369 = arith.index_cast %get3A_368 : i32 to index
    %get3A_370 = arith.constant 32 : index
    %get3A_371 = tpu.vector_load %arg8[%get3A_369, %get3A_370] {strides = array<i32>} : memref<5x48xi32, #tpu.memory_space<vmem>>, vector<16xi32>,
    tpu.vector_store_idx %arg11[%get3A_371], %broadcast_in_dim3A_9 {add = true} : memref<8192xf32, #tpu.memory_space<vmem>>[vector<16xi32>], vector<16xf32>,
    %get3A_372 = arith.constant 2 : i32
    %get3A_373 = arith.index_cast %get3A_372 : i32 to index
    %get3A_374 = arith.constant 0 : index
    %get3A_375 = tpu.vector_load %arg8[%get3A_373, %get3A_374] {strides = array<i32>} : memref<5x48xi32, #tpu.memory_space<vmem>>, vector<16xi32>,
    tpu.vector_store_idx %arg11[%get3A_375], %broadcast_in_dim3A_9 {add = true} : memref<8192xf32, #tpu.memory_space<vmem>>[vector<16xi32>], vector<16xf32>,
    %get3A_376 = arith.constant 2 : i32
    %get3A_377 = arith.index_cast %get3A_376 : i32 to index
    %get3A_378 = arith.constant 16 : index
    %get3A_379 = tpu.vector_load %arg8[%get3A_377, %get3A_378] {strides = array<i32>} : memref<5x48xi32, #tpu.memory_space<vmem>>, vector<16xi32>,
    tpu.vector_store_idx %arg11[%get3A_379], %broadcast_in_dim3A_9 {add = true} : memref<8192xf32, #tpu.memory_space<vmem>>[vector<16xi32>], vector<16xf32>,
    %get3A_380 = arith.constant 2 : i32
    %get3A_381 = arith.index_cast %get3A_380 : i32 to index
    %get3A_382 = arith.constant 32 : index
    %get3A_383 = tpu.vector_load %arg8[%get3A_381, %get3A_382] {strides = array<i32>} : memref<5x48xi32, #tpu.memory_space<vmem>>, vector<16xi32>,
    tpu.vector_store_idx %arg11[%get3A_383], %broadcast_in_dim3A_9 {add = true} : memref<8192xf32, #tpu.memory_space<vmem>>[vector<16xi32>], vector<16xf32>,
    %get3A_384 = arith.constant 3 : i32
    %get3A_385 = arith.index_cast %get3A_384 : i32 to index
    %get3A_386 = arith.constant 0 : index
    %get3A_387 = tpu.vector_load %arg8[%get3A_385, %get3A_386] {strides = array<i32>} : memref<5x48xi32, #tpu.memory_space<vmem>>, vector<16xi32>,
    tpu.vector_store_idx %arg11[%get3A_387], %broadcast_in_dim3A_9 {add = true} : memref<8192xf32, #tpu.memory_space<vmem>>[vector<16xi32>], vector<16xf32>,
    %get3A_388 = arith.constant 3 : i32
    %get3A_389 = arith.index_cast %get3A_388 : i32 to index
    %get3A_390 = arith.constant 16 : index
    %get3A_391 = tpu.vector_load %arg8[%get3A_389, %get3A_390] {strides = array<i32>} : memref<5x48xi32, #tpu.memory_space<vmem>>, vector<16xi32>,
    tpu.vector_store_idx %arg11[%get3A_391], %broadcast_in_dim3A_9 {add = true} : memref<8192xf32, #tpu.memory_space<vmem>>[vector<16xi32>], vector<16xf32>,
    %get3A_392 = arith.constant 3 : i32
    %get3A_393 = arith.index_cast %get3A_392 : i32 to index
    %get3A_394 = arith.constant 32 : index
    %get3A_395 = tpu.vector_load %arg8[%get3A_393, %get3A_394] {strides = array<i32>} : memref<5x48xi32, #tpu.memory_space<vmem>>, vector<16xi32>,
    tpu.vector_store_idx %arg11[%get3A_395], %broadcast_in_dim3A_9 {add = true} : memref<8192xf32, #tpu.memory_space<vmem>>[vector<16xi32>], vector<16xf32>,
    %get3A_396 = arith.constant 4 : i32
    %get3A_397 = arith.index_cast %get3A_396 : i32 to index
    %get3A_398 = arith.constant 0 : index
    %get3A_399 = tpu.vector_load %arg8[%get3A_397, %get3A_398] {strides = array<i32>} : memref<5x48xi32, #tpu.memory_space<vmem>>, vector<16xi32>,
    tpu.vector_store_idx %arg11[%get3A_399], %broadcast_in_dim3A_9 {add = true} : memref<8192xf32, #tpu.memory_space<vmem>>[vector<16xi32>], vector<16xf32>,
    %get3A_400 = arith.constant 4 : i32
    %get3A_401 = arith.index_cast %get3A_400 : i32 to index
    %get3A_402 = arith.constant 16 : index
    %get3A_403 = tpu.vector_load %arg8[%get3A_401, %get3A_402] {strides = array<i32>} : memref<5x48xi32, #tpu.memory_space<vmem>>, vector<16xi32>,
    tpu.vector_store_idx %arg11[%get3A_403], %broadcast_in_dim3A_9 {add = true} : memref<8192xf32, #tpu.memory_space<vmem>>[vector<16xi32>], vector<16xf32>,
    %get3A_404 = arith.constant 4 : i32
    %get3A_405 = arith.index_cast %get3A_404 : i32 to index
    %get3A_406 = arith.constant 32 : index
    %get3A_407 = tpu.vector_load %arg8[%get3A_405, %get3A_406] {strides = array<i32>} : memref<5x48xi32, #tpu.memory_space<vmem>>, vector<16xi32>,
    tpu.vector_store_idx %arg11[%get3A_407], %broadcast_in_dim3A_9 {add = true} : memref<8192xf32, #tpu.memory_space<vmem>>[vector<16xi32>], vector<16xf32>,
    %scan3A_408 = arith.constant 0 : i32
    %scan3A_409 = arith.constant 48 : i32
    %scan3A_410 = arith.addi %scan3A_408, %scan3A_409 : i32
    %scan3A_411 = arith.constant 1 : i32
    %scan3A_412 = scf.for %scan3A_622 = %scan3A_408 to %scan3A_410 step %scan3A_411 iter_args(%scan3A_623 = %scan3A_209) -> (vector<16xf32>)  : i32 {
      %get3A_624 = arith.constant 0 : i32
      %get3A_625 = arith.index_cast %get3A_624 : i32 to index
      %get3A_626 = arith.index_cast %scan3A_622 : i32 to index
      %get3A_627 = arith.constant 0 : index
      %get3A_628 = tpu.vector_load %arg9[%get3A_625, %get3A_626, %get3A_627] {strides = array<i32>} : memref<5x48x256xf32, #tpu.memory_space<vmem>>, vector<16xf32>,
      %get3A_629 = arith.constant 1 : i32
      %get3A_630 = arith.index_cast %get3A_629 : i32 to index
      %get3A_631 = arith.index_cast %scan3A_622 : i32 to index
      %get3A_632 = arith.constant 0 : index
      %get3A_633 = tpu.vector_load %arg9[%get3A_630, %get3A_631, %get3A_632] {strides = array<i32>} : memref<5x48x256xf32, #tpu.memory_space<vmem>>, vector<16xf32>,
      %add3A_634 = arith.addf %get3A_628, %get3A_633 : vector<16xf32>
      %get3A_635 = arith.constant 2 : i32
      %get3A_636 = arith.index_cast %get3A_635 : i32 to index
      %get3A_637 = arith.index_cast %scan3A_622 : i32 to index
      %get3A_638 = arith.constant 0 : index
      %get3A_639 = tpu.vector_load %arg9[%get3A_636, %get3A_637, %get3A_638] {strides = array<i32>} : memref<5x48x256xf32, #tpu.memory_space<vmem>>, vector<16xf32>,
      %get3A_640 = arith.constant 3 : i32
      %get3A_641 = arith.index_cast %get3A_640 : i32 to index
      %get3A_642 = arith.index_cast %scan3A_622 : i32 to index
      %get3A_643 = arith.constant 0 : index
      %get3A_644 = tpu.vector_load %arg9[%get3A_641, %get3A_642, %get3A_643] {strides = array<i32>} : memref<5x48x256xf32, #tpu.memory_space<vmem>>, vector<16xf32>,
      %add3A_645 = arith.addf %get3A_639, %get3A_644 : vector<16xf32>
      %add3A_646 = arith.addf %add3A_634, %add3A_645 : vector<16xf32>
      %get3A_647 = arith.constant 4 : i32
      %get3A_648 = arith.index_cast %get3A_647 : i32 to index
      %get3A_649 = arith.index_cast %scan3A_622 : i32 to index
      %get3A_650 = arith.constant 0 : index
      %get3A_651 = tpu.vector_load %arg9[%get3A_648, %get3A_649, %get3A_650] {strides = array<i32>} : memref<5x48x256xf32, #tpu.memory_space<vmem>>, vector<16xf32>,
      %add3A_652 = arith.addf %add3A_646, %get3A_651 : vector<16xf32>
      %div3A = arith.constant 5.000000e+00 : f32
      %div3A_653 = vector.broadcast %div3A : f32 to vector<16xf32>
      %div3A_654 = arith.divf %add3A_652, %div3A_653 : vector<16xf32>
      %get3A_655 = arith.index_cast %scan3A_622 : i32 to index
      %get3A_656 = arith.constant 0 : index
      %get3A_657 = tpu.vector_load %arg10[%get3A_655, %get3A_656] {strides = array<i32>} : memref<48x256xf32, #tpu.memory_space<vmem>>, vector<16xf32>,
      %sub3A = arith.subf %div3A_654, %get3A_657 : vector<16xf32>
      %add3A_658 = arith.addf %get3A_657, %sub3A : vector<16xf32>
      %swap3A_659 = arith.index_cast %scan3A_622 : i32 to index
      %swap3A_660 = arith.constant 0 : index
      %swap3A_661 = tpu.vector_load %arg10[%swap3A_659, %swap3A_660] {strides = array<i32>} : memref<48x256xf32, #tpu.memory_space<vmem>>, vector<16xf32>,
      tpu.vector_store %arg10[%swap3A_659, %swap3A_660], %add3A_658 {strides = array<i32>} : memref<48x256xf32, #tpu.memory_space<vmem>>, vector<16xf32>,
      %mul3A_662 = arith.mulf %sub3A, %sub3A : vector<16xf32>
      %add3A_663 = arith.addf %scan3A_623, %mul3A_662 : vector<16xf32>
      %get3A_664 = arith.constant 0 : i32
      %get3A_665 = arith.index_cast %get3A_664 : i32 to index
      %get3A_666 = arith.index_cast %scan3A_622 : i32 to index
      %get3A_667 = arith.constant 16 : index
      %get3A_668 = tpu.vector_load %arg9[%get3A_665, %get3A_666, %get3A_667] {strides = array<i32>} : memref<5x48x256xf32, #tpu.memory_space<vmem>>, vector<16xf32>,
      %get3A_669 = arith.constant 1 : i32
      %get3A_670 = arith.index_cast %get3A_669 : i32 to index
      %get3A_671 = arith.index_cast %scan3A_622 : i32 to index
      %get3A_672 = arith.constant 16 : index
      %get3A_673 = tpu.vector_load %arg9[%get3A_670, %get3A_671, %get3A_672] {strides = array<i32>} : memref<5x48x256xf32, #tpu.memory_space<vmem>>, vector<16xf32>,
      %add3A_674 = arith.addf %get3A_668, %get3A_673 : vector<16xf32>
      %get3A_675 = arith.constant 2 : i32
      %get3A_676 = arith.index_cast %get3A_675 : i32 to index
      %get3A_677 = arith.index_cast %scan3A_622 : i32 to index
      %get3A_678 = arith.constant 16 : index
      %get3A_679 = tpu.vector_load %arg9[%get3A_676, %get3A_677, %get3A_678] {strides = array<i32>} : memref<5x48x256xf32, #tpu.memory_space<vmem>>, vector<16xf32>,
      %get3A_680 = arith.constant 3 : i32
      %get3A_681 = arith.index_cast %get3A_680 : i32 to index
      %get3A_682 = arith.index_cast %scan3A_622 : i32 to index
      %get3A_683 = arith.constant 16 : index
      %get3A_684 = tpu.vector_load %arg9[%get3A_681, %get3A_682, %get3A_683] {strides = array<i32>} : memref<5x48x256xf32, #tpu.memory_space<vmem>>, vector<16xf32>,
      %add3A_685 = arith.addf %get3A_679, %get3A_684 : vector<16xf32>
      %add3A_686 = arith.addf %add3A_674, %add3A_685 : vector<16xf32>
      %get3A_687 = arith.constant 4 : i32
      %get3A_688 = arith.index_cast %get3A_687 : i32 to index
      %get3A_689 = arith.index_cast %scan3A_622 : i32 to index
      %get3A_690 = arith.constant 16 : index
      %get3A_691 = tpu.vector_load %arg9[%get3A_688, %get3A_689, %get3A_690] {strides = array<i32>} : memref<5x48x256xf32, #tpu.memory_space<vmem>>, vector<16xf32>,
      %add3A_692 = arith.addf %add3A_686, %get3A_691 : vector<16xf32>
      %div3A_693 = arith.constant 5.000000e+00 : f32
      %div3A_694 = vector.broadcast %div3A_693 : f32 to vector<16xf32>
      %div3A_695 = arith.divf %add3A_692, %div3A_694 : vector<16xf32>
      %get3A_696 = arith.index_cast %scan3A_622 : i32 to index
      %get3A_697 = arith.constant 16 : index
      %get3A_698 = tpu.vector_load %arg10[%get3A_696, %get3A_697] {strides = array<i32>} : memref<48x256xf32, #tpu.memory_space<vmem>>, vector<16xf32>,
      %sub3A_699 = arith.subf %div3A_695, %get3A_698 : vector<16xf32>
      %add3A_700 = arith.addf %get3A_698, %sub3A_699 : vector<16xf32>
      %swap3A_701 = arith.index_cast %scan3A_622 : i32 to index
      %swap3A_702 = arith.constant 16 : index
      %swap3A_703 = tpu.vector_load %arg10[%swap3A_701, %swap3A_702] {strides = array<i32>} : memref<48x256xf32, #tpu.memory_space<vmem>>, vector<16xf32>,
      tpu.vector_store %arg10[%swap3A_701, %swap3A_702], %add3A_700 {strides = array<i32>} : memref<48x256xf32, #tpu.memory_space<vmem>>, vector<16xf32>,
      %mul3A_704 = arith.mulf %sub3A_699, %sub3A_699 : vector<16xf32>
      %add3A_705 = arith.addf %add3A_663, %mul3A_704 : vector<16xf32>
      %get3A_706 = arith.constant 0 : i32
      %get3A_707 = arith.index_cast %get3A_706 : i32 to index
      %get3A_708 = arith.index_cast %scan3A_622 : i32 to index
      %get3A_709 = arith.constant 32 : index
      %get3A_710 = tpu.vector_load %arg9[%get3A_707, %get3A_708, %get3A_709] {strides = array<i32>} : memref<5x48x256xf32, #tpu.memory_space<vmem>>, vector<16xf32>,
      %get3A_711 = arith.constant 1 : i32
      %get3A_712 = arith.index_cast %get3A_711 : i32 to index
      %get3A_713 = arith.index_cast %scan3A_622 : i32 to index
      %get3A_714 = arith.constant 32 : index
      %get3A_715 = tpu.vector_load %arg9[%get3A_712, %get3A_713, %get3A_714] {strides = array<i32>} : memref<5x48x256xf32, #tpu.memory_space<vmem>>, vector<16xf32>,
      %add3A_716 = arith.addf %get3A_710, %get3A_715 : vector<16xf32>
      %get3A_717 = arith.constant 2 : i32
      %get3A_718 = arith.index_cast %get3A_717 : i32 to index
      %get3A_719 = arith.index_cast %scan3A_622 : i32 to index
      %get3A_720 = arith.constant 32 : index
      %get3A_721 = tpu.vector_load %arg9[%get3A_718, %get3A_719, %get3A_720] {strides = array<i32>} : memref<5x48x256xf32, #tpu.memory_space<vmem>>, vector<16xf32>,
      %get3A_722 = arith.constant 3 : i32
      %get3A_723 = arith.index_cast %get3A_722 : i32 to index
      %get3A_724 = arith.index_cast %scan3A_622 : i32 to index
      %get3A_725 = arith.constant 32 : index
      %get3A_726 = tpu.vector_load %arg9[%get3A_723, %get3A_724, %get3A_725] {strides = array<i32>} : memref<5x48x256xf32, #tpu.memory_space<vmem>>, vector<16xf32>,
      %add3A_727 = arith.addf %get3A_721, %get3A_726 : vector<16xf32>
      %add3A_728 = arith.addf %add3A_716, %add3A_727 : vector<16xf32>
      %get3A_729 = arith.constant 4 : i32
      %get3A_730 = arith.index_cast %get3A_729 : i32 to index
      %get3A_731 = arith.index_cast %scan3A_622 : i32 to index
      %get3A_732 = arith.constant 32 : index
      %get3A_733 = tpu.vector_load %arg9[%get3A_730, %get3A_731, %get3A_732] {strides = array<i32>} : memref<5x48x256xf32, #tpu.memory_space<vmem>>, vector<16xf32>,
      %add3A_734 = arith.addf %add3A_728, %get3A_733 : vector<16xf32>
      %div3A_735 = arith.constant 5.000000e+00 : f32
      %div3A_736 = vector.broadcast %div3A_735 : f32 to vector<16xf32>
      %div3A_737 = arith.divf %add3A_734, %div3A_736 : vector<16xf32>
      %get3A_738 = arith.index_cast %scan3A_622 : i32 to index
      %get3A_739 = arith.constant 32 : index
      %get3A_740 = tpu.vector_load %arg10[%get3A_738, %get3A_739] {strides = array<i32>} : memref<48x256xf32, #tpu.memory_space<vmem>>, vector<16xf32>,
      %sub3A_741 = arith.subf %div3A_737, %get3A_740 : vector<16xf32>
      %add3A_742 = arith.addf %get3A_740, %sub3A_741 : vector<16xf32>
      %swap3A_743 = arith.index_cast %scan3A_622 : i32 to index
      %swap3A_744 = arith.constant 32 : index
      %swap3A_745 = tpu.vector_load %arg10[%swap3A_743, %swap3A_744] {strides = array<i32>} : memref<48x256xf32, #tpu.memory_space<vmem>>, vector<16xf32>,
      tpu.vector_store %arg10[%swap3A_743, %swap3A_744], %add3A_742 {strides = array<i32>} : memref<48x256xf32, #tpu.memory_space<vmem>>, vector<16xf32>,
      %mul3A_746 = arith.mulf %sub3A_741, %sub3A_741 : vector<16xf32>
      %add3A_747 = arith.addf %add3A_705, %mul3A_746 : vector<16xf32>
      %get3A_748 = arith.constant 0 : i32
      %get3A_749 = arith.index_cast %get3A_748 : i32 to index
      %get3A_750 = arith.index_cast %scan3A_622 : i32 to index
      %get3A_751 = arith.constant 48 : index
      %get3A_752 = tpu.vector_load %arg9[%get3A_749, %get3A_750, %get3A_751] {strides = array<i32>} : memref<5x48x256xf32, #tpu.memory_space<vmem>>, vector<16xf32>,
      %get3A_753 = arith.constant 1 : i32
      %get3A_754 = arith.index_cast %get3A_753 : i32 to index
      %get3A_755 = arith.index_cast %scan3A_622 : i32 to index
      %get3A_756 = arith.constant 48 : index
      %get3A_757 = tpu.vector_load %arg9[%get3A_754, %get3A_755, %get3A_756] {strides = array<i32>} : memref<5x48x256xf32, #tpu.memory_space<vmem>>, vector<16xf32>,
      %add3A_758 = arith.addf %get3A_752, %get3A_757 : vector<16xf32>
      %get3A_759 = arith.constant 2 : i32
      %get3A_760 = arith.index_cast %get3A_759 : i32 to index
      %get3A_761 = arith.index_cast %scan3A_622 : i32 to index
      %get3A_762 = arith.constant 48 : index
      %get3A_763 = tpu.vector_load %arg9[%get3A_760, %get3A_761, %get3A_762] {strides = array<i32>} : memref<5x48x256xf32, #tpu.memory_space<vmem>>, vector<16xf32>,
      %get3A_764 = arith.constant 3 : i32
      %get3A_765 = arith.index_cast %get3A_764 : i32 to index
      %get3A_766 = arith.index_cast %scan3A_622 : i32 to index
      %get3A_767 = arith.constant 48 : index
      %get3A_768 = tpu.vector_load %arg9[%get3A_765, %get3A_766, %get3A_767] {strides = array<i32>} : memref<5x48x256xf32, #tpu.memory_space<vmem>>, vector<16xf32>,
      %add3A_769 = arith.addf %get3A_763, %get3A_768 : vector<16xf32>
      %add3A_770 = arith.addf %add3A_758, %add3A_769 : vector<16xf32>
      %get3A_771 = arith.constant 4 : i32
      %get3A_772 = arith.index_cast %get3A_771 : i32 to index
      %get3A_773 = arith.index_cast %scan3A_622 : i32 to index
      %get3A_774 = arith.constant 48 : index
      %get3A_775 = tpu.vector_load %arg9[%get3A_772, %get3A_773, %get3A_774] {strides = array<i32>} : memref<5x48x256xf32, #tpu.memory_space<vmem>>, vector<16xf32>,
      %add3A_776 = arith.addf %add3A_770, %get3A_775 : vector<16xf32>
      %div3A_777 = arith.constant 5.000000e+00 : f32
      %div3A_778 = vector.broadcast %div3A_777 : f32 to vector<16xf32>
      %div3A_779 = arith.divf %add3A_776, %div3A_778 : vector<16xf32>
      %get3A_780 = arith.index_cast %scan3A_622 : i32 to index
      %get3A_781 = arith.constant 48 : index
      %get3A_782 = tpu.vector_load %arg10[%get3A_780, %get3A_781] {strides = array<i32>} : memref<48x256xf32, #tpu.memory_space<vmem>>, vector<16xf32>,
      %sub3A_783 = arith.subf %div3A_779, %get3A_782 : vector<16xf32>
      %add3A_784 = arith.addf %get3A_782, %sub3A_783 : vector<16xf32>
      %swap3A_785 = arith.index_cast %scan3A_622 : i32 to index
      %swap3A_786 = arith.constant 48 : index
      %swap3A_787 = tpu.vector_load %arg10[%swap3A_785, %swap3A_786] {strides = array<i32>} : memref<48x256xf32, #tpu.memory_space<vmem>>, vector<16xf32>,
      tpu.vector_store %arg10[%swap3A_785, %swap3A_786], %add3A_784 {strides = array<i32>} : memref<48x256xf32, #tpu.memory_space<vmem>>, vector<16xf32>,
      %mul3A_788 = arith.mulf %sub3A_783, %sub3A_783 : vector<16xf32>
      %add3A_789 = arith.addf %add3A_747, %mul3A_788 : vector<16xf32>
      %get3A_790 = arith.constant 0 : i32
      %get3A_791 = arith.index_cast %get3A_790 : i32 to index
      %get3A_792 = arith.index_cast %scan3A_622 : i32 to index
      %get3A_793 = arith.constant 64 : index
      %get3A_794 = tpu.vector_load %arg9[%get3A_791, %get3A_792, %get3A_793] {strides = array<i32>} : memref<5x48x256xf32, #tpu.memory_space<vmem>>, vector<16xf32>,
      %get3A_795 = arith.constant 1 : i32
      %get3A_796 = arith.index_cast %get3A_795 : i32 to index
      %get3A_797 = arith.index_cast %scan3A_622 : i32 to index
      %get3A_798 = arith.constant 64 : index
      %get3A_799 = tpu.vector_load %arg9[%get3A_796, %get3A_797, %get3A_798] {strides = array<i32>} : memref<5x48x256xf32, #tpu.memory_space<vmem>>, vector<16xf32>,
      %add3A_800 = arith.addf %get3A_794, %get3A_799 : vector<16xf32>
      %get3A_801 = arith.constant 2 : i32
      %get3A_802 = arith.index_cast %get3A_801 : i32 to index
      %get3A_803 = arith.index_cast %scan3A_622 : i32 to index
      %get3A_804 = arith.constant 64 : index
      %get3A_805 = tpu.vector_load %arg9[%get3A_802, %get3A_803, %get3A_804] {strides = array<i32>} : memref<5x48x256xf32, #tpu.memory_space<vmem>>, vector<16xf32>,
      %get3A_806 = arith.constant 3 : i32
      %get3A_807 = arith.index_cast %get3A_806 : i32 to index
      %get3A_808 = arith.index_cast %scan3A_622 : i32 to index
      %get3A_809 = arith.constant 64 : index
      %get3A_810 = tpu.vector_load %arg9[%get3A_807, %get3A_808, %get3A_809] {strides = array<i32>} : memref<5x48x256xf32, #tpu.memory_space<vmem>>, vector<16xf32>,
      %add3A_811 = arith.addf %get3A_805, %get3A_810 : vector<16xf32>
      %add3A_812 = arith.addf %add3A_800, %add3A_811 : vector<16xf32>
      %get3A_813 = arith.constant 4 : i32
      %get3A_814 = arith.index_cast %get3A_813 : i32 to index
      %get3A_815 = arith.index_cast %scan3A_622 : i32 to index
      %get3A_816 = arith.constant 64 : index
      %get3A_817 = tpu.vector_load %arg9[%get3A_814, %get3A_815, %get3A_816] {strides = array<i32>} : memref<5x48x256xf32, #tpu.memory_space<vmem>>, vector<16xf32>,
      %add3A_818 = arith.addf %add3A_812, %get3A_817 : vector<16xf32>
      %div3A_819 = arith.constant 5.000000e+00 : f32
      %div3A_820 = vector.broadcast %div3A_819 : f32 to vector<16xf32>
      %div3A_821 = arith.divf %add3A_818, %div3A_820 : vector<16xf32>
      %get3A_822 = arith.index_cast %scan3A_622 : i32 to index
      %get3A_823 = arith.constant 64 : index
      %get3A_824 = tpu.vector_load %arg10[%get3A_822, %get3A_823] {strides = array<i32>} : memref<48x256xf32, #tpu.memory_space<vmem>>, vector<16xf32>,
      %sub3A_825 = arith.subf %div3A_821, %get3A_824 : vector<16xf32>
      %add3A_826 = arith.addf %get3A_824, %sub3A_825 : vector<16xf32>
      %swap3A_827 = arith.index_cast %scan3A_622 : i32 to index
      %swap3A_828 = arith.constant 64 : index
      %swap3A_829 = tpu.vector_load %arg10[%swap3A_827, %swap3A_828] {strides = array<i32>} : memref<48x256xf32, #tpu.memory_space<vmem>>, vector<16xf32>,
      tpu.vector_store %arg10[%swap3A_827, %swap3A_828], %add3A_826 {strides = array<i32>} : memref<48x256xf32, #tpu.memory_space<vmem>>, vector<16xf32>,
      %mul3A_830 = arith.mulf %sub3A_825, %sub3A_825 : vector<16xf32>
      %add3A_831 = arith.addf %add3A_789, %mul3A_830 : vector<16xf32>
      %get3A_832 = arith.constant 0 : i32
      %get3A_833 = arith.index_cast %get3A_832 : i32 to index
      %get3A_834 = arith.index_cast %scan3A_622 : i32 to index
      %get3A_835 = arith.constant 80 : index
      %get3A_836 = tpu.vector_load %arg9[%get3A_833, %get3A_834, %get3A_835] {strides = array<i32>} : memref<5x48x256xf32, #tpu.memory_space<vmem>>, vector<16xf32>,
      %get3A_837 = arith.constant 1 : i32
      %get3A_838 = arith.index_cast %get3A_837 : i32 to index
      %get3A_839 = arith.index_cast %scan3A_622 : i32 to index
      %get3A_840 = arith.constant 80 : index
      %get3A_841 = tpu.vector_load %arg9[%get3A_838, %get3A_839, %get3A_840] {strides = array<i32>} : memref<5x48x256xf32, #tpu.memory_space<vmem>>, vector<16xf32>,
      %add3A_842 = arith.addf %get3A_836, %get3A_841 : vector<16xf32>
      %get3A_843 = arith.constant 2 : i32
      %get3A_844 = arith.index_cast %get3A_843 : i32 to index
      %get3A_845 = arith.index_cast %scan3A_622 : i32 to index
      %get3A_846 = arith.constant 80 : index
      %get3A_847 = tpu.vector_load %arg9[%get3A_844, %get3A_845, %get3A_846] {strides = array<i32>} : memref<5x48x256xf32, #tpu.memory_space<vmem>>, vector<16xf32>,
      %get3A_848 = arith.constant 3 : i32
      %get3A_849 = arith.index_cast %get3A_848 : i32 to index
      %get3A_850 = arith.index_cast %scan3A_622 : i32 to index
      %get3A_851 = arith.constant 80 : index
      %get3A_852 = tpu.vector_load %arg9[%get3A_849, %get3A_850, %get3A_851] {strides = array<i32>} : memref<5x48x256xf32, #tpu.memory_space<vmem>>, vector<16xf32>,
      %add3A_853 = arith.addf %get3A_847, %get3A_852 : vector<16xf32>
      %add3A_854 = arith.addf %add3A_842, %add3A_853 : vector<16xf32>
      %get3A_855 = arith.constant 4 : i32
      %get3A_856 = arith.index_cast %get3A_855 : i32 to index
      %get3A_857 = arith.index_cast %scan3A_622 : i32 to index
      %get3A_858 = arith.constant 80 : index
      %get3A_859 = tpu.vector_load %arg9[%get3A_856, %get3A_857, %get3A_858] {strides = array<i32>} : memref<5x48x256xf32, #tpu.memory_space<vmem>>, vector<16xf32>,
      %add3A_860 = arith.addf %add3A_854, %get3A_859 : vector<16xf32>
      %div3A_861 = arith.constant 5.000000e+00 : f32
      %div3A_862 = vector.broadcast %div3A_861 : f32 to vector<16xf32>
      %div3A_863 = arith.divf %add3A_860, %div3A_862 : vector<16xf32>
      %get3A_864 = arith.index_cast %scan3A_622 : i32 to index
      %get3A_865 = arith.constant 80 : index
      %get3A_866 = tpu.vector_load %arg10[%get3A_864, %get3A_865] {strides = array<i32>} : memref<48x256xf32, #tpu.memory_space<vmem>>, vector<16xf32>,
      %sub3A_867 = arith.subf %div3A_863, %get3A_866 : vector<16xf32>
      %add3A_868 = arith.addf %get3A_866, %sub3A_867 : vector<16xf32>
      %swap3A_869 = arith.index_cast %scan3A_622 : i32 to index
      %swap3A_870 = arith.constant 80 : index
      %swap3A_871 = tpu.vector_load %arg10[%swap3A_869, %swap3A_870] {strides = array<i32>} : memref<48x256xf32, #tpu.memory_space<vmem>>, vector<16xf32>,
      tpu.vector_store %arg10[%swap3A_869, %swap3A_870], %add3A_868 {strides = array<i32>} : memref<48x256xf32, #tpu.memory_space<vmem>>, vector<16xf32>,
      %mul3A_872 = arith.mulf %sub3A_867, %sub3A_867 : vector<16xf32>
      %add3A_873 = arith.addf %add3A_831, %mul3A_872 : vector<16xf32>
      %get3A_874 = arith.constant 0 : i32
      %get3A_875 = arith.index_cast %get3A_874 : i32 to index
      %get3A_876 = arith.index_cast %scan3A_622 : i32 to index
      %get3A_877 = arith.constant 96 : index
      %get3A_878 = tpu.vector_load %arg9[%get3A_875, %get3A_876, %get3A_877] {strides = array<i32>} : memref<5x48x256xf32, #tpu.memory_space<vmem>>, vector<16xf32>,
      %get3A_879 = arith.constant 1 : i32
      %get3A_880 = arith.index_cast %get3A_879 : i32 to index
      %get3A_881 = arith.index_cast %scan3A_622 : i32 to index
      %get3A_882 = arith.constant 96 : index
      %get3A_883 = tpu.vector_load %arg9[%get3A_880, %get3A_881, %get3A_882] {strides = array<i32>} : memref<5x48x256xf32, #tpu.memory_space<vmem>>, vector<16xf32>,
      %add3A_884 = arith.addf %get3A_878, %get3A_883 : vector<16xf32>
      %get3A_885 = arith.constant 2 : i32
      %get3A_886 = arith.index_cast %get3A_885 : i32 to index
      %get3A_887 = arith.index_cast %scan3A_622 : i32 to index
      %get3A_888 = arith.constant 96 : index
      %get3A_889 = tpu.vector_load %arg9[%get3A_886, %get3A_887, %get3A_888] {strides = array<i32>} : memref<5x48x256xf32, #tpu.memory_space<vmem>>, vector<16xf32>,
      %get3A_890 = arith.constant 3 : i32
      %get3A_891 = arith.index_cast %get3A_890 : i32 to index
      %get3A_892 = arith.index_cast %scan3A_622 : i32 to index
      %get3A_893 = arith.constant 96 : index
      %get3A_894 = tpu.vector_load %arg9[%get3A_891, %get3A_892, %get3A_893] {strides = array<i32>} : memref<5x48x256xf32, #tpu.memory_space<vmem>>, vector<16xf32>,
      %add3A_895 = arith.addf %get3A_889, %get3A_894 : vector<16xf32>
      %add3A_896 = arith.addf %add3A_884, %add3A_895 : vector<16xf32>
      %get3A_897 = arith.constant 4 : i32
      %get3A_898 = arith.index_cast %get3A_897 : i32 to index
      %get3A_899 = arith.index_cast %scan3A_622 : i32 to index
      %get3A_900 = arith.constant 96 : index
      %get3A_901 = tpu.vector_load %arg9[%get3A_898, %get3A_899, %get3A_900] {strides = array<i32>} : memref<5x48x256xf32, #tpu.memory_space<vmem>>, vector<16xf32>,
      %add3A_902 = arith.addf %add3A_896, %get3A_901 : vector<16xf32>
      %div3A_903 = arith.constant 5.000000e+00 : f32
      %div3A_904 = vector.broadcast %div3A_903 : f32 to vector<16xf32>
      %div3A_905 = arith.divf %add3A_902, %div3A_904 : vector<16xf32>
      %get3A_906 = arith.index_cast %scan3A_622 : i32 to index
      %get3A_907 = arith.constant 96 : index
      %get3A_908 = tpu.vector_load %arg10[%get3A_906, %get3A_907] {strides = array<i32>} : memref<48x256xf32, #tpu.memory_space<vmem>>, vector<16xf32>,
      %sub3A_909 = arith.subf %div3A_905, %get3A_908 : vector<16xf32>
      %add3A_910 = arith.addf %get3A_908, %sub3A_909 : vector<16xf32>
      %swap3A_911 = arith.index_cast %scan3A_622 : i32 to index
      %swap3A_912 = arith.constant 96 : index
      %swap3A_913 = tpu.vector_load %arg10[%swap3A_911, %swap3A_912] {strides = array<i32>} : memref<48x256xf32, #tpu.memory_space<vmem>>, vector<16xf32>,
      tpu.vector_store %arg10[%swap3A_911, %swap3A_912], %add3A_910 {strides = array<i32>} : memref<48x256xf32, #tpu.memory_space<vmem>>, vector<16xf32>,
      %mul3A_914 = arith.mulf %sub3A_909, %sub3A_909 : vector<16xf32>
      %add3A_915 = arith.addf %add3A_873, %mul3A_914 : vector<16xf32>
      %get3A_916 = arith.constant 0 : i32
      %get3A_917 = arith.index_cast %get3A_916 : i32 to index
      %get3A_918 = arith.index_cast %scan3A_622 : i32 to index
      %get3A_919 = arith.constant 112 : index
      %get3A_920 = tpu.vector_load %arg9[%get3A_917, %get3A_918, %get3A_919] {strides = array<i32>} : memref<5x48x256xf32, #tpu.memory_space<vmem>>, vector<16xf32>,
      %get3A_921 = arith.constant 1 : i32
      %get3A_922 = arith.index_cast %get3A_921 : i32 to index
      %get3A_923 = arith.index_cast %scan3A_622 : i32 to index
      %get3A_924 = arith.constant 112 : index
      %get3A_925 = tpu.vector_load %arg9[%get3A_922, %get3A_923, %get3A_924] {strides = array<i32>} : memref<5x48x256xf32, #tpu.memory_space<vmem>>, vector<16xf32>,
      %add3A_926 = arith.addf %get3A_920, %get3A_925 : vector<16xf32>
      %get3A_927 = arith.constant 2 : i32
      %get3A_928 = arith.index_cast %get3A_927 : i32 to index
      %get3A_929 = arith.index_cast %scan3A_622 : i32 to index
      %get3A_930 = arith.constant 112 : index
      %get3A_931 = tpu.vector_load %arg9[%get3A_928, %get3A_929, %get3A_930] {strides = array<i32>} : memref<5x48x256xf32, #tpu.memory_space<vmem>>, vector<16xf32>,
      %get3A_932 = arith.constant 3 : i32
      %get3A_933 = arith.index_cast %get3A_932 : i32 to index
      %get3A_934 = arith.index_cast %scan3A_622 : i32 to index
      %get3A_935 = arith.constant 112 : index
      %get3A_936 = tpu.vector_load %arg9[%get3A_933, %get3A_934, %get3A_935] {strides = array<i32>} : memref<5x48x256xf32, #tpu.memory_space<vmem>>, vector<16xf32>,
      %add3A_937 = arith.addf %get3A_931, %get3A_936 : vector<16xf32>
      %add3A_938 = arith.addf %add3A_926, %add3A_937 : vector<16xf32>
      %get3A_939 = arith.constant 4 : i32
      %get3A_940 = arith.index_cast %get3A_939 : i32 to index
      %get3A_941 = arith.index_cast %scan3A_622 : i32 to index
      %get3A_942 = arith.constant 112 : index
      %get3A_943 = tpu.vector_load %arg9[%get3A_940, %get3A_941, %get3A_942] {strides = array<i32>} : memref<5x48x256xf32, #tpu.memory_space<vmem>>, vector<16xf32>,
      %add3A_944 = arith.addf %add3A_938, %get3A_943 : vector<16xf32>
      %div3A_945 = arith.constant 5.000000e+00 : f32
      %div3A_946 = vector.broadcast %div3A_945 : f32 to vector<16xf32>
      %div3A_947 = arith.divf %add3A_944, %div3A_946 : vector<16xf32>
      %get3A_948 = arith.index_cast %scan3A_622 : i32 to index
      %get3A_949 = arith.constant 112 : index
      %get3A_950 = tpu.vector_load %arg10[%get3A_948, %get3A_949] {strides = array<i32>} : memref<48x256xf32, #tpu.memory_space<vmem>>, vector<16xf32>,
      %sub3A_951 = arith.subf %div3A_947, %get3A_950 : vector<16xf32>
      %add3A_952 = arith.addf %get3A_950, %sub3A_951 : vector<16xf32>
      %swap3A_953 = arith.index_cast %scan3A_622 : i32 to index
      %swap3A_954 = arith.constant 112 : index
      %swap3A_955 = tpu.vector_load %arg10[%swap3A_953, %swap3A_954] {strides = array<i32>} : memref<48x256xf32, #tpu.memory_space<vmem>>, vector<16xf32>,
      tpu.vector_store %arg10[%swap3A_953, %swap3A_954], %add3A_952 {strides = array<i32>} : memref<48x256xf32, #tpu.memory_space<vmem>>, vector<16xf32>,
      %mul3A_956 = arith.mulf %sub3A_951, %sub3A_951 : vector<16xf32>
      %add3A_957 = arith.addf %add3A_915, %mul3A_956 : vector<16xf32>
      %get3A_958 = arith.constant 0 : i32
      %get3A_959 = arith.index_cast %get3A_958 : i32 to index
      %get3A_960 = arith.index_cast %scan3A_622 : i32 to index
      %get3A_961 = arith.constant 128 : index
      %get3A_962 = tpu.vector_load %arg9[%get3A_959, %get3A_960, %get3A_961] {strides = array<i32>} : memref<5x48x256xf32, #tpu.memory_space<vmem>>, vector<16xf32>,
      %get3A_963 = arith.constant 1 : i32
      %get3A_964 = arith.index_cast %get3A_963 : i32 to index
      %get3A_965 = arith.index_cast %scan3A_622 : i32 to index
      %get3A_966 = arith.constant 128 : index
      %get3A_967 = tpu.vector_load %arg9[%get3A_964, %get3A_965, %get3A_966] {strides = array<i32>} : memref<5x48x256xf32, #tpu.memory_space<vmem>>, vector<16xf32>,
      %add3A_968 = arith.addf %get3A_962, %get3A_967 : vector<16xf32>
      %get3A_969 = arith.constant 2 : i32
      %get3A_970 = arith.index_cast %get3A_969 : i32 to index
      %get3A_971 = arith.index_cast %scan3A_622 : i32 to index
      %get3A_972 = arith.constant 128 : index
      %get3A_973 = tpu.vector_load %arg9[%get3A_970, %get3A_971, %get3A_972] {strides = array<i32>} : memref<5x48x256xf32, #tpu.memory_space<vmem>>, vector<16xf32>,
      %get3A_974 = arith.constant 3 : i32
      %get3A_975 = arith.index_cast %get3A_974 : i32 to index
      %get3A_976 = arith.index_cast %scan3A_622 : i32 to index
      %get3A_977 = arith.constant 128 : index
      %get3A_978 = tpu.vector_load %arg9[%get3A_975, %get3A_976, %get3A_977] {strides = array<i32>} : memref<5x48x256xf32, #tpu.memory_space<vmem>>, vector<16xf32>,
      %add3A_979 = arith.addf %get3A_973, %get3A_978 : vector<16xf32>
      %add3A_980 = arith.addf %add3A_968, %add3A_979 : vector<16xf32>
      %get3A_981 = arith.constant 4 : i32
      %get3A_982 = arith.index_cast %get3A_981 : i32 to index
      %get3A_983 = arith.index_cast %scan3A_622 : i32 to index
      %get3A_984 = arith.constant 128 : index
      %get3A_985 = tpu.vector_load %arg9[%get3A_982, %get3A_983, %get3A_984] {strides = array<i32>} : memref<5x48x256xf32, #tpu.memory_space<vmem>>, vector<16xf32>,
      %add3A_986 = arith.addf %add3A_980, %get3A_985 : vector<16xf32>
      %div3A_987 = arith.constant 5.000000e+00 : f32
      %div3A_988 = vector.broadcast %div3A_987 : f32 to vector<16xf32>
      %div3A_989 = arith.divf %add3A_986, %div3A_988 : vector<16xf32>
      %get3A_990 = arith.index_cast %scan3A_622 : i32 to index
      %get3A_991 = arith.constant 128 : index
      %get3A_992 = tpu.vector_load %arg10[%get3A_990, %get3A_991] {strides = array<i32>} : memref<48x256xf32, #tpu.memory_space<vmem>>, vector<16xf32>,
      %sub3A_993 = arith.subf %div3A_989, %get3A_992 : vector<16xf32>
      %add3A_994 = arith.addf %get3A_992, %sub3A_993 : vector<16xf32>
      %swap3A_995 = arith.index_cast %scan3A_622 : i32 to index
      %swap3A_996 = arith.constant 128 : index
      %swap3A_997 = tpu.vector_load %arg10[%swap3A_995, %swap3A_996] {strides = array<i32>} : memref<48x256xf32, #tpu.memory_space<vmem>>, vector<16xf32>,
      tpu.vector_store %arg10[%swap3A_995, %swap3A_996], %add3A_994 {strides = array<i32>} : memref<48x256xf32, #tpu.memory_space<vmem>>, vector<16xf32>,
      %mul3A_998 = arith.mulf %sub3A_993, %sub3A_993 : vector<16xf32>
      %add3A_999 = arith.addf %add3A_957, %mul3A_998 : vector<16xf32>
      %get3A_1000 = arith.constant 0 : i32
      %get3A_1001 = arith.index_cast %get3A_1000 : i32 to index
      %get3A_1002 = arith.index_cast %scan3A_622 : i32 to index
      %get3A_1003 = arith.constant 144 : index
      %get3A_1004 = tpu.vector_load %arg9[%get3A_1001, %get3A_1002, %get3A_1003] {strides = array<i32>} : memref<5x48x256xf32, #tpu.memory_space<vmem>>, vector<16xf32>,
      %get3A_1005 = arith.constant 1 : i32
      %get3A_1006 = arith.index_cast %get3A_1005 : i32 to index
      %get3A_1007 = arith.index_cast %scan3A_622 : i32 to index
      %get3A_1008 = arith.constant 144 : index
      %get3A_1009 = tpu.vector_load %arg9[%get3A_1006, %get3A_1007, %get3A_1008] {strides = array<i32>} : memref<5x48x256xf32, #tpu.memory_space<vmem>>, vector<16xf32>,
      %add3A_1010 = arith.addf %get3A_1004, %get3A_1009 : vector<16xf32>
      %get3A_1011 = arith.constant 2 : i32
      %get3A_1012 = arith.index_cast %get3A_1011 : i32 to index
      %get3A_1013 = arith.index_cast %scan3A_622 : i32 to index
      %get3A_1014 = arith.constant 144 : index
      %get3A_1015 = tpu.vector_load %arg9[%get3A_1012, %get3A_1013, %get3A_1014] {strides = array<i32>} : memref<5x48x256xf32, #tpu.memory_space<vmem>>, vector<16xf32>,
      %get3A_1016 = arith.constant 3 : i32
      %get3A_1017 = arith.index_cast %get3A_1016 : i32 to index
      %get3A_1018 = arith.index_cast %scan3A_622 : i32 to index
      %get3A_1019 = arith.constant 144 : index
      %get3A_1020 = tpu.vector_load %arg9[%get3A_1017, %get3A_1018, %get3A_1019] {strides = array<i32>} : memref<5x48x256xf32, #tpu.memory_space<vmem>>, vector<16xf32>,
      %add3A_1021 = arith.addf %get3A_1015, %get3A_1020 : vector<16xf32>
      %add3A_1022 = arith.addf %add3A_1010, %add3A_1021 : vector<16xf32>
      %get3A_1023 = arith.constant 4 : i32
      %get3A_1024 = arith.index_cast %get3A_1023 : i32 to index
      %get3A_1025 = arith.index_cast %scan3A_622 : i32 to index
      %get3A_1026 = arith.constant 144 : index
      %get3A_1027 = tpu.vector_load %arg9[%get3A_1024, %get3A_1025, %get3A_1026] {strides = array<i32>} : memref<5x48x256xf32, #tpu.memory_space<vmem>>, vector<16xf32>,
      %add3A_1028 = arith.addf %add3A_1022, %get3A_1027 : vector<16xf32>
      %div3A_1029 = arith.constant 5.000000e+00 : f32
      %div3A_1030 = vector.broadcast %div3A_1029 : f32 to vector<16xf32>
      %div3A_1031 = arith.divf %add3A_1028, %div3A_1030 : vector<16xf32>
      %get3A_1032 = arith.index_cast %scan3A_622 : i32 to index
      %get3A_1033 = arith.constant 144 : index
      %get3A_1034 = tpu.vector_load %arg10[%get3A_1032, %get3A_1033] {strides = array<i32>} : memref<48x256xf32, #tpu.memory_space<vmem>>, vector<16xf32>,
      %sub3A_1035 = arith.subf %div3A_1031, %get3A_1034 : vector<16xf32>
      %add3A_1036 = arith.addf %get3A_1034, %sub3A_1035 : vector<16xf32>
      %swap3A_1037 = arith.index_cast %scan3A_622 : i32 to index
      %swap3A_1038 = arith.constant 144 : index
      %swap3A_1039 = tpu.vector_load %arg10[%swap3A_1037, %swap3A_1038] {strides = array<i32>} : memref<48x256xf32, #tpu.memory_space<vmem>>, vector<16xf32>,
      tpu.vector_store %arg10[%swap3A_1037, %swap3A_1038], %add3A_1036 {strides = array<i32>} : memref<48x256xf32, #tpu.memory_space<vmem>>, vector<16xf32>,
      %mul3A_1040 = arith.mulf %sub3A_1035, %sub3A_1035 : vector<16xf32>
      %add3A_1041 = arith.addf %add3A_999, %mul3A_1040 : vector<16xf32>
      %get3A_1042 = arith.constant 0 : i32
      %get3A_1043 = arith.index_cast %get3A_1042 : i32 to index
      %get3A_1044 = arith.index_cast %scan3A_622 : i32 to index
      %get3A_1045 = arith.constant 160 : index
      %get3A_1046 = tpu.vector_load %arg9[%get3A_1043, %get3A_1044, %get3A_1045] {strides = array<i32>} : memref<5x48x256xf32, #tpu.memory_space<vmem>>, vector<16xf32>,
      %get3A_1047 = arith.constant 1 : i32
      %get3A_1048 = arith.index_cast %get3A_1047 : i32 to index
      %get3A_1049 = arith.index_cast %scan3A_622 : i32 to index
      %get3A_1050 = arith.constant 160 : index
      %get3A_1051 = tpu.vector_load %arg9[%get3A_1048, %get3A_1049, %get3A_1050] {strides = array<i32>} : memref<5x48x256xf32, #tpu.memory_space<vmem>>, vector<16xf32>,
      %add3A_1052 = arith.addf %get3A_1046, %get3A_1051 : vector<16xf32>
      %get3A_1053 = arith.constant 2 : i32
      %get3A_1054 = arith.index_cast %get3A_1053 : i32 to index
      %get3A_1055 = arith.index_cast %scan3A_622 : i32 to index
      %get3A_1056 = arith.constant 160 : index
      %get3A_1057 = tpu.vector_load %arg9[%get3A_1054, %get3A_1055, %get3A_1056] {strides = array<i32>} : memref<5x48x256xf32, #tpu.memory_space<vmem>>, vector<16xf32>,
      %get3A_1058 = arith.constant 3 : i32
      %get3A_1059 = arith.index_cast %get3A_1058 : i32 to index
      %get3A_1060 = arith.index_cast %scan3A_622 : i32 to index
      %get3A_1061 = arith.constant 160 : index
      %get3A_1062 = tpu.vector_load %arg9[%get3A_1059, %get3A_1060, %get3A_1061] {strides = array<i32>} : memref<5x48x256xf32, #tpu.memory_space<vmem>>, vector<16xf32>,
      %add3A_1063 = arith.addf %get3A_1057, %get3A_1062 : vector<16xf32>
      %add3A_1064 = arith.addf %add3A_1052, %add3A_1063 : vector<16xf32>
      %get3A_1065 = arith.constant 4 : i32
      %get3A_1066 = arith.index_cast %get3A_1065 : i32 to index
      %get3A_1067 = arith.index_cast %scan3A_622 : i32 to index
      %get3A_1068 = arith.constant 160 : index
      %get3A_1069 = tpu.vector_load %arg9[%get3A_1066, %get3A_1067, %get3A_1068] {strides = array<i32>} : memref<5x48x256xf32, #tpu.memory_space<vmem>>, vector<16xf32>,
      %add3A_1070 = arith.addf %add3A_1064, %get3A_1069 : vector<16xf32>
      %div3A_1071 = arith.constant 5.000000e+00 : f32
      %div3A_1072 = vector.broadcast %div3A_1071 : f32 to vector<16xf32>
      %div3A_1073 = arith.divf %add3A_1070, %div3A_1072 : vector<16xf32>
      %get3A_1074 = arith.index_cast %scan3A_622 : i32 to index
      %get3A_1075 = arith.constant 160 : index
      %get3A_1076 = tpu.vector_load %arg10[%get3A_1074, %get3A_1075] {strides = array<i32>} : memref<48x256xf32, #tpu.memory_space<vmem>>, vector<16xf32>,
      %sub3A_1077 = arith.subf %div3A_1073, %get3A_1076 : vector<16xf32>
      %add3A_1078 = arith.addf %get3A_1076, %sub3A_1077 : vector<16xf32>
      %swap3A_1079 = arith.index_cast %scan3A_622 : i32 to index
      %swap3A_1080 = arith.constant 160 : index
      %swap3A_1081 = tpu.vector_load %arg10[%swap3A_1079, %swap3A_1080] {strides = array<i32>} : memref<48x256xf32, #tpu.memory_space<vmem>>, vector<16xf32>,
      tpu.vector_store %arg10[%swap3A_1079, %swap3A_1080], %add3A_1078 {strides = array<i32>} : memref<48x256xf32, #tpu.memory_space<vmem>>, vector<16xf32>,
      %mul3A_1082 = arith.mulf %sub3A_1077, %sub3A_1077 : vector<16xf32>
      %add3A_1083 = arith.addf %add3A_1041, %mul3A_1082 : vector<16xf32>
      %get3A_1084 = arith.constant 0 : i32
      %get3A_1085 = arith.index_cast %get3A_1084 : i32 to index
      %get3A_1086 = arith.index_cast %scan3A_622 : i32 to index
      %get3A_1087 = arith.constant 176 : index
      %get3A_1088 = tpu.vector_load %arg9[%get3A_1085, %get3A_1086, %get3A_1087] {strides = array<i32>} : memref<5x48x256xf32, #tpu.memory_space<vmem>>, vector<16xf32>,
      %get3A_1089 = arith.constant 1 : i32
      %get3A_1090 = arith.index_cast %get3A_1089 : i32 to index
      %get3A_1091 = arith.index_cast %scan3A_622 : i32 to index
      %get3A_1092 = arith.constant 176 : index
      %get3A_1093 = tpu.vector_load %arg9[%get3A_1090, %get3A_1091, %get3A_1092] {strides = array<i32>} : memref<5x48x256xf32, #tpu.memory_space<vmem>>, vector<16xf32>,
      %add3A_1094 = arith.addf %get3A_1088, %get3A_1093 : vector<16xf32>
      %get3A_1095 = arith.constant 2 : i32
      %get3A_1096 = arith.index_cast %get3A_1095 : i32 to index
      %get3A_1097 = arith.index_cast %scan3A_622 : i32 to index
      %get3A_1098 = arith.constant 176 : index
      %get3A_1099 = tpu.vector_load %arg9[%get3A_1096, %get3A_1097, %get3A_1098] {strides = array<i32>} : memref<5x48x256xf32, #tpu.memory_space<vmem>>, vector<16xf32>,
      %get3A_1100 = arith.constant 3 : i32
      %get3A_1101 = arith.index_cast %get3A_1100 : i32 to index
      %get3A_1102 = arith.index_cast %scan3A_622 : i32 to index
      %get3A_1103 = arith.constant 176 : index
      %get3A_1104 = tpu.vector_load %arg9[%get3A_1101, %get3A_1102, %get3A_1103] {strides = array<i32>} : memref<5x48x256xf32, #tpu.memory_space<vmem>>, vector<16xf32>,
      %add3A_1105 = arith.addf %get3A_1099, %get3A_1104 : vector<16xf32>
      %add3A_1106 = arith.addf %add3A_1094, %add3A_1105 : vector<16xf32>
      %get3A_1107 = arith.constant 4 : i32
      %get3A_1108 = arith.index_cast %get3A_1107 : i32 to index
      %get3A_1109 = arith.index_cast %scan3A_622 : i32 to index
      %get3A_1110 = arith.constant 176 : index
      %get3A_1111 = tpu.vector_load %arg9[%get3A_1108, %get3A_1109, %get3A_1110] {strides = array<i32>} : memref<5x48x256xf32, #tpu.memory_space<vmem>>, vector<16xf32>,
      %add3A_1112 = arith.addf %add3A_1106, %get3A_1111 : vector<16xf32>
      %div3A_1113 = arith.constant 5.000000e+00 : f32
      %div3A_1114 = vector.broadcast %div3A_1113 : f32 to vector<16xf32>
      %div3A_1115 = arith.divf %add3A_1112, %div3A_1114 : vector<16xf32>
      %get3A_1116 = arith.index_cast %scan3A_622 : i32 to index
      %get3A_1117 = arith.constant 176 : index
      %get3A_1118 = tpu.vector_load %arg10[%get3A_1116, %get3A_1117] {strides = array<i32>} : memref<48x256xf32, #tpu.memory_space<vmem>>, vector<16xf32>,
      %sub3A_1119 = arith.subf %div3A_1115, %get3A_1118 : vector<16xf32>
      %add3A_1120 = arith.addf %get3A_1118, %sub3A_1119 : vector<16xf32>
      %swap3A_1121 = arith.index_cast %scan3A_622 : i32 to index
      %swap3A_1122 = arith.constant 176 : index
      %swap3A_1123 = tpu.vector_load %arg10[%swap3A_1121, %swap3A_1122] {strides = array<i32>} : memref<48x256xf32, #tpu.memory_space<vmem>>, vector<16xf32>,
      tpu.vector_store %arg10[%swap3A_1121, %swap3A_1122], %add3A_1120 {strides = array<i32>} : memref<48x256xf32, #tpu.memory_space<vmem>>, vector<16xf32>,
      %mul3A_1124 = arith.mulf %sub3A_1119, %sub3A_1119 : vector<16xf32>
      %add3A_1125 = arith.addf %add3A_1083, %mul3A_1124 : vector<16xf32>
      %get3A_1126 = arith.constant 0 : i32
      %get3A_1127 = arith.index_cast %get3A_1126 : i32 to index
      %get3A_1128 = arith.index_cast %scan3A_622 : i32 to index
      %get3A_1129 = arith.constant 192 : index
      %get3A_1130 = tpu.vector_load %arg9[%get3A_1127, %get3A_1128, %get3A_1129] {strides = array<i32>} : memref<5x48x256xf32, #tpu.memory_space<vmem>>, vector<16xf32>,
      %get3A_1131 = arith.constant 1 : i32
      %get3A_1132 = arith.index_cast %get3A_1131 : i32 to index
      %get3A_1133 = arith.index_cast %scan3A_622 : i32 to index
      %get3A_1134 = arith.constant 192 : index
      %get3A_1135 = tpu.vector_load %arg9[%get3A_1132, %get3A_1133, %get3A_1134] {strides = array<i32>} : memref<5x48x256xf32, #tpu.memory_space<vmem>>, vector<16xf32>,
      %add3A_1136 = arith.addf %get3A_1130, %get3A_1135 : vector<16xf32>
      %get3A_1137 = arith.constant 2 : i32
      %get3A_1138 = arith.index_cast %get3A_1137 : i32 to index
      %get3A_1139 = arith.index_cast %scan3A_622 : i32 to index
      %get3A_1140 = arith.constant 192 : index
      %get3A_1141 = tpu.vector_load %arg9[%get3A_1138, %get3A_1139, %get3A_1140] {strides = array<i32>} : memref<5x48x256xf32, #tpu.memory_space<vmem>>, vector<16xf32>,
      %get3A_1142 = arith.constant 3 : i32
      %get3A_1143 = arith.index_cast %get3A_1142 : i32 to index
      %get3A_1144 = arith.index_cast %scan3A_622 : i32 to index
      %get3A_1145 = arith.constant 192 : index
      %get3A_1146 = tpu.vector_load %arg9[%get3A_1143, %get3A_1144, %get3A_1145] {strides = array<i32>} : memref<5x48x256xf32, #tpu.memory_space<vmem>>, vector<16xf32>,
      %add3A_1147 = arith.addf %get3A_1141, %get3A_1146 : vector<16xf32>
      %add3A_1148 = arith.addf %add3A_1136, %add3A_1147 : vector<16xf32>
      %get3A_1149 = arith.constant 4 : i32
      %get3A_1150 = arith.index_cast %get3A_1149 : i32 to index
      %get3A_1151 = arith.index_cast %scan3A_622 : i32 to index
      %get3A_1152 = arith.constant 192 : index
      %get3A_1153 = tpu.vector_load %arg9[%get3A_1150, %get3A_1151, %get3A_1152] {strides = array<i32>} : memref<5x48x256xf32, #tpu.memory_space<vmem>>, vector<16xf32>,
      %add3A_1154 = arith.addf %add3A_1148, %get3A_1153 : vector<16xf32>
      %div3A_1155 = arith.constant 5.000000e+00 : f32
      %div3A_1156 = vector.broadcast %div3A_1155 : f32 to vector<16xf32>
      %div3A_1157 = arith.divf %add3A_1154, %div3A_1156 : vector<16xf32>
      %get3A_1158 = arith.index_cast %scan3A_622 : i32 to index
      %get3A_1159 = arith.constant 192 : index
      %get3A_1160 = tpu.vector_load %arg10[%get3A_1158, %get3A_1159] {strides = array<i32>} : memref<48x256xf32, #tpu.memory_space<vmem>>, vector<16xf32>,
      %sub3A_1161 = arith.subf %div3A_1157, %get3A_1160 : vector<16xf32>
      %add3A_1162 = arith.addf %get3A_1160, %sub3A_1161 : vector<16xf32>
      %swap3A_1163 = arith.index_cast %scan3A_622 : i32 to index
      %swap3A_1164 = arith.constant 192 : index
      %swap3A_1165 = tpu.vector_load %arg10[%swap3A_1163, %swap3A_1164] {strides = array<i32>} : memref<48x256xf32, #tpu.memory_space<vmem>>, vector<16xf32>,
      tpu.vector_store %arg10[%swap3A_1163, %swap3A_1164], %add3A_1162 {strides = array<i32>} : memref<48x256xf32, #tpu.memory_space<vmem>>, vector<16xf32>,
      %mul3A_1166 = arith.mulf %sub3A_1161, %sub3A_1161 : vector<16xf32>
      %add3A_1167 = arith.addf %add3A_1125, %mul3A_1166 : vector<16xf32>
      %get3A_1168 = arith.constant 0 : i32
      %get3A_1169 = arith.index_cast %get3A_1168 : i32 to index
      %get3A_1170 = arith.index_cast %scan3A_622 : i32 to index
      %get3A_1171 = arith.constant 208 : index
      %get3A_1172 = tpu.vector_load %arg9[%get3A_1169, %get3A_1170, %get3A_1171] {strides = array<i32>} : memref<5x48x256xf32, #tpu.memory_space<vmem>>, vector<16xf32>,
      %get3A_1173 = arith.constant 1 : i32
      %get3A_1174 = arith.index_cast %get3A_1173 : i32 to index
      %get3A_1175 = arith.index_cast %scan3A_622 : i32 to index
      %get3A_1176 = arith.constant 208 : index
      %get3A_1177 = tpu.vector_load %arg9[%get3A_1174, %get3A_1175, %get3A_1176] {strides = array<i32>} : memref<5x48x256xf32, #tpu.memory_space<vmem>>, vector<16xf32>,
      %add3A_1178 = arith.addf %get3A_1172, %get3A_1177 : vector<16xf32>
      %get3A_1179 = arith.constant 2 : i32
      %get3A_1180 = arith.index_cast %get3A_1179 : i32 to index
      %get3A_1181 = arith.index_cast %scan3A_622 : i32 to index
      %get3A_1182 = arith.constant 208 : index
      %get3A_1183 = tpu.vector_load %arg9[%get3A_1180, %get3A_1181, %get3A_1182] {strides = array<i32>} : memref<5x48x256xf32, #tpu.memory_space<vmem>>, vector<16xf32>,
      %get3A_1184 = arith.constant 3 : i32
      %get3A_1185 = arith.index_cast %get3A_1184 : i32 to index
      %get3A_1186 = arith.index_cast %scan3A_622 : i32 to index
      %get3A_1187 = arith.constant 208 : index
      %get3A_1188 = tpu.vector_load %arg9[%get3A_1185, %get3A_1186, %get3A_1187] {strides = array<i32>} : memref<5x48x256xf32, #tpu.memory_space<vmem>>, vector<16xf32>,
      %add3A_1189 = arith.addf %get3A_1183, %get3A_1188 : vector<16xf32>
      %add3A_1190 = arith.addf %add3A_1178, %add3A_1189 : vector<16xf32>
      %get3A_1191 = arith.constant 4 : i32
      %get3A_1192 = arith.index_cast %get3A_1191 : i32 to index
      %get3A_1193 = arith.index_cast %scan3A_622 : i32 to index
      %get3A_1194 = arith.constant 208 : index
      %get3A_1195 = tpu.vector_load %arg9[%get3A_1192, %get3A_1193, %get3A_1194] {strides = array<i32>} : memref<5x48x256xf32, #tpu.memory_space<vmem>>, vector<16xf32>,
      %add3A_1196 = arith.addf %add3A_1190, %get3A_1195 : vector<16xf32>
      %div3A_1197 = arith.constant 5.000000e+00 : f32
      %div3A_1198 = vector.broadcast %div3A_1197 : f32 to vector<16xf32>
      %div3A_1199 = arith.divf %add3A_1196, %div3A_1198 : vector<16xf32>
      %get3A_1200 = arith.index_cast %scan3A_622 : i32 to index
      %get3A_1201 = arith.constant 208 : index
      %get3A_1202 = tpu.vector_load %arg10[%get3A_1200, %get3A_1201] {strides = array<i32>} : memref<48x256xf32, #tpu.memory_space<vmem>>, vector<16xf32>,
      %sub3A_1203 = arith.subf %div3A_1199, %get3A_1202 : vector<16xf32>
      %add3A_1204 = arith.addf %get3A_1202, %sub3A_1203 : vector<16xf32>
      %swap3A_1205 = arith.index_cast %scan3A_622 : i32 to index
      %swap3A_1206 = arith.constant 208 : index
      %swap3A_1207 = tpu.vector_load %arg10[%swap3A_1205, %swap3A_1206] {strides = array<i32>} : memref<48x256xf32, #tpu.memory_space<vmem>>, vector<16xf32>,
      tpu.vector_store %arg10[%swap3A_1205, %swap3A_1206], %add3A_1204 {strides = array<i32>} : memref<48x256xf32, #tpu.memory_space<vmem>>, vector<16xf32>,
      %mul3A_1208 = arith.mulf %sub3A_1203, %sub3A_1203 : vector<16xf32>
      %add3A_1209 = arith.addf %add3A_1167, %mul3A_1208 : vector<16xf32>
      %get3A_1210 = arith.constant 0 : i32
      %get3A_1211 = arith.index_cast %get3A_1210 : i32 to index
      %get3A_1212 = arith.index_cast %scan3A_622 : i32 to index
      %get3A_1213 = arith.constant 224 : index
      %get3A_1214 = tpu.vector_load %arg9[%get3A_1211, %get3A_1212, %get3A_1213] {strides = array<i32>} : memref<5x48x256xf32, #tpu.memory_space<vmem>>, vector<16xf32>,
      %get3A_1215 = arith.constant 1 : i32
      %get3A_1216 = arith.index_cast %get3A_1215 : i32 to index
      %get3A_1217 = arith.index_cast %scan3A_622 : i32 to index
      %get3A_1218 = arith.constant 224 : index
      %get3A_1219 = tpu.vector_load %arg9[%get3A_1216, %get3A_1217, %get3A_1218] {strides = array<i32>} : memref<5x48x256xf32, #tpu.memory_space<vmem>>, vector<16xf32>,
      %add3A_1220 = arith.addf %get3A_1214, %get3A_1219 : vector<16xf32>
      %get3A_1221 = arith.constant 2 : i32
      %get3A_1222 = arith.index_cast %get3A_1221 : i32 to index
      %get3A_1223 = arith.index_cast %scan3A_622 : i32 to index
      %get3A_1224 = arith.constant 224 : index
      %get3A_1225 = tpu.vector_load %arg9[%get3A_1222, %get3A_1223, %get3A_1224] {strides = array<i32>} : memref<5x48x256xf32, #tpu.memory_space<vmem>>, vector<16xf32>,
      %get3A_1226 = arith.constant 3 : i32
      %get3A_1227 = arith.index_cast %get3A_1226 : i32 to index
      %get3A_1228 = arith.index_cast %scan3A_622 : i32 to index
      %get3A_1229 = arith.constant 224 : index
      %get3A_1230 = tpu.vector_load %arg9[%get3A_1227, %get3A_1228, %get3A_1229] {strides = array<i32>} : memref<5x48x256xf32, #tpu.memory_space<vmem>>, vector<16xf32>,
      %add3A_1231 = arith.addf %get3A_1225, %get3A_1230 : vector<16xf32>
      %add3A_1232 = arith.addf %add3A_1220, %add3A_1231 : vector<16xf32>
      %get3A_1233 = arith.constant 4 : i32
      %get3A_1234 = arith.index_cast %get3A_1233 : i32 to index
      %get3A_1235 = arith.index_cast %scan3A_622 : i32 to index
      %get3A_1236 = arith.constant 224 : index
      %get3A_1237 = tpu.vector_load %arg9[%get3A_1234, %get3A_1235, %get3A_1236] {strides = array<i32>} : memref<5x48x256xf32, #tpu.memory_space<vmem>>, vector<16xf32>,
      %add3A_1238 = arith.addf %add3A_1232, %get3A_1237 : vector<16xf32>
      %div3A_1239 = arith.constant 5.000000e+00 : f32
      %div3A_1240 = vector.broadcast %div3A_1239 : f32 to vector<16xf32>
      %div3A_1241 = arith.divf %add3A_1238, %div3A_1240 : vector<16xf32>
      %get3A_1242 = arith.index_cast %scan3A_622 : i32 to index
      %get3A_1243 = arith.constant 224 : index
      %get3A_1244 = tpu.vector_load %arg10[%get3A_1242, %get3A_1243] {strides = array<i32>} : memref<48x256xf32, #tpu.memory_space<vmem>>, vector<16xf32>,
      %sub3A_1245 = arith.subf %div3A_1241, %get3A_1244 : vector<16xf32>
      %add3A_1246 = arith.addf %get3A_1244, %sub3A_1245 : vector<16xf32>
      %swap3A_1247 = arith.index_cast %scan3A_622 : i32 to index
      %swap3A_1248 = arith.constant 224 : index
      %swap3A_1249 = tpu.vector_load %arg10[%swap3A_1247, %swap3A_1248] {strides = array<i32>} : memref<48x256xf32, #tpu.memory_space<vmem>>, vector<16xf32>,
      tpu.vector_store %arg10[%swap3A_1247, %swap3A_1248], %add3A_1246 {strides = array<i32>} : memref<48x256xf32, #tpu.memory_space<vmem>>, vector<16xf32>,
      %mul3A_1250 = arith.mulf %sub3A_1245, %sub3A_1245 : vector<16xf32>
      %add3A_1251 = arith.addf %add3A_1209, %mul3A_1250 : vector<16xf32>
      %get3A_1252 = arith.constant 0 : i32
      %get3A_1253 = arith.index_cast %get3A_1252 : i32 to index
      %get3A_1254 = arith.index_cast %scan3A_622 : i32 to index
      %get3A_1255 = arith.constant 240 : index
      %get3A_1256 = tpu.vector_load %arg9[%get3A_1253, %get3A_1254, %get3A_1255] {strides = array<i32>} : memref<5x48x256xf32, #tpu.memory_space<vmem>>, vector<16xf32>,
      %get3A_1257 = arith.constant 1 : i32
      %get3A_1258 = arith.index_cast %get3A_1257 : i32 to index
      %get3A_1259 = arith.index_cast %scan3A_622 : i32 to index
      %get3A_1260 = arith.constant 240 : index
      %get3A_1261 = tpu.vector_load %arg9[%get3A_1258, %get3A_1259, %get3A_1260] {strides = array<i32>} : memref<5x48x256xf32, #tpu.memory_space<vmem>>, vector<16xf32>,
      %add3A_1262 = arith.addf %get3A_1256, %get3A_1261 : vector<16xf32>
      %get3A_1263 = arith.constant 2 : i32
      %get3A_1264 = arith.index_cast %get3A_1263 : i32 to index
      %get3A_1265 = arith.index_cast %scan3A_622 : i32 to index
      %get3A_1266 = arith.constant 240 : index
      %get3A_1267 = tpu.vector_load %arg9[%get3A_1264, %get3A_1265, %get3A_1266] {strides = array<i32>} : memref<5x48x256xf32, #tpu.memory_space<vmem>>, vector<16xf32>,
      %get3A_1268 = arith.constant 3 : i32
      %get3A_1269 = arith.index_cast %get3A_1268 : i32 to index
      %get3A_1270 = arith.index_cast %scan3A_622 : i32 to index
      %get3A_1271 = arith.constant 240 : index
      %get3A_1272 = tpu.vector_load %arg9[%get3A_1269, %get3A_1270, %get3A_1271] {strides = array<i32>} : memref<5x48x256xf32, #tpu.memory_space<vmem>>, vector<16xf32>,
      %add3A_1273 = arith.addf %get3A_1267, %get3A_1272 : vector<16xf32>
      %add3A_1274 = arith.addf %add3A_1262, %add3A_1273 : vector<16xf32>
      %get3A_1275 = arith.constant 4 : i32
      %get3A_1276 = arith.index_cast %get3A_1275 : i32 to index
      %get3A_1277 = arith.index_cast %scan3A_622 : i32 to index
      %get3A_1278 = arith.constant 240 : index
      %get3A_1279 = tpu.vector_load %arg9[%get3A_1276, %get3A_1277, %get3A_1278] {strides = array<i32>} : memref<5x48x256xf32, #tpu.memory_space<vmem>>, vector<16xf32>,
      %add3A_1280 = arith.addf %add3A_1274, %get3A_1279 : vector<16xf32>
      %div3A_1281 = arith.constant 5.000000e+00 : f32
      %div3A_1282 = vector.broadcast %div3A_1281 : f32 to vector<16xf32>
      %div3A_1283 = arith.divf %add3A_1280, %div3A_1282 : vector<16xf32>
      %get3A_1284 = arith.index_cast %scan3A_622 : i32 to index
      %get3A_1285 = arith.constant 240 : index
      %get3A_1286 = tpu.vector_load %arg10[%get3A_1284, %get3A_1285] {strides = array<i32>} : memref<48x256xf32, #tpu.memory_space<vmem>>, vector<16xf32>,
      %sub3A_1287 = arith.subf %div3A_1283, %get3A_1286 : vector<16xf32>
      %add3A_1288 = arith.addf %get3A_1286, %sub3A_1287 : vector<16xf32>
      %swap3A_1289 = arith.index_cast %scan3A_622 : i32 to index
      %swap3A_1290 = arith.constant 240 : index
      %swap3A_1291 = tpu.vector_load %arg10[%swap3A_1289, %swap3A_1290] {strides = array<i32>} : memref<48x256xf32, #tpu.memory_space<vmem>>, vector<16xf32>,
      tpu.vector_store %arg10[%swap3A_1289, %swap3A_1290], %add3A_1288 {strides = array<i32>} : memref<48x256xf32, #tpu.memory_space<vmem>>, vector<16xf32>,
      %mul3A_1292 = arith.mulf %sub3A_1287, %sub3A_1287 : vector<16xf32>
      %add3A_1293 = arith.addf %add3A_1251, %mul3A_1292 : vector<16xf32>
      scf.yield %add3A_1293 : vector<16xf32>
    }
    %scan3A_413 = arith.constant 48 : i32
    "tpu.region"() ({
      %run_scoped3A_622 = tpu.sem_alloc : memref<!tpu.dma_semaphore, #tpu.memory_space<semaphore_mem>>
      %dma_start3A_623 = arith.constant 0 : i32
      %dma_start3A_624 = tpu.memref_slice %arg5[%add3A_212, %dma_start3A_623] : memref<4608x256xf32, #tpu.memory_space<hbm>> -> memref<48x256xf32, #tpu.memory_space<hbm>>
      %dma_start3A_625 = arith.constant 0 : i32
      %dma_start3A_626 = tpu.memref_slice %arg5[%add3A_212, %dma_start3A_625] : memref<4608x256xf32, #tpu.memory_space<hbm>> -> memref<48x256xf32, #tpu.memory_space<hbm>>
      tpu.enqueue_dma source(%arg10 : memref<48x256xf32, #tpu.memory_space<vmem>>) target(%dma_start3A_626 : memref<48x256xf32, #tpu.memory_space<hbm>>) target_semaphore(%run_scoped3A_622 : memref<!tpu.dma_semaphore, #tpu.memory_space<semaphore_mem>>)
      %dma_wait3A_627 = arith.constant 0 : i32
      %dma_wait3A_628 = tpu.memref_slice %arg5[%add3A_212, %dma_wait3A_627] : memref<4608x256xf32, #tpu.memory_space<hbm>> -> memref<48x256xf32, #tpu.memory_space<hbm>>
      %dma_wait3A_629 = arith.constant 0 : i32
      %dma_wait3A_630 = tpu.memref_slice %arg5[%add3A_212, %dma_wait3A_629] : memref<4608x256xf32, #tpu.memory_space<hbm>> -> memref<48x256xf32, #tpu.memory_space<hbm>>
      tpu.wait_dma2 semaphore(%run_scoped3A_622 : memref<!tpu.dma_semaphore, #tpu.memory_space<semaphore_mem>>) src(%arg10 : memref<48x256xf32, #tpu.memory_space<vmem>>) dst(%dma_wait3A_630 : memref<48x256xf32, #tpu.memory_space<hbm>>)
      tpu.yield
    }) : () -> ()
    %add3A_414 = arith.constant 96 : i32
    %add3A_415 = arith.addi %mul3A_2, %add3A_414 : i32
    "tpu.region"() ({
      %run_scoped3A_622 = tpu.sem_alloc : memref<!tpu.dma_semaphore, #tpu.memory_space<semaphore_mem>>
      %dma_start3A_623 = arith.constant 0 : i32
      %dma_start3A_624 = tpu.memref_slice %arg4[%add3A_415, %dma_start3A_623] : memref<4608x256xf32, #tpu.memory_space<hbm>> -> memref<48x256xf32, #tpu.memory_space<hbm>>
      %dma_start3A_625 = arith.constant 0 : i32
      %dma_start3A_626 = tpu.memref_slice %arg4[%add3A_415, %dma_start3A_625] : memref<4608x256xf32, #tpu.memory_space<hbm>> -> memref<48x256xf32, #tpu.memory_space<hbm>>
      tpu.enqueue_dma source(%dma_start3A_626 : memref<48x256xf32, #tpu.memory_space<hbm>>) target(%arg10 : memref<48x256xf32, #tpu.memory_space<vmem>>) target_semaphore(%run_scoped3A_622 : memref<!tpu.dma_semaphore, #tpu.memory_space<semaphore_mem>>)
      %dma_wait3A_627 = arith.constant 0 : i32
      %dma_wait3A_628 = tpu.memref_slice %arg4[%add3A_415, %dma_wait3A_627] : memref<4608x256xf32, #tpu.memory_space<hbm>> -> memref<48x256xf32, #tpu.memory_space<hbm>>
      %dma_wait3A_629 = arith.constant 0 : i32
      %dma_wait3A_630 = tpu.memref_slice %arg4[%add3A_415, %dma_wait3A_629] : memref<4608x256xf32, #tpu.memory_space<hbm>> -> memref<48x256xf32, #tpu.memory_space<hbm>>
      tpu.wait_dma2 semaphore(%run_scoped3A_622 : memref<!tpu.dma_semaphore, #tpu.memory_space<semaphore_mem>>) src(%dma_wait3A_630 : memref<48x256xf32, #tpu.memory_space<hbm>>) dst(%arg10 : memref<48x256xf32, #tpu.memory_space<vmem>>)
      tpu.yield
    }) : () -> ()
    %add3A_416 = arith.constant 0 : i32
    %add3A_417 = arith.addi %add3A_416, %add3A_415 : i32
    %run_scoped3A_418 = arith.constant 0 : i32
    "tpu.region"() ({
      %run_scoped3A_622 = tpu.sem_alloc : memref<!tpu.dma_semaphore, #tpu.memory_space<semaphore_mem>>
      %dma_start3A_623 = arith.constant 0 : i32
      %dma_start3A_624 = tpu.memref_slice %arg8[%run_scoped3A_418, %dma_start3A_623] : memref<5x48xi32, #tpu.memory_space<vmem>> -> memref<1x48xi32, #tpu.memory_space<vmem>>
      %dma_start3A_625 = tpu.memref_squeeze %dma_start3A_624 : memref<1x48xi32, #tpu.memory_space<vmem>> -> memref<48xi32, #tpu.memory_space<vmem>>
      %dma_start3A_626 = tpu.memref_slice %arg3[%add3A_417] : memref<23040xi32, #tpu.memory_space<hbm>> -> memref<48xi32, #tpu.memory_space<hbm>>
      %dma_start3A_627 = arith.constant 0 : i32
      %dma_start3A_628 = tpu.memref_slice %arg8[%run_scoped3A_418, %dma_start3A_627] : memref<5x48xi32, #tpu.memory_space<vmem>> -> memref<1x48xi32, #tpu.memory_space<vmem>>
      %dma_start3A_629 = tpu.memref_squeeze %dma_start3A_628 : memref<1x48xi32, #tpu.memory_space<vmem>> -> memref<48xi32, #tpu.memory_space<vmem>>
      %dma_start3A_630 = tpu.memref_slice %arg3[%add3A_417] : memref<23040xi32, #tpu.memory_space<hbm>> -> memref<48xi32, #tpu.memory_space<hbm>>
      tpu.enqueue_dma source(%dma_start3A_630 : memref<48xi32, #tpu.memory_space<hbm>>) target(%dma_start3A_629 : memref<48xi32, #tpu.memory_space<vmem>>) target_semaphore(%run_scoped3A_622 : memref<!tpu.dma_semaphore, #tpu.memory_space<semaphore_mem>>)
      %dma_wait3A_631 = arith.constant 0 : i32
      %dma_wait3A_632 = tpu.memref_slice %arg8[%run_scoped3A_418, %dma_wait3A_631] : memref<5x48xi32, #tpu.memory_space<vmem>> -> memref<1x48xi32, #tpu.memory_space<vmem>>
      %dma_wait3A_633 = tpu.memref_squeeze %dma_wait3A_632 : memref<1x48xi32, #tpu.memory_space<vmem>> -> memref<48xi32, #tpu.memory_space<vmem>>
      %dma_wait3A_634 = tpu.memref_slice %arg3[%add3A_417] : memref<23040xi32, #tpu.memory_space<hbm>> -> memref<48xi32, #tpu.memory_space<hbm>>
      %dma_wait3A_635 = arith.constant 0 : i32
      %dma_wait3A_636 = tpu.memref_slice %arg8[%run_scoped3A_418, %dma_wait3A_635] : memref<5x48xi32, #tpu.memory_space<vmem>> -> memref<1x48xi32, #tpu.memory_space<vmem>>
      %dma_wait3A_637 = tpu.memref_squeeze %dma_wait3A_636 : memref<1x48xi32, #tpu.memory_space<vmem>> -> memref<48xi32, #tpu.memory_space<vmem>>
      %dma_wait3A_638 = tpu.memref_slice %arg3[%add3A_417] : memref<23040xi32, #tpu.memory_space<hbm>> -> memref<48xi32, #tpu.memory_space<hbm>>
      tpu.wait_dma2 semaphore(%run_scoped3A_622 : memref<!tpu.dma_semaphore, #tpu.memory_space<semaphore_mem>>) src(%dma_wait3A_638 : memref<48xi32, #tpu.memory_space<hbm>>) dst(%dma_wait3A_637 : memref<48xi32, #tpu.memory_space<vmem>>)
      tpu.yield
    }) : () -> ()
    %add3A_419 = arith.constant 4608 : i32
    %add3A_420 = arith.addi %add3A_419, %add3A_415 : i32
    %run_scoped3A_421 = arith.constant 1 : i32
    "tpu.region"() ({
      %run_scoped3A_622 = tpu.sem_alloc : memref<!tpu.dma_semaphore, #tpu.memory_space<semaphore_mem>>
      %dma_start3A_623 = arith.constant 0 : i32
      %dma_start3A_624 = tpu.memref_slice %arg8[%run_scoped3A_421, %dma_start3A_623] : memref<5x48xi32, #tpu.memory_space<vmem>> -> memref<1x48xi32, #tpu.memory_space<vmem>>
      %dma_start3A_625 = tpu.memref_squeeze %dma_start3A_624 : memref<1x48xi32, #tpu.memory_space<vmem>> -> memref<48xi32, #tpu.memory_space<vmem>>
      %dma_start3A_626 = tpu.memref_slice %arg3[%add3A_420] : memref<23040xi32, #tpu.memory_space<hbm>> -> memref<48xi32, #tpu.memory_space<hbm>>
      %dma_start3A_627 = arith.constant 0 : i32
      %dma_start3A_628 = tpu.memref_slice %arg8[%run_scoped3A_421, %dma_start3A_627] : memref<5x48xi32, #tpu.memory_space<vmem>> -> memref<1x48xi32, #tpu.memory_space<vmem>>
      %dma_start3A_629 = tpu.memref_squeeze %dma_start3A_628 : memref<1x48xi32, #tpu.memory_space<vmem>> -> memref<48xi32, #tpu.memory_space<vmem>>
      %dma_start3A_630 = tpu.memref_slice %arg3[%add3A_420] : memref<23040xi32, #tpu.memory_space<hbm>> -> memref<48xi32, #tpu.memory_space<hbm>>
      tpu.enqueue_dma source(%dma_start3A_630 : memref<48xi32, #tpu.memory_space<hbm>>) target(%dma_start3A_629 : memref<48xi32, #tpu.memory_space<vmem>>) target_semaphore(%run_scoped3A_622 : memref<!tpu.dma_semaphore, #tpu.memory_space<semaphore_mem>>)
      %dma_wait3A_631 = arith.constant 0 : i32
      %dma_wait3A_632 = tpu.memref_slice %arg8[%run_scoped3A_421, %dma_wait3A_631] : memref<5x48xi32, #tpu.memory_space<vmem>> -> memref<1x48xi32, #tpu.memory_space<vmem>>
      %dma_wait3A_633 = tpu.memref_squeeze %dma_wait3A_632 : memref<1x48xi32, #tpu.memory_space<vmem>> -> memref<48xi32, #tpu.memory_space<vmem>>
      %dma_wait3A_634 = tpu.memref_slice %arg3[%add3A_420] : memref<23040xi32, #tpu.memory_space<hbm>> -> memref<48xi32, #tpu.memory_space<hbm>>
      %dma_wait3A_635 = arith.constant 0 : i32
      %dma_wait3A_636 = tpu.memref_slice %arg8[%run_scoped3A_421, %dma_wait3A_635] : memref<5x48xi32, #tpu.memory_space<vmem>> -> memref<1x48xi32, #tpu.memory_space<vmem>>
      %dma_wait3A_637 = tpu.memref_squeeze %dma_wait3A_636 : memref<1x48xi32, #tpu.memory_space<vmem>> -> memref<48xi32, #tpu.memory_space<vmem>>
      %dma_wait3A_638 = tpu.memref_slice %arg3[%add3A_420] : memref<23040xi32, #tpu.memory_space<hbm>> -> memref<48xi32, #tpu.memory_space<hbm>>
      tpu.wait_dma2 semaphore(%run_scoped3A_622 : memref<!tpu.dma_semaphore, #tpu.memory_space<semaphore_mem>>) src(%dma_wait3A_638 : memref<48xi32, #tpu.memory_space<hbm>>) dst(%dma_wait3A_637 : memref<48xi32, #tpu.memory_space<vmem>>)
      tpu.yield
    }) : () -> ()
    %add3A_422 = arith.constant 9216 : i32
    %add3A_423 = arith.addi %add3A_422, %add3A_415 : i32
    %run_scoped3A_424 = arith.constant 2 : i32
    "tpu.region"() ({
      %run_scoped3A_622 = tpu.sem_alloc : memref<!tpu.dma_semaphore, #tpu.memory_space<semaphore_mem>>
      %dma_start3A_623 = arith.constant 0 : i32
      %dma_start3A_624 = tpu.memref_slice %arg8[%run_scoped3A_424, %dma_start3A_623] : memref<5x48xi32, #tpu.memory_space<vmem>> -> memref<1x48xi32, #tpu.memory_space<vmem>>
      %dma_start3A_625 = tpu.memref_squeeze %dma_start3A_624 : memref<1x48xi32, #tpu.memory_space<vmem>> -> memref<48xi32, #tpu.memory_space<vmem>>
      %dma_start3A_626 = tpu.memref_slice %arg3[%add3A_423] : memref<23040xi32, #tpu.memory_space<hbm>> -> memref<48xi32, #tpu.memory_space<hbm>>
      %dma_start3A_627 = arith.constant 0 : i32
      %dma_start3A_628 = tpu.memref_slice %arg8[%run_scoped3A_424, %dma_start3A_627] : memref<5x48xi32, #tpu.memory_space<vmem>> -> memref<1x48xi32, #tpu.memory_space<vmem>>
      %dma_start3A_629 = tpu.memref_squeeze %dma_start3A_628 : memref<1x48xi32, #tpu.memory_space<vmem>> -> memref<48xi32, #tpu.memory_space<vmem>>
      %dma_start3A_630 = tpu.memref_slice %arg3[%add3A_423] : memref<23040xi32, #tpu.memory_space<hbm>> -> memref<48xi32, #tpu.memory_space<hbm>>
      tpu.enqueue_dma source(%dma_start3A_630 : memref<48xi32, #tpu.memory_space<hbm>>) target(%dma_start3A_629 : memref<48xi32, #tpu.memory_space<vmem>>) target_semaphore(%run_scoped3A_622 : memref<!tpu.dma_semaphore, #tpu.memory_space<semaphore_mem>>)
      %dma_wait3A_631 = arith.constant 0 : i32
      %dma_wait3A_632 = tpu.memref_slice %arg8[%run_scoped3A_424, %dma_wait3A_631] : memref<5x48xi32, #tpu.memory_space<vmem>> -> memref<1x48xi32, #tpu.memory_space<vmem>>
      %dma_wait3A_633 = tpu.memref_squeeze %dma_wait3A_632 : memref<1x48xi32, #tpu.memory_space<vmem>> -> memref<48xi32, #tpu.memory_space<vmem>>
      %dma_wait3A_634 = tpu.memref_slice %arg3[%add3A_423] : memref<23040xi32, #tpu.memory_space<hbm>> -> memref<48xi32, #tpu.memory_space<hbm>>
      %dma_wait3A_635 = arith.constant 0 : i32
      %dma_wait3A_636 = tpu.memref_slice %arg8[%run_scoped3A_424, %dma_wait3A_635] : memref<5x48xi32, #tpu.memory_space<vmem>> -> memref<1x48xi32, #tpu.memory_space<vmem>>
      %dma_wait3A_637 = tpu.memref_squeeze %dma_wait3A_636 : memref<1x48xi32, #tpu.memory_space<vmem>> -> memref<48xi32, #tpu.memory_space<vmem>>
      %dma_wait3A_638 = tpu.memref_slice %arg3[%add3A_423] : memref<23040xi32, #tpu.memory_space<hbm>> -> memref<48xi32, #tpu.memory_space<hbm>>
      tpu.wait_dma2 semaphore(%run_scoped3A_622 : memref<!tpu.dma_semaphore, #tpu.memory_space<semaphore_mem>>) src(%dma_wait3A_638 : memref<48xi32, #tpu.memory_space<hbm>>) dst(%dma_wait3A_637 : memref<48xi32, #tpu.memory_space<vmem>>)
      tpu.yield
    }) : () -> ()
    %add3A_425 = arith.constant 13824 : i32
    %add3A_426 = arith.addi %add3A_425, %add3A_415 : i32
    %run_scoped3A_427 = arith.constant 3 : i32
    "tpu.region"() ({
      %run_scoped3A_622 = tpu.sem_alloc : memref<!tpu.dma_semaphore, #tpu.memory_space<semaphore_mem>>
      %dma_start3A_623 = arith.constant 0 : i32
      %dma_start3A_624 = tpu.memref_slice %arg8[%run_scoped3A_427, %dma_start3A_623] : memref<5x48xi32, #tpu.memory_space<vmem>> -> memref<1x48xi32, #tpu.memory_space<vmem>>
      %dma_start3A_625 = tpu.memref_squeeze %dma_start3A_624 : memref<1x48xi32, #tpu.memory_space<vmem>> -> memref<48xi32, #tpu.memory_space<vmem>>
      %dma_start3A_626 = tpu.memref_slice %arg3[%add3A_426] : memref<23040xi32, #tpu.memory_space<hbm>> -> memref<48xi32, #tpu.memory_space<hbm>>
      %dma_start3A_627 = arith.constant 0 : i32
      %dma_start3A_628 = tpu.memref_slice %arg8[%run_scoped3A_427, %dma_start3A_627] : memref<5x48xi32, #tpu.memory_space<vmem>> -> memref<1x48xi32, #tpu.memory_space<vmem>>
      %dma_start3A_629 = tpu.memref_squeeze %dma_start3A_628 : memref<1x48xi32, #tpu.memory_space<vmem>> -> memref<48xi32, #tpu.memory_space<vmem>>
      %dma_start3A_630 = tpu.memref_slice %arg3[%add3A_426] : memref<23040xi32, #tpu.memory_space<hbm>> -> memref<48xi32, #tpu.memory_space<hbm>>
      tpu.enqueue_dma source(%dma_start3A_630 : memref<48xi32, #tpu.memory_space<hbm>>) target(%dma_start3A_629 : memref<48xi32, #tpu.memory_space<vmem>>) target_semaphore(%run_scoped3A_622 : memref<!tpu.dma_semaphore, #tpu.memory_space<semaphore_mem>>)
      %dma_wait3A_631 = arith.constant 0 : i32
      %dma_wait3A_632 = tpu.memref_slice %arg8[%run_scoped3A_427, %dma_wait3A_631] : memref<5x48xi32, #tpu.memory_space<vmem>> -> memref<1x48xi32, #tpu.memory_space<vmem>>
      %dma_wait3A_633 = tpu.memref_squeeze %dma_wait3A_632 : memref<1x48xi32, #tpu.memory_space<vmem>> -> memref<48xi32, #tpu.memory_space<vmem>>
      %dma_wait3A_634 = tpu.memref_slice %arg3[%add3A_426] : memref<23040xi32, #tpu.memory_space<hbm>> -> memref<48xi32, #tpu.memory_space<hbm>>
      %dma_wait3A_635 = arith.constant 0 : i32
      %dma_wait3A_636 = tpu.memref_slice %arg8[%run_scoped3A_427, %dma_wait3A_635] : memref<5x48xi32, #tpu.memory_space<vmem>> -> memref<1x48xi32, #tpu.memory_space<vmem>>
      %dma_wait3A_637 = tpu.memref_squeeze %dma_wait3A_636 : memref<1x48xi32, #tpu.memory_space<vmem>> -> memref<48xi32, #tpu.memory_space<vmem>>
      %dma_wait3A_638 = tpu.memref_slice %arg3[%add3A_426] : memref<23040xi32, #tpu.memory_space<hbm>> -> memref<48xi32, #tpu.memory_space<hbm>>
      tpu.wait_dma2 semaphore(%run_scoped3A_622 : memref<!tpu.dma_semaphore, #tpu.memory_space<semaphore_mem>>) src(%dma_wait3A_638 : memref<48xi32, #tpu.memory_space<hbm>>) dst(%dma_wait3A_637 : memref<48xi32, #tpu.memory_space<vmem>>)
      tpu.yield
    }) : () -> ()
    %add3A_428 = arith.constant 18432 : i32
    %add3A_429 = arith.addi %add3A_428, %add3A_415 : i32
    %run_scoped3A_430 = arith.constant 4 : i32
    "tpu.region"() ({
      %run_scoped3A_622 = tpu.sem_alloc : memref<!tpu.dma_semaphore, #tpu.memory_space<semaphore_mem>>
      %dma_start3A_623 = arith.constant 0 : i32
      %dma_start3A_624 = tpu.memref_slice %arg8[%run_scoped3A_430, %dma_start3A_623] : memref<5x48xi32, #tpu.memory_space<vmem>> -> memref<1x48xi32, #tpu.memory_space<vmem>>
      %dma_start3A_625 = tpu.memref_squeeze %dma_start3A_624 : memref<1x48xi32, #tpu.memory_space<vmem>> -> memref<48xi32, #tpu.memory_space<vmem>>
      %dma_start3A_626 = tpu.memref_slice %arg3[%add3A_429] : memref<23040xi32, #tpu.memory_space<hbm>> -> memref<48xi32, #tpu.memory_space<hbm>>
      %dma_start3A_627 = arith.constant 0 : i32
      %dma_start3A_628 = tpu.memref_slice %arg8[%run_scoped3A_430, %dma_start3A_627] : memref<5x48xi32, #tpu.memory_space<vmem>> -> memref<1x48xi32, #tpu.memory_space<vmem>>
      %dma_start3A_629 = tpu.memref_squeeze %dma_start3A_628 : memref<1x48xi32, #tpu.memory_space<vmem>> -> memref<48xi32, #tpu.memory_space<vmem>>
      %dma_start3A_630 = tpu.memref_slice %arg3[%add3A_429] : memref<23040xi32, #tpu.memory_space<hbm>> -> memref<48xi32, #tpu.memory_space<hbm>>
      tpu.enqueue_dma source(%dma_start3A_630 : memref<48xi32, #tpu.memory_space<hbm>>) target(%dma_start3A_629 : memref<48xi32, #tpu.memory_space<vmem>>) target_semaphore(%run_scoped3A_622 : memref<!tpu.dma_semaphore, #tpu.memory_space<semaphore_mem>>)
      %dma_wait3A_631 = arith.constant 0 : i32
      %dma_wait3A_632 = tpu.memref_slice %arg8[%run_scoped3A_430, %dma_wait3A_631] : memref<5x48xi32, #tpu.memory_space<vmem>> -> memref<1x48xi32, #tpu.memory_space<vmem>>
      %dma_wait3A_633 = tpu.memref_squeeze %dma_wait3A_632 : memref<1x48xi32, #tpu.memory_space<vmem>> -> memref<48xi32, #tpu.memory_space<vmem>>
      %dma_wait3A_634 = tpu.memref_slice %arg3[%add3A_429] : memref<23040xi32, #tpu.memory_space<hbm>> -> memref<48xi32, #tpu.memory_space<hbm>>
      %dma_wait3A_635 = arith.constant 0 : i32
      %dma_wait3A_636 = tpu.memref_slice %arg8[%run_scoped3A_430, %dma_wait3A_635] : memref<5x48xi32, #tpu.memory_space<vmem>> -> memref<1x48xi32, #tpu.memory_space<vmem>>
      %dma_wait3A_637 = tpu.memref_squeeze %dma_wait3A_636 : memref<1x48xi32, #tpu.memory_space<vmem>> -> memref<48xi32, #tpu.memory_space<vmem>>
      %dma_wait3A_638 = tpu.memref_slice %arg3[%add3A_429] : memref<23040xi32, #tpu.memory_space<hbm>> -> memref<48xi32, #tpu.memory_space<hbm>>
      tpu.wait_dma2 semaphore(%run_scoped3A_622 : memref<!tpu.dma_semaphore, #tpu.memory_space<semaphore_mem>>) src(%dma_wait3A_638 : memref<48xi32, #tpu.memory_space<hbm>>) dst(%dma_wait3A_637 : memref<48xi32, #tpu.memory_space<vmem>>)
      tpu.yield
    }) : () -> ()
    %dma_start3A_431 = arith.constant 0 : i32
    %dma_start3A_432 = arith.constant 0 : i32
    %dma_start3A_433 = arith.constant 0 : i32
    %dma_start3A_434 = arith.constant 0 : i32
    %dma_start3A_435 = tpu.memref_slice %arg9[%dma_start3A_432, %dma_start3A_433, %dma_start3A_434] : memref<5x48x256xf32, #tpu.memory_space<vmem>> -> memref<1x48x256xf32, #tpu.memory_space<vmem>>
    %dma_start3A_436 = tpu.memref_squeeze %dma_start3A_435 : memref<1x48x256xf32, #tpu.memory_space<vmem>> -> memref<48x256xf32, #tpu.memory_space<vmem>>
    %dma_start3A_437 = arith.constant 0 : i32
    %dma_start3A_438 = tpu.memref_slice %arg8[%dma_start3A_431, %dma_start3A_437] : memref<5x48xi32, #tpu.memory_space<vmem>> -> memref<1x48xi32, #tpu.memory_space<vmem>>
    %dma_start3A_439 = tpu.memref_squeeze %dma_start3A_438 : memref<1x48xi32, #tpu.memory_space<vmem>> -> memref<48xi32, #tpu.memory_space<vmem>>
    %dma_start3A_440 = arith.constant 0 : i32
    %dma_start3A_441 = arith.constant 0 : i32
    %dma_start3A_442 = tpu.memref_slice %arg2[%dma_start3A_440, %dma_start3A_441] : memref<8192x256xf32, #tpu.memory_space<hbm>> -> memref<8192x256xf32, #tpu.memory_space<hbm>>
    tpu.enqueue_indirect_dma source(%dma_start3A_442 : memref<8192x256xf32, #tpu.memory_space<hbm>>) target(%dma_start3A_436 : memref<48x256xf32, #tpu.memory_space<vmem>>) offsets(%dma_start3A_439 : memref<48xi32, #tpu.memory_space<vmem>>) semaphore(%arg13 : memref<!tpu.dma_semaphore, #tpu.memory_space<semaphore_mem>>)
    %dma_start3A_443 = arith.constant 1 : i32
    %dma_start3A_444 = arith.constant 1 : i32
    %dma_start3A_445 = arith.constant 0 : i32
    %dma_start3A_446 = arith.constant 0 : i32
    %dma_start3A_447 = tpu.memref_slice %arg9[%dma_start3A_444, %dma_start3A_445, %dma_start3A_446] : memref<5x48x256xf32, #tpu.memory_space<vmem>> -> memref<1x48x256xf32, #tpu.memory_space<vmem>>
    %dma_start3A_448 = tpu.memref_squeeze %dma_start3A_447 : memref<1x48x256xf32, #tpu.memory_space<vmem>> -> memref<48x256xf32, #tpu.memory_space<vmem>>
    %dma_start3A_449 = arith.constant 0 : i32
    %dma_start3A_450 = tpu.memref_slice %arg8[%dma_start3A_443, %dma_start3A_449] : memref<5x48xi32, #tpu.memory_space<vmem>> -> memref<1x48xi32, #tpu.memory_space<vmem>>
    %dma_start3A_451 = tpu.memref_squeeze %dma_start3A_450 : memref<1x48xi32, #tpu.memory_space<vmem>> -> memref<48xi32, #tpu.memory_space<vmem>>
    %dma_start3A_452 = arith.constant 0 : i32
    %dma_start3A_453 = arith.constant 0 : i32
    %dma_start3A_454 = tpu.memref_slice %arg2[%dma_start3A_452, %dma_start3A_453] : memref<8192x256xf32, #tpu.memory_space<hbm>> -> memref<8192x256xf32, #tpu.memory_space<hbm>>
    tpu.enqueue_indirect_dma source(%dma_start3A_454 : memref<8192x256xf32, #tpu.memory_space<hbm>>) target(%dma_start3A_448 : memref<48x256xf32, #tpu.memory_space<vmem>>) offsets(%dma_start3A_451 : memref<48xi32, #tpu.memory_space<vmem>>) semaphore(%arg13 : memref<!tpu.dma_semaphore, #tpu.memory_space<semaphore_mem>>)
    %dma_start3A_455 = arith.constant 2 : i32
    %dma_start3A_456 = arith.constant 2 : i32
    %dma_start3A_457 = arith.constant 0 : i32
    %dma_start3A_458 = arith.constant 0 : i32
    %dma_start3A_459 = tpu.memref_slice %arg9[%dma_start3A_456, %dma_start3A_457, %dma_start3A_458] : memref<5x48x256xf32, #tpu.memory_space<vmem>> -> memref<1x48x256xf32, #tpu.memory_space<vmem>>
    %dma_start3A_460 = tpu.memref_squeeze %dma_start3A_459 : memref<1x48x256xf32, #tpu.memory_space<vmem>> -> memref<48x256xf32, #tpu.memory_space<vmem>>
    %dma_start3A_461 = arith.constant 0 : i32
    %dma_start3A_462 = tpu.memref_slice %arg8[%dma_start3A_455, %dma_start3A_461] : memref<5x48xi32, #tpu.memory_space<vmem>> -> memref<1x48xi32, #tpu.memory_space<vmem>>
    %dma_start3A_463 = tpu.memref_squeeze %dma_start3A_462 : memref<1x48xi32, #tpu.memory_space<vmem>> -> memref<48xi32, #tpu.memory_space<vmem>>
    %dma_start3A_464 = arith.constant 0 : i32
    %dma_start3A_465 = arith.constant 0 : i32
    %dma_start3A_466 = tpu.memref_slice %arg2[%dma_start3A_464, %dma_start3A_465] : memref<8192x256xf32, #tpu.memory_space<hbm>> -> memref<8192x256xf32, #tpu.memory_space<hbm>>
    tpu.enqueue_indirect_dma source(%dma_start3A_466 : memref<8192x256xf32, #tpu.memory_space<hbm>>) target(%dma_start3A_460 : memref<48x256xf32, #tpu.memory_space<vmem>>) offsets(%dma_start3A_463 : memref<48xi32, #tpu.memory_space<vmem>>) semaphore(%arg13 : memref<!tpu.dma_semaphore, #tpu.memory_space<semaphore_mem>>)
    %dma_start3A_467 = arith.constant 3 : i32
    %dma_start3A_468 = arith.constant 3 : i32
    %dma_start3A_469 = arith.constant 0 : i32
    %dma_start3A_470 = arith.constant 0 : i32
    %dma_start3A_471 = tpu.memref_slice %arg9[%dma_start3A_468, %dma_start3A_469, %dma_start3A_470] : memref<5x48x256xf32, #tpu.memory_space<vmem>> -> memref<1x48x256xf32, #tpu.memory_space<vmem>>
    %dma_start3A_472 = tpu.memref_squeeze %dma_start3A_471 : memref<1x48x256xf32, #tpu.memory_space<vmem>> -> memref<48x256xf32, #tpu.memory_space<vmem>>
    %dma_start3A_473 = arith.constant 0 : i32
    %dma_start3A_474 = tpu.memref_slice %arg8[%dma_start3A_467, %dma_start3A_473] : memref<5x48xi32, #tpu.memory_space<vmem>> -> memref<1x48xi32, #tpu.memory_space<vmem>>
    %dma_start3A_475 = tpu.memref_squeeze %dma_start3A_474 : memref<1x48xi32, #tpu.memory_space<vmem>> -> memref<48xi32, #tpu.memory_space<vmem>>
    %dma_start3A_476 = arith.constant 0 : i32
    %dma_start3A_477 = arith.constant 0 : i32
    %dma_start3A_478 = tpu.memref_slice %arg2[%dma_start3A_476, %dma_start3A_477] : memref<8192x256xf32, #tpu.memory_space<hbm>> -> memref<8192x256xf32, #tpu.memory_space<hbm>>
    tpu.enqueue_indirect_dma source(%dma_start3A_478 : memref<8192x256xf32, #tpu.memory_space<hbm>>) target(%dma_start3A_472 : memref<48x256xf32, #tpu.memory_space<vmem>>) offsets(%dma_start3A_475 : memref<48xi32, #tpu.memory_space<vmem>>) semaphore(%arg13 : memref<!tpu.dma_semaphore, #tpu.memory_space<semaphore_mem>>)
    %dma_start3A_479 = arith.constant 4 : i32
    %dma_start3A_480 = arith.constant 4 : i32
    %dma_start3A_481 = arith.constant 0 : i32
    %dma_start3A_482 = arith.constant 0 : i32
    %dma_start3A_483 = tpu.memref_slice %arg9[%dma_start3A_480, %dma_start3A_481, %dma_start3A_482] : memref<5x48x256xf32, #tpu.memory_space<vmem>> -> memref<1x48x256xf32, #tpu.memory_space<vmem>>
    %dma_start3A_484 = tpu.memref_squeeze %dma_start3A_483 : memref<1x48x256xf32, #tpu.memory_space<vmem>> -> memref<48x256xf32, #tpu.memory_space<vmem>>
    %dma_start3A_485 = arith.constant 0 : i32
    %dma_start3A_486 = tpu.memref_slice %arg8[%dma_start3A_479, %dma_start3A_485] : memref<5x48xi32, #tpu.memory_space<vmem>> -> memref<1x48xi32, #tpu.memory_space<vmem>>
    %dma_start3A_487 = tpu.memref_squeeze %dma_start3A_486 : memref<1x48xi32, #tpu.memory_space<vmem>> -> memref<48xi32, #tpu.memory_space<vmem>>
    %dma_start3A_488 = arith.constant 0 : i32
    %dma_start3A_489 = arith.constant 0 : i32
    %dma_start3A_490 = tpu.memref_slice %arg2[%dma_start3A_488, %dma_start3A_489] : memref<8192x256xf32, #tpu.memory_space<hbm>> -> memref<8192x256xf32, #tpu.memory_space<hbm>>
    tpu.enqueue_indirect_dma source(%dma_start3A_490 : memref<8192x256xf32, #tpu.memory_space<hbm>>) target(%dma_start3A_484 : memref<48x256xf32, #tpu.memory_space<vmem>>) offsets(%dma_start3A_487 : memref<48xi32, #tpu.memory_space<vmem>>) semaphore(%arg13 : memref<!tpu.dma_semaphore, #tpu.memory_space<semaphore_mem>>)
    %dma_wait3A_491 = arith.constant 0 : i32
    %dma_wait3A_492 = arith.constant 0 : i32
    %dma_wait3A_493 = arith.constant 0 : i32
    %dma_wait3A_494 = arith.constant 0 : i32
    %dma_wait3A_495 = tpu.memref_slice %arg9[%dma_wait3A_492, %dma_wait3A_493, %dma_wait3A_494] : memref<5x48x256xf32, #tpu.memory_space<vmem>> -> memref<1x48x256xf32, #tpu.memory_space<vmem>>
    %dma_wait3A_496 = tpu.memref_squeeze %dma_wait3A_495 : memref<1x48x256xf32, #tpu.memory_space<vmem>> -> memref<48x256xf32, #tpu.memory_space<vmem>>
    %dma_wait3A_497 = arith.constant 0 : i32
    %dma_wait3A_498 = tpu.memref_slice %arg8[%dma_wait3A_491, %dma_wait3A_497] : memref<5x48xi32, #tpu.memory_space<vmem>> -> memref<1x48xi32, #tpu.memory_space<vmem>>
    %dma_wait3A_499 = tpu.memref_squeeze %dma_wait3A_498 : memref<1x48xi32, #tpu.memory_space<vmem>> -> memref<48xi32, #tpu.memory_space<vmem>>
    %dma_wait3A_500 = arith.constant 0 : i32
    %dma_wait3A_501 = arith.constant 0 : i32
    %dma_wait3A_502 = tpu.memref_slice %arg2[%dma_wait3A_500, %dma_wait3A_501] : memref<8192x256xf32, #tpu.memory_space<hbm>> -> memref<8192x256xf32, #tpu.memory_space<hbm>>
    tpu.wait_indirect_dma semaphore(%arg13 : memref<!tpu.dma_semaphore, #tpu.memory_space<semaphore_mem>>) src(%dma_wait3A_502 : memref<8192x256xf32, #tpu.memory_space<hbm>>) dst(%dma_wait3A_496 : memref<48x256xf32, #tpu.memory_space<vmem>>)
    %dma_wait3A_503 = arith.constant 1 : i32
    %dma_wait3A_504 = arith.constant 1 : i32
    %dma_wait3A_505 = arith.constant 0 : i32
    %dma_wait3A_506 = arith.constant 0 : i32
    %dma_wait3A_507 = tpu.memref_slice %arg9[%dma_wait3A_504, %dma_wait3A_505, %dma_wait3A_506] : memref<5x48x256xf32, #tpu.memory_space<vmem>> -> memref<1x48x256xf32, #tpu.memory_space<vmem>>
    %dma_wait3A_508 = tpu.memref_squeeze %dma_wait3A_507 : memref<1x48x256xf32, #tpu.memory_space<vmem>> -> memref<48x256xf32, #tpu.memory_space<vmem>>
    %dma_wait3A_509 = arith.constant 0 : i32
    %dma_wait3A_510 = tpu.memref_slice %arg8[%dma_wait3A_503, %dma_wait3A_509] : memref<5x48xi32, #tpu.memory_space<vmem>> -> memref<1x48xi32, #tpu.memory_space<vmem>>
    %dma_wait3A_511 = tpu.memref_squeeze %dma_wait3A_510 : memref<1x48xi32, #tpu.memory_space<vmem>> -> memref<48xi32, #tpu.memory_space<vmem>>
    %dma_wait3A_512 = arith.constant 0 : i32
    %dma_wait3A_513 = arith.constant 0 : i32
    %dma_wait3A_514 = tpu.memref_slice %arg2[%dma_wait3A_512, %dma_wait3A_513] : memref<8192x256xf32, #tpu.memory_space<hbm>> -> memref<8192x256xf32, #tpu.memory_space<hbm>>
    tpu.wait_indirect_dma semaphore(%arg13 : memref<!tpu.dma_semaphore, #tpu.memory_space<semaphore_mem>>) src(%dma_wait3A_514 : memref<8192x256xf32, #tpu.memory_space<hbm>>) dst(%dma_wait3A_508 : memref<48x256xf32, #tpu.memory_space<vmem>>)
    %dma_wait3A_515 = arith.constant 2 : i32
    %dma_wait3A_516 = arith.constant 2 : i32
    %dma_wait3A_517 = arith.constant 0 : i32
    %dma_wait3A_518 = arith.constant 0 : i32
    %dma_wait3A_519 = tpu.memref_slice %arg9[%dma_wait3A_516, %dma_wait3A_517, %dma_wait3A_518] : memref<5x48x256xf32, #tpu.memory_space<vmem>> -> memref<1x48x256xf32, #tpu.memory_space<vmem>>
    %dma_wait3A_520 = tpu.memref_squeeze %dma_wait3A_519 : memref<1x48x256xf32, #tpu.memory_space<vmem>> -> memref<48x256xf32, #tpu.memory_space<vmem>>
    %dma_wait3A_521 = arith.constant 0 : i32
    %dma_wait3A_522 = tpu.memref_slice %arg8[%dma_wait3A_515, %dma_wait3A_521] : memref<5x48xi32, #tpu.memory_space<vmem>> -> memref<1x48xi32, #tpu.memory_space<vmem>>
    %dma_wait3A_523 = tpu.memref_squeeze %dma_wait3A_522 : memref<1x48xi32, #tpu.memory_space<vmem>> -> memref<48xi32, #tpu.memory_space<vmem>>
    %dma_wait3A_524 = arith.constant 0 : i32
    %dma_wait3A_525 = arith.constant 0 : i32
    %dma_wait3A_526 = tpu.memref_slice %arg2[%dma_wait3A_524, %dma_wait3A_525] : memref<8192x256xf32, #tpu.memory_space<hbm>> -> memref<8192x256xf32, #tpu.memory_space<hbm>>
    tpu.wait_indirect_dma semaphore(%arg13 : memref<!tpu.dma_semaphore, #tpu.memory_space<semaphore_mem>>) src(%dma_wait3A_526 : memref<8192x256xf32, #tpu.memory_space<hbm>>) dst(%dma_wait3A_520 : memref<48x256xf32, #tpu.memory_space<vmem>>)
    %dma_wait3A_527 = arith.constant 3 : i32
    %dma_wait3A_528 = arith.constant 3 : i32
    %dma_wait3A_529 = arith.constant 0 : i32
    %dma_wait3A_530 = arith.constant 0 : i32
    %dma_wait3A_531 = tpu.memref_slice %arg9[%dma_wait3A_528, %dma_wait3A_529, %dma_wait3A_530] : memref<5x48x256xf32, #tpu.memory_space<vmem>> -> memref<1x48x256xf32, #tpu.memory_space<vmem>>
    %dma_wait3A_532 = tpu.memref_squeeze %dma_wait3A_531 : memref<1x48x256xf32, #tpu.memory_space<vmem>> -> memref<48x256xf32, #tpu.memory_space<vmem>>
    %dma_wait3A_533 = arith.constant 0 : i32
    %dma_wait3A_534 = tpu.memref_slice %arg8[%dma_wait3A_527, %dma_wait3A_533] : memref<5x48xi32, #tpu.memory_space<vmem>> -> memref<1x48xi32, #tpu.memory_space<vmem>>
    %dma_wait3A_535 = tpu.memref_squeeze %dma_wait3A_534 : memref<1x48xi32, #tpu.memory_space<vmem>> -> memref<48xi32, #tpu.memory_space<vmem>>
    %dma_wait3A_536 = arith.constant 0 : i32
    %dma_wait3A_537 = arith.constant 0 : i32
    %dma_wait3A_538 = tpu.memref_slice %arg2[%dma_wait3A_536, %dma_wait3A_537] : memref<8192x256xf32, #tpu.memory_space<hbm>> -> memref<8192x256xf32, #tpu.memory_space<hbm>>
    tpu.wait_indirect_dma semaphore(%arg13 : memref<!tpu.dma_semaphore, #tpu.memory_space<semaphore_mem>>) src(%dma_wait3A_538 : memref<8192x256xf32, #tpu.memory_space<hbm>>) dst(%dma_wait3A_532 : memref<48x256xf32, #tpu.memory_space<vmem>>)
    %dma_wait3A_539 = arith.constant 4 : i32
    %dma_wait3A_540 = arith.constant 4 : i32
    %dma_wait3A_541 = arith.constant 0 : i32
    %dma_wait3A_542 = arith.constant 0 : i32
    %dma_wait3A_543 = tpu.memref_slice %arg9[%dma_wait3A_540, %dma_wait3A_541, %dma_wait3A_542] : memref<5x48x256xf32, #tpu.memory_space<vmem>> -> memref<1x48x256xf32, #tpu.memory_space<vmem>>
    %dma_wait3A_544 = tpu.memref_squeeze %dma_wait3A_543 : memref<1x48x256xf32, #tpu.memory_space<vmem>> -> memref<48x256xf32, #tpu.memory_space<vmem>>
    %dma_wait3A_545 = arith.constant 0 : i32
    %dma_wait3A_546 = tpu.memref_slice %arg8[%dma_wait3A_539, %dma_wait3A_545] : memref<5x48xi32, #tpu.memory_space<vmem>> -> memref<1x48xi32, #tpu.memory_space<vmem>>
    %dma_wait3A_547 = tpu.memref_squeeze %dma_wait3A_546 : memref<1x48xi32, #tpu.memory_space<vmem>> -> memref<48xi32, #tpu.memory_space<vmem>>
    %dma_wait3A_548 = arith.constant 0 : i32
    %dma_wait3A_549 = arith.constant 0 : i32
    %dma_wait3A_550 = tpu.memref_slice %arg2[%dma_wait3A_548, %dma_wait3A_549] : memref<8192x256xf32, #tpu.memory_space<hbm>> -> memref<8192x256xf32, #tpu.memory_space<hbm>>
    tpu.wait_indirect_dma semaphore(%arg13 : memref<!tpu.dma_semaphore, #tpu.memory_space<semaphore_mem>>) src(%dma_wait3A_550 : memref<8192x256xf32, #tpu.memory_space<hbm>>) dst(%dma_wait3A_544 : memref<48x256xf32, #tpu.memory_space<vmem>>)
    %get3A_551 = arith.constant 0 : i32
    %get3A_552 = arith.index_cast %get3A_551 : i32 to index
    %get3A_553 = arith.constant 0 : index
    %get3A_554 = tpu.vector_load %arg8[%get3A_552, %get3A_553] {strides = array<i32>} : memref<5x48xi32, #tpu.memory_space<vmem>>, vector<16xi32>,
    tpu.vector_store_idx %arg11[%get3A_554], %broadcast_in_dim3A_9 {add = true} : memref<8192xf32, #tpu.memory_space<vmem>>[vector<16xi32>], vector<16xf32>,
    %get3A_555 = arith.constant 0 : i32
    %get3A_556 = arith.index_cast %get3A_555 : i32 to index
    %get3A_557 = arith.constant 16 : index
    %get3A_558 = tpu.vector_load %arg8[%get3A_556, %get3A_557] {strides = array<i32>} : memref<5x48xi32, #tpu.memory_space<vmem>>, vector<16xi32>,
    tpu.vector_store_idx %arg11[%get3A_558], %broadcast_in_dim3A_9 {add = true} : memref<8192xf32, #tpu.memory_space<vmem>>[vector<16xi32>], vector<16xf32>,
    %get3A_559 = arith.constant 0 : i32
    %get3A_560 = arith.index_cast %get3A_559 : i32 to index
    %get3A_561 = arith.constant 32 : index
    %get3A_562 = tpu.vector_load %arg8[%get3A_560, %get3A_561] {strides = array<i32>} : memref<5x48xi32, #tpu.memory_space<vmem>>, vector<16xi32>,
    tpu.vector_store_idx %arg11[%get3A_562], %broadcast_in_dim3A_9 {add = true} : memref<8192xf32, #tpu.memory_space<vmem>>[vector<16xi32>], vector<16xf32>,
    %get3A_563 = arith.constant 1 : i32
    %get3A_564 = arith.index_cast %get3A_563 : i32 to index
    %get3A_565 = arith.constant 0 : index
    %get3A_566 = tpu.vector_load %arg8[%get3A_564, %get3A_565] {strides = array<i32>} : memref<5x48xi32, #tpu.memory_space<vmem>>, vector<16xi32>,
    tpu.vector_store_idx %arg11[%get3A_566], %broadcast_in_dim3A_9 {add = true} : memref<8192xf32, #tpu.memory_space<vmem>>[vector<16xi32>], vector<16xf32>,
    %get3A_567 = arith.constant 1 : i32
    %get3A_568 = arith.index_cast %get3A_567 : i32 to index
    %get3A_569 = arith.constant 16 : index
    %get3A_570 = tpu.vector_load %arg8[%get3A_568, %get3A_569] {strides = array<i32>} : memref<5x48xi32, #tpu.memory_space<vmem>>, vector<16xi32>,
    tpu.vector_store_idx %arg11[%get3A_570], %broadcast_in_dim3A_9 {add = true} : memref<8192xf32, #tpu.memory_space<vmem>>[vector<16xi32>], vector<16xf32>,
    %get3A_571 = arith.constant 1 : i32
    %get3A_572 = arith.index_cast %get3A_571 : i32 to index
    %get3A_573 = arith.constant 32 : index
    %get3A_574 = tpu.vector_load %arg8[%get3A_572, %get3A_573] {strides = array<i32>} : memref<5x48xi32, #tpu.memory_space<vmem>>, vector<16xi32>,
    tpu.vector_store_idx %arg11[%get3A_574], %broadcast_in_dim3A_9 {add = true} : memref<8192xf32, #tpu.memory_space<vmem>>[vector<16xi32>], vector<16xf32>,
    %get3A_575 = arith.constant 2 : i32
    %get3A_576 = arith.index_cast %get3A_575 : i32 to index
    %get3A_577 = arith.constant 0 : index
    %get3A_578 = tpu.vector_load %arg8[%get3A_576, %get3A_577] {strides = array<i32>} : memref<5x48xi32, #tpu.memory_space<vmem>>, vector<16xi32>,
    tpu.vector_store_idx %arg11[%get3A_578], %broadcast_in_dim3A_9 {add = true} : memref<8192xf32, #tpu.memory_space<vmem>>[vector<16xi32>], vector<16xf32>,
    %get3A_579 = arith.constant 2 : i32
    %get3A_580 = arith.index_cast %get3A_579 : i32 to index
    %get3A_581 = arith.constant 16 : index
    %get3A_582 = tpu.vector_load %arg8[%get3A_580, %get3A_581] {strides = array<i32>} : memref<5x48xi32, #tpu.memory_space<vmem>>, vector<16xi32>,
    tpu.vector_store_idx %arg11[%get3A_582], %broadcast_in_dim3A_9 {add = true} : memref<8192xf32, #tpu.memory_space<vmem>>[vector<16xi32>], vector<16xf32>,
    %get3A_583 = arith.constant 2 : i32
    %get3A_584 = arith.index_cast %get3A_583 : i32 to index
    %get3A_585 = arith.constant 32 : index
    %get3A_586 = tpu.vector_load %arg8[%get3A_584, %get3A_585] {strides = array<i32>} : memref<5x48xi32, #tpu.memory_space<vmem>>, vector<16xi32>,
    tpu.vector_store_idx %arg11[%get3A_586], %broadcast_in_dim3A_9 {add = true} : memref<8192xf32, #tpu.memory_space<vmem>>[vector<16xi32>], vector<16xf32>,
    %get3A_587 = arith.constant 3 : i32
    %get3A_588 = arith.index_cast %get3A_587 : i32 to index
    %get3A_589 = arith.constant 0 : index
    %get3A_590 = tpu.vector_load %arg8[%get3A_588, %get3A_589] {strides = array<i32>} : memref<5x48xi32, #tpu.memory_space<vmem>>, vector<16xi32>,
    tpu.vector_store_idx %arg11[%get3A_590], %broadcast_in_dim3A_9 {add = true} : memref<8192xf32, #tpu.memory_space<vmem>>[vector<16xi32>], vector<16xf32>,
    %get3A_591 = arith.constant 3 : i32
    %get3A_592 = arith.index_cast %get3A_591 : i32 to index
    %get3A_593 = arith.constant 16 : index
    %get3A_594 = tpu.vector_load %arg8[%get3A_592, %get3A_593] {strides = array<i32>} : memref<5x48xi32, #tpu.memory_space<vmem>>, vector<16xi32>,
    tpu.vector_store_idx %arg11[%get3A_594], %broadcast_in_dim3A_9 {add = true} : memref<8192xf32, #tpu.memory_space<vmem>>[vector<16xi32>], vector<16xf32>,
    %get3A_595 = arith.constant 3 : i32
    %get3A_596 = arith.index_cast %get3A_595 : i32 to index
    %get3A_597 = arith.constant 32 : index
    %get3A_598 = tpu.vector_load %arg8[%get3A_596, %get3A_597] {strides = array<i32>} : memref<5x48xi32, #tpu.memory_space<vmem>>, vector<16xi32>,
    tpu.vector_store_idx %arg11[%get3A_598], %broadcast_in_dim3A_9 {add = true} : memref<8192xf32, #tpu.memory_space<vmem>>[vector<16xi32>], vector<16xf32>,
    %get3A_599 = arith.constant 4 : i32
    %get3A_600 = arith.index_cast %get3A_599 : i32 to index
    %get3A_601 = arith.constant 0 : index
    %get3A_602 = tpu.vector_load %arg8[%get3A_600, %get3A_601] {strides = array<i32>} : memref<5x48xi32, #tpu.memory_space<vmem>>, vector<16xi32>,
    tpu.vector_store_idx %arg11[%get3A_602], %broadcast_in_dim3A_9 {add = true} : memref<8192xf32, #tpu.memory_space<vmem>>[vector<16xi32>], vector<16xf32>,
    %get3A_603 = arith.constant 4 : i32
    %get3A_604 = arith.index_cast %get3A_603 : i32 to index
    %get3A_605 = arith.constant 16 : index
    %get3A_606 = tpu.vector_load %arg8[%get3A_604, %get3A_605] {strides = array<i32>} : memref<5x48xi32, #tpu.memory_space<vmem>>, vector<16xi32>,
    tpu.vector_store_idx %arg11[%get3A_606], %broadcast_in_dim3A_9 {add = true} : memref<8192xf32, #tpu.memory_space<vmem>>[vector<16xi32>], vector<16xf32>,
    %get3A_607 = arith.constant 4 : i32
    %get3A_608 = arith.index_cast %get3A_607 : i32 to index
    %get3A_609 = arith.constant 32 : index
    %get3A_610 = tpu.vector_load %arg8[%get3A_608, %get3A_609] {strides = array<i32>} : memref<5x48xi32, #tpu.memory_space<vmem>>, vector<16xi32>,
    tpu.vector_store_idx %arg11[%get3A_610], %broadcast_in_dim3A_9 {add = true} : memref<8192xf32, #tpu.memory_space<vmem>>[vector<16xi32>], vector<16xf32>,
    %scan3A_611 = arith.constant 0 : i32
    %scan3A_612 = arith.constant 48 : i32
    %scan3A_613 = arith.addi %scan3A_611, %scan3A_612 : i32
    %scan3A_614 = arith.constant 1 : i32
    %scan3A_615 = scf.for %scan3A_622 = %scan3A_611 to %scan3A_613 step %scan3A_614 iter_args(%scan3A_623 = %scan3A_412) -> (vector<16xf32>)  : i32 {
      %get3A_624 = arith.constant 0 : i32
      %get3A_625 = arith.index_cast %get3A_624 : i32 to index
      %get3A_626 = arith.index_cast %scan3A_622 : i32 to index
      %get3A_627 = arith.constant 0 : index
      %get3A_628 = tpu.vector_load %arg9[%get3A_625, %get3A_626, %get3A_627] {strides = array<i32>} : memref<5x48x256xf32, #tpu.memory_space<vmem>>, vector<16xf32>,
      %get3A_629 = arith.constant 1 : i32
      %get3A_630 = arith.index_cast %get3A_629 : i32 to index
      %get3A_631 = arith.index_cast %scan3A_622 : i32 to index
      %get3A_632 = arith.constant 0 : index
      %get3A_633 = tpu.vector_load %arg9[%get3A_630, %get3A_631, %get3A_632] {strides = array<i32>} : memref<5x48x256xf32, #tpu.memory_space<vmem>>, vector<16xf32>,
      %add3A_634 = arith.addf %get3A_628, %get3A_633 : vector<16xf32>
      %get3A_635 = arith.constant 2 : i32
      %get3A_636 = arith.index_cast %get3A_635 : i32 to index
      %get3A_637 = arith.index_cast %scan3A_622 : i32 to index
      %get3A_638 = arith.constant 0 : index
      %get3A_639 = tpu.vector_load %arg9[%get3A_636, %get3A_637, %get3A_638] {strides = array<i32>} : memref<5x48x256xf32, #tpu.memory_space<vmem>>, vector<16xf32>,
      %get3A_640 = arith.constant 3 : i32
      %get3A_641 = arith.index_cast %get3A_640 : i32 to index
      %get3A_642 = arith.index_cast %scan3A_622 : i32 to index
      %get3A_643 = arith.constant 0 : index
      %get3A_644 = tpu.vector_load %arg9[%get3A_641, %get3A_642, %get3A_643] {strides = array<i32>} : memref<5x48x256xf32, #tpu.memory_space<vmem>>, vector<16xf32>,
      %add3A_645 = arith.addf %get3A_639, %get3A_644 : vector<16xf32>
      %add3A_646 = arith.addf %add3A_634, %add3A_645 : vector<16xf32>
      %get3A_647 = arith.constant 4 : i32
      %get3A_648 = arith.index_cast %get3A_647 : i32 to index
      %get3A_649 = arith.index_cast %scan3A_622 : i32 to index
      %get3A_650 = arith.constant 0 : index
      %get3A_651 = tpu.vector_load %arg9[%get3A_648, %get3A_649, %get3A_650] {strides = array<i32>} : memref<5x48x256xf32, #tpu.memory_space<vmem>>, vector<16xf32>,
      %add3A_652 = arith.addf %add3A_646, %get3A_651 : vector<16xf32>
      %div3A = arith.constant 5.000000e+00 : f32
      %div3A_653 = vector.broadcast %div3A : f32 to vector<16xf32>
      %div3A_654 = arith.divf %add3A_652, %div3A_653 : vector<16xf32>
      %get3A_655 = arith.index_cast %scan3A_622 : i32 to index
      %get3A_656 = arith.constant 0 : index
      %get3A_657 = tpu.vector_load %arg10[%get3A_655, %get3A_656] {strides = array<i32>} : memref<48x256xf32, #tpu.memory_space<vmem>>, vector<16xf32>,
      %sub3A = arith.subf %div3A_654, %get3A_657 : vector<16xf32>
      %add3A_658 = arith.addf %get3A_657, %sub3A : vector<16xf32>
      %swap3A_659 = arith.index_cast %scan3A_622 : i32 to index
      %swap3A_660 = arith.constant 0 : index
      %swap3A_661 = tpu.vector_load %arg10[%swap3A_659, %swap3A_660] {strides = array<i32>} : memref<48x256xf32, #tpu.memory_space<vmem>>, vector<16xf32>,
      tpu.vector_store %arg10[%swap3A_659, %swap3A_660], %add3A_658 {strides = array<i32>} : memref<48x256xf32, #tpu.memory_space<vmem>>, vector<16xf32>,
      %mul3A_662 = arith.mulf %sub3A, %sub3A : vector<16xf32>
      %add3A_663 = arith.addf %scan3A_623, %mul3A_662 : vector<16xf32>
      %get3A_664 = arith.constant 0 : i32
      %get3A_665 = arith.index_cast %get3A_664 : i32 to index
      %get3A_666 = arith.index_cast %scan3A_622 : i32 to index
      %get3A_667 = arith.constant 16 : index
      %get3A_668 = tpu.vector_load %arg9[%get3A_665, %get3A_666, %get3A_667] {strides = array<i32>} : memref<5x48x256xf32, #tpu.memory_space<vmem>>, vector<16xf32>,
      %get3A_669 = arith.constant 1 : i32
      %get3A_670 = arith.index_cast %get3A_669 : i32 to index
      %get3A_671 = arith.index_cast %scan3A_622 : i32 to index
      %get3A_672 = arith.constant 16 : index
      %get3A_673 = tpu.vector_load %arg9[%get3A_670, %get3A_671, %get3A_672] {strides = array<i32>} : memref<5x48x256xf32, #tpu.memory_space<vmem>>, vector<16xf32>,
      %add3A_674 = arith.addf %get3A_668, %get3A_673 : vector<16xf32>
      %get3A_675 = arith.constant 2 : i32
      %get3A_676 = arith.index_cast %get3A_675 : i32 to index
      %get3A_677 = arith.index_cast %scan3A_622 : i32 to index
      %get3A_678 = arith.constant 16 : index
      %get3A_679 = tpu.vector_load %arg9[%get3A_676, %get3A_677, %get3A_678] {strides = array<i32>} : memref<5x48x256xf32, #tpu.memory_space<vmem>>, vector<16xf32>,
      %get3A_680 = arith.constant 3 : i32
      %get3A_681 = arith.index_cast %get3A_680 : i32 to index
      %get3A_682 = arith.index_cast %scan3A_622 : i32 to index
      %get3A_683 = arith.constant 16 : index
      %get3A_684 = tpu.vector_load %arg9[%get3A_681, %get3A_682, %get3A_683] {strides = array<i32>} : memref<5x48x256xf32, #tpu.memory_space<vmem>>, vector<16xf32>,
      %add3A_685 = arith.addf %get3A_679, %get3A_684 : vector<16xf32>
      %add3A_686 = arith.addf %add3A_674, %add3A_685 : vector<16xf32>
      %get3A_687 = arith.constant 4 : i32
      %get3A_688 = arith.index_cast %get3A_687 : i32 to index
      %get3A_689 = arith.index_cast %scan3A_622 : i32 to index
      %get3A_690 = arith.constant 16 : index
      %get3A_691 = tpu.vector_load %arg9[%get3A_688, %get3A_689, %get3A_690] {strides = array<i32>} : memref<5x48x256xf32, #tpu.memory_space<vmem>>, vector<16xf32>,
      %add3A_692 = arith.addf %add3A_686, %get3A_691 : vector<16xf32>
      %div3A_693 = arith.constant 5.000000e+00 : f32
      %div3A_694 = vector.broadcast %div3A_693 : f32 to vector<16xf32>
      %div3A_695 = arith.divf %add3A_692, %div3A_694 : vector<16xf32>
      %get3A_696 = arith.index_cast %scan3A_622 : i32 to index
      %get3A_697 = arith.constant 16 : index
      %get3A_698 = tpu.vector_load %arg10[%get3A_696, %get3A_697] {strides = array<i32>} : memref<48x256xf32, #tpu.memory_space<vmem>>, vector<16xf32>,
      %sub3A_699 = arith.subf %div3A_695, %get3A_698 : vector<16xf32>
      %add3A_700 = arith.addf %get3A_698, %sub3A_699 : vector<16xf32>
      %swap3A_701 = arith.index_cast %scan3A_622 : i32 to index
      %swap3A_702 = arith.constant 16 : index
      %swap3A_703 = tpu.vector_load %arg10[%swap3A_701, %swap3A_702] {strides = array<i32>} : memref<48x256xf32, #tpu.memory_space<vmem>>, vector<16xf32>,
      tpu.vector_store %arg10[%swap3A_701, %swap3A_702], %add3A_700 {strides = array<i32>} : memref<48x256xf32, #tpu.memory_space<vmem>>, vector<16xf32>,
      %mul3A_704 = arith.mulf %sub3A_699, %sub3A_699 : vector<16xf32>
      %add3A_705 = arith.addf %add3A_663, %mul3A_704 : vector<16xf32>
      %get3A_706 = arith.constant 0 : i32
      %get3A_707 = arith.index_cast %get3A_706 : i32 to index
      %get3A_708 = arith.index_cast %scan3A_622 : i32 to index
      %get3A_709 = arith.constant 32 : index
      %get3A_710 = tpu.vector_load %arg9[%get3A_707, %get3A_708, %get3A_709] {strides = array<i32>} : memref<5x48x256xf32, #tpu.memory_space<vmem>>, vector<16xf32>,
      %get3A_711 = arith.constant 1 : i32
      %get3A_712 = arith.index_cast %get3A_711 : i32 to index
      %get3A_713 = arith.index_cast %scan3A_622 : i32 to index
      %get3A_714 = arith.constant 32 : index
      %get3A_715 = tpu.vector_load %arg9[%get3A_712, %get3A_713, %get3A_714] {strides = array<i32>} : memref<5x48x256xf32, #tpu.memory_space<vmem>>, vector<16xf32>,
      %add3A_716 = arith.addf %get3A_710, %get3A_715 : vector<16xf32>
      %get3A_717 = arith.constant 2 : i32
      %get3A_718 = arith.index_cast %get3A_717 : i32 to index
      %get3A_719 = arith.index_cast %scan3A_622 : i32 to index
      %get3A_720 = arith.constant 32 : index
      %get3A_721 = tpu.vector_load %arg9[%get3A_718, %get3A_719, %get3A_720] {strides = array<i32>} : memref<5x48x256xf32, #tpu.memory_space<vmem>>, vector<16xf32>,
      %get3A_722 = arith.constant 3 : i32
      %get3A_723 = arith.index_cast %get3A_722 : i32 to index
      %get3A_724 = arith.index_cast %scan3A_622 : i32 to index
      %get3A_725 = arith.constant 32 : index
      %get3A_726 = tpu.vector_load %arg9[%get3A_723, %get3A_724, %get3A_725] {strides = array<i32>} : memref<5x48x256xf32, #tpu.memory_space<vmem>>, vector<16xf32>,
      %add3A_727 = arith.addf %get3A_721, %get3A_726 : vector<16xf32>
      %add3A_728 = arith.addf %add3A_716, %add3A_727 : vector<16xf32>
      %get3A_729 = arith.constant 4 : i32
      %get3A_730 = arith.index_cast %get3A_729 : i32 to index
      %get3A_731 = arith.index_cast %scan3A_622 : i32 to index
      %get3A_732 = arith.constant 32 : index
      %get3A_733 = tpu.vector_load %arg9[%get3A_730, %get3A_731, %get3A_732] {strides = array<i32>} : memref<5x48x256xf32, #tpu.memory_space<vmem>>, vector<16xf32>,
      %add3A_734 = arith.addf %add3A_728, %get3A_733 : vector<16xf32>
      %div3A_735 = arith.constant 5.000000e+00 : f32
      %div3A_736 = vector.broadcast %div3A_735 : f32 to vector<16xf32>
      %div3A_737 = arith.divf %add3A_734, %div3A_736 : vector<16xf32>
      %get3A_738 = arith.index_cast %scan3A_622 : i32 to index
      %get3A_739 = arith.constant 32 : index
      %get3A_740 = tpu.vector_load %arg10[%get3A_738, %get3A_739] {strides = array<i32>} : memref<48x256xf32, #tpu.memory_space<vmem>>, vector<16xf32>,
      %sub3A_741 = arith.subf %div3A_737, %get3A_740 : vector<16xf32>
      %add3A_742 = arith.addf %get3A_740, %sub3A_741 : vector<16xf32>
      %swap3A_743 = arith.index_cast %scan3A_622 : i32 to index
      %swap3A_744 = arith.constant 32 : index
      %swap3A_745 = tpu.vector_load %arg10[%swap3A_743, %swap3A_744] {strides = array<i32>} : memref<48x256xf32, #tpu.memory_space<vmem>>, vector<16xf32>,
      tpu.vector_store %arg10[%swap3A_743, %swap3A_744], %add3A_742 {strides = array<i32>} : memref<48x256xf32, #tpu.memory_space<vmem>>, vector<16xf32>,
      %mul3A_746 = arith.mulf %sub3A_741, %sub3A_741 : vector<16xf32>
      %add3A_747 = arith.addf %add3A_705, %mul3A_746 : vector<16xf32>
      %get3A_748 = arith.constant 0 : i32
      %get3A_749 = arith.index_cast %get3A_748 : i32 to index
      %get3A_750 = arith.index_cast %scan3A_622 : i32 to index
      %get3A_751 = arith.constant 48 : index
      %get3A_752 = tpu.vector_load %arg9[%get3A_749, %get3A_750, %get3A_751] {strides = array<i32>} : memref<5x48x256xf32, #tpu.memory_space<vmem>>, vector<16xf32>,
      %get3A_753 = arith.constant 1 : i32
      %get3A_754 = arith.index_cast %get3A_753 : i32 to index
      %get3A_755 = arith.index_cast %scan3A_622 : i32 to index
      %get3A_756 = arith.constant 48 : index
      %get3A_757 = tpu.vector_load %arg9[%get3A_754, %get3A_755, %get3A_756] {strides = array<i32>} : memref<5x48x256xf32, #tpu.memory_space<vmem>>, vector<16xf32>,
      %add3A_758 = arith.addf %get3A_752, %get3A_757 : vector<16xf32>
      %get3A_759 = arith.constant 2 : i32
      %get3A_760 = arith.index_cast %get3A_759 : i32 to index
      %get3A_761 = arith.index_cast %scan3A_622 : i32 to index
      %get3A_762 = arith.constant 48 : index
      %get3A_763 = tpu.vector_load %arg9[%get3A_760, %get3A_761, %get3A_762] {strides = array<i32>} : memref<5x48x256xf32, #tpu.memory_space<vmem>>, vector<16xf32>,
      %get3A_764 = arith.constant 3 : i32
      %get3A_765 = arith.index_cast %get3A_764 : i32 to index
      %get3A_766 = arith.index_cast %scan3A_622 : i32 to index
      %get3A_767 = arith.constant 48 : index
      %get3A_768 = tpu.vector_load %arg9[%get3A_765, %get3A_766, %get3A_767] {strides = array<i32>} : memref<5x48x256xf32, #tpu.memory_space<vmem>>, vector<16xf32>,
      %add3A_769 = arith.addf %get3A_763, %get3A_768 : vector<16xf32>
      %add3A_770 = arith.addf %add3A_758, %add3A_769 : vector<16xf32>
      %get3A_771 = arith.constant 4 : i32
      %get3A_772 = arith.index_cast %get3A_771 : i32 to index
      %get3A_773 = arith.index_cast %scan3A_622 : i32 to index
      %get3A_774 = arith.constant 48 : index
      %get3A_775 = tpu.vector_load %arg9[%get3A_772, %get3A_773, %get3A_774] {strides = array<i32>} : memref<5x48x256xf32, #tpu.memory_space<vmem>>, vector<16xf32>,
      %add3A_776 = arith.addf %add3A_770, %get3A_775 : vector<16xf32>
      %div3A_777 = arith.constant 5.000000e+00 : f32
      %div3A_778 = vector.broadcast %div3A_777 : f32 to vector<16xf32>
      %div3A_779 = arith.divf %add3A_776, %div3A_778 : vector<16xf32>
      %get3A_780 = arith.index_cast %scan3A_622 : i32 to index
      %get3A_781 = arith.constant 48 : index
      %get3A_782 = tpu.vector_load %arg10[%get3A_780, %get3A_781] {strides = array<i32>} : memref<48x256xf32, #tpu.memory_space<vmem>>, vector<16xf32>,
      %sub3A_783 = arith.subf %div3A_779, %get3A_782 : vector<16xf32>
      %add3A_784 = arith.addf %get3A_782, %sub3A_783 : vector<16xf32>
      %swap3A_785 = arith.index_cast %scan3A_622 : i32 to index
      %swap3A_786 = arith.constant 48 : index
      %swap3A_787 = tpu.vector_load %arg10[%swap3A_785, %swap3A_786] {strides = array<i32>} : memref<48x256xf32, #tpu.memory_space<vmem>>, vector<16xf32>,
      tpu.vector_store %arg10[%swap3A_785, %swap3A_786], %add3A_784 {strides = array<i32>} : memref<48x256xf32, #tpu.memory_space<vmem>>, vector<16xf32>,
      %mul3A_788 = arith.mulf %sub3A_783, %sub3A_783 : vector<16xf32>
      %add3A_789 = arith.addf %add3A_747, %mul3A_788 : vector<16xf32>
      %get3A_790 = arith.constant 0 : i32
      %get3A_791 = arith.index_cast %get3A_790 : i32 to index
      %get3A_792 = arith.index_cast %scan3A_622 : i32 to index
      %get3A_793 = arith.constant 64 : index
      %get3A_794 = tpu.vector_load %arg9[%get3A_791, %get3A_792, %get3A_793] {strides = array<i32>} : memref<5x48x256xf32, #tpu.memory_space<vmem>>, vector<16xf32>,
      %get3A_795 = arith.constant 1 : i32
      %get3A_796 = arith.index_cast %get3A_795 : i32 to index
      %get3A_797 = arith.index_cast %scan3A_622 : i32 to index
      %get3A_798 = arith.constant 64 : index
      %get3A_799 = tpu.vector_load %arg9[%get3A_796, %get3A_797, %get3A_798] {strides = array<i32>} : memref<5x48x256xf32, #tpu.memory_space<vmem>>, vector<16xf32>,
      %add3A_800 = arith.addf %get3A_794, %get3A_799 : vector<16xf32>
      %get3A_801 = arith.constant 2 : i32
      %get3A_802 = arith.index_cast %get3A_801 : i32 to index
      %get3A_803 = arith.index_cast %scan3A_622 : i32 to index
      %get3A_804 = arith.constant 64 : index
      %get3A_805 = tpu.vector_load %arg9[%get3A_802, %get3A_803, %get3A_804] {strides = array<i32>} : memref<5x48x256xf32, #tpu.memory_space<vmem>>, vector<16xf32>,
      %get3A_806 = arith.constant 3 : i32
      %get3A_807 = arith.index_cast %get3A_806 : i32 to index
      %get3A_808 = arith.index_cast %scan3A_622 : i32 to index
      %get3A_809 = arith.constant 64 : index
      %get3A_810 = tpu.vector_load %arg9[%get3A_807, %get3A_808, %get3A_809] {strides = array<i32>} : memref<5x48x256xf32, #tpu.memory_space<vmem>>, vector<16xf32>,
      %add3A_811 = arith.addf %get3A_805, %get3A_810 : vector<16xf32>
      %add3A_812 = arith.addf %add3A_800, %add3A_811 : vector<16xf32>
      %get3A_813 = arith.constant 4 : i32
      %get3A_814 = arith.index_cast %get3A_813 : i32 to index
      %get3A_815 = arith.index_cast %scan3A_622 : i32 to index
      %get3A_816 = arith.constant 64 : index
      %get3A_817 = tpu.vector_load %arg9[%get3A_814, %get3A_815, %get3A_816] {strides = array<i32>} : memref<5x48x256xf32, #tpu.memory_space<vmem>>, vector<16xf32>,
      %add3A_818 = arith.addf %add3A_812, %get3A_817 : vector<16xf32>
      %div3A_819 = arith.constant 5.000000e+00 : f32
      %div3A_820 = vector.broadcast %div3A_819 : f32 to vector<16xf32>
      %div3A_821 = arith.divf %add3A_818, %div3A_820 : vector<16xf32>
      %get3A_822 = arith.index_cast %scan3A_622 : i32 to index
      %get3A_823 = arith.constant 64 : index
      %get3A_824 = tpu.vector_load %arg10[%get3A_822, %get3A_823] {strides = array<i32>} : memref<48x256xf32, #tpu.memory_space<vmem>>, vector<16xf32>,
      %sub3A_825 = arith.subf %div3A_821, %get3A_824 : vector<16xf32>
      %add3A_826 = arith.addf %get3A_824, %sub3A_825 : vector<16xf32>
      %swap3A_827 = arith.index_cast %scan3A_622 : i32 to index
      %swap3A_828 = arith.constant 64 : index
      %swap3A_829 = tpu.vector_load %arg10[%swap3A_827, %swap3A_828] {strides = array<i32>} : memref<48x256xf32, #tpu.memory_space<vmem>>, vector<16xf32>,
      tpu.vector_store %arg10[%swap3A_827, %swap3A_828], %add3A_826 {strides = array<i32>} : memref<48x256xf32, #tpu.memory_space<vmem>>, vector<16xf32>,
      %mul3A_830 = arith.mulf %sub3A_825, %sub3A_825 : vector<16xf32>
      %add3A_831 = arith.addf %add3A_789, %mul3A_830 : vector<16xf32>
      %get3A_832 = arith.constant 0 : i32
      %get3A_833 = arith.index_cast %get3A_832 : i32 to index
      %get3A_834 = arith.index_cast %scan3A_622 : i32 to index
      %get3A_835 = arith.constant 80 : index
      %get3A_836 = tpu.vector_load %arg9[%get3A_833, %get3A_834, %get3A_835] {strides = array<i32>} : memref<5x48x256xf32, #tpu.memory_space<vmem>>, vector<16xf32>,
      %get3A_837 = arith.constant 1 : i32
      %get3A_838 = arith.index_cast %get3A_837 : i32 to index
      %get3A_839 = arith.index_cast %scan3A_622 : i32 to index
      %get3A_840 = arith.constant 80 : index
      %get3A_841 = tpu.vector_load %arg9[%get3A_838, %get3A_839, %get3A_840] {strides = array<i32>} : memref<5x48x256xf32, #tpu.memory_space<vmem>>, vector<16xf32>,
      %add3A_842 = arith.addf %get3A_836, %get3A_841 : vector<16xf32>
      %get3A_843 = arith.constant 2 : i32
      %get3A_844 = arith.index_cast %get3A_843 : i32 to index
      %get3A_845 = arith.index_cast %scan3A_622 : i32 to index
      %get3A_846 = arith.constant 80 : index
      %get3A_847 = tpu.vector_load %arg9[%get3A_844, %get3A_845, %get3A_846] {strides = array<i32>} : memref<5x48x256xf32, #tpu.memory_space<vmem>>, vector<16xf32>,
      %get3A_848 = arith.constant 3 : i32
      %get3A_849 = arith.index_cast %get3A_848 : i32 to index
      %get3A_850 = arith.index_cast %scan3A_622 : i32 to index
      %get3A_851 = arith.constant 80 : index
      %get3A_852 = tpu.vector_load %arg9[%get3A_849, %get3A_850, %get3A_851] {strides = array<i32>} : memref<5x48x256xf32, #tpu.memory_space<vmem>>, vector<16xf32>,
      %add3A_853 = arith.addf %get3A_847, %get3A_852 : vector<16xf32>
      %add3A_854 = arith.addf %add3A_842, %add3A_853 : vector<16xf32>
      %get3A_855 = arith.constant 4 : i32
      %get3A_856 = arith.index_cast %get3A_855 : i32 to index
      %get3A_857 = arith.index_cast %scan3A_622 : i32 to index
      %get3A_858 = arith.constant 80 : index
      %get3A_859 = tpu.vector_load %arg9[%get3A_856, %get3A_857, %get3A_858] {strides = array<i32>} : memref<5x48x256xf32, #tpu.memory_space<vmem>>, vector<16xf32>,
      %add3A_860 = arith.addf %add3A_854, %get3A_859 : vector<16xf32>
      %div3A_861 = arith.constant 5.000000e+00 : f32
      %div3A_862 = vector.broadcast %div3A_861 : f32 to vector<16xf32>
      %div3A_863 = arith.divf %add3A_860, %div3A_862 : vector<16xf32>
      %get3A_864 = arith.index_cast %scan3A_622 : i32 to index
      %get3A_865 = arith.constant 80 : index
      %get3A_866 = tpu.vector_load %arg10[%get3A_864, %get3A_865] {strides = array<i32>} : memref<48x256xf32, #tpu.memory_space<vmem>>, vector<16xf32>,
      %sub3A_867 = arith.subf %div3A_863, %get3A_866 : vector<16xf32>
      %add3A_868 = arith.addf %get3A_866, %sub3A_867 : vector<16xf32>
      %swap3A_869 = arith.index_cast %scan3A_622 : i32 to index
      %swap3A_870 = arith.constant 80 : index
      %swap3A_871 = tpu.vector_load %arg10[%swap3A_869, %swap3A_870] {strides = array<i32>} : memref<48x256xf32, #tpu.memory_space<vmem>>, vector<16xf32>,
      tpu.vector_store %arg10[%swap3A_869, %swap3A_870], %add3A_868 {strides = array<i32>} : memref<48x256xf32, #tpu.memory_space<vmem>>, vector<16xf32>,
      %mul3A_872 = arith.mulf %sub3A_867, %sub3A_867 : vector<16xf32>
      %add3A_873 = arith.addf %add3A_831, %mul3A_872 : vector<16xf32>
      %get3A_874 = arith.constant 0 : i32
      %get3A_875 = arith.index_cast %get3A_874 : i32 to index
      %get3A_876 = arith.index_cast %scan3A_622 : i32 to index
      %get3A_877 = arith.constant 96 : index
      %get3A_878 = tpu.vector_load %arg9[%get3A_875, %get3A_876, %get3A_877] {strides = array<i32>} : memref<5x48x256xf32, #tpu.memory_space<vmem>>, vector<16xf32>,
      %get3A_879 = arith.constant 1 : i32
      %get3A_880 = arith.index_cast %get3A_879 : i32 to index
      %get3A_881 = arith.index_cast %scan3A_622 : i32 to index
      %get3A_882 = arith.constant 96 : index
      %get3A_883 = tpu.vector_load %arg9[%get3A_880, %get3A_881, %get3A_882] {strides = array<i32>} : memref<5x48x256xf32, #tpu.memory_space<vmem>>, vector<16xf32>,
      %add3A_884 = arith.addf %get3A_878, %get3A_883 : vector<16xf32>
      %get3A_885 = arith.constant 2 : i32
      %get3A_886 = arith.index_cast %get3A_885 : i32 to index
      %get3A_887 = arith.index_cast %scan3A_622 : i32 to index
      %get3A_888 = arith.constant 96 : index
      %get3A_889 = tpu.vector_load %arg9[%get3A_886, %get3A_887, %get3A_888] {strides = array<i32>} : memref<5x48x256xf32, #tpu.memory_space<vmem>>, vector<16xf32>,
      %get3A_890 = arith.constant 3 : i32
      %get3A_891 = arith.index_cast %get3A_890 : i32 to index
      %get3A_892 = arith.index_cast %scan3A_622 : i32 to index
      %get3A_893 = arith.constant 96 : index
      %get3A_894 = tpu.vector_load %arg9[%get3A_891, %get3A_892, %get3A_893] {strides = array<i32>} : memref<5x48x256xf32, #tpu.memory_space<vmem>>, vector<16xf32>,
      %add3A_895 = arith.addf %get3A_889, %get3A_894 : vector<16xf32>
      %add3A_896 = arith.addf %add3A_884, %add3A_895 : vector<16xf32>
      %get3A_897 = arith.constant 4 : i32
      %get3A_898 = arith.index_cast %get3A_897 : i32 to index
      %get3A_899 = arith.index_cast %scan3A_622 : i32 to index
      %get3A_900 = arith.constant 96 : index
      %get3A_901 = tpu.vector_load %arg9[%get3A_898, %get3A_899, %get3A_900] {strides = array<i32>} : memref<5x48x256xf32, #tpu.memory_space<vmem>>, vector<16xf32>,
      %add3A_902 = arith.addf %add3A_896, %get3A_901 : vector<16xf32>
      %div3A_903 = arith.constant 5.000000e+00 : f32
      %div3A_904 = vector.broadcast %div3A_903 : f32 to vector<16xf32>
      %div3A_905 = arith.divf %add3A_902, %div3A_904 : vector<16xf32>
      %get3A_906 = arith.index_cast %scan3A_622 : i32 to index
      %get3A_907 = arith.constant 96 : index
      %get3A_908 = tpu.vector_load %arg10[%get3A_906, %get3A_907] {strides = array<i32>} : memref<48x256xf32, #tpu.memory_space<vmem>>, vector<16xf32>,
      %sub3A_909 = arith.subf %div3A_905, %get3A_908 : vector<16xf32>
      %add3A_910 = arith.addf %get3A_908, %sub3A_909 : vector<16xf32>
      %swap3A_911 = arith.index_cast %scan3A_622 : i32 to index
      %swap3A_912 = arith.constant 96 : index
      %swap3A_913 = tpu.vector_load %arg10[%swap3A_911, %swap3A_912] {strides = array<i32>} : memref<48x256xf32, #tpu.memory_space<vmem>>, vector<16xf32>,
      tpu.vector_store %arg10[%swap3A_911, %swap3A_912], %add3A_910 {strides = array<i32>} : memref<48x256xf32, #tpu.memory_space<vmem>>, vector<16xf32>,
      %mul3A_914 = arith.mulf %sub3A_909, %sub3A_909 : vector<16xf32>
      %add3A_915 = arith.addf %add3A_873, %mul3A_914 : vector<16xf32>
      %get3A_916 = arith.constant 0 : i32
      %get3A_917 = arith.index_cast %get3A_916 : i32 to index
      %get3A_918 = arith.index_cast %scan3A_622 : i32 to index
      %get3A_919 = arith.constant 112 : index
      %get3A_920 = tpu.vector_load %arg9[%get3A_917, %get3A_918, %get3A_919] {strides = array<i32>} : memref<5x48x256xf32, #tpu.memory_space<vmem>>, vector<16xf32>,
      %get3A_921 = arith.constant 1 : i32
      %get3A_922 = arith.index_cast %get3A_921 : i32 to index
      %get3A_923 = arith.index_cast %scan3A_622 : i32 to index
      %get3A_924 = arith.constant 112 : index
      %get3A_925 = tpu.vector_load %arg9[%get3A_922, %get3A_923, %get3A_924] {strides = array<i32>} : memref<5x48x256xf32, #tpu.memory_space<vmem>>, vector<16xf32>,
      %add3A_926 = arith.addf %get3A_920, %get3A_925 : vector<16xf32>
      %get3A_927 = arith.constant 2 : i32
      %get3A_928 = arith.index_cast %get3A_927 : i32 to index
      %get3A_929 = arith.index_cast %scan3A_622 : i32 to index
      %get3A_930 = arith.constant 112 : index
      %get3A_931 = tpu.vector_load %arg9[%get3A_928, %get3A_929, %get3A_930] {strides = array<i32>} : memref<5x48x256xf32, #tpu.memory_space<vmem>>, vector<16xf32>,
      %get3A_932 = arith.constant 3 : i32
      %get3A_933 = arith.index_cast %get3A_932 : i32 to index
      %get3A_934 = arith.index_cast %scan3A_622 : i32 to index
      %get3A_935 = arith.constant 112 : index
      %get3A_936 = tpu.vector_load %arg9[%get3A_933, %get3A_934, %get3A_935] {strides = array<i32>} : memref<5x48x256xf32, #tpu.memory_space<vmem>>, vector<16xf32>,
      %add3A_937 = arith.addf %get3A_931, %get3A_936 : vector<16xf32>
      %add3A_938 = arith.addf %add3A_926, %add3A_937 : vector<16xf32>
      %get3A_939 = arith.constant 4 : i32
      %get3A_940 = arith.index_cast %get3A_939 : i32 to index
      %get3A_941 = arith.index_cast %scan3A_622 : i32 to index
      %get3A_942 = arith.constant 112 : index
      %get3A_943 = tpu.vector_load %arg9[%get3A_940, %get3A_941, %get3A_942] {strides = array<i32>} : memref<5x48x256xf32, #tpu.memory_space<vmem>>, vector<16xf32>,
      %add3A_944 = arith.addf %add3A_938, %get3A_943 : vector<16xf32>
      %div3A_945 = arith.constant 5.000000e+00 : f32
      %div3A_946 = vector.broadcast %div3A_945 : f32 to vector<16xf32>
      %div3A_947 = arith.divf %add3A_944, %div3A_946 : vector<16xf32>
      %get3A_948 = arith.index_cast %scan3A_622 : i32 to index
      %get3A_949 = arith.constant 112 : index
      %get3A_950 = tpu.vector_load %arg10[%get3A_948, %get3A_949] {strides = array<i32>} : memref<48x256xf32, #tpu.memory_space<vmem>>, vector<16xf32>,
      %sub3A_951 = arith.subf %div3A_947, %get3A_950 : vector<16xf32>
      %add3A_952 = arith.addf %get3A_950, %sub3A_951 : vector<16xf32>
      %swap3A_953 = arith.index_cast %scan3A_622 : i32 to index
      %swap3A_954 = arith.constant 112 : index
      %swap3A_955 = tpu.vector_load %arg10[%swap3A_953, %swap3A_954] {strides = array<i32>} : memref<48x256xf32, #tpu.memory_space<vmem>>, vector<16xf32>,
      tpu.vector_store %arg10[%swap3A_953, %swap3A_954], %add3A_952 {strides = array<i32>} : memref<48x256xf32, #tpu.memory_space<vmem>>, vector<16xf32>,
      %mul3A_956 = arith.mulf %sub3A_951, %sub3A_951 : vector<16xf32>
      %add3A_957 = arith.addf %add3A_915, %mul3A_956 : vector<16xf32>
      %get3A_958 = arith.constant 0 : i32
      %get3A_959 = arith.index_cast %get3A_958 : i32 to index
      %get3A_960 = arith.index_cast %scan3A_622 : i32 to index
      %get3A_961 = arith.constant 128 : index
      %get3A_962 = tpu.vector_load %arg9[%get3A_959, %get3A_960, %get3A_961] {strides = array<i32>} : memref<5x48x256xf32, #tpu.memory_space<vmem>>, vector<16xf32>,
      %get3A_963 = arith.constant 1 : i32
      %get3A_964 = arith.index_cast %get3A_963 : i32 to index
      %get3A_965 = arith.index_cast %scan3A_622 : i32 to index
      %get3A_966 = arith.constant 128 : index
      %get3A_967 = tpu.vector_load %arg9[%get3A_964, %get3A_965, %get3A_966] {strides = array<i32>} : memref<5x48x256xf32, #tpu.memory_space<vmem>>, vector<16xf32>,
      %add3A_968 = arith.addf %get3A_962, %get3A_967 : vector<16xf32>
      %get3A_969 = arith.constant 2 : i32
      %get3A_970 = arith.index_cast %get3A_969 : i32 to index
      %get3A_971 = arith.index_cast %scan3A_622 : i32 to index
      %get3A_972 = arith.constant 128 : index
      %get3A_973 = tpu.vector_load %arg9[%get3A_970, %get3A_971, %get3A_972] {strides = array<i32>} : memref<5x48x256xf32, #tpu.memory_space<vmem>>, vector<16xf32>,
      %get3A_974 = arith.constant 3 : i32
      %get3A_975 = arith.index_cast %get3A_974 : i32 to index
      %get3A_976 = arith.index_cast %scan3A_622 : i32 to index
      %get3A_977 = arith.constant 128 : index
      %get3A_978 = tpu.vector_load %arg9[%get3A_975, %get3A_976, %get3A_977] {strides = array<i32>} : memref<5x48x256xf32, #tpu.memory_space<vmem>>, vector<16xf32>,
      %add3A_979 = arith.addf %get3A_973, %get3A_978 : vector<16xf32>
      %add3A_980 = arith.addf %add3A_968, %add3A_979 : vector<16xf32>
      %get3A_981 = arith.constant 4 : i32
      %get3A_982 = arith.index_cast %get3A_981 : i32 to index
      %get3A_983 = arith.index_cast %scan3A_622 : i32 to index
      %get3A_984 = arith.constant 128 : index
      %get3A_985 = tpu.vector_load %arg9[%get3A_982, %get3A_983, %get3A_984] {strides = array<i32>} : memref<5x48x256xf32, #tpu.memory_space<vmem>>, vector<16xf32>,
      %add3A_986 = arith.addf %add3A_980, %get3A_985 : vector<16xf32>
      %div3A_987 = arith.constant 5.000000e+00 : f32
      %div3A_988 = vector.broadcast %div3A_987 : f32 to vector<16xf32>
      %div3A_989 = arith.divf %add3A_986, %div3A_988 : vector<16xf32>
      %get3A_990 = arith.index_cast %scan3A_622 : i32 to index
      %get3A_991 = arith.constant 128 : index
      %get3A_992 = tpu.vector_load %arg10[%get3A_990, %get3A_991] {strides = array<i32>} : memref<48x256xf32, #tpu.memory_space<vmem>>, vector<16xf32>,
      %sub3A_993 = arith.subf %div3A_989, %get3A_992 : vector<16xf32>
      %add3A_994 = arith.addf %get3A_992, %sub3A_993 : vector<16xf32>
      %swap3A_995 = arith.index_cast %scan3A_622 : i32 to index
      %swap3A_996 = arith.constant 128 : index
      %swap3A_997 = tpu.vector_load %arg10[%swap3A_995, %swap3A_996] {strides = array<i32>} : memref<48x256xf32, #tpu.memory_space<vmem>>, vector<16xf32>,
      tpu.vector_store %arg10[%swap3A_995, %swap3A_996], %add3A_994 {strides = array<i32>} : memref<48x256xf32, #tpu.memory_space<vmem>>, vector<16xf32>,
      %mul3A_998 = arith.mulf %sub3A_993, %sub3A_993 : vector<16xf32>
      %add3A_999 = arith.addf %add3A_957, %mul3A_998 : vector<16xf32>
      %get3A_1000 = arith.constant 0 : i32
      %get3A_1001 = arith.index_cast %get3A_1000 : i32 to index
      %get3A_1002 = arith.index_cast %scan3A_622 : i32 to index
      %get3A_1003 = arith.constant 144 : index
      %get3A_1004 = tpu.vector_load %arg9[%get3A_1001, %get3A_1002, %get3A_1003] {strides = array<i32>} : memref<5x48x256xf32, #tpu.memory_space<vmem>>, vector<16xf32>,
      %get3A_1005 = arith.constant 1 : i32
      %get3A_1006 = arith.index_cast %get3A_1005 : i32 to index
      %get3A_1007 = arith.index_cast %scan3A_622 : i32 to index
      %get3A_1008 = arith.constant 144 : index
      %get3A_1009 = tpu.vector_load %arg9[%get3A_1006, %get3A_1007, %get3A_1008] {strides = array<i32>} : memref<5x48x256xf32, #tpu.memory_space<vmem>>, vector<16xf32>,
      %add3A_1010 = arith.addf %get3A_1004, %get3A_1009 : vector<16xf32>
      %get3A_1011 = arith.constant 2 : i32
      %get3A_1012 = arith.index_cast %get3A_1011 : i32 to index
      %get3A_1013 = arith.index_cast %scan3A_622 : i32 to index
      %get3A_1014 = arith.constant 144 : index
      %get3A_1015 = tpu.vector_load %arg9[%get3A_1012, %get3A_1013, %get3A_1014] {strides = array<i32>} : memref<5x48x256xf32, #tpu.memory_space<vmem>>, vector<16xf32>,
      %get3A_1016 = arith.constant 3 : i32
      %get3A_1017 = arith.index_cast %get3A_1016 : i32 to index
      %get3A_1018 = arith.index_cast %scan3A_622 : i32 to index
      %get3A_1019 = arith.constant 144 : index
      %get3A_1020 = tpu.vector_load %arg9[%get3A_1017, %get3A_1018, %get3A_1019] {strides = array<i32>} : memref<5x48x256xf32, #tpu.memory_space<vmem>>, vector<16xf32>,
      %add3A_1021 = arith.addf %get3A_1015, %get3A_1020 : vector<16xf32>
      %add3A_1022 = arith.addf %add3A_1010, %add3A_1021 : vector<16xf32>
      %get3A_1023 = arith.constant 4 : i32
      %get3A_1024 = arith.index_cast %get3A_1023 : i32 to index
      %get3A_1025 = arith.index_cast %scan3A_622 : i32 to index
      %get3A_1026 = arith.constant 144 : index
      %get3A_1027 = tpu.vector_load %arg9[%get3A_1024, %get3A_1025, %get3A_1026] {strides = array<i32>} : memref<5x48x256xf32, #tpu.memory_space<vmem>>, vector<16xf32>,
      %add3A_1028 = arith.addf %add3A_1022, %get3A_1027 : vector<16xf32>
      %div3A_1029 = arith.constant 5.000000e+00 : f32
      %div3A_1030 = vector.broadcast %div3A_1029 : f32 to vector<16xf32>
      %div3A_1031 = arith.divf %add3A_1028, %div3A_1030 : vector<16xf32>
      %get3A_1032 = arith.index_cast %scan3A_622 : i32 to index
      %get3A_1033 = arith.constant 144 : index
      %get3A_1034 = tpu.vector_load %arg10[%get3A_1032, %get3A_1033] {strides = array<i32>} : memref<48x256xf32, #tpu.memory_space<vmem>>, vector<16xf32>,
      %sub3A_1035 = arith.subf %div3A_1031, %get3A_1034 : vector<16xf32>
      %add3A_1036 = arith.addf %get3A_1034, %sub3A_1035 : vector<16xf32>
      %swap3A_1037 = arith.index_cast %scan3A_622 : i32 to index
      %swap3A_1038 = arith.constant 144 : index
      %swap3A_1039 = tpu.vector_load %arg10[%swap3A_1037, %swap3A_1038] {strides = array<i32>} : memref<48x256xf32, #tpu.memory_space<vmem>>, vector<16xf32>,
      tpu.vector_store %arg10[%swap3A_1037, %swap3A_1038], %add3A_1036 {strides = array<i32>} : memref<48x256xf32, #tpu.memory_space<vmem>>, vector<16xf32>,
      %mul3A_1040 = arith.mulf %sub3A_1035, %sub3A_1035 : vector<16xf32>
      %add3A_1041 = arith.addf %add3A_999, %mul3A_1040 : vector<16xf32>
      %get3A_1042 = arith.constant 0 : i32
      %get3A_1043 = arith.index_cast %get3A_1042 : i32 to index
      %get3A_1044 = arith.index_cast %scan3A_622 : i32 to index
      %get3A_1045 = arith.constant 160 : index
      %get3A_1046 = tpu.vector_load %arg9[%get3A_1043, %get3A_1044, %get3A_1045] {strides = array<i32>} : memref<5x48x256xf32, #tpu.memory_space<vmem>>, vector<16xf32>,
      %get3A_1047 = arith.constant 1 : i32
      %get3A_1048 = arith.index_cast %get3A_1047 : i32 to index
      %get3A_1049 = arith.index_cast %scan3A_622 : i32 to index
      %get3A_1050 = arith.constant 160 : index
      %get3A_1051 = tpu.vector_load %arg9[%get3A_1048, %get3A_1049, %get3A_1050] {strides = array<i32>} : memref<5x48x256xf32, #tpu.memory_space<vmem>>, vector<16xf32>,
      %add3A_1052 = arith.addf %get3A_1046, %get3A_1051 : vector<16xf32>
      %get3A_1053 = arith.constant 2 : i32
      %get3A_1054 = arith.index_cast %get3A_1053 : i32 to index
      %get3A_1055 = arith.index_cast %scan3A_622 : i32 to index
      %get3A_1056 = arith.constant 160 : index
      %get3A_1057 = tpu.vector_load %arg9[%get3A_1054, %get3A_1055, %get3A_1056] {strides = array<i32>} : memref<5x48x256xf32, #tpu.memory_space<vmem>>, vector<16xf32>,
      %get3A_1058 = arith.constant 3 : i32
      %get3A_1059 = arith.index_cast %get3A_1058 : i32 to index
      %get3A_1060 = arith.index_cast %scan3A_622 : i32 to index
      %get3A_1061 = arith.constant 160 : index
      %get3A_1062 = tpu.vector_load %arg9[%get3A_1059, %get3A_1060, %get3A_1061] {strides = array<i32>} : memref<5x48x256xf32, #tpu.memory_space<vmem>>, vector<16xf32>,
      %add3A_1063 = arith.addf %get3A_1057, %get3A_1062 : vector<16xf32>
      %add3A_1064 = arith.addf %add3A_1052, %add3A_1063 : vector<16xf32>
      %get3A_1065 = arith.constant 4 : i32
      %get3A_1066 = arith.index_cast %get3A_1065 : i32 to index
      %get3A_1067 = arith.index_cast %scan3A_622 : i32 to index
      %get3A_1068 = arith.constant 160 : index
      %get3A_1069 = tpu.vector_load %arg9[%get3A_1066, %get3A_1067, %get3A_1068] {strides = array<i32>} : memref<5x48x256xf32, #tpu.memory_space<vmem>>, vector<16xf32>,
      %add3A_1070 = arith.addf %add3A_1064, %get3A_1069 : vector<16xf32>
      %div3A_1071 = arith.constant 5.000000e+00 : f32
      %div3A_1072 = vector.broadcast %div3A_1071 : f32 to vector<16xf32>
      %div3A_1073 = arith.divf %add3A_1070, %div3A_1072 : vector<16xf32>
      %get3A_1074 = arith.index_cast %scan3A_622 : i32 to index
      %get3A_1075 = arith.constant 160 : index
      %get3A_1076 = tpu.vector_load %arg10[%get3A_1074, %get3A_1075] {strides = array<i32>} : memref<48x256xf32, #tpu.memory_space<vmem>>, vector<16xf32>,
      %sub3A_1077 = arith.subf %div3A_1073, %get3A_1076 : vector<16xf32>
      %add3A_1078 = arith.addf %get3A_1076, %sub3A_1077 : vector<16xf32>
      %swap3A_1079 = arith.index_cast %scan3A_622 : i32 to index
      %swap3A_1080 = arith.constant 160 : index
      %swap3A_1081 = tpu.vector_load %arg10[%swap3A_1079, %swap3A_1080] {strides = array<i32>} : memref<48x256xf32, #tpu.memory_space<vmem>>, vector<16xf32>,
      tpu.vector_store %arg10[%swap3A_1079, %swap3A_1080], %add3A_1078 {strides = array<i32>} : memref<48x256xf32, #tpu.memory_space<vmem>>, vector<16xf32>,
      %mul3A_1082 = arith.mulf %sub3A_1077, %sub3A_1077 : vector<16xf32>
      %add3A_1083 = arith.addf %add3A_1041, %mul3A_1082 : vector<16xf32>
      %get3A_1084 = arith.constant 0 : i32
      %get3A_1085 = arith.index_cast %get3A_1084 : i32 to index
      %get3A_1086 = arith.index_cast %scan3A_622 : i32 to index
      %get3A_1087 = arith.constant 176 : index
      %get3A_1088 = tpu.vector_load %arg9[%get3A_1085, %get3A_1086, %get3A_1087] {strides = array<i32>} : memref<5x48x256xf32, #tpu.memory_space<vmem>>, vector<16xf32>,
      %get3A_1089 = arith.constant 1 : i32
      %get3A_1090 = arith.index_cast %get3A_1089 : i32 to index
      %get3A_1091 = arith.index_cast %scan3A_622 : i32 to index
      %get3A_1092 = arith.constant 176 : index
      %get3A_1093 = tpu.vector_load %arg9[%get3A_1090, %get3A_1091, %get3A_1092] {strides = array<i32>} : memref<5x48x256xf32, #tpu.memory_space<vmem>>, vector<16xf32>,
      %add3A_1094 = arith.addf %get3A_1088, %get3A_1093 : vector<16xf32>
      %get3A_1095 = arith.constant 2 : i32
      %get3A_1096 = arith.index_cast %get3A_1095 : i32 to index
      %get3A_1097 = arith.index_cast %scan3A_622 : i32 to index
      %get3A_1098 = arith.constant 176 : index
      %get3A_1099 = tpu.vector_load %arg9[%get3A_1096, %get3A_1097, %get3A_1098] {strides = array<i32>} : memref<5x48x256xf32, #tpu.memory_space<vmem>>, vector<16xf32>,
      %get3A_1100 = arith.constant 3 : i32
      %get3A_1101 = arith.index_cast %get3A_1100 : i32 to index
      %get3A_1102 = arith.index_cast %scan3A_622 : i32 to index
      %get3A_1103 = arith.constant 176 : index
      %get3A_1104 = tpu.vector_load %arg9[%get3A_1101, %get3A_1102, %get3A_1103] {strides = array<i32>} : memref<5x48x256xf32, #tpu.memory_space<vmem>>, vector<16xf32>,
      %add3A_1105 = arith.addf %get3A_1099, %get3A_1104 : vector<16xf32>
      %add3A_1106 = arith.addf %add3A_1094, %add3A_1105 : vector<16xf32>
      %get3A_1107 = arith.constant 4 : i32
      %get3A_1108 = arith.index_cast %get3A_1107 : i32 to index
      %get3A_1109 = arith.index_cast %scan3A_622 : i32 to index
      %get3A_1110 = arith.constant 176 : index
      %get3A_1111 = tpu.vector_load %arg9[%get3A_1108, %get3A_1109, %get3A_1110] {strides = array<i32>} : memref<5x48x256xf32, #tpu.memory_space<vmem>>, vector<16xf32>,
      %add3A_1112 = arith.addf %add3A_1106, %get3A_1111 : vector<16xf32>
      %div3A_1113 = arith.constant 5.000000e+00 : f32
      %div3A_1114 = vector.broadcast %div3A_1113 : f32 to vector<16xf32>
      %div3A_1115 = arith.divf %add3A_1112, %div3A_1114 : vector<16xf32>
      %get3A_1116 = arith.index_cast %scan3A_622 : i32 to index
      %get3A_1117 = arith.constant 176 : index
      %get3A_1118 = tpu.vector_load %arg10[%get3A_1116, %get3A_1117] {strides = array<i32>} : memref<48x256xf32, #tpu.memory_space<vmem>>, vector<16xf32>,
      %sub3A_1119 = arith.subf %div3A_1115, %get3A_1118 : vector<16xf32>
      %add3A_1120 = arith.addf %get3A_1118, %sub3A_1119 : vector<16xf32>
      %swap3A_1121 = arith.index_cast %scan3A_622 : i32 to index
      %swap3A_1122 = arith.constant 176 : index
      %swap3A_1123 = tpu.vector_load %arg10[%swap3A_1121, %swap3A_1122] {strides = array<i32>} : memref<48x256xf32, #tpu.memory_space<vmem>>, vector<16xf32>,
      tpu.vector_store %arg10[%swap3A_1121, %swap3A_1122], %add3A_1120 {strides = array<i32>} : memref<48x256xf32, #tpu.memory_space<vmem>>, vector<16xf32>,
      %mul3A_1124 = arith.mulf %sub3A_1119, %sub3A_1119 : vector<16xf32>
      %add3A_1125 = arith.addf %add3A_1083, %mul3A_1124 : vector<16xf32>
      %get3A_1126 = arith.constant 0 : i32
      %get3A_1127 = arith.index_cast %get3A_1126 : i32 to index
      %get3A_1128 = arith.index_cast %scan3A_622 : i32 to index
      %get3A_1129 = arith.constant 192 : index
      %get3A_1130 = tpu.vector_load %arg9[%get3A_1127, %get3A_1128, %get3A_1129] {strides = array<i32>} : memref<5x48x256xf32, #tpu.memory_space<vmem>>, vector<16xf32>,
      %get3A_1131 = arith.constant 1 : i32
      %get3A_1132 = arith.index_cast %get3A_1131 : i32 to index
      %get3A_1133 = arith.index_cast %scan3A_622 : i32 to index
      %get3A_1134 = arith.constant 192 : index
      %get3A_1135 = tpu.vector_load %arg9[%get3A_1132, %get3A_1133, %get3A_1134] {strides = array<i32>} : memref<5x48x256xf32, #tpu.memory_space<vmem>>, vector<16xf32>,
      %add3A_1136 = arith.addf %get3A_1130, %get3A_1135 : vector<16xf32>
      %get3A_1137 = arith.constant 2 : i32
      %get3A_1138 = arith.index_cast %get3A_1137 : i32 to index
      %get3A_1139 = arith.index_cast %scan3A_622 : i32 to index
      %get3A_1140 = arith.constant 192 : index
      %get3A_1141 = tpu.vector_load %arg9[%get3A_1138, %get3A_1139, %get3A_1140] {strides = array<i32>} : memref<5x48x256xf32, #tpu.memory_space<vmem>>, vector<16xf32>,
      %get3A_1142 = arith.constant 3 : i32
      %get3A_1143 = arith.index_cast %get3A_1142 : i32 to index
      %get3A_1144 = arith.index_cast %scan3A_622 : i32 to index
      %get3A_1145 = arith.constant 192 : index
      %get3A_1146 = tpu.vector_load %arg9[%get3A_1143, %get3A_1144, %get3A_1145] {strides = array<i32>} : memref<5x48x256xf32, #tpu.memory_space<vmem>>, vector<16xf32>,
      %add3A_1147 = arith.addf %get3A_1141, %get3A_1146 : vector<16xf32>
      %add3A_1148 = arith.addf %add3A_1136, %add3A_1147 : vector<16xf32>
      %get3A_1149 = arith.constant 4 : i32
      %get3A_1150 = arith.index_cast %get3A_1149 : i32 to index
      %get3A_1151 = arith.index_cast %scan3A_622 : i32 to index
      %get3A_1152 = arith.constant 192 : index
      %get3A_1153 = tpu.vector_load %arg9[%get3A_1150, %get3A_1151, %get3A_1152] {strides = array<i32>} : memref<5x48x256xf32, #tpu.memory_space<vmem>>, vector<16xf32>,
      %add3A_1154 = arith.addf %add3A_1148, %get3A_1153 : vector<16xf32>
      %div3A_1155 = arith.constant 5.000000e+00 : f32
      %div3A_1156 = vector.broadcast %div3A_1155 : f32 to vector<16xf32>
      %div3A_1157 = arith.divf %add3A_1154, %div3A_1156 : vector<16xf32>
      %get3A_1158 = arith.index_cast %scan3A_622 : i32 to index
      %get3A_1159 = arith.constant 192 : index
      %get3A_1160 = tpu.vector_load %arg10[%get3A_1158, %get3A_1159] {strides = array<i32>} : memref<48x256xf32, #tpu.memory_space<vmem>>, vector<16xf32>,
      %sub3A_1161 = arith.subf %div3A_1157, %get3A_1160 : vector<16xf32>
      %add3A_1162 = arith.addf %get3A_1160, %sub3A_1161 : vector<16xf32>
      %swap3A_1163 = arith.index_cast %scan3A_622 : i32 to index
      %swap3A_1164 = arith.constant 192 : index
      %swap3A_1165 = tpu.vector_load %arg10[%swap3A_1163, %swap3A_1164] {strides = array<i32>} : memref<48x256xf32, #tpu.memory_space<vmem>>, vector<16xf32>,
      tpu.vector_store %arg10[%swap3A_1163, %swap3A_1164], %add3A_1162 {strides = array<i32>} : memref<48x256xf32, #tpu.memory_space<vmem>>, vector<16xf32>,
      %mul3A_1166 = arith.mulf %sub3A_1161, %sub3A_1161 : vector<16xf32>
      %add3A_1167 = arith.addf %add3A_1125, %mul3A_1166 : vector<16xf32>
      %get3A_1168 = arith.constant 0 : i32
      %get3A_1169 = arith.index_cast %get3A_1168 : i32 to index
      %get3A_1170 = arith.index_cast %scan3A_622 : i32 to index
      %get3A_1171 = arith.constant 208 : index
      %get3A_1172 = tpu.vector_load %arg9[%get3A_1169, %get3A_1170, %get3A_1171] {strides = array<i32>} : memref<5x48x256xf32, #tpu.memory_space<vmem>>, vector<16xf32>,
      %get3A_1173 = arith.constant 1 : i32
      %get3A_1174 = arith.index_cast %get3A_1173 : i32 to index
      %get3A_1175 = arith.index_cast %scan3A_622 : i32 to index
      %get3A_1176 = arith.constant 208 : index
      %get3A_1177 = tpu.vector_load %arg9[%get3A_1174, %get3A_1175, %get3A_1176] {strides = array<i32>} : memref<5x48x256xf32, #tpu.memory_space<vmem>>, vector<16xf32>,
      %add3A_1178 = arith.addf %get3A_1172, %get3A_1177 : vector<16xf32>
      %get3A_1179 = arith.constant 2 : i32
      %get3A_1180 = arith.index_cast %get3A_1179 : i32 to index
      %get3A_1181 = arith.index_cast %scan3A_622 : i32 to index
      %get3A_1182 = arith.constant 208 : index
      %get3A_1183 = tpu.vector_load %arg9[%get3A_1180, %get3A_1181, %get3A_1182] {strides = array<i32>} : memref<5x48x256xf32, #tpu.memory_space<vmem>>, vector<16xf32>,
      %get3A_1184 = arith.constant 3 : i32
      %get3A_1185 = arith.index_cast %get3A_1184 : i32 to index
      %get3A_1186 = arith.index_cast %scan3A_622 : i32 to index
      %get3A_1187 = arith.constant 208 : index
      %get3A_1188 = tpu.vector_load %arg9[%get3A_1185, %get3A_1186, %get3A_1187] {strides = array<i32>} : memref<5x48x256xf32, #tpu.memory_space<vmem>>, vector<16xf32>,
      %add3A_1189 = arith.addf %get3A_1183, %get3A_1188 : vector<16xf32>
      %add3A_1190 = arith.addf %add3A_1178, %add3A_1189 : vector<16xf32>
      %get3A_1191 = arith.constant 4 : i32
      %get3A_1192 = arith.index_cast %get3A_1191 : i32 to index
      %get3A_1193 = arith.index_cast %scan3A_622 : i32 to index
      %get3A_1194 = arith.constant 208 : index
      %get3A_1195 = tpu.vector_load %arg9[%get3A_1192, %get3A_1193, %get3A_1194] {strides = array<i32>} : memref<5x48x256xf32, #tpu.memory_space<vmem>>, vector<16xf32>,
      %add3A_1196 = arith.addf %add3A_1190, %get3A_1195 : vector<16xf32>
      %div3A_1197 = arith.constant 5.000000e+00 : f32
      %div3A_1198 = vector.broadcast %div3A_1197 : f32 to vector<16xf32>
      %div3A_1199 = arith.divf %add3A_1196, %div3A_1198 : vector<16xf32>
      %get3A_1200 = arith.index_cast %scan3A_622 : i32 to index
      %get3A_1201 = arith.constant 208 : index
      %get3A_1202 = tpu.vector_load %arg10[%get3A_1200, %get3A_1201] {strides = array<i32>} : memref<48x256xf32, #tpu.memory_space<vmem>>, vector<16xf32>,
      %sub3A_1203 = arith.subf %div3A_1199, %get3A_1202 : vector<16xf32>
      %add3A_1204 = arith.addf %get3A_1202, %sub3A_1203 : vector<16xf32>
      %swap3A_1205 = arith.index_cast %scan3A_622 : i32 to index
      %swap3A_1206 = arith.constant 208 : index
      %swap3A_1207 = tpu.vector_load %arg10[%swap3A_1205, %swap3A_1206] {strides = array<i32>} : memref<48x256xf32, #tpu.memory_space<vmem>>, vector<16xf32>,
      tpu.vector_store %arg10[%swap3A_1205, %swap3A_1206], %add3A_1204 {strides = array<i32>} : memref<48x256xf32, #tpu.memory_space<vmem>>, vector<16xf32>,
      %mul3A_1208 = arith.mulf %sub3A_1203, %sub3A_1203 : vector<16xf32>
      %add3A_1209 = arith.addf %add3A_1167, %mul3A_1208 : vector<16xf32>
      %get3A_1210 = arith.constant 0 : i32
      %get3A_1211 = arith.index_cast %get3A_1210 : i32 to index
      %get3A_1212 = arith.index_cast %scan3A_622 : i32 to index
      %get3A_1213 = arith.constant 224 : index
      %get3A_1214 = tpu.vector_load %arg9[%get3A_1211, %get3A_1212, %get3A_1213] {strides = array<i32>} : memref<5x48x256xf32, #tpu.memory_space<vmem>>, vector<16xf32>,
      %get3A_1215 = arith.constant 1 : i32
      %get3A_1216 = arith.index_cast %get3A_1215 : i32 to index
      %get3A_1217 = arith.index_cast %scan3A_622 : i32 to index
      %get3A_1218 = arith.constant 224 : index
      %get3A_1219 = tpu.vector_load %arg9[%get3A_1216, %get3A_1217, %get3A_1218] {strides = array<i32>} : memref<5x48x256xf32, #tpu.memory_space<vmem>>, vector<16xf32>,
      %add3A_1220 = arith.addf %get3A_1214, %get3A_1219 : vector<16xf32>
      %get3A_1221 = arith.constant 2 : i32
      %get3A_1222 = arith.index_cast %get3A_1221 : i32 to index
      %get3A_1223 = arith.index_cast %scan3A_622 : i32 to index
      %get3A_1224 = arith.constant 224 : index
      %get3A_1225 = tpu.vector_load %arg9[%get3A_1222, %get3A_1223, %get3A_1224] {strides = array<i32>} : memref<5x48x256xf32, #tpu.memory_space<vmem>>, vector<16xf32>,
      %get3A_1226 = arith.constant 3 : i32
      %get3A_1227 = arith.index_cast %get3A_1226 : i32 to index
      %get3A_1228 = arith.index_cast %scan3A_622 : i32 to index
      %get3A_1229 = arith.constant 224 : index
      %get3A_1230 = tpu.vector_load %arg9[%get3A_1227, %get3A_1228, %get3A_1229] {strides = array<i32>} : memref<5x48x256xf32, #tpu.memory_space<vmem>>, vector<16xf32>,
      %add3A_1231 = arith.addf %get3A_1225, %get3A_1230 : vector<16xf32>
      %add3A_1232 = arith.addf %add3A_1220, %add3A_1231 : vector<16xf32>
      %get3A_1233 = arith.constant 4 : i32
      %get3A_1234 = arith.index_cast %get3A_1233 : i32 to index
      %get3A_1235 = arith.index_cast %scan3A_622 : i32 to index
      %get3A_1236 = arith.constant 224 : index
      %get3A_1237 = tpu.vector_load %arg9[%get3A_1234, %get3A_1235, %get3A_1236] {strides = array<i32>} : memref<5x48x256xf32, #tpu.memory_space<vmem>>, vector<16xf32>,
      %add3A_1238 = arith.addf %add3A_1232, %get3A_1237 : vector<16xf32>
      %div3A_1239 = arith.constant 5.000000e+00 : f32
      %div3A_1240 = vector.broadcast %div3A_1239 : f32 to vector<16xf32>
      %div3A_1241 = arith.divf %add3A_1238, %div3A_1240 : vector<16xf32>
      %get3A_1242 = arith.index_cast %scan3A_622 : i32 to index
      %get3A_1243 = arith.constant 224 : index
      %get3A_1244 = tpu.vector_load %arg10[%get3A_1242, %get3A_1243] {strides = array<i32>} : memref<48x256xf32, #tpu.memory_space<vmem>>, vector<16xf32>,
      %sub3A_1245 = arith.subf %div3A_1241, %get3A_1244 : vector<16xf32>
      %add3A_1246 = arith.addf %get3A_1244, %sub3A_1245 : vector<16xf32>
      %swap3A_1247 = arith.index_cast %scan3A_622 : i32 to index
      %swap3A_1248 = arith.constant 224 : index
      %swap3A_1249 = tpu.vector_load %arg10[%swap3A_1247, %swap3A_1248] {strides = array<i32>} : memref<48x256xf32, #tpu.memory_space<vmem>>, vector<16xf32>,
      tpu.vector_store %arg10[%swap3A_1247, %swap3A_1248], %add3A_1246 {strides = array<i32>} : memref<48x256xf32, #tpu.memory_space<vmem>>, vector<16xf32>,
      %mul3A_1250 = arith.mulf %sub3A_1245, %sub3A_1245 : vector<16xf32>
      %add3A_1251 = arith.addf %add3A_1209, %mul3A_1250 : vector<16xf32>
      %get3A_1252 = arith.constant 0 : i32
      %get3A_1253 = arith.index_cast %get3A_1252 : i32 to index
      %get3A_1254 = arith.index_cast %scan3A_622 : i32 to index
      %get3A_1255 = arith.constant 240 : index
      %get3A_1256 = tpu.vector_load %arg9[%get3A_1253, %get3A_1254, %get3A_1255] {strides = array<i32>} : memref<5x48x256xf32, #tpu.memory_space<vmem>>, vector<16xf32>,
      %get3A_1257 = arith.constant 1 : i32
      %get3A_1258 = arith.index_cast %get3A_1257 : i32 to index
      %get3A_1259 = arith.index_cast %scan3A_622 : i32 to index
      %get3A_1260 = arith.constant 240 : index
      %get3A_1261 = tpu.vector_load %arg9[%get3A_1258, %get3A_1259, %get3A_1260] {strides = array<i32>} : memref<5x48x256xf32, #tpu.memory_space<vmem>>, vector<16xf32>,
      %add3A_1262 = arith.addf %get3A_1256, %get3A_1261 : vector<16xf32>
      %get3A_1263 = arith.constant 2 : i32
      %get3A_1264 = arith.index_cast %get3A_1263 : i32 to index
      %get3A_1265 = arith.index_cast %scan3A_622 : i32 to index
      %get3A_1266 = arith.constant 240 : index
      %get3A_1267 = tpu.vector_load %arg9[%get3A_1264, %get3A_1265, %get3A_1266] {strides = array<i32>} : memref<5x48x256xf32, #tpu.memory_space<vmem>>, vector<16xf32>,
      %get3A_1268 = arith.constant 3 : i32
      %get3A_1269 = arith.index_cast %get3A_1268 : i32 to index
      %get3A_1270 = arith.index_cast %scan3A_622 : i32 to index
      %get3A_1271 = arith.constant 240 : index
      %get3A_1272 = tpu.vector_load %arg9[%get3A_1269, %get3A_1270, %get3A_1271] {strides = array<i32>} : memref<5x48x256xf32, #tpu.memory_space<vmem>>, vector<16xf32>,
      %add3A_1273 = arith.addf %get3A_1267, %get3A_1272 : vector<16xf32>
      %add3A_1274 = arith.addf %add3A_1262, %add3A_1273 : vector<16xf32>
      %get3A_1275 = arith.constant 4 : i32
      %get3A_1276 = arith.index_cast %get3A_1275 : i32 to index
      %get3A_1277 = arith.index_cast %scan3A_622 : i32 to index
      %get3A_1278 = arith.constant 240 : index
      %get3A_1279 = tpu.vector_load %arg9[%get3A_1276, %get3A_1277, %get3A_1278] {strides = array<i32>} : memref<5x48x256xf32, #tpu.memory_space<vmem>>, vector<16xf32>,
      %add3A_1280 = arith.addf %add3A_1274, %get3A_1279 : vector<16xf32>
      %div3A_1281 = arith.constant 5.000000e+00 : f32
      %div3A_1282 = vector.broadcast %div3A_1281 : f32 to vector<16xf32>
      %div3A_1283 = arith.divf %add3A_1280, %div3A_1282 : vector<16xf32>
      %get3A_1284 = arith.index_cast %scan3A_622 : i32 to index
      %get3A_1285 = arith.constant 240 : index
      %get3A_1286 = tpu.vector_load %arg10[%get3A_1284, %get3A_1285] {strides = array<i32>} : memref<48x256xf32, #tpu.memory_space<vmem>>, vector<16xf32>,
      %sub3A_1287 = arith.subf %div3A_1283, %get3A_1286 : vector<16xf32>
      %add3A_1288 = arith.addf %get3A_1286, %sub3A_1287 : vector<16xf32>
      %swap3A_1289 = arith.index_cast %scan3A_622 : i32 to index
      %swap3A_1290 = arith.constant 240 : index
      %swap3A_1291 = tpu.vector_load %arg10[%swap3A_1289, %swap3A_1290] {strides = array<i32>} : memref<48x256xf32, #tpu.memory_space<vmem>>, vector<16xf32>,
      tpu.vector_store %arg10[%swap3A_1289, %swap3A_1290], %add3A_1288 {strides = array<i32>} : memref<48x256xf32, #tpu.memory_space<vmem>>, vector<16xf32>,
      %mul3A_1292 = arith.mulf %sub3A_1287, %sub3A_1287 : vector<16xf32>
      %add3A_1293 = arith.addf %add3A_1251, %mul3A_1292 : vector<16xf32>
      scf.yield %add3A_1293 : vector<16xf32>
    }
    %scan3A_616 = arith.constant 48 : i32
    "tpu.region"() ({
      %run_scoped3A_622 = tpu.sem_alloc : memref<!tpu.dma_semaphore, #tpu.memory_space<semaphore_mem>>
      %dma_start3A_623 = arith.constant 0 : i32
      %dma_start3A_624 = tpu.memref_slice %arg5[%add3A_415, %dma_start3A_623] : memref<4608x256xf32, #tpu.memory_space<hbm>> -> memref<48x256xf32, #tpu.memory_space<hbm>>
      %dma_start3A_625 = arith.constant 0 : i32
      %dma_start3A_626 = tpu.memref_slice %arg5[%add3A_415, %dma_start3A_625] : memref<4608x256xf32, #tpu.memory_space<hbm>> -> memref<48x256xf32, #tpu.memory_space<hbm>>
      tpu.enqueue_dma source(%arg10 : memref<48x256xf32, #tpu.memory_space<vmem>>) target(%dma_start3A_626 : memref<48x256xf32, #tpu.memory_space<hbm>>) target_semaphore(%run_scoped3A_622 : memref<!tpu.dma_semaphore, #tpu.memory_space<semaphore_mem>>)
      %dma_wait3A_627 = arith.constant 0 : i32
      %dma_wait3A_628 = tpu.memref_slice %arg5[%add3A_415, %dma_wait3A_627] : memref<4608x256xf32, #tpu.memory_space<hbm>> -> memref<48x256xf32, #tpu.memory_space<hbm>>
      %dma_wait3A_629 = arith.constant 0 : i32
      %dma_wait3A_630 = tpu.memref_slice %arg5[%add3A_415, %dma_wait3A_629] : memref<4608x256xf32, #tpu.memory_space<hbm>> -> memref<48x256xf32, #tpu.memory_space<hbm>>
      tpu.wait_dma2 semaphore(%run_scoped3A_622 : memref<!tpu.dma_semaphore, #tpu.memory_space<semaphore_mem>>) src(%arg10 : memref<48x256xf32, #tpu.memory_space<vmem>>) dst(%dma_wait3A_630 : memref<48x256xf32, #tpu.memory_space<hbm>>)
      tpu.yield
    }) : () -> ()
    %swap3A = arith.constant 0 : index
    %swap3A_617 = tpu.vector_load %arg12[%swap3A] {strides = array<i32>} : memref<16xf32, #tpu.memory_space<vmem>>, vector<16xf32>,
    tpu.vector_store %arg12[%swap3A], %scan3A_615 {strides = array<i32>} : memref<16xf32, #tpu.memory_space<vmem>>, vector<16xf32>,
    %mul3A_618 = arith.constant 16 : i32
    %mul3A_619 = arith.muli %add3A, %mul3A_618 : i32
    "tpu.region"() ({
      %run_scoped3A_622 = tpu.sem_alloc : memref<!tpu.dma_semaphore, #tpu.memory_space<semaphore_mem>>
      %dma_start3A_623 = tpu.memref_slice %arg7[%mul3A_619] : memref<512xf32, #tpu.memory_space<hbm>> -> memref<16xf32, #tpu.memory_space<hbm>>
      %dma_start3A_624 = tpu.memref_slice %arg7[%mul3A_619] : memref<512xf32, #tpu.memory_space<hbm>> -> memref<16xf32, #tpu.memory_space<hbm>>
      tpu.enqueue_dma source(%arg12 : memref<16xf32, #tpu.memory_space<vmem>>) target(%dma_start3A_624 : memref<16xf32, #tpu.memory_space<hbm>>) target_semaphore(%run_scoped3A_622 : memref<!tpu.dma_semaphore, #tpu.memory_space<semaphore_mem>>)
      %dma_wait3A_625 = tpu.memref_slice %arg7[%mul3A_619] : memref<512xf32, #tpu.memory_space<hbm>> -> memref<16xf32, #tpu.memory_space<hbm>>
      %dma_wait3A_626 = tpu.memref_slice %arg7[%mul3A_619] : memref<512xf32, #tpu.memory_space<hbm>> -> memref<16xf32, #tpu.memory_space<hbm>>
      tpu.wait_dma2 semaphore(%run_scoped3A_622 : memref<!tpu.dma_semaphore, #tpu.memory_space<semaphore_mem>>) src(%arg12 : memref<16xf32, #tpu.memory_space<vmem>>) dst(%dma_wait3A_626 : memref<16xf32, #tpu.memory_space<hbm>>)
      tpu.yield
    }) : () -> ()
    %mul3A_620 = arith.constant 8192 : i32
    %mul3A_621 = arith.muli %add3A, %mul3A_620 : i32
    "tpu.region"() ({
      %run_scoped3A_622 = tpu.sem_alloc : memref<!tpu.dma_semaphore, #tpu.memory_space<semaphore_mem>>
      %dma_start3A_623 = tpu.memref_slice %arg6[%mul3A_621] : memref<262144xf32, #tpu.memory_space<hbm>> -> memref<8192xf32, #tpu.memory_space<hbm>>
      %dma_start3A_624 = tpu.memref_slice %arg6[%mul3A_621] : memref<262144xf32, #tpu.memory_space<hbm>> -> memref<8192xf32, #tpu.memory_space<hbm>>
      tpu.enqueue_dma source(%arg11 : memref<8192xf32, #tpu.memory_space<vmem>>) target(%dma_start3A_624 : memref<8192xf32, #tpu.memory_space<hbm>>) target_semaphore(%run_scoped3A_622 : memref<!tpu.dma_semaphore, #tpu.memory_space<semaphore_mem>>)
      %dma_wait3A_625 = tpu.memref_slice %arg6[%mul3A_621] : memref<262144xf32, #tpu.memory_space<hbm>> -> memref<8192xf32, #tpu.memory_space<hbm>>
      %dma_wait3A_626 = tpu.memref_slice %arg6[%mul3A_621] : memref<262144xf32, #tpu.memory_space<hbm>> -> memref<8192xf32, #tpu.memory_space<hbm>>
      tpu.wait_dma2 semaphore(%run_scoped3A_622 : memref<!tpu.dma_semaphore, #tpu.memory_space<semaphore_mem>>) src(%arg11 : memref<8192xf32, #tpu.memory_space<vmem>>) dst(%dma_wait3A_626 : memref<8192xf32, #tpu.memory_space<hbm>>)
      tpu.yield
    }) : () -> ()
    return
  }
}

module attributes {stable_mosaic.version = 14 : i64} {
  func.func @_sampler_body(%arg0: i32, %arg1: i32, %arg2: memref<256x256xf32, #tpu.memory_space<vmem>>, %arg3: memref<8192x256xf32, #tpu.memory_space<vmem>>, %arg4: memref<1x1x256xi32, #tpu.memory_space<vmem>>, %arg5: memref<8192x256xf32, #tpu.memory_space<vmem>>, %arg6: memref<8192x1xf32, #tpu.memory_space<vmem>>) attributes {dimension_semantics = [#tpu.dimension_semantics<arbitrary>, #tpu.dimension_semantics<arbitrary>], iteration_bounds = array<i64: 18, 5>, scalar_prefetch = 0 : i64, scratch_operands = 2 : i64, tpu.core_type = #tpu.core_type<tc>, window_params = [{transform_indices = @transform_0, window_bounds = array<i64: 256, 256>}, {pipeline_mode = #tpu.pipeline_mode<synchronous>, transform_indices = @transform_1, window_bounds = array<i64: 8192, 256>}, {transform_indices = @transform_2, window_bounds = array<i64: 1, 1, 256>}]} {
    %eq3A = arith.constant 0 : i32
    %eq3A_0 = arith.cmpi eq, %arg0, %eq3A : i32
    %eq3A_1 = arith.constant 0 : i32
    %eq3A_2 = arith.cmpi eq, %arg1, %eq3A_1 : i32
    %and3A = arith.andi %eq3A_0, %eq3A_2 : i1
    %convert_element_type3A = arith.extui %and3A : i1 to i32
    %cond3A = arith.constant 0 : i32
    %cond3A_3 = arith.cmpi ne, %convert_element_type3A, %cond3A : i32
    scf.if %cond3A_3 {
      %get3A = arith.constant 0 : index
      %get3A_42 = arith.constant 0 : index
      %get3A_43 = vector.load %arg3[%get3A, %get3A_42] : memref<8192x256xf32, #tpu.memory_space<vmem>>, vector<8192x256xf32>
      %mul3A_44 = arith.mulf %get3A_43, %get3A_43 : vector<8192x256xf32>
      %reduce_sum3A = arith.constant dense<0.000000e+00> : vector<8192xf32>
      %reduce_sum3A_45 = vector.multi_reduction <add>, %mul3A_44, %reduce_sum3A [1] : vector<8192x256xf32> to vector<8192xf32>
      %broadcast_in_dim3A_46 = vector.shape_cast %reduce_sum3A_45 : vector<8192xf32> to vector<8192x1xf32>
      %swap3A_47 = arith.constant 0 : index
      %swap3A_48 = arith.constant 0 : index
      %swap3A_49 = vector.load %arg6[%swap3A_47, %swap3A_48] : memref<8192x1xf32, #tpu.memory_space<vmem>>, vector<8192x1xf32>
      tpu.vector_store %arg6[%swap3A_47, %swap3A_48], %broadcast_in_dim3A_46 {strides = array<i32>} : memref<8192x1xf32, #tpu.memory_space<vmem>>, vector<8192x1xf32>,
    } else {
    }
    %eq3A_4 = arith.constant 0 : i32
    %eq3A_5 = arith.cmpi eq, %arg1, %eq3A_4 : i32
    %convert_element_type3A_6 = arith.extui %eq3A_5 : i1 to i32
    %cond3A_7 = arith.constant 0 : i32
    %cond3A_8 = arith.cmpi ne, %convert_element_type3A_6, %cond3A_7 : i32
    scf.if %cond3A_8 {
      %get3A = arith.constant 0 : index
      %get3A_42 = arith.constant 0 : index
      %get3A_43 = vector.load %arg3[%get3A, %get3A_42] : memref<8192x256xf32, #tpu.memory_space<vmem>>, vector<8192x256xf32>
      %get3A_44 = arith.constant 0 : index
      %get3A_45 = arith.constant 0 : index
      %get3A_46 = vector.load %arg2[%get3A_44, %get3A_45] : memref<256x256xf32, #tpu.memory_space<vmem>>, vector<256x256xf32>
      %mul3A_47 = arith.mulf %get3A_46, %get3A_46 : vector<256x256xf32>
      %reduce_sum3A = arith.constant dense<0.000000e+00> : vector<256xf32>
      %reduce_sum3A_48 = vector.multi_reduction <add>, %mul3A_47, %reduce_sum3A [1] : vector<256x256xf32> to vector<256xf32>
      %dot_general3A = arith.constant dense<0.000000e+00> : vector<8192x256xf32>
      %dot_general3A_49 = tpu.matmul %get3A_43, %get3A_46, %dot_general3A {dimension_numbers = #tpu.dot_dimension_numbers<[1], [1], [0], [0], [0, 0, 1, 0], [], []>, transpose_lhs_hint = false} : vector<8192x256xf32>, vector<256x256xf32>, vector<8192x256xf32> -> vector<8192x256xf32>
      %get3A_50 = arith.constant 0 : index
      %get3A_51 = arith.constant 0 : index
      %get3A_52 = vector.load %arg6[%get3A_50, %get3A_51] : memref<8192x1xf32, #tpu.memory_space<vmem>>, vector<8192x1xf32>
      %broadcast_in_dim3A_53 = vector.shape_cast %reduce_sum3A_48 : vector<256xf32> to vector<1x256xf32>
      %add3A_54 = vector.broadcast %get3A_52 : vector<8192x1xf32> to vector<8192x256xf32>
      %add3A_55 = vector.broadcast %broadcast_in_dim3A_53 : vector<1x256xf32> to vector<8192x256xf32>
      %add3A_56 = arith.addf %add3A_54, %add3A_55 : vector<8192x256xf32>
      %mul3A_57 = arith.constant 2.000000e+00 : f32
      %mul3A_58 = vector.broadcast %mul3A_57 : f32 to vector<8192x256xf32>
      %mul3A_59 = arith.mulf %mul3A_58, %dot_general3A_49 : vector<8192x256xf32>
      %sub3A = arith.subf %add3A_56, %mul3A_59 : vector<8192x256xf32>
      %neg3A = arith.constant 0.000000e+00 : f32
      %neg3A_60 = vector.broadcast %neg3A : f32 to vector<8192x256xf32>
      %neg3A_61 = arith.subf %neg3A_60, %sub3A : vector<8192x256xf32>
      %swap3A_62 = arith.constant 0 : index
      %swap3A_63 = arith.constant 0 : index
      %swap3A_64 = vector.load %arg5[%swap3A_62, %swap3A_63] : memref<8192x256xf32, #tpu.memory_space<vmem>>, vector<8192x256xf32>
      tpu.vector_store %arg5[%swap3A_62, %swap3A_63], %neg3A_61 {strides = array<i32>} : memref<8192x256xf32, #tpu.memory_space<vmem>>, vector<8192x256xf32>,
    } else {
    }
    %iota3A = tpu.iota {dimensions = array<i32: 0>} : vector<64x256xi32>
    %iota3A_9 = tpu.iota {dimensions = array<i32: 1>} : vector<64x256xi32>
    %mul3A = arith.constant 8192 : i32
    %mul3A_10 = vector.broadcast %mul3A : i32 to vector<64x256xi32>
    %mul3A_11 = arith.muli %iota3A_9, %mul3A_10 : vector<64x256xi32>
    %add3A = arith.addi %mul3A_11, %iota3A : vector<64x256xi32>
    %mul3A_12 = arith.constant 37748736 : i32
    %mul3A_13 = arith.muli %arg1, %mul3A_12 : i32
    %mul3A_14 = arith.constant 2097152 : i32
    %mul3A_15 = arith.muli %arg0, %mul3A_14 : i32
    %add3A_16 = arith.addi %mul3A_13, %mul3A_15 : i32
    %add3A_17 = arith.constant 42 : i32
    %add3A_18 = arith.addi %add3A_16, %add3A_17 : i32
    %broadcast_in_dim3A = arith.constant 0xFF800000 : f32
    %broadcast_in_dim3A_19 = vector.broadcast %broadcast_in_dim3A : f32 to vector<64x256xf32>
    %broadcast_in_dim3A_20 = arith.constant 0 : i32
    %broadcast_in_dim3A_21 = vector.broadcast %broadcast_in_dim3A_20 : i32 to vector<64x256xi32>
    %scan3A = arith.constant 0 : i32
    %scan3A_22 = arith.constant 128 : i32
    %scan3A_23 = arith.addi %scan3A, %scan3A_22 : i32
    %scan3A_24 = arith.constant 1 : i32
    %scan3A_25:2 = scf.for %scan3A_42 = %scan3A to %scan3A_23 step %scan3A_24 iter_args(%scan3A_43 = %broadcast_in_dim3A_19, %scan3A_44 = %broadcast_in_dim3A_21) -> (vector<64x256xf32>, vector<64x256xi32>)  : i32 {
      %mul3A_45 = arith.constant 64 : i32
      %mul3A_46 = arith.muli %scan3A_42, %mul3A_45 : i32
      %multiple_of3A = tpu.assume_multiple %mul3A_46, 64 : i32
      %mul3A_47 = arith.constant 64 : i32
      %mul3A_48 = arith.muli %scan3A_42, %mul3A_47 : i32
      %add3A_49 = arith.addi %add3A_18, %mul3A_48 : i32
      %add3A_50 = vector.broadcast %add3A_49 : i32 to vector<64x256xi32>
      %add3A_51 = arith.addi %add3A, %add3A_50 : vector<64x256xi32>
      %shift_left3A = arith.constant 13 : i32
      %shift_left3A_52 = vector.broadcast %shift_left3A : i32 to vector<64x256xi32>
      %shift_left3A_53 = arith.shli %add3A_51, %shift_left3A_52 : vector<64x256xi32>
      %shift_right_logical3A = arith.constant 19 : i32
      %shift_right_logical3A_54 = vector.broadcast %shift_right_logical3A : i32 to vector<64x256xi32>
      %shift_right_logical3A_55 = arith.shrui %add3A_51, %shift_right_logical3A_54 : vector<64x256xi32>
      %or3A = arith.ori %shift_left3A_53, %shift_right_logical3A_55 : vector<64x256xi32>
      %xor3A = arith.xori %add3A_51, %or3A : vector<64x256xi32>
      %add3A_56 = arith.addi %add3A_51, %xor3A : vector<64x256xi32>
      %shift_left3A_57 = arith.constant 15 : i32
      %shift_left3A_58 = vector.broadcast %shift_left3A_57 : i32 to vector<64x256xi32>
      %shift_left3A_59 = arith.shli %xor3A, %shift_left3A_58 : vector<64x256xi32>
      %shift_right_logical3A_60 = arith.constant 17 : i32
      %shift_right_logical3A_61 = vector.broadcast %shift_right_logical3A_60 : i32 to vector<64x256xi32>
      %shift_right_logical3A_62 = arith.shrui %xor3A, %shift_right_logical3A_61 : vector<64x256xi32>
      %or3A_63 = arith.ori %shift_left3A_59, %shift_right_logical3A_62 : vector<64x256xi32>
      %xor3A_64 = arith.xori %add3A_56, %or3A_63 : vector<64x256xi32>
      %add3A_65 = arith.addi %add3A_56, %xor3A_64 : vector<64x256xi32>
      %shift_left3A_66 = arith.constant 26 : i32
      %shift_left3A_67 = vector.broadcast %shift_left3A_66 : i32 to vector<64x256xi32>
      %shift_left3A_68 = arith.shli %xor3A_64, %shift_left3A_67 : vector<64x256xi32>
      %shift_right_logical3A_69 = arith.constant 6 : i32
      %shift_right_logical3A_70 = vector.broadcast %shift_right_logical3A_69 : i32 to vector<64x256xi32>
      %shift_right_logical3A_71 = arith.shrui %xor3A_64, %shift_right_logical3A_70 : vector<64x256xi32>
      %or3A_72 = arith.ori %shift_left3A_68, %shift_right_logical3A_71 : vector<64x256xi32>
      %xor3A_73 = arith.xori %add3A_65, %or3A_72 : vector<64x256xi32>
      %add3A_74 = arith.addi %add3A_65, %xor3A_73 : vector<64x256xi32>
      %shift_left3A_75 = arith.constant 6 : i32
      %shift_left3A_76 = vector.broadcast %shift_left3A_75 : i32 to vector<64x256xi32>
      %shift_left3A_77 = arith.shli %xor3A_73, %shift_left3A_76 : vector<64x256xi32>
      %shift_right_logical3A_78 = arith.constant 26 : i32
      %shift_right_logical3A_79 = vector.broadcast %shift_right_logical3A_78 : i32 to vector<64x256xi32>
      %shift_right_logical3A_80 = arith.shrui %xor3A_73, %shift_right_logical3A_79 : vector<64x256xi32>
      %or3A_81 = arith.ori %shift_left3A_77, %shift_right_logical3A_80 : vector<64x256xi32>
      %xor3A_82 = arith.xori %add3A_74, %or3A_81 : vector<64x256xi32>
      %add3A_83 = arith.constant 42 : i32
      %add3A_84 = vector.broadcast %add3A_83 : i32 to vector<64x256xi32>
      %add3A_85 = arith.addi %add3A_74, %add3A_84 : vector<64x256xi32>
      %add3A_86 = arith.constant 466689009 : i32
      %add3A_87 = vector.broadcast %add3A_86 : i32 to vector<64x256xi32>
      %add3A_88 = arith.addi %xor3A_82, %add3A_87 : vector<64x256xi32>
      %add3A_89 = arith.addi %add3A_85, %add3A_88 : vector<64x256xi32>
      %shift_left3A_90 = arith.constant 17 : i32
      %shift_left3A_91 = vector.broadcast %shift_left3A_90 : i32 to vector<64x256xi32>
      %shift_left3A_92 = arith.shli %add3A_88, %shift_left3A_91 : vector<64x256xi32>
      %shift_right_logical3A_93 = arith.constant 15 : i32
      %shift_right_logical3A_94 = vector.broadcast %shift_right_logical3A_93 : i32 to vector<64x256xi32>
      %shift_right_logical3A_95 = arith.shrui %add3A_88, %shift_right_logical3A_94 : vector<64x256xi32>
      %or3A_96 = arith.ori %shift_left3A_92, %shift_right_logical3A_95 : vector<64x256xi32>
      %xor3A_97 = arith.xori %add3A_89, %or3A_96 : vector<64x256xi32>
      %add3A_98 = arith.addi %add3A_89, %xor3A_97 : vector<64x256xi32>
      %shift_left3A_99 = arith.constant 29 : i32
      %shift_left3A_100 = vector.broadcast %shift_left3A_99 : i32 to vector<64x256xi32>
      %shift_left3A_101 = arith.shli %xor3A_97, %shift_left3A_100 : vector<64x256xi32>
      %shift_right_logical3A_102 = arith.constant 3 : i32
      %shift_right_logical3A_103 = vector.broadcast %shift_right_logical3A_102 : i32 to vector<64x256xi32>
      %shift_right_logical3A_104 = arith.shrui %xor3A_97, %shift_right_logical3A_103 : vector<64x256xi32>
      %or3A_105 = arith.ori %shift_left3A_101, %shift_right_logical3A_104 : vector<64x256xi32>
      %xor3A_106 = arith.xori %add3A_98, %or3A_105 : vector<64x256xi32>
      %add3A_107 = arith.addi %add3A_98, %xor3A_106 : vector<64x256xi32>
      %shift_left3A_108 = arith.constant 16 : i32
      %shift_left3A_109 = vector.broadcast %shift_left3A_108 : i32 to vector<64x256xi32>
      %shift_left3A_110 = arith.shli %xor3A_106, %shift_left3A_109 : vector<64x256xi32>
      %shift_right_logical3A_111 = arith.constant 16 : i32
      %shift_right_logical3A_112 = vector.broadcast %shift_right_logical3A_111 : i32 to vector<64x256xi32>
      %shift_right_logical3A_113 = arith.shrui %xor3A_106, %shift_right_logical3A_112 : vector<64x256xi32>
      %or3A_114 = arith.ori %shift_left3A_110, %shift_right_logical3A_113 : vector<64x256xi32>
      %xor3A_115 = arith.xori %add3A_107, %or3A_114 : vector<64x256xi32>
      %add3A_116 = arith.addi %add3A_107, %xor3A_115 : vector<64x256xi32>
      %shift_left3A_117 = arith.constant 24 : i32
      %shift_left3A_118 = vector.broadcast %shift_left3A_117 : i32 to vector<64x256xi32>
      %shift_left3A_119 = arith.shli %xor3A_115, %shift_left3A_118 : vector<64x256xi32>
      %shift_right_logical3A_120 = arith.constant 8 : i32
      %shift_right_logical3A_121 = vector.broadcast %shift_right_logical3A_120 : i32 to vector<64x256xi32>
      %shift_right_logical3A_122 = arith.shrui %xor3A_115, %shift_right_logical3A_121 : vector<64x256xi32>
      %or3A_123 = arith.ori %shift_left3A_119, %shift_right_logical3A_122 : vector<64x256xi32>
      %xor3A_124 = arith.xori %add3A_116, %or3A_123 : vector<64x256xi32>
      %add3A_125 = arith.constant 466689008 : i32
      %add3A_126 = vector.broadcast %add3A_125 : i32 to vector<64x256xi32>
      %add3A_127 = arith.addi %add3A_116, %add3A_126 : vector<64x256xi32>
      %add3A_128 = arith.constant 2 : i32
      %add3A_129 = vector.broadcast %add3A_128 : i32 to vector<64x256xi32>
      %add3A_130 = arith.addi %xor3A_124, %add3A_129 : vector<64x256xi32>
      %add3A_131 = arith.addi %add3A_127, %add3A_130 : vector<64x256xi32>
      %shift_left3A_132 = arith.constant 13 : i32
      %shift_left3A_133 = vector.broadcast %shift_left3A_132 : i32 to vector<64x256xi32>
      %shift_left3A_134 = arith.shli %add3A_130, %shift_left3A_133 : vector<64x256xi32>
      %shift_right_logical3A_135 = arith.constant 19 : i32
      %shift_right_logical3A_136 = vector.broadcast %shift_right_logical3A_135 : i32 to vector<64x256xi32>
      %shift_right_logical3A_137 = arith.shrui %add3A_130, %shift_right_logical3A_136 : vector<64x256xi32>
      %or3A_138 = arith.ori %shift_left3A_134, %shift_right_logical3A_137 : vector<64x256xi32>
      %xor3A_139 = arith.xori %add3A_131, %or3A_138 : vector<64x256xi32>
      %add3A_140 = arith.addi %add3A_131, %xor3A_139 : vector<64x256xi32>
      %shift_left3A_141 = arith.constant 15 : i32
      %shift_left3A_142 = vector.broadcast %shift_left3A_141 : i32 to vector<64x256xi32>
      %shift_left3A_143 = arith.shli %xor3A_139, %shift_left3A_142 : vector<64x256xi32>
      %shift_right_logical3A_144 = arith.constant 17 : i32
      %shift_right_logical3A_145 = vector.broadcast %shift_right_logical3A_144 : i32 to vector<64x256xi32>
      %shift_right_logical3A_146 = arith.shrui %xor3A_139, %shift_right_logical3A_145 : vector<64x256xi32>
      %or3A_147 = arith.ori %shift_left3A_143, %shift_right_logical3A_146 : vector<64x256xi32>
      %xor3A_148 = arith.xori %add3A_140, %or3A_147 : vector<64x256xi32>
      %add3A_149 = arith.addi %add3A_140, %xor3A_148 : vector<64x256xi32>
      %shift_left3A_150 = arith.constant 26 : i32
      %shift_left3A_151 = vector.broadcast %shift_left3A_150 : i32 to vector<64x256xi32>
      %shift_left3A_152 = arith.shli %xor3A_148, %shift_left3A_151 : vector<64x256xi32>
      %shift_right_logical3A_153 = arith.constant 6 : i32
      %shift_right_logical3A_154 = vector.broadcast %shift_right_logical3A_153 : i32 to vector<64x256xi32>
      %shift_right_logical3A_155 = arith.shrui %xor3A_148, %shift_right_logical3A_154 : vector<64x256xi32>
      %or3A_156 = arith.ori %shift_left3A_152, %shift_right_logical3A_155 : vector<64x256xi32>
      %xor3A_157 = arith.xori %add3A_149, %or3A_156 : vector<64x256xi32>
      %add3A_158 = arith.addi %add3A_149, %xor3A_157 : vector<64x256xi32>
      %shift_left3A_159 = arith.constant 6 : i32
      %shift_left3A_160 = vector.broadcast %shift_left3A_159 : i32 to vector<64x256xi32>
      %shift_left3A_161 = arith.shli %xor3A_157, %shift_left3A_160 : vector<64x256xi32>
      %shift_right_logical3A_162 = arith.constant 26 : i32
      %shift_right_logical3A_163 = vector.broadcast %shift_right_logical3A_162 : i32 to vector<64x256xi32>
      %shift_right_logical3A_164 = arith.shrui %xor3A_157, %shift_right_logical3A_163 : vector<64x256xi32>
      %or3A_165 = arith.ori %shift_left3A_161, %shift_right_logical3A_164 : vector<64x256xi32>
      %xor3A_166 = arith.xori %add3A_158, %or3A_165 : vector<64x256xi32>
      %add3A_167 = arith.constant 0 : i32
      %add3A_168 = vector.broadcast %add3A_167 : i32 to vector<64x256xi32>
      %add3A_169 = arith.addi %add3A_158, %add3A_168 : vector<64x256xi32>
      %add3A_170 = arith.constant 45 : i32
      %add3A_171 = vector.broadcast %add3A_170 : i32 to vector<64x256xi32>
      %add3A_172 = arith.addi %xor3A_166, %add3A_171 : vector<64x256xi32>
      %add3A_173 = arith.addi %add3A_169, %add3A_172 : vector<64x256xi32>
      %shift_left3A_174 = arith.constant 17 : i32
      %shift_left3A_175 = vector.broadcast %shift_left3A_174 : i32 to vector<64x256xi32>
      %shift_left3A_176 = arith.shli %add3A_172, %shift_left3A_175 : vector<64x256xi32>
      %shift_right_logical3A_177 = arith.constant 15 : i32
      %shift_right_logical3A_178 = vector.broadcast %shift_right_logical3A_177 : i32 to vector<64x256xi32>
      %shift_right_logical3A_179 = arith.shrui %add3A_172, %shift_right_logical3A_178 : vector<64x256xi32>
      %or3A_180 = arith.ori %shift_left3A_176, %shift_right_logical3A_179 : vector<64x256xi32>
      %xor3A_181 = arith.xori %add3A_173, %or3A_180 : vector<64x256xi32>
      %add3A_182 = arith.addi %add3A_173, %xor3A_181 : vector<64x256xi32>
      %shift_left3A_183 = arith.constant 29 : i32
      %shift_left3A_184 = vector.broadcast %shift_left3A_183 : i32 to vector<64x256xi32>
      %shift_left3A_185 = arith.shli %xor3A_181, %shift_left3A_184 : vector<64x256xi32>
      %shift_right_logical3A_186 = arith.constant 3 : i32
      %shift_right_logical3A_187 = vector.broadcast %shift_right_logical3A_186 : i32 to vector<64x256xi32>
      %shift_right_logical3A_188 = arith.shrui %xor3A_181, %shift_right_logical3A_187 : vector<64x256xi32>
      %or3A_189 = arith.ori %shift_left3A_185, %shift_right_logical3A_188 : vector<64x256xi32>
      %xor3A_190 = arith.xori %add3A_182, %or3A_189 : vector<64x256xi32>
      %add3A_191 = arith.addi %add3A_182, %xor3A_190 : vector<64x256xi32>
      %shift_left3A_192 = arith.constant 16 : i32
      %shift_left3A_193 = vector.broadcast %shift_left3A_192 : i32 to vector<64x256xi32>
      %shift_left3A_194 = arith.shli %xor3A_190, %shift_left3A_193 : vector<64x256xi32>
      %shift_right_logical3A_195 = arith.constant 16 : i32
      %shift_right_logical3A_196 = vector.broadcast %shift_right_logical3A_195 : i32 to vector<64x256xi32>
      %shift_right_logical3A_197 = arith.shrui %xor3A_190, %shift_right_logical3A_196 : vector<64x256xi32>
      %or3A_198 = arith.ori %shift_left3A_194, %shift_right_logical3A_197 : vector<64x256xi32>
      %xor3A_199 = arith.xori %add3A_191, %or3A_198 : vector<64x256xi32>
      %add3A_200 = arith.addi %add3A_191, %xor3A_199 : vector<64x256xi32>
      %shift_left3A_201 = arith.constant 24 : i32
      %shift_left3A_202 = vector.broadcast %shift_left3A_201 : i32 to vector<64x256xi32>
      %shift_left3A_203 = arith.shli %xor3A_199, %shift_left3A_202 : vector<64x256xi32>
      %shift_right_logical3A_204 = arith.constant 8 : i32
      %shift_right_logical3A_205 = vector.broadcast %shift_right_logical3A_204 : i32 to vector<64x256xi32>
      %shift_right_logical3A_206 = arith.shrui %xor3A_199, %shift_right_logical3A_205 : vector<64x256xi32>
      %or3A_207 = arith.ori %shift_left3A_203, %shift_right_logical3A_206 : vector<64x256xi32>
      %xor3A_208 = arith.xori %add3A_200, %or3A_207 : vector<64x256xi32>
      %add3A_209 = arith.constant 42 : i32
      %add3A_210 = vector.broadcast %add3A_209 : i32 to vector<64x256xi32>
      %add3A_211 = arith.addi %add3A_200, %add3A_210 : vector<64x256xi32>
      %add3A_212 = arith.constant 466689012 : i32
      %add3A_213 = vector.broadcast %add3A_212 : i32 to vector<64x256xi32>
      %add3A_214 = arith.addi %xor3A_208, %add3A_213 : vector<64x256xi32>
      %add3A_215 = arith.addi %add3A_211, %add3A_214 : vector<64x256xi32>
      %shift_left3A_216 = arith.constant 13 : i32
      %shift_left3A_217 = vector.broadcast %shift_left3A_216 : i32 to vector<64x256xi32>
      %shift_left3A_218 = arith.shli %add3A_214, %shift_left3A_217 : vector<64x256xi32>
      %shift_right_logical3A_219 = arith.constant 19 : i32
      %shift_right_logical3A_220 = vector.broadcast %shift_right_logical3A_219 : i32 to vector<64x256xi32>
      %shift_right_logical3A_221 = arith.shrui %add3A_214, %shift_right_logical3A_220 : vector<64x256xi32>
      %or3A_222 = arith.ori %shift_left3A_218, %shift_right_logical3A_221 : vector<64x256xi32>
      %xor3A_223 = arith.xori %add3A_215, %or3A_222 : vector<64x256xi32>
      %add3A_224 = arith.addi %add3A_215, %xor3A_223 : vector<64x256xi32>
      %shift_left3A_225 = arith.constant 15 : i32
      %shift_left3A_226 = vector.broadcast %shift_left3A_225 : i32 to vector<64x256xi32>
      %shift_left3A_227 = arith.shli %xor3A_223, %shift_left3A_226 : vector<64x256xi32>
      %shift_right_logical3A_228 = arith.constant 17 : i32
      %shift_right_logical3A_229 = vector.broadcast %shift_right_logical3A_228 : i32 to vector<64x256xi32>
      %shift_right_logical3A_230 = arith.shrui %xor3A_223, %shift_right_logical3A_229 : vector<64x256xi32>
      %or3A_231 = arith.ori %shift_left3A_227, %shift_right_logical3A_230 : vector<64x256xi32>
      %xor3A_232 = arith.xori %add3A_224, %or3A_231 : vector<64x256xi32>
      %add3A_233 = arith.addi %add3A_224, %xor3A_232 : vector<64x256xi32>
      %shift_left3A_234 = arith.constant 26 : i32
      %shift_left3A_235 = vector.broadcast %shift_left3A_234 : i32 to vector<64x256xi32>
      %shift_left3A_236 = arith.shli %xor3A_232, %shift_left3A_235 : vector<64x256xi32>
      %shift_right_logical3A_237 = arith.constant 6 : i32
      %shift_right_logical3A_238 = vector.broadcast %shift_right_logical3A_237 : i32 to vector<64x256xi32>
      %shift_right_logical3A_239 = arith.shrui %xor3A_232, %shift_right_logical3A_238 : vector<64x256xi32>
      %or3A_240 = arith.ori %shift_left3A_236, %shift_right_logical3A_239 : vector<64x256xi32>
      %xor3A_241 = arith.xori %add3A_233, %or3A_240 : vector<64x256xi32>
      %add3A_242 = arith.addi %add3A_233, %xor3A_241 : vector<64x256xi32>
      %shift_left3A_243 = arith.constant 6 : i32
      %shift_left3A_244 = vector.broadcast %shift_left3A_243 : i32 to vector<64x256xi32>
      %shift_left3A_245 = arith.shli %xor3A_241, %shift_left3A_244 : vector<64x256xi32>
      %shift_right_logical3A_246 = arith.constant 26 : i32
      %shift_right_logical3A_247 = vector.broadcast %shift_right_logical3A_246 : i32 to vector<64x256xi32>
      %shift_right_logical3A_248 = arith.shrui %xor3A_241, %shift_right_logical3A_247 : vector<64x256xi32>
      %or3A_249 = arith.ori %shift_left3A_245, %shift_right_logical3A_248 : vector<64x256xi32>
      %xor3A_250 = arith.xori %add3A_242, %or3A_249 : vector<64x256xi32>
      %add3A_251 = arith.constant 466689008 : i32
      %add3A_252 = vector.broadcast %add3A_251 : i32 to vector<64x256xi32>
      %add3A_253 = arith.addi %add3A_242, %add3A_252 : vector<64x256xi32>
      %add3A_254 = arith.constant 5 : i32
      %add3A_255 = vector.broadcast %add3A_254 : i32 to vector<64x256xi32>
      %add3A_256 = arith.addi %xor3A_250, %add3A_255 : vector<64x256xi32>
      %xor3A_257 = arith.xori %add3A_253, %add3A_256 : vector<64x256xi32>
      %shift_right_logical3A_258 = arith.constant 9 : i32
      %shift_right_logical3A_259 = vector.broadcast %shift_right_logical3A_258 : i32 to vector<64x256xi32>
      %shift_right_logical3A_260 = arith.shrui %xor3A_257, %shift_right_logical3A_259 : vector<64x256xi32>
      %or3A_261 = arith.constant 1065353216 : i32
      %or3A_262 = vector.broadcast %or3A_261 : i32 to vector<64x256xi32>
      %or3A_263 = arith.ori %shift_right_logical3A_260, %or3A_262 : vector<64x256xi32>
      %bitcast_convert_type3A = tpu.bitcast %or3A_263 : vector<64x256xi32> -> vector<64x256xf32>
      %sub3A = arith.constant 1.000000e+00 : f32
      %sub3A_264 = vector.broadcast %sub3A : f32 to vector<64x256xf32>
      %sub3A_265 = arith.subf %bitcast_convert_type3A, %sub3A_264 : vector<64x256xf32>
      %log3A = math.log %sub3A_265 : vector<64x256xf32>
      %neg3A = arith.constant 0.000000e+00 : f32
      %neg3A_266 = vector.broadcast %neg3A : f32 to vector<64x256xf32>
      %neg3A_267 = arith.subf %neg3A_266, %log3A : vector<64x256xf32>
      %log3A_268 = math.log %neg3A_267 : vector<64x256xf32>
      %get3A = arith.index_cast %multiple_of3A : i32 to index
      %get3A_269 = arith.constant 0 : index
      %get3A_270 = vector.load %arg5[%get3A, %get3A_269] : memref<8192x256xf32, #tpu.memory_space<vmem>>, vector<64x256xf32>
      %sub3A_271 = arith.subf %get3A_270, %log3A_268 : vector<64x256xf32>
      %gt3A = arith.cmpf ogt, %sub3A_271, %scan3A_43 : vector<64x256xf32>
      %select_n3A_272 = arith.select %gt3A, %sub3A_271, %scan3A_43 : vector<64x256xi1>, vector<64x256xf32>
      %broadcast_in_dim3A_273 = vector.broadcast %scan3A_42 : i32 to vector<64x256xi32>
      %select_n3A_274 = arith.select %gt3A, %broadcast_in_dim3A_273, %scan3A_44 : vector<64x256xi1>, vector<64x256xi32>
      scf.yield %select_n3A_272, %select_n3A_274 : vector<64x256xf32>, vector<64x256xi32>
    }
    %scan3A_26 = arith.constant 128 : i32
    %mul3A_27 = arith.constant 64 : i32
    %mul3A_28 = vector.broadcast %mul3A_27 : i32 to vector<64x256xi32>
    %mul3A_29 = arith.muli %scan3A_25#1, %mul3A_28 : vector<64x256xi32>
    %add3A_30 = arith.addi %iota3A, %mul3A_29 : vector<64x256xi32>
    %reduce_max3A = arith.constant dense<0xFF800000> : vector<256xf32>
    %reduce_max3A_31 = vector.multi_reduction <maximumf>, %scan3A_25#0, %reduce_max3A [0] : vector<64x256xf32> to vector<256xf32>
    %broadcast_in_dim3A_32 = vector.shape_cast %reduce_max3A_31 : vector<256xf32> to vector<1x256xf32>
    %eq3A_33 = vector.broadcast %broadcast_in_dim3A_32 : vector<1x256xf32> to vector<64x256xf32>
    %eq3A_34 = arith.cmpf oeq, %scan3A_25#0, %eq3A_33 : vector<64x256xf32>
    %jit3A = arith.constant 1073741824 : i32
    %broadcast_in_dim3A_35 = vector.broadcast %jit3A : i32 to vector<64x256xi32>
    %select_n3A = arith.select %eq3A_34, %add3A_30, %broadcast_in_dim3A_35 : vector<64x256xi1>, vector<64x256xi32>
    %reduce_min3A = arith.constant dense<2147483647> : vector<256xi32>
    %reduce_min3A_36 = vector.multi_reduction <minsi>, %select_n3A, %reduce_min3A [0] : vector<64x256xi32> to vector<256xi32>
    %broadcast_in_dim3A_37 = vector.shape_cast %reduce_min3A_36 : vector<256xi32> to vector<1x256xi32>
    %broadcast_in_dim3A_38 = vector.shape_cast %broadcast_in_dim3A_37 : vector<1x256xi32> to vector<1x1x256xi32>
    %swap3A = arith.constant 0 : index
    %swap3A_39 = arith.constant 0 : index
    %swap3A_40 = arith.constant 0 : index
    %swap3A_41 = vector.load %arg4[%swap3A, %swap3A_39, %swap3A_40] : memref<1x1x256xi32, #tpu.memory_space<vmem>>, vector<1x1x256xi32>
    tpu.vector_store %arg4[%swap3A, %swap3A_39, %swap3A_40], %broadcast_in_dim3A_38 {strides = array<i32>} : memref<1x1x256xi32, #tpu.memory_space<vmem>>, vector<1x1x256xi32>,
    return
  }
  func.func @transform_0(%arg0: i32, %arg1: i32) -> (i32, i32) {
    %c0_i32 = arith.constant 0 : i32
    %c0_i32_0 = arith.constant 0 : i32
    return %arg0, %c0_i32 : i32, i32
  }
  func.func @transform_1(%arg0: i32, %arg1: i32) -> (i32, i32) {
    %c0_i32 = arith.constant 0 : i32
    %c0_i32_0 = arith.constant 0 : i32
    %c0_i32_1 = arith.constant 0 : i32
    return %c0_i32, %c0_i32_0 : i32, i32
  }
  func.func @transform_2(%arg0: i32, %arg1: i32) -> (i32, i32, i32) {
    %c0_i32 = arith.constant 0 : i32
    %c0_i32_0 = arith.constant 0 : i32
    return %arg1, %c0_i32, %arg0 : i32, i32, i32
  }
}

module attributes {stable_mosaic.version = 14 : i64} {
  func.func @_finalize_body(%arg0: memref<32x8192xf32, #tpu.memory_space<vmem>>, %arg1: memref<32x16xf32, #tpu.memory_space<vmem>>, %arg2: memref<1x1xf32, #tpu.memory_space<vmem>>, %arg3: memref<1x1xf32, #tpu.memory_space<vmem>>) attributes {dimension_semantics = [], scalar_prefetch = 0 : i64, scratch_operands = 0 : i64, tpu.core_type = #tpu.core_type<tc>} {
    %get3A = arith.constant 0 : index
    %get3A_0 = arith.constant 0 : index
    %get3A_1 = vector.load %arg0[%get3A, %get3A_0] : memref<32x8192xf32, #tpu.memory_space<vmem>>, vector<32x8192xf32>
    %reduce_sum3A = arith.constant dense<0.000000e+00> : vector<8192xf32>
    %reduce_sum3A_2 = vector.multi_reduction <add>, %get3A_1, %reduce_sum3A [0] : vector<32x8192xf32> to vector<8192xf32>
    %broadcast_in_dim3A = vector.shape_cast %reduce_sum3A_2 : vector<8192xf32> to vector<1x8192xf32>
    %mul3A = arith.constant 2.000000e-01 : f32
    %mul3A_3 = vector.broadcast %mul3A : f32 to vector<1x8192xf32>
    %mul3A_4 = arith.mulf %broadcast_in_dim3A, %mul3A_3 : vector<1x8192xf32>
    %div3A = arith.constant 4.608000e+03 : f32
    %div3A_5 = vector.broadcast %div3A : f32 to vector<1x8192xf32>
    %div3A_6 = arith.divf %mul3A_4, %div3A_5 : vector<1x8192xf32>
    %add3A = arith.constant 1.000000e-10 : f32
    %add3A_7 = vector.broadcast %add3A : f32 to vector<1x8192xf32>
    %add3A_8 = arith.addf %div3A_6, %add3A_7 : vector<1x8192xf32>
    %log3A = math.log %add3A_8 : vector<1x8192xf32>
    %mul3A_9 = arith.mulf %div3A_6, %log3A : vector<1x8192xf32>
    %reduce_sum3A_10 = arith.constant dense<0.000000e+00> : vector<1xf32>
    %reduce_sum3A_11 = vector.multi_reduction <add>, %mul3A_9, %reduce_sum3A_10 [1] : vector<1x8192xf32> to vector<1xf32>
    %broadcast_in_dim3A_12 = vector.shape_cast %reduce_sum3A_11 : vector<1xf32> to vector<1x1xf32>
    %neg3A = arith.constant 0.000000e+00 : f32
    %neg3A_13 = vector.broadcast %neg3A : f32 to vector<1x1xf32>
    %neg3A_14 = arith.subf %neg3A_13, %broadcast_in_dim3A_12 : vector<1x1xf32>
    %exp3A = math.exp %neg3A_14 : vector<1x1xf32>
    %swap3A = arith.constant 0 : index
    %swap3A_15 = arith.constant 0 : index
    %swap3A_16 = vector.load %arg3[%swap3A, %swap3A_15] : memref<1x1xf32, #tpu.memory_space<vmem>>, vector<1x1xf32>
    tpu.vector_store %arg3[%swap3A, %swap3A_15], %exp3A {strides = array<i32>} : memref<1x1xf32, #tpu.memory_space<vmem>>, vector<1x1xf32>,
    %get3A_17 = arith.constant 0 : index
    %get3A_18 = arith.constant 0 : index
    %get3A_19 = vector.load %arg1[%get3A_17, %get3A_18] : memref<32x16xf32, #tpu.memory_space<vmem>>, vector<32x16xf32>
    %reduce_sum3A_20 = arith.constant dense<0.000000e+00> : vector<16xf32>
    %reduce_sum3A_21 = vector.multi_reduction <add>, %get3A_19, %reduce_sum3A_20 [0] : vector<32x16xf32> to vector<16xf32>
    %broadcast_in_dim3A_22 = vector.shape_cast %reduce_sum3A_21 : vector<16xf32> to vector<1x16xf32>
    %reduce_sum3A_23 = arith.constant dense<0.000000e+00> : vector<1xf32>
    %reduce_sum3A_24 = vector.multi_reduction <add>, %broadcast_in_dim3A_22, %reduce_sum3A_23 [1] : vector<1x16xf32> to vector<1xf32>
    %broadcast_in_dim3A_25 = vector.shape_cast %reduce_sum3A_24 : vector<1xf32> to vector<1x1xf32>
    %div3A_26 = arith.constant 0x49900000 : f32
    %div3A_27 = vector.broadcast %div3A_26 : f32 to vector<1x1xf32>
    %div3A_28 = arith.divf %broadcast_in_dim3A_25, %div3A_27 : vector<1x1xf32>
    %mul3A_29 = arith.constant 2.500000e-01 : f32
    %mul3A_30 = vector.broadcast %mul3A_29 : f32 to vector<1x1xf32>
    %mul3A_31 = arith.mulf %mul3A_30, %div3A_28 : vector<1x1xf32>
    %swap3A_32 = arith.constant 0 : index
    %swap3A_33 = arith.constant 0 : index
    %swap3A_34 = vector.load %arg2[%swap3A_32, %swap3A_33] : memref<1x1xf32, #tpu.memory_space<vmem>>, vector<1x1xf32>
    tpu.vector_store %arg2[%swap3A_32, %swap3A_33], %mul3A_31 {strides = array<i32>} : memref<1x1xf32, #tpu.memory_space<vmem>>, vector<1x1xf32>,
    return
  }
}

</mosaic_0001>

<sc_bundles>
// kernel: kernel.5.cloned.1.call-start
scs
__scs_entry_jumppad:
0x0: {  	(pc) =	sbr.rel $0x88, $3  }
0x1: {  	(tag) =	ssettag $0x0;
	lr =	simm.s32 $0x1  }
0x2: {  	[smem:$0x3F9F] =	sst lr;
	_ =	strace $0xD0000000  }
0x3: {  	_ = 	snop  }
0x4: {  	_ = 	snop  }
0x5: {  	_ = 	snop  }
0x6: {  	_ = 	snop  }
0x7: {  	_ = 	snop  }
__scs_overlays_trampoline_lowered:
0x8: {  	[smem:$0x3FAE] =	sst s0  }
0x9: {  	[smem:$0x3FAF] =	sst s1  }
0xa: {  	[smem:$0x3FB0] =	sst s2  }
0xb: {  	[smem:$0x3FB1] =	sst s3  }
0xc: {  	[smem:$0x3FB2] =	sst s4  }
0xd: {  	[smem:$0x3FB3] =	sst s5  }
0xe: {  	[smem:$0x3FB4] =	sst s6  }
0xf: {  	[smem:$0x3FB5] =	sst s7  }
0x10: {  	[smem:$0x3FB6] =	sst s8  }
0x11: {  	[smem:$0x3FB7] =	sst s9;
	s0 =	simm.s32 @!p0 $0x0  }
0x12: {  	s1 =	sld [smem:$0x3F9D];
	s0 =	simm.s32 @p0 $0x1  }
0x13: {  	[smem:$0x3FB8] =	sst s0;
	s0 =	simm.s32 @!p1 $0x0  }
0x14: {  	s2 =	sld [smem:$0x3F9C];
	s0 =	simm.s32 @p1 $0x1  }
0x15: {  	[smem:$0x3FB9] =	sst s0;
	s0 =	simm.s32 @!p2 $0x0  }
0x16: {  	s3 =	sld [smem:$0x3FDB];
	s0 =	simm.s32 @p2 $0x1  }
0x17: {  	s4 =	simm.s32 $0x1BF5;
	[smem:$0x3FBB] =	sst s0  }
0x18: {  	s0 =	sld [smem:$0x3F9E];
	_ =	swait.ge [sflag:s4], $0x0  }
0x19: {  	s7 =	sld [smem:$0x3F9F]  }
0x1a: {  	s8 =	sadd.s32 $0xFFFFE003, lr  }
0x1b: {  	s9 =	sadd.s32 $0xFFFFFEF7, lr;
	s5 =	simm.s32 $0xFFFFFFFF;
	p2 =	slt.u32 s8, $0xFFFFF086  }
0x1c: {  	p1 =	slt.u32 s9, $0xF7A;
	s5 =	simm.s32 @!p2 $0x0  }
0x1d: {  	s5 =	simm.s32 @p1 $0x1;
	p0 =	seq.s32 s7, s2  }
0x1e: {  	s7 =	smul.u32 @!p0 $0xF7A, s2;
	p2 =	seq.s32 @!p0 s5, $0x0  }
0x1f: {  	s9 =	smul.u32 $0xF7A, s1;
	s8 =	simm.s32 @!p0 $0x1BF5;
	p2 =	por !p2, p0  }
0x20: {  	[sflag:s8] =	ssyncset.s32 @!p0 $0xFFFFF086;
	s6 =	sadd.s32 @!p0 s3, s7;
	s7 =	simm.s32 @!p0 $0x108  }
0x21: {  	s3 =	sadd.s32 s3, s9;
	s6 =	sadd.s32 @!p0 $0x88, s6;
	s7 =	simm.s32 @p2 $0x1082  }
0x22: {  	[simem:s7], [sflag:s8] =	dma.local @!p0 [hbm:s6], $0xF7A  }
0x23: {  	s9 =	sor.u32 $0xD0000000, s2;
	s6 =	simm.s32 $0x108;
	_ =	swait.ge @!p0 [sflag:s8], $0x0  }
0x24: {  	s3 =	sadd.s32 $0x88, s3;
	s6 =	simm.s32 @!p1 $0x1082;
	[sflag:s4] =	ssyncset.s32 $0xFFFFF086  }
0x25: {  	[simem:s6], [sflag:s4] =	dma.local [hbm:s3], $0xF7A  }
0x26: {  	[smem:$0x3F9F] =	sst s1;
	(tag) =	ssettag s2;
	_ =	strace s9  }
0x27: {  	s1 =	sld [smem:$0x3FAF]  }
0x28: {  	s2 =	sld [smem:$0x3FB0]  }
0x29: {  	s4 =	sld [smem:$0x3FB2]  }
0x2a: {  	p0 =	seq.s32 s5, $0x0;
	s5 =	sld [smem:$0x3FB3]  }
0x2b: {  	s6 =	sld [smem:$0x3FB4]  }
0x2c: {  	s7 =	sld [smem:$0x3FB5]  }
0x2d: {  	s3 =	simm.s32 $0x108;
	s8 =	sld [smem:$0x3FB6]  }
0x2e: {  	s3 =	simm.s32 @!p0 $0x1082;
	s9 =	sld [smem:$0x3FB7]  }
0x2f: {  	lr =	sadd.s32 s0, s3;
	s0 =	sld [smem:$0x3FAE]  }
0x30: {  	s3 =	sld [smem:$0x3FB1]  }
0x31: {  	[smem:$0x3FBA] =	sst s10  }
0x32: {  	s10 =	sld [smem:$0x3FB8];
	_ =	sdelay $0x3  }
0x33: {  	p0 =	seq.s32 s10, $0x1;
	s10 =	sld [smem:$0x3FBA];
	_ =	sdelay $0x3  }
0x34: {  	[smem:$0x3FBA] =	sst s10  }
0x35: {  	s10 =	sld [smem:$0x3FB9];
	_ =	sdelay $0x3  }
0x36: {  	p1 =	seq.s32 s10, $0x1;
	s10 =	sld [smem:$0x3FBA];
	_ =	sdelay $0x3  }
0x37: {  	[smem:$0x3FBA] =	sst s10  }
0x38: {  	s10 =	sld [smem:$0x3FBB]  }
0x39: {  	_ = 	snop;
	(pc) =	sbr.ind lr, $3  }
0x3a: {  	_ = 	snop  }
0x3b: {  	_ = 	snop  }
0x3c: {  	p2 =	seq.s32 s10, $0x1;
	s10 =	sld [smem:$0x3FBA]  }
0x3d: {  	_ =	shalt  }
0x3e: {  	_ =	shalt  }
0x3f: {  	_ =	shalt  }
0x40: {  	_ =	shalt  }
0x41: {  	_ =	shalt  }
0x42: {  	_ =	shalt  }
0x43: {  	_ =	shalt  }
0x44: {  	_ =	shalt  }
0x45: {  	_ =	shalt  }
0x46: {  	_ =	shalt  }
0x47: {  	_ =	shalt  }
0x48: {  	_ =	shalt  }
0x49: {  	_ =	shalt  }
0x4a: {  	_ =	shalt  }
0x4b: {  	_ =	shalt  }
0x4c: {  	_ =	shalt  }
0x4d: {  	_ =	shalt  }
0x4e: {  	_ =	shalt  }
0x4f: {  	_ =	shalt  }
0x50: {  	_ =	shalt  }
0x51: {  	_ =	shalt  }
0x52: {  	_ =	shalt  }
0x53: {  	_ =	shalt  }
0x54: {  	_ =	shalt  }
0x55: {  	_ =	shalt  }
0x56: {  	_ =	shalt  }
0x57: {  	_ =	shalt  }
0x58: {  	_ =	shalt  }
0x59: {  	_ =	shalt  }
0x5a: {  	_ =	shalt  }
0x5b: {  	_ =	shalt  }
0x5c: {  	_ =	shalt  }
0x5d: {  	_ =	shalt  }
0x5e: {  	_ =	shalt  }
0x5f: {  	_ =	shalt  }
0x60: {  	_ =	shalt  }
0x61: {  	_ =	shalt  }
0x62: {  	_ =	shalt  }
0x63: {  	_ =	shalt  }
0x64: {  	_ =	shalt  }
0x65: {  	_ =	shalt  }
0x66: {  	_ =	shalt  }
0x67: {  	_ =	shalt  }
0x68: {  	_ =	shalt  }
0x69: {  	_ =	shalt  }
0x6a: {  	_ =	shalt  }
0x6b: {  	_ =	shalt  }
0x6c: {  	_ =	shalt  }
0x6d: {  	_ =	shalt  }
0x6e: {  	_ =	shalt  }
0x6f: {  	_ =	shalt  }
0x70: {  	_ =	shalt  }
0x71: {  	_ =	shalt  }
0x72: {  	_ =	shalt  }
0x73: {  	_ =	shalt  }
0x74: {  	_ =	shalt  }
0x75: {  	_ =	shalt  }
0x76: {  	_ =	shalt  }
0x77: {  	_ =	shalt  }
0x78: {  	_ =	shalt  }
0x79: {  	_ =	shalt  }
0x7a: {  	_ =	shalt  }
0x7b: {  	_ =	shalt  }
0x7c: {  	_ =	shalt  }
0x7d: {  	_ =	shalt  }
0x7e: {  	_ =	shalt  }
0x7f: {  	_ =	shalt  }
0x80: {  	_ =	shalt  }
0x81: {  	_ =	shalt  }
0x82: {  	_ =	shalt  }
0x83: {  	_ =	shalt  }
0x84: {  	_ =	shalt  }
0x85: {  	_ =	shalt  }
0x86: {  	_ =	shalt  }
0x87: {  	_ =	shalt  }
.Lfunc_end0:
.L_simem_size_0:
called_computation_lowered:
.L_overlay_start_0:
0x88: {  	s2 =	sld [smem:$0x3FD9]  }
0x89: {  	s3 =	sld [smem:$0x3FFE];
	_ =	sdelay $0x1  }
0x8a: {  	s1 =	srdreg.scid  }
0x8b: {  	s0 =	sand.u32 $0x1, s1  }
0x8c: {  	s14 =	sshll.u32 s0, $0xA;
	s2 =	sadd.s32 s3, s2  }
0x8d: {  	s2 =	sadd.s32 s2, s14  }
0x8e: {  	[smem:$0x3FC6] =	sst s2  }
0x8f: {  	_ = 	snop  }
0x90: {  	s2 =	sld [smem:$0x3FD0];
	_ =	sdelay $0x1  }
0x91: {  	s15 =	sld [smem:$0x3FC9]  }
0x92: {  	s5 =	simm.s32 $0xA;
	s6 =	simm.s32 $0x10;
	s4 =	sld [smem:$0x3FC8]  }
0x93: {  	[smem:s6], [sflag:s5] =	dma.local [hbm:s2], $0x1  }
0x94: {  	_ =	swait.eq [sflag:s5], $0x1  }
0x95: {  	[sflag:s5] =	ssyncset.done $0x0  }
0x96: {  	[sflag:s5] =	ssyncadd.s32 $0xFFFFFFFF  }
0x97: {  	s16 =	sld [smem:$0x10];
	(tm) =	ssettm $0x1  }
0x98: {  	s17 =	sld [smem:$0x3FFB];
	_ =	sdelay $0x3  }
0x99: {  	_ =	strace s17  }
0x9a: {  	s5 =	sld [smem:$0x3FFC];
	_ =	sdelay $0x3  }
0x9b: {  	_ =	strace s5  }
0x9c: {  	s5 =	sld [smem:$0x3FFD];
	_ =	sdelay $0x3  }
0x9d: {  	_ =	strace s5  }
0x9e: {  	_ =	strace $0x8FFFFFFF  }
0x9f: {  	s18 =	sld [smem:$0x3FDB];
	_ =	sdelay $0x1  }
0xa0: {  	s19 =	simm.s32 $_scs_section_size  }
0xa1: {  	s7 =	simm.s32 $_size__tile_overlayer_lowered;
	s8 =	simm.s32 $_tile_overlayer_lowered  }
0xa2: {  	s22 =	simm.s32 $0x1BFF;
	s21 =	sshll.u32 s8, $0x1;
	s5 =	sadd.s32 s19, s18  }
0xa3: {  	s9 =	simm.s32 $0x0;
	s20 =	sshll.u32 s7, $0x1;
	s7 =	sadd.s32 s21, s5  }
0xa4: {  	[timem:s9], [sflag:s22] =	dma.local [hbm:s7], s20  }
0xa5: {  	_ =	swait.ge [sflag:s22], s20  }
0xa6: {  	s6 =	ssub.s32 $0x0, s20;
	[sflag:s22] =	ssyncset.done $0x0  }
0xa7: {  	[sflag:s22] =	ssyncadd.s32 s6;
	_ =	sdelay $0x1  }
0xa8: {  	s23 =	simm.s32 $0x1B8B  }
0xa9: {  	_ =	swait.ge [sflag:s23], $0x1  }
0xaa: {  	[sflag:s23] =	ssyncset.done $0x0  }
0xab: {  	s25 =	simm.s32 $0x1B8E;
	s24 =	sld [smem:$0x3FFE];
	[sflag:s23] =	ssyncadd.s32 $0xFFFFFFFF  }
0xac: {  	s26 =	simm.s32 $execute0_lowered;
	[smem:$0x3FD2] =	sst s25  }
0xad: {  	s7 =	sshll.u32 s26, $0x1;
	_ =	strace $0x80000046;
	[dreg:$0x1] =	wrdreg $0xFFFFFFFF  }
0xae: {  	s28 =	simm.s32 $_size_execute0_lowered;
	s5 =	sadd.s32 s5, s7;
	[dreg:$0x0] =	wrdreg $0x0  }
0xaf: {  	s7 =	sshll.u32 s28, $0x1;
	[dreg:$0x2] =	wrdreg s5  }
0xb0: {  	[dreg:$0x3] =	wrdreg s7  }
0xb1: {  	[dreg:$0x4] =	wrdreg $0xC0  }
0xb2: {  	_ =	task [dreg:s9], $0x5FFFF  }
0xb3: {  	[dreg:$0x1] =	wrdreg $0xFFFFFFFF  }
0xb4: {  	[dreg:$0x0] =	wrdreg $0x60  }
0xb5: {  	[dreg:$0x2] =	wrdreg s4  }
0xb6: {  	[dreg:$0x3] =	wrdreg s24  }
0xb7: {  	[dreg:$0x4] =	wrdreg s15  }
0xb8: {  	[dreg:$0x5] =	wrdreg s16  }
0xb9: {  	[dreg:$0x6] =	wrdreg $0x9  }
0xba: {  	_ =	task.clear_ibuf [dreg:s9], $0x7FFFF;
	_ =	strace $0x90000046  }
0xbb: {  	s29 =	simm.s32 $0x9;
	_ =	strace $0x80000048  }
0xbc: {  	_ =	swait.ge [sflag:s29], $0x1  }
0xbd: {  	[sflag:s29] =	ssyncadd.s32 $0xFFFFFFFF  }
0xbe: {  	_ =	strace $0x90000048  }
0xbf: {  	_ =	sfence  }
0xc0: {  	s30 =	sld [smem:$0x0];
	_ =	sdelay $0x2  }
0xc1: {  	s31 =	sshll.u32 s1, $0xD;
	s1 =	sshrl.u32 s1, $0x2  }
0xc2: {  	s3 =	sand.u32 $0x4000, s31;
	s1 =	sadd.s32 s1, s30  }
0xc3: {  	s0 =	sor.u32 s3, s0;
	s1 =	sshll.u32 s1, $0x11  }
0xc4: {  	s0 =	sor.u32 s1, s0  }
0xc5: {  	s0 =	sadd.s32 $0x8F2B, s0  }
0xc6: {  	[sflag:s0] =	ssyncadd.remote.s32 $0x1  }
0xc7: {  	_ =	sfence.sel $0xFFFF  }
0xc8: {  	[dreg:$0x0] =	wrdreg $0xFFFFFFFF;
	(pc) =	sbr.abs _section_cstart, $3  }
0xc9: {  	[dreg:$0x1] =	wrdreg $0xFFFFFFFF  }
0xca: {  	_ =	task.clear_ibuf [dreg:s9], $0x2FFFF;
	_ =	strace $0x9FFFFFFF  }
0xcb: {  	(tm) =	ssettm $0x7FFFFFFF  }
tec
execute0_lowered:
.L_overlay_start_1:
0x0: {  	(tag) =	ssettag $0x1  }
0x1: {  	s1 =	rddreg [dreg:$0x0]  }
0x2: {  	s0 =	rddreg [dreg:$0x1]  }
0x3: {  	s4 =	srdreg.scid;
	s5 =	stileid.u32  }
0x4: {  	s2 =	rddreg [dreg:$0x2];
	s4 =	sand.u32 $0x1, s4;
	s5 =	sshll.u32 s5, $0x1  }
0x5: {  	s3 =	rddreg [dreg:$0x3];
	s6 =	simm.s32 $0x0;
	s5 =	sor.u32 s4, s5  }
0x6: {  	s29 =	simm.s32 $0xF400;
	[smem:$0x7FF] =	sst s6;
	s8 =	smul.u32 $0x90, s5  }
0x7: {  	s7 =	sshll.u32 s5, $0xA;
	s9 =	sshll.u32 s5, $0x1;
	s5 =	smul.u32 $0x1200, s5  }
0x8: {  	s21 =	sadd.s32 $0xA00, s0;
	_ =	strace $0x80000047;
	s4 =	ssub.s32 $0x2, s4  }
0x9: {  	s10 =	sshrl.u32 s4, $0x1;
	s7 =	sadd.s32 s7, s0;
	s22 =	sadd.s32 s2, s5  }
0xa: {  	s0 =	sadd.s32 s9, s0;
	s5 =	sadd.s32 s3, s5;
	[dreg:$0x6] =	wrdreg s22  }
0xb: {  	s11 =	sshrl.u32 s8, $0x3;
	s0 =	sadd.s32 $0x9600, s0;
	[dreg:$0xb] =	wrdreg s5  }
0xc: {  	s4 =	ssub.s32 s4, s10;
	s10 =	sadd.s32 s21, s11;
	[dreg:$0x18] =	wrdreg s0  }
0xd: {  	s30 =	simm.s32 $0x2;
	s23 =	sadd.s32 $0x240, s10;
	[dreg:$0x5] =	wrdreg s10  }
0xe: {  	s28 =	simm.s32 $0xAC00;
	s24 =	sadd.s32 $0x480, s10;
	[dreg:$0x7] =	wrdreg s23  }
0xf: {  	s31 =	simm.s32 $0xC400;
	s25 =	sadd.s32 $0x6C0, s10;
	[dreg:$0x8] =	wrdreg s24  }
0x10: {  	s6 =	simm.s32 $0xE400;
	s26 =	sadd.s32 $0x900, s10;
	[dreg:$0x9] =	wrdreg s25  }
0x11: {  	s11 =	sadd.s32 $0x30, s8;
	s14 =	sadd.s32 $0x246, s10;
	[dreg:$0xa] =	wrdreg s26  }
0x12: {  	s8 =	sadd.s32 $0x60, s8;
	s15 =	sadd.s32 $0x486, s10;
	[dreg:$0xe] =	wrdreg s14  }
0x13: {  	s0 =	simm.s32 $0xCC00;
	s16 =	sadd.s32 $0x6C6, s10;
	[dreg:$0xf] =	wrdreg s15  }
0x14: {  	s12 =	sshll.u32 s11, $0x5;
	s17 =	sadd.s32 $0x906, s10;
	[dreg:$0x10] =	wrdreg s16  }
0x15: {  	s9 =	sshrl.u32 s11, $0x3;
	s20 =	sadd.s32 $0x24C, s10;
	[dreg:$0x11] =	wrdreg s17  }
0x16: {  	s18 =	sshll.u32 s8, $0x5;
	s22 =	sadd.s32 $0x48C, s10;
	[dreg:$0x15] =	wrdreg s20  }
0x17: {  	s8 =	sshrl.u32 s8, $0x3;
	s13 =	sadd.s32 s2, s12;
	[dreg:$0x17] =	wrdreg s22  }
0x18: {  	s9 =	sadd.s32 s21, s9;
	s5 =	sadd.s32 s3, s12;
	[dreg:$0xc] =	wrdreg s13  }
0x19: {  	s2 =	sadd.s32 s2, s18;
	s19 =	sadd.s32 s21, s8;
	[dreg:$0xd] =	wrdreg s9  }
0x1a: {  	v0 =	vimm.f32 $5.000000000e+00;
	s21 =	sadd.s32 s3, s18;
	s23 =	sadd.s32 $0x1600, s7;
	[dreg:$0x12] =	wrdreg s5  }
0x1b: {  	(erf) = vrcp.f32 v0;
	s24 =	smax.u32 s4, $0x1;
	s25 =	sadd.s32 $0x6CC, s10;
	[dreg:$0x13] =	wrdreg s2  }
0x1c: {  	s26 =	sadd.s32 $0x90C, s10;
	s15 =	simm.s32 $0x4C00;
	[dreg:$0x14] =	wrdreg s19  }
0x1d: {  	s16 =	simm.s32 $0x5400;
	s17 =	simm.s32 $0x5C00;
	[dreg:$0x16] =	wrdreg s21  }
0x1e: {  	s18 =	simm.s32 $0x6400;
	s20 =	simm.s32 $0x7400;
	[dreg:$0x19] =	wrdreg s23  }
0x1f: {  	s22 =	simm.s32 $0x8400;
	s4 =	simm.s32 $0xB400;
	[dreg:$0x1a] =	wrdreg s24  }
0x20: {  	s3 =	simm.s32 $0xBC00;
	s7 =	simm.s32 $0xEC00;
	[dreg:$0x1b] =	wrdreg s25  }
0x21: {  	s8 =	simm.s32 $0x1;
	s10 =	simm.s32 $0x0;
	[dreg:$0x1c] =	wrdreg s26  }
0x22: {  	v4 =	vlaneseq.u32;
	vm0 =	vmmov $0xffff;
	s19 =	simm.s32 $0x6C00;
	s21 =	simm.s32 $0x7C00;
	s23 =	simm.s32 $0x8C00  }
0x23: {  	v5 =	vimm.f32 $1.000000000e+00;
	v2 =	vshrl.u32 v4, $0x3;
	v1 =	vand.u32 $0x7, v4;
	s24 =	simm.s32 $0x9400;
	s25 =	simm.s32 $0x9C00;
	s26 =	simm.s32 $0xA400  }
0x24: {  	v4 =	vor.u32 $0x8, v4;
	v2 =	vmul.u32 $0x8, v2;
	v0 =	vimm.f32 $0.0e+00;
	s2 =	simm.s32 $0xD400;
	s5 =	simm.s32 $0xDC00;
	s9 =	simm.s32 $0x12400;
	v3 =	vpop (erf)  }
.LBB2_1:
0x25: {  	s11 =	simm.s32 $0x40;
	s12 =	simm.s32 $0x0  }
.LBB2_2:
0x26: {  	p0 =	sne.s32 s11, $0x7FC0;
	[tilespmem:s12+$0x12400] =	vst v0;
	s12 =	smov.u32 s11;
	s11 =	sadd.s32 $0x40, s11  }
.Ltmp0:
0x27: {  	(pc) =	sbr.rel @p0 .LBB2_2-.Ltmp0, $2  }
0x28: {  	_ =	sdelay $0x2  }
0x29: {  	s12 =	sshra.s32 s12, $0x2  }
0x2a: {  	[tilespmem:s12+$0x12400] =	vst v0;
	s11 =	simm.s32 $0x0;
	s14 =	rddreg [dreg:$0x6]  }
0x2b: {  	[tilespmem:s29], [sflag:$0x2] =	stream.linear.gather [hbm4b:s14+s11], $0x3000, $0x38;
	[tilespmem:$0x14480] =	vst v63  }
0x2c: {  	_ =	swait.ge [sflag:s30], $0x3000  }
0x2d: {  	[sflag:s30] =	ssyncset.done $0x0  }
0x2e: {  	s13 =	rddreg [dreg:$0x5];
	[sflag:s30] =	ssyncadd.s32 $0xFFFFD000  }
0x2f: {  	[tilespmem:s11], [sflag:$0x2] =	stream.linear.gather [hbm4b:s13+s11], $0x30, $0x38;
	[tilespmem:$0x14480] =	vst v63  }
0x30: {  	_ =	swait.ge [sflag:s30], $0x30  }
0x31: {  	[sflag:s30] =	ssyncset.done $0x0  }
0x32: {  	s13 =	simm.s32 $0x80;
	s14 =	rddreg [dreg:$0x7];
	[sflag:s30] =	ssyncadd.s32 $0xFFFFFFD0  }
0x33: {  	[tilespmem:s13], [sflag:$0x2] =	stream.linear.gather [hbm4b:s14+s11], $0x30, $0x38;
	[tilespmem:$0x14480] =	vst v63  }
0x34: {  	_ =	swait.ge [sflag:s30], $0x30  }
0x35: {  	[sflag:s30] =	ssyncset.done $0x0  }
0x36: {  	s14 =	simm.s32 $0x100;
	s13 =	rddreg [dreg:$0x8];
	[sflag:s30] =	ssyncadd.s32 $0xFFFFFFD0  }
0x37: {  	[tilespmem:s14], [sflag:$0x2] =	stream.linear.gather [hbm4b:s13+s11], $0x30, $0x38;
	[tilespmem:$0x14480] =	vst v63  }
0x38: {  	_ =	swait.ge [sflag:s30], $0x30  }
0x39: {  	[sflag:s30] =	ssyncset.done $0x0  }
0x3a: {  	s14 =	simm.s32 $0x180;
	s13 =	rddreg [dreg:$0x9];
	[sflag:s30] =	ssyncadd.s32 $0xFFFFFFD0  }
0x3b: {  	[tilespmem:s14], [sflag:$0x2] =	stream.linear.gather [hbm4b:s13+s11], $0x30, $0x38;
	[tilespmem:$0x14480] =	vst v63  }
0x3c: {  	_ =	swait.ge [sflag:s30], $0x30  }
0x3d: {  	[sflag:s30] =	ssyncset.done $0x0  }
0x3e: {  	s14 =	simm.s32 $0x200;
	s13 =	rddreg [dreg:$0xa];
	[sflag:s30] =	ssyncadd.s32 $0xFFFFFFD0  }
0x3f: {  	[tilespmem:s14], [sflag:$0x2] =	stream.linear.gather [hbm4b:s13+s11], $0x30, $0x38;
	[tilespmem:$0x14480] =	vst v63  }
0x40: {  	_ =	swait.ge [sflag:s30], $0x30  }
0x41: {  	[sflag:s30] =	ssyncset.done $0x0  }
0x42: {  	[sflag:s30] =	ssyncadd.s32 $0xFFFFFFD0  }
0x43: {  	v6 =	vld [tilespmem:$0x0];
	_ =	sdelay $0x4  }
0x44: {  	v7 =	vshll.u32 v6, $0x1  }
0x45: {  	v6 =	vand.u32 $0x7, v6;
	v7 =	vand.u32 $0xFFFFFFF0, v7  }
0x46: {  	v6 =	vor.u32 v6, v7  }
0x47: {  	v7 =	vperm.xlane v6, v1;
	_ =	sdelay $0x1  }
0x48: {  	v6 =	vperm.xlane v6, v4;
	v7 =	vadd.s32 v2, v7;
	_ =	sdelay $0x1  }
0x49: {  	v6 =	vadd.s32 v2, v6;
	_ =	sdelay $0x1  }
0x4a: {  	s14 =	simm.s32 $0x400  }
0x4b: {  	[tilespmem:s14], [sflag:$0x1] =	stream.indirect_vreg.gather [hbm4b:s1+s11], $0x80, v7, vm0, $0xb8;
	[tilespmem:$0x14480] =	vst v63  }
0x4c: {  	s13 =	simm.s32 $0xC00  }
0x4d: {  	[tilespmem:s13], [sflag:$0x1] =	stream.indirect_vreg.gather [hbm4b:s1+s11], $0x80, v6, vm0, $0xb8;
	[tilespmem:$0x14480] =	vst v63  }
0x4e: {  	v6 =	vld [tilespmem:$0x10];
	_ =	sdelay $0x4  }
0x4f: {  	v7 =	vshll.u32 v6, $0x1  }
0x50: {  	v6 =	vand.u32 $0x7, v6;
	v7 =	vand.u32 $0xFFFFFFF0, v7  }
0x51: {  	v6 =	vor.u32 v6, v7  }
0x52: {  	v7 =	vperm.xlane v6, v1;
	_ =	sdelay $0x1  }
0x53: {  	v6 =	vperm.xlane v6, v4;
	v7 =	vadd.s32 v2, v7;
	_ =	sdelay $0x1  }
0x54: {  	v6 =	vadd.s32 v2, v6;
	_ =	sdelay $0x1  }
0x55: {  	s14 =	simm.s32 $0x1400  }
0x56: {  	[tilespmem:s14], [sflag:$0x1] =	stream.indirect_vreg.gather [hbm4b:s1+s11], $0x80, v7, vm0, $0xb8;
	[tilespmem:$0x14480] =	vst v63  }
0x57: {  	s13 =	simm.s32 $0x1C00  }
0x58: {  	[tilespmem:s13], [sflag:$0x1] =	stream.indirect_vreg.gather [hbm4b:s1+s11], $0x80, v6, vm0, $0xb8;
	[tilespmem:$0x14480] =	vst v63  }
0x59: {  	v6 =	vld [tilespmem:$0x20];
	_ =	sdelay $0x4  }
0x5a: {  	v7 =	vshll.u32 v6, $0x1  }
0x5b: {  	v6 =	vand.u32 $0x7, v6;
	v7 =	vand.u32 $0xFFFFFFF0, v7  }
0x5c: {  	v6 =	vor.u32 v6, v7  }
0x5d: {  	v7 =	vperm.xlane v6, v1;
	_ =	sdelay $0x1  }
0x5e: {  	v6 =	vperm.xlane v6, v4;
	v7 =	vadd.s32 v2, v7;
	_ =	sdelay $0x1  }
0x5f: {  	v6 =	vadd.s32 v2, v6;
	_ =	sdelay $0x1  }
0x60: {  	s14 =	simm.s32 $0x2400  }
0x61: {  	[tilespmem:s14], [sflag:$0x1] =	stream.indirect_vreg.gather [hbm4b:s1+s11], $0x80, v7, vm0, $0xb8;
	[tilespmem:$0x14480] =	vst v63  }
0x62: {  	s13 =	simm.s32 $0x2C00  }
0x63: {  	[tilespmem:s13], [sflag:$0x1] =	stream.indirect_vreg.gather [hbm4b:s1+s11], $0x80, v6, vm0, $0xb8;
	[tilespmem:$0x14480] =	vst v63  }
0x64: {  	v6 =	vld [tilespmem:$0x80];
	_ =	sdelay $0x4  }
0x65: {  	v7 =	vshll.u32 v6, $0x1  }
0x66: {  	v6 =	vand.u32 $0x7, v6;
	v7 =	vand.u32 $0xFFFFFFF0, v7  }
0x67: {  	v6 =	vor.u32 v6, v7  }
0x68: {  	v7 =	vperm.xlane v6, v1;
	_ =	sdelay $0x1  }
0x69: {  	v6 =	vperm.xlane v6, v4;
	v7 =	vadd.s32 v2, v7;
	_ =	sdelay $0x1  }
0x6a: {  	v6 =	vadd.s32 v2, v6;
	_ =	sdelay $0x1  }
0x6b: {  	s14 =	simm.s32 $0x3400  }
0x6c: {  	[tilespmem:s14], [sflag:$0x1] =	stream.indirect_vreg.gather [hbm4b:s1+s11], $0x80, v7, vm0, $0xb8;
	[tilespmem:$0x14480] =	vst v63  }
0x6d: {  	s13 =	simm.s32 $0x3C00  }
0x6e: {  	[tilespmem:s13], [sflag:$0x1] =	stream.indirect_vreg.gather [hbm4b:s1+s11], $0x80, v6, vm0, $0xb8;
	[tilespmem:$0x14480] =	vst v63  }
0x6f: {  	v6 =	vld [tilespmem:$0x90];
	_ =	sdelay $0x4  }
0x70: {  	v7 =	vshll.u32 v6, $0x1  }
0x71: {  	v6 =	vand.u32 $0x7, v6;
	v7 =	vand.u32 $0xFFFFFFF0, v7  }
0x72: {  	v6 =	vor.u32 v6, v7  }
0x73: {  	v7 =	vperm.xlane v6, v1;
	_ =	sdelay $0x1  }
0x74: {  	v6 =	vperm.xlane v6, v4;
	v7 =	vadd.s32 v2, v7;
	_ =	sdelay $0x1  }
0x75: {  	v6 =	vadd.s32 v2, v6;
	_ =	sdelay $0x1  }
0x76: {  	s14 =	simm.s32 $0x4400  }
0x77: {  	[tilespmem:s14], [sflag:$0x1] =	stream.indirect_vreg.gather [hbm4b:s1+s11], $0x80, v7, vm0, $0xb8;
	[tilespmem:$0x14480] =	vst v63  }
0x78: {  	_ = 	snop  }
0x79: {  	[tilespmem:s15], [sflag:$0x1] =	stream.indirect_vreg.gather [hbm4b:s1+s11], $0x80, v6, vm0, $0xb8;
	[tilespmem:$0x14480] =	vst v63  }
0x7a: {  	v6 =	vld [tilespmem:$0xA0];
	_ =	sdelay $0x4  }
0x7b: {  	v7 =	vshll.u32 v6, $0x1  }
0x7c: {  	v6 =	vand.u32 $0x7, v6;
	v7 =	vand.u32 $0xFFFFFFF0, v7  }
0x7d: {  	v6 =	vor.u32 v6, v7  }
0x7e: {  	v7 =	vperm.xlane v6, v1;
	_ =	sdelay $0x1  }
0x7f: {  	v6 =	vperm.xlane v6, v4;
	v7 =	vadd.s32 v2, v7;
	_ =	sdelay $0x1  }
0x80: {  	v6 =	vadd.s32 v2, v6;
	_ =	sdelay $0x2  }
0x81: {  	[tilespmem:s16], [sflag:$0x1] =	stream.indirect_vreg.gather [hbm4b:s1+s11], $0x80, v7, vm0, $0xb8;
	[tilespmem:$0x14480] =	vst v63  }
0x82: {  	_ = 	snop  }
0x83: {  	[tilespmem:s17], [sflag:$0x1] =	stream.indirect_vreg.gather [hbm4b:s1+s11], $0x80, v6, vm0, $0xb8;
	[tilespmem:$0x14480] =	vst v63  }
0x84: {  	v6 =	vld [tilespmem:$0x100];
	_ =	sdelay $0x4  }
0x85: {  	v7 =	vshll.u32 v6, $0x1  }
0x86: {  	v6 =	vand.u32 $0x7, v6;
	v7 =	vand.u32 $0xFFFFFFF0, v7  }
0x87: {  	v6 =	vor.u32 v6, v7  }
0x88: {  	v7 =	vperm.xlane v6, v1;
	_ =	sdelay $0x1  }
0x89: {  	v6 =	vperm.xlane v6, v4;
	v7 =	vadd.s32 v2, v7;
	_ =	sdelay $0x1  }
0x8a: {  	v6 =	vadd.s32 v2, v6;
	_ =	sdelay $0x2  }
0x8b: {  	[tilespmem:s18], [sflag:$0x1] =	stream.indirect_vreg.gather [hbm4b:s1+s11], $0x80, v7, vm0, $0xb8;
	[tilespmem:$0x14480] =	vst v63  }
0x8c: {  	_ = 	snop  }
0x8d: {  	[tilespmem:s19], [sflag:$0x1] =	stream.indirect_vreg.gather [hbm4b:s1+s11], $0x80, v6, vm0, $0xb8;
	[tilespmem:$0x14480] =	vst v63  }
0x8e: {  	v6 =	vld [tilespmem:$0x110];
	_ =	sdelay $0x4  }
0x8f: {  	v7 =	vshll.u32 v6, $0x1  }
0x90: {  	v6 =	vand.u32 $0x7, v6;
	v7 =	vand.u32 $0xFFFFFFF0, v7  }
0x91: {  	v6 =	vor.u32 v6, v7  }
0x92: {  	v7 =	vperm.xlane v6, v1;
	_ =	sdelay $0x1  }
0x93: {  	v6 =	vperm.xlane v6, v4;
	v7 =	vadd.s32 v2, v7;
	_ =	sdelay $0x1  }
0x94: {  	v6 =	vadd.s32 v2, v6;
	_ =	sdelay $0x2  }
0x95: {  	[tilespmem:s20], [sflag:$0x1] =	stream.indirect_vreg.gather [hbm4b:s1+s11], $0x80, v7, vm0, $0xb8;
	[tilespmem:$0x14480] =	vst v63  }
0x96: {  	_ = 	snop  }
0x97: {  	[tilespmem:s21], [sflag:$0x1] =	stream.indirect_vreg.gather [hbm4b:s1+s11], $0x80, v6, vm0, $0xb8;
	[tilespmem:$0x14480] =	vst v63  }
0x98: {  	v6 =	vld [tilespmem:$0x120];
	_ =	sdelay $0x4  }
0x99: {  	v7 =	vshll.u32 v6, $0x1  }
0x9a: {  	v6 =	vand.u32 $0x7, v6;
	v7 =	vand.u32 $0xFFFFFFF0, v7  }
0x9b: {  	v6 =	vor.u32 v6, v7  }
0x9c: {  	v7 =	vperm.xlane v6, v1;
	_ =	sdelay $0x1  }
0x9d: {  	v6 =	vperm.xlane v6, v4;
	v7 =	vadd.s32 v2, v7;
	_ =	sdelay $0x1  }
0x9e: {  	v6 =	vadd.s32 v2, v6;
	_ =	sdelay $0x2  }
0x9f: {  	[tilespmem:s22], [sflag:$0x1] =	stream.indirect_vreg.gather [hbm4b:s1+s11], $0x80, v7, vm0, $0xb8;
	[tilespmem:$0x14480] =	vst v63  }
0xa0: {  	_ = 	snop  }
0xa1: {  	[tilespmem:s23], [sflag:$0x1] =	stream.indirect_vreg.gather [hbm4b:s1+s11], $0x80, v6, vm0, $0xb8;
	[tilespmem:$0x14480] =	vst v63  }
0xa2: {  	v6 =	vld [tilespmem:$0x180];
	_ =	sdelay $0x4  }
0xa3: {  	v7 =	vshll.u32 v6, $0x1  }
0xa4: {  	v6 =	vand.u32 $0x7, v6;
	v7 =	vand.u32 $0xFFFFFFF0, v7  }
0xa5: {  	v6 =	vor.u32 v6, v7  }
0xa6: {  	v7 =	vperm.xlane v6, v1;
	_ =	sdelay $0x1  }
0xa7: {  	v6 =	vperm.xlane v6, v4;
	v7 =	vadd.s32 v2, v7;
	_ =	sdelay $0x1  }
0xa8: {  	v6 =	vadd.s32 v2, v6;
	_ =	sdelay $0x2  }
0xa9: {  	[tilespmem:s24], [sflag:$0x1] =	stream.indirect_vreg.gather [hbm4b:s1+s11], $0x80, v7, vm0, $0xb8;
	[tilespmem:$0x14480] =	vst v63  }
0xaa: {  	_ = 	snop  }
0xab: {  	[tilespmem:s25], [sflag:$0x1] =	stream.indirect_vreg.gather [hbm4b:s1+s11], $0x80, v6, vm0, $0xb8;
	[tilespmem:$0x14480] =	vst v63  }
0xac: {  	v6 =	vld [tilespmem:$0x190];
	_ =	sdelay $0x4  }
0xad: {  	v7 =	vshll.u32 v6, $0x1  }
0xae: {  	v6 =	vand.u32 $0x7, v6;
	v7 =	vand.u32 $0xFFFFFFF0, v7  }
0xaf: {  	v6 =	vor.u32 v6, v7  }
0xb0: {  	v7 =	vperm.xlane v6, v1;
	_ =	sdelay $0x1  }
0xb1: {  	v6 =	vperm.xlane v6, v4;
	v7 =	vadd.s32 v2, v7;
	_ =	sdelay $0x1  }
0xb2: {  	v6 =	vadd.s32 v2, v6;
	_ =	sdelay $0x2  }
0xb3: {  	[tilespmem:s26], [sflag:$0x1] =	stream.indirect_vreg.gather [hbm4b:s1+s11], $0x80, v7, vm0, $0xb8;
	[tilespmem:$0x14480] =	vst v63  }
0xb4: {  	_ = 	snop  }
0xb5: {  	[tilespmem:s28], [sflag:$0x1] =	stream.indirect_vreg.gather [hbm4b:s1+s11], $0x80, v6, vm0, $0xb8;
	[tilespmem:$0x14480] =	vst v63  }
0xb6: {  	v6 =	vld [tilespmem:$0x1A0];
	_ =	sdelay $0x4  }
0xb7: {  	v7 =	vshll.u32 v6, $0x1  }
0xb8: {  	v6 =	vand.u32 $0x7, v6;
	v7 =	vand.u32 $0xFFFFFFF0, v7  }
0xb9: {  	v6 =	vor.u32 v6, v7  }
0xba: {  	v7 =	vperm.xlane v6, v1;
	_ =	sdelay $0x1  }
0xbb: {  	v6 =	vperm.xlane v6, v4;
	v7 =	vadd.s32 v2, v7;
	_ =	sdelay $0x1  }
0xbc: {  	v6 =	vadd.s32 v2, v6;
	_ =	sdelay $0x2  }
0xbd: {  	[tilespmem:s4], [sflag:$0x1] =	stream.indirect_vreg.gather [hbm4b:s1+s11], $0x80, v7, vm0, $0xb8;
	[tilespmem:$0x14480] =	vst v63  }
0xbe: {  	_ = 	snop  }
0xbf: {  	[tilespmem:s3], [sflag:$0x1] =	stream.indirect_vreg.gather [hbm4b:s1+s11], $0x80, v6, vm0, $0xb8;
	[tilespmem:$0x14480] =	vst v63  }
0xc0: {  	v6 =	vld [tilespmem:$0x200];
	_ =	sdelay $0x4  }
0xc1: {  	v7 =	vshll.u32 v6, $0x1  }
0xc2: {  	v6 =	vand.u32 $0x7, v6;
	v7 =	vand.u32 $0xFFFFFFF0, v7  }
0xc3: {  	v6 =	vor.u32 v6, v7  }
0xc4: {  	v7 =	vperm.xlane v6, v1;
	_ =	sdelay $0x1  }
0xc5: {  	v6 =	vperm.xlane v6, v4;
	v7 =	vadd.s32 v2, v7;
	_ =	sdelay $0x1  }
0xc6: {  	v6 =	vadd.s32 v2, v6;
	_ =	sdelay $0x2  }
0xc7: {  	[tilespmem:s31], [sflag:$0x1] =	stream.indirect_vreg.gather [hbm4b:s1+s11], $0x80, v7, vm0, $0xb8;
	[tilespmem:$0x14480] =	vst v63  }
0xc8: {  	_ = 	snop  }
0xc9: {  	[tilespmem:s0], [sflag:$0x1] =	stream.indirect_vreg.gather [hbm4b:s1+s11], $0x80, v6, vm0, $0xb8;
	[tilespmem:$0x14480] =	vst v63  }
0xca: {  	v6 =	vld [tilespmem:$0x210];
	_ =	sdelay $0x4  }
0xcb: {  	v7 =	vshll.u32 v6, $0x1  }
0xcc: {  	v6 =	vand.u32 $0x7, v6;
	v7 =	vand.u32 $0xFFFFFFF0, v7  }
0xcd: {  	v6 =	vor.u32 v6, v7  }
0xce: {  	v7 =	vperm.xlane v6, v1;
	_ =	sdelay $0x1  }
0xcf: {  	v6 =	vperm.xlane v6, v4;
	v7 =	vadd.s32 v2, v7;
	_ =	sdelay $0x1  }
0xd0: {  	v6 =	vadd.s32 v2, v6;
	_ =	sdelay $0x2  }
0xd1: {  	[tilespmem:s2], [sflag:$0x1] =	stream.indirect_vreg.gather [hbm4b:s1+s11], $0x80, v7, vm0, $0xb8;
	[tilespmem:$0x14480] =	vst v63  }
0xd2: {  	_ = 	snop  }
0xd3: {  	[tilespmem:s5], [sflag:$0x1] =	stream.indirect_vreg.gather [hbm4b:s1+s11], $0x80, v6, vm0, $0xb8;
	[tilespmem:$0x14480] =	vst v63  }
0xd4: {  	v6 =	vld [tilespmem:$0x220];
	_ =	sdelay $0x4  }
0xd5: {  	v7 =	vshll.u32 v6, $0x1  }
0xd6: {  	v6 =	vand.u32 $0x7, v6;
	v7 =	vand.u32 $0xFFFFFFF0, v7  }
0xd7: {  	v6 =	vor.u32 v6, v7  }
0xd8: {  	v7 =	vperm.xlane v6, v1;
	_ =	sdelay $0x1  }
0xd9: {  	v6 =	vperm.xlane v6, v4;
	v7 =	vadd.s32 v2, v7;
	_ =	sdelay $0x1  }
0xda: {  	v6 =	vadd.s32 v2, v6;
	_ =	sdelay $0x2  }
0xdb: {  	[tilespmem:s6], [sflag:$0x1] =	stream.indirect_vreg.gather [hbm4b:s1+s11], $0x80, v7, vm0, $0xb8;
	[tilespmem:$0x14480] =	vst v63  }
0xdc: {  	_ = 	snop  }
0xdd: {  	[tilespmem:s7], [sflag:$0x1] =	stream.indirect_vreg.gather [hbm4b:s1+s11], $0x80, v6, vm0, $0xb8;
	[tilespmem:$0x14480] =	vst v63  }
0xde: {  	_ =	swait.ge [sflag:s8], $0x3000  }
0xdf: {  	[sflag:s8] =	ssyncset.done $0x0  }
0xe0: {  	[sflag:s8] =	ssyncadd.s32 $0xFFFFD000  }
0xe1: {  	_ =	swait.ge [sflag:s8], $0x3000  }
0xe2: {  	[sflag:s8] =	ssyncset.done $0x0  }
0xe3: {  	[sflag:s8] =	ssyncadd.s32 $0xFFFFD000  }
0xe4: {  	_ =	swait.ge [sflag:s8], $0x3000  }
0xe5: {  	[sflag:s8] =	ssyncset.done $0x0  }
0xe6: {  	[sflag:s8] =	ssyncadd.s32 $0xFFFFD000  }
0xe7: {  	_ =	swait.ge [sflag:s8], $0x3000  }
0xe8: {  	[sflag:s8] =	ssyncset.done $0x0  }
0xe9: {  	[sflag:s8] =	ssyncadd.s32 $0xFFFFD000  }
0xea: {  	_ =	swait.ge [sflag:s8], $0x3000  }
0xeb: {  	[sflag:s8] =	ssyncset.done $0x0  }
0xec: {  	[sflag:s8] =	ssyncadd.s32 $0xFFFFD000  }
0xed: {  	v6 =	vld [tilespmem:$0x0];
	_ =	sdelay $0x7  }
0xee: {  	[tilespmem:v6+s9+$0x0] =	vst.idx.add.f32.msk $0xffff, v5  }
0xef: {  	v6 =	vld [tilespmem:$0x10];
	_ =	sdelay $0x7  }
0xf0: {  	[tilespmem:v6+s9+$0x0] =	vst.idx.add.f32.msk $0xffff, v5  }
0xf1: {  	v6 =	vld [tilespmem:$0x20];
	_ =	sdelay $0x7  }
0xf2: {  	[tilespmem:v6+s9+$0x0] =	vst.idx.add.f32.msk $0xffff, v5  }
0xf3: {  	v6 =	vld [tilespmem:$0x80];
	_ =	sdelay $0x7  }
0xf4: {  	[tilespmem:v6+s9+$0x0] =	vst.idx.add.f32.msk $0xffff, v5  }
0xf5: {  	v6 =	vld [tilespmem:$0x90];
	_ =	sdelay $0x7  }
0xf6: {  	[tilespmem:v6+s9+$0x0] =	vst.idx.add.f32.msk $0xffff, v5  }
0xf7: {  	v6 =	vld [tilespmem:$0xA0];
	_ =	sdelay $0x7  }
0xf8: {  	[tilespmem:v6+s9+$0x0] =	vst.idx.add.f32.msk $0xffff, v5  }
0xf9: {  	v6 =	vld [tilespmem:$0x100];
	_ =	sdelay $0x7  }
0xfa: {  	[tilespmem:v6+s9+$0x0] =	vst.idx.add.f32.msk $0xffff, v5  }
0xfb: {  	v6 =	vld [tilespmem:$0x110];
	_ =	sdelay $0x7  }
0xfc: {  	[tilespmem:v6+s9+$0x0] =	vst.idx.add.f32.msk $0xffff, v5  }
0xfd: {  	v6 =	vld [tilespmem:$0x120];
	_ =	sdelay $0x7  }
0xfe: {  	[tilespmem:v6+s9+$0x0] =	vst.idx.add.f32.msk $0xffff, v5  }
0xff: {  	v6 =	vld [tilespmem:$0x180];
	_ =	sdelay $0x7  }
0x100: {  	[tilespmem:v6+s9+$0x0] =	vst.idx.add.f32.msk $0xffff, v5  }
0x101: {  	v6 =	vld [tilespmem:$0x190];
	_ =	sdelay $0x7  }
0x102: {  	[tilespmem:v6+s9+$0x0] =	vst.idx.add.f32.msk $0xffff, v5  }
0x103: {  	v6 =	vld [tilespmem:$0x1A0];
	_ =	sdelay $0x7  }
0x104: {  	[tilespmem:v6+s9+$0x0] =	vst.idx.add.f32.msk $0xffff, v5  }
0x105: {  	v6 =	vld [tilespmem:$0x200];
	_ =	sdelay $0x7  }
0x106: {  	[tilespmem:v6+s9+$0x0] =	vst.idx.add.f32.msk $0xffff, v5  }
0x107: {  	v6 =	vld [tilespmem:$0x210];
	_ =	sdelay $0x7  }
0x108: {  	[tilespmem:v6+s9+$0x0] =	vst.idx.add.f32.msk $0xffff, v5  }
0x109: {  	v6 =	vld [tilespmem:$0x220];
	_ =	sdelay $0x7  }
0x10a: {  	s12 =	simm.s32 $0x0;
	[tilespmem:v6+s9+$0x0] =	vst.idx.add.f32.msk $0xffff, v5;
	v6 =	vimm.f32 $0.0e+00  }
.LBB2_4:
0x10b: {  	s13 =	sand.u32 $0x3800, s12;
	s14 =	sand.u32 $0x380, s11  }
0x10c: {  	s13 =	sor.u32 s14, s13  }
0x10d: {  	v7 =	vld [tilespmem:s13+$0x400]  }
0x10e: {  	v8 =	vld [tilespmem:s13+$0x3400]  }
0x10f: {  	v9 =	vld [tilespmem:s13+$0x6400]  }
0x110: {  	v10 =	vld [tilespmem:s13+$0x9400]  }
0x111: {  	v11 =	vld [tilespmem:s13+$0xC400]  }
0x112: {  	v12 =	vld [tilespmem:s13+$0xF400]  }
0x113: {  	v13 =	vld [tilespmem:s13+$0x410]  }
0x114: {  	v14 =	vld [tilespmem:s13+$0x3410]  }
0x115: {  	v15 =	vld [tilespmem:s13+$0x6410]  }
0x116: {  	v16 =	vld [tilespmem:s13+$0x9410]  }
0x117: {  	v17 =	vld [tilespmem:s13+$0xC410]  }
0x118: {  	v18 =	vld [tilespmem:s13+$0xF410]  }
0x119: {  	v19 =	vld [tilespmem:s13+$0x420]  }
0x11a: {  	v20 =	vld [tilespmem:s13+$0x3420]  }
0x11b: {  	v21 =	vld [tilespmem:s13+$0x6420]  }
0x11c: {  	v22 =	vld [tilespmem:s13+$0x9420]  }
0x11d: {  	v23 =	vld [tilespmem:s13+$0xC420]  }
0x11e: {  	v24 =	vld [tilespmem:s13+$0xF420]  }
0x11f: {  	v25 =	vld [tilespmem:s13+$0x430]  }
0x120: {  	v26 =	vld [tilespmem:s13+$0x3430]  }
0x121: {  	v27 =	vld [tilespmem:s13+$0x6430]  }
0x122: {  	v28 =	vld [tilespmem:s13+$0x9430]  }
0x123: {  	v29 =	vld [tilespmem:s13+$0xC430]  }
0x124: {  	v30 =	vld [tilespmem:s13+$0xF430]  }
0x125: {  	v31 =	vld [tilespmem:s13+$0x440]  }
0x126: {  	v32 =	vld [tilespmem:s13+$0x3440]  }
0x127: {  	v33 =	vld [tilespmem:s13+$0x6440]  }
0x128: {  	v34 =	vld [tilespmem:s13+$0x9440]  }
0x129: {  	v35 =	vld [tilespmem:s13+$0xC440]  }
0x12a: {  	v36 =	vld [tilespmem:s13+$0xF440]  }
0x12b: {  	v37 =	vld [tilespmem:s13+$0x450]  }
0x12c: {  	v38 =	vld [tilespmem:s13+$0x3450]  }
0x12d: {  	v39 =	vld [tilespmem:s13+$0x6450]  }
0x12e: {  	v40 =	vld [tilespmem:s13+$0x9450]  }
0x12f: {  	v41 =	vld [tilespmem:s13+$0xC450]  }
0x130: {  	v42 =	vld [tilespmem:s13+$0xF450]  }
0x131: {  	v43 =	vld [tilespmem:s13+$0x460]  }
0x132: {  	v44 =	vld [tilespmem:s13+$0x3460]  }
0x133: {  	v45 =	vld [tilespmem:s13+$0x6460]  }
0x134: {  	v46 =	vld [tilespmem:s13+$0x9460]  }
0x135: {  	v47 =	vld [tilespmem:s13+$0xC460]  }
0x136: {  	v48 =	vld [tilespmem:s13+$0x6470]  }
0x137: {  	v49 =	vld [tilespmem:s13+$0x3800]  }
0x138: {  	v51 =	vld [tilespmem:s13+$0x9800]  }
0x139: {  	v7 =	vadd.f32 v8, v7;
	v8 =	vadd.f32 v10, v9;
	v9 =	vld [tilespmem:s13+$0xF460]  }
0x13a: {  	v10 =	vld [tilespmem:s13+$0x470]  }
0x13b: {  	v62 =	vadd.f32 v16, v15;
	v15 =	vld [tilespmem:s13+$0xC470]  }
0x13c: {  	v16 =	vld [tilespmem:s13+$0xF470]  }
0x13d: {  	v13 =	vadd.f32 v14, v13;
	v14 =	vld [tilespmem:s13+$0x800]  }
0x13e: {  	v52 =	vadd.f32 v22, v21;
	v21 =	vld [tilespmem:s13+$0xF800]  }
0x13f: {  	v19 =	vadd.f32 v20, v19;
	v22 =	vld [tilespmem:s13+$0x3810]  }
0x140: {  	v54 =	vadd.f32 v26, v25;
	v55 =	vadd.f32 v28, v27;
	v26 =	vld [tilespmem:s13+$0x6810]  }
0x141: {  	v56 =	vadd.f32 v32, v31;
	v57 =	vadd.f32 v34, v33;
	v31 =	vld [tilespmem:s13+$0x9810]  }
0x142: {  	v25 =	vld [tilespmem:s13+$0xF810];
	v60 =	vadd.f32 v38, v37;
	v61 =	vadd.f32 v40, v39  }
0x143: {  	v32 =	vld [tilespmem:s13+$0x820];
	v40 =	vadd.f32 v46, v45;
	v7 =	vadd.f32 v8, v7  }
0x144: {  	v28 =	vld [tilespmem:s13+$0x6820];
	v13 =	vadd.f32 v62, v13;
	v19 =	vadd.f32 v52, v19  }
0x145: {  	v37 =	vld [tilespmem:s13+$0xC820];
	v20 =	vadd.f32 v55, v54;
	v59 =	vadd.f32 v57, v56  }
0x146: {  	v8 =	vld [tilespmem:s13+$0x3470];
	v27 =	vadd.f32 v61, v60;
	v7 =	vadd.f32 v7, v11  }
0x147: {  	v62 =	vld [tilespmem:s13+$0x3820];
	v13 =	vadd.f32 v13, v17;
	v58 =	vadd.f32 v19, v23  }
0x148: {  	v45 =	vld [tilespmem:s13+$0x6830];
	v20 =	vadd.f32 v20, v29;
	v23 =	vadd.f32 v59, v35;
	v7 =	vmul.f32 v7, v3  }
0x149: {  	v39 =	vld [tilespmem:s13+$0xF830];
	v27 =	vadd.f32 v27, v41;
	v14 =	vadd.f32 v49, v14  }
0x14a: {  	v11 =	vld [tilespmem:s13+$0x9470];
	v59 =	vadd.f32 v31, v26;
	v13 =	vmul.f32 v13, v3;
	v50 =	vsub.f32 v7, v12  }
0x14b: {  	v17 =	vld [tilespmem:s13+$0x6800];
	v20 =	vmul.f32 v20, v3;
	v23 =	vmul.f32 v23, v3;
	v8 =	vadd.f32 v8, v10  }
0x14c: {  	v35 =	vld [tilespmem:s13+$0x9820];
	v62 =	vadd.f32 v62, v32;
	v53 =	vsub.f32 v13, v18;
	v63 =	vmul.f32 v50, v50  }
0x14d: {  	v38 =	vld [tilespmem:s13+$0x860];
	v27 =	vmul.f32 v27, v3;
	v20 =	vsub.f32 v20, v30;
	v23 =	vsub.f32 v23, v36  }
0x14e: {  	v52 =	vld [tilespmem:s13+$0x840];
	v7 =	vadd.f32 v50, v12;
	v12 =	vmul.f32 v53, v53;
	v6 =	vadd.f32 v63, v6  }
0x14f: {  	v55 =	vld [tilespmem:s13+$0x6840];
	v27 =	vsub.f32 v27, v42;
	v41 =	vadd.f32 v11, v48  }
0x150: {  	v56 =	vld [tilespmem:s13+$0x9840];
	v17 =	vadd.f32 v51, v17;
	v6 =	vadd.f32 v12, v6;
	v12 =	vmul.f32 v58, v3  }
0x151: {  	v57 =	vld [tilespmem:s13+$0xC840];
	v28 =	vadd.f32 v35, v28;
	v18 =	vadd.f32 v53, v18  }
0x152: {  	v13 =	vld [tilespmem:s13+$0x810];
	v46 =	vmul.f32 v23, v23;
	v63 =	vadd.f32 v44, v43;
	v12 =	vsub.f32 v12, v24  }
0x153: {  	v60 =	vld [tilespmem:s13+$0x3850];
	v51 =	vmul.f32 v27, v27;
	v23 =	vadd.f32 v23, v36;
	v27 =	vadd.f32 v27, v42  }
0x154: {  	v50 =	vld [tilespmem:s13+$0xC800];
	v33 =	vadd.f32 v40, v63;
	v24 =	vadd.f32 v12, v24;
	v12 =	vmul.f32 v12, v12  }
0x155: {  	v11 =	vld [tilespmem:s13+$0x830];
	v8 =	vadd.f32 v41, v8;
	v14 =	vadd.f32 v17, v14  }
0x156: {  	v53 =	vld [tilespmem:s13+$0x3840];
	v43 =	vmul.f32 v20, v20;
	v33 =	vadd.f32 v33, v47;
	v6 =	vadd.f32 v12, v6  }
0x157: {  	v42 =	vld [tilespmem:s13+$0x3860];
	v8 =	vadd.f32 v8, v15;
	v13 =	vadd.f32 v22, v13  }
0x158: {  	v44 =	vld [tilespmem:s13+$0x3830];
	v20 =	vadd.f32 v20, v30;
	v33 =	vmul.f32 v33, v3;
	v6 =	vadd.f32 v43, v6  }
0x159: {  	v58 =	vld [tilespmem:s13+$0x850];
	v8 =	vmul.f32 v8, v3;
	v14 =	vadd.f32 v14, v50;
	v13 =	vadd.f32 v59, v13  }
0x15a: {  	v47 =	vld [tilespmem:s13+$0x9830];
	v33 =	vsub.f32 v33, v9;
	v6 =	vadd.f32 v46, v6  }
0x15b: {  	v61 =	vld [tilespmem:s13+$0x6850];
	v17 =	vadd.f32 v53, v52;
	v8 =	vsub.f32 v8, v16  }
0x15c: {  	v19 =	vld [tilespmem:s13+$0xC810];
	[tilespmem:s13+$0xF400] =	vst v7;
	v7 =	vadd.f32 v42, v38;
	v54 =	vmul.f32 v33, v33;
	v6 =	vadd.f32 v51, v6  }
0x15d: {  	v49 =	vld [tilespmem:s13+$0x6870];
	v14 =	vmul.f32 v14, v3;
	v11 =	vadd.f32 v44, v11;
	v16 =	vadd.f32 v8, v16  }
0x15e: {  	v48 =	vld [tilespmem:s13+$0xC830];
	v8 =	vmul.f32 v8, v8;
	v26 =	vadd.f32 v60, v58;
	v6 =	vadd.f32 v54, v6  }
0x15f: {  	v63 =	vld [tilespmem:s13+$0x9850];
	v10 =	vadd.f32 v47, v45;
	v45 =	vadd.f32 v56, v55  }
0x160: {  	v50 =	vld [tilespmem:s13+$0x9870];
	v6 =	vadd.f32 v8, v6;
	v8 =	vsub.f32 v14, v21  }
0x161: {  	v44 =	vld [tilespmem:s13+$0x6860];
	v9 =	vadd.f32 v33, v9;
	v10 =	vadd.f32 v10, v11  }
0x162: {  	v43 =	vadd.f32 v28, v62;
	v46 =	vld [tilespmem:s13+$0x9860];
	v21 =	vadd.f32 v8, v21;
	v8 =	vmul.f32 v8, v8  }
0x163: {  	v47 =	vld [tilespmem:s13+$0x870];
	v17 =	vadd.f32 v45, v17;
	v10 =	vadd.f32 v10, v48  }
0x164: {  	v48 =	vld [tilespmem:s13+$0x3870];
	v6 =	vadd.f32 v8, v6;
	v8 =	vadd.f32 v13, v19  }
0x165: {  	v34 =	vld [tilespmem:s13+$0xF820];
	v12 =	vadd.f32 v17, v57;
	v17 =	vadd.f32 v50, v49  }
0x166: {  	v51 =	vld [tilespmem:s13+$0xF840];
	v10 =	vmul.f32 v10, v3;
	v19 =	vadd.f32 v43, v37;
	v8 =	vmul.f32 v8, v3  }
0x167: {  	v35 =	vld [tilespmem:s13+$0xC850];
	v11 =	vadd.f32 v46, v44;
	v14 =	vadd.f32 v63, v61  }
0x168: {  	v52 =	vld [tilespmem:s13+$0xC860];
	v10 =	vsub.f32 v10, v39;
	v19 =	vmul.f32 v19, v3;
	v8 =	vsub.f32 v8, v25  }
0x169: {  	v12 =	vmul.f32 v12, v3;
	v15 =	vadd.f32 v48, v47;
	v14 =	vadd.f32 v14, v26  }
0x16a: {  	[tilespmem:s13+$0xF410] =	vst v18;
	v54 =	vld [tilespmem:s13+$0xC870];
	v19 =	vsub.f32 v19, v34;
	v25 =	vadd.f32 v8, v25;
	v8 =	vmul.f32 v8, v8  }
0x16b: {  	[tilespmem:s13+$0xF440] =	vst v23;
	v53 =	vld [tilespmem:s13+$0xF850];
	v7 =	vadd.f32 v11, v7;
	v12 =	vsub.f32 v12, v51  }
0x16c: {  	[tilespmem:s13+$0xF450] =	vst v27;
	v55 =	vld [tilespmem:s13+$0xF860];
	v14 =	vadd.f32 v14, v35;
	v6 =	vadd.f32 v8, v6;
	v8 =	vmul.f32 v19, v19  }
0x16d: {  	[tilespmem:s13+$0xF430] =	vst v20;
	v56 =	vadd.f32 v17, v15;
	v7 =	vadd.f32 v7, v52  }
0x16e: {  	v58 =	vld [tilespmem:s13+$0xF870];
	[tilespmem:s13+$0xF420] =	vst v24;
	v14 =	vmul.f32 v14, v3;
	v6 =	vadd.f32 v8, v6;
	v8 =	vmul.f32 v10, v10  }
0x16f: {  	[tilespmem:s13+$0xF470] =	vst v16;
	v60 =	vadd.f32 v12, v51;
	v11 =	vadd.f32 v56, v54;
	v7 =	vmul.f32 v7, v3  }
0x170: {  	[tilespmem:s13+$0xF460] =	vst v9;
	v59 =	vsub.f32 v14, v53;
	v6 =	vadd.f32 v8, v6;
	v8 =	vmul.f32 v12, v12  }
0x171: {  	[tilespmem:s13+$0xF800] =	vst v21;
	v11 =	vmul.f32 v11, v3;
	v7 =	vsub.f32 v7, v55  }
0x172: {  	[tilespmem:s13+$0xF840] =	vst v60;
	v57 =	vadd.f32 v19, v34;
	v6 =	vadd.f32 v8, v6;
	v8 =	vmul.f32 v59, v59  }
0x173: {  	p0 =	sne.s32 s12, $0x2F00;
	v62 =	vsub.f32 v11, v58;
	v61 =	vadd.f32 v59, v53;
	[tilespmem:s13+$0xF810] =	vst v25  }
.Ltmp1:
0x174: {  	[tilespmem:s13+$0xF820] =	vst v57;
	v10 =	vadd.f32 v10, v39;
	v6 =	vadd.f32 v8, v6;
	v8 =	vmul.f32 v7, v7;
	(pc) =	sbr.rel @p0 .LBB2_4-.Ltmp1, $4  }
0x175: {  	[tilespmem:s13+$0xF850] =	vst v61;
	v7 =	vadd.f32 v7, v55  }
0x176: {  	v63 =	vmul.f32 v62, v62;
	[tilespmem:s13+$0xF830] =	vst v10;
	v6 =	vadd.f32 v8, v6;
	v8 =	vadd.f32 v62, v58  }
0x177: {  	[tilespmem:s13+$0xF860] =	vst v7  }
0x178: {  	s11 =	sadd.s32 $0x80, s11;
	s12 =	sadd.s32 $0x100, s12;
	[tilespmem:s13+$0xF870] =	vst v8;
	v6 =	vadd.f32 v63, v6  }
0x179: {  	s11 =	simm.s32 $0x0;
	s12 =	rddreg [dreg:$0xb]  }
0x17a: {  	[hbm4b:s12+s11] =	stream.linear.scatter [tilespmem:s29], [sflag:$0x2], $0x3000, $0x38;
	[tilespmem:$0x14480] =	vst v63  }
0x17b: {  	_ =	swait.ge [sflag:s30], $0x3000  }
0x17c: {  	[sflag:s30] =	ssyncset.done $0x0  }
0x17d: {  	s14 =	rddreg [dreg:$0xc];
	[sflag:s30] =	ssyncadd.s32 $0xFFFFD000  }
0x17e: {  	[tilespmem:s29], [sflag:$0x2] =	stream.linear.gather [hbm4b:s14+s11], $0x3000, $0x38;
	[tilespmem:$0x14480] =	vst v63  }
0x17f: {  	_ =	swait.ge [sflag:s30], $0x3000  }
0x180: {  	[sflag:s30] =	ssyncset.done $0x0  }
0x181: {  	s13 =	rddreg [dreg:$0xd];
	[sflag:s30] =	ssyncadd.s32 $0xFFFFD000  }
0x182: {  	[tilespmem:s11], [sflag:$0x2] =	stream.linear.gather [hbm4b:s13+s11], $0x30, $0x38;
	[tilespmem:$0x14480] =	vst v63  }
0x183: {  	_ =	swait.ge [sflag:s30], $0x30  }
0x184: {  	[sflag:s30] =	ssyncset.done $0x0  }
0x185: {  	s13 =	simm.s32 $0x80;
	s14 =	rddreg [dreg:$0xe];
	[sflag:s30] =	ssyncadd.s32 $0xFFFFFFD0  }
0x186: {  	[tilespmem:s13], [sflag:$0x2] =	stream.linear.gather [hbm4b:s14+s11], $0x30, $0x38;
	[tilespmem:$0x14480] =	vst v63  }
0x187: {  	_ =	swait.ge [sflag:s30], $0x30  }
0x188: {  	[sflag:s30] =	ssyncset.done $0x0  }
0x189: {  	s14 =	simm.s32 $0x100;
	s13 =	rddreg [dreg:$0xf];
	[sflag:s30] =	ssyncadd.s32 $0xFFFFFFD0  }
0x18a: {  	[tilespmem:s14], [sflag:$0x2] =	stream.linear.gather [hbm4b:s13+s11], $0x30, $0x38;
	[tilespmem:$0x14480] =	vst v63  }
0x18b: {  	_ =	swait.ge [sflag:s30], $0x30  }
0x18c: {  	[sflag:s30] =	ssyncset.done $0x0  }
0x18d: {  	s14 =	simm.s32 $0x180;
	s13 =	rddreg [dreg:$0x10];
	[sflag:s30] =	ssyncadd.s32 $0xFFFFFFD0  }
0x18e: {  	[tilespmem:s14], [sflag:$0x2] =	stream.linear.gather [hbm4b:s13+s11], $0x30, $0x38;
	[tilespmem:$0x14480] =	vst v63  }
0x18f: {  	_ =	swait.ge [sflag:s30], $0x30  }
0x190: {  	[sflag:s30] =	ssyncset.done $0x0  }
0x191: {  	s14 =	simm.s32 $0x200;
	s13 =	rddreg [dreg:$0x11];
	[sflag:s30] =	ssyncadd.s32 $0xFFFFFFD0  }
0x192: {  	[tilespmem:s14], [sflag:$0x2] =	stream.linear.gather [hbm4b:s13+s11], $0x30, $0x38;
	[tilespmem:$0x14480] =	vst v63  }
0x193: {  	_ =	swait.ge [sflag:s30], $0x30  }
0x194: {  	[sflag:s30] =	ssyncset.done $0x0  }
0x195: {  	[sflag:s30] =	ssyncadd.s32 $0xFFFFFFD0  }
0x196: {  	v7 =	vld [tilespmem:$0x0];
	_ =	sdelay $0x4  }
0x197: {  	v8 =	vshll.u32 v7, $0x1  }
0x198: {  	v7 =	vand.u32 $0x7, v7;
	v8 =	vand.u32 $0xFFFFFFF0, v8  }
0x199: {  	v7 =	vor.u32 v7, v8  }
0x19a: {  	v8 =	vperm.xlane v7, v1;
	_ =	sdelay $0x1  }
0x19b: {  	v7 =	vperm.xlane v7, v4;
	v8 =	vadd.s32 v2, v8;
	_ =	sdelay $0x1  }
0x19c: {  	v7 =	vadd.s32 v2, v7;
	_ =	sdelay $0x1  }
0x19d: {  	s14 =	simm.s32 $0x400  }
0x19e: {  	[tilespmem:s14], [sflag:$0x1] =	stream.indirect_vreg.gather [hbm4b:s1+s11], $0x80, v8, vm0, $0xb8;
	[tilespmem:$0x14480] =	vst v63  }
0x19f: {  	s13 =	simm.s32 $0xC00  }
0x1a0: {  	[tilespmem:s13], [sflag:$0x1] =	stream.indirect_vreg.gather [hbm4b:s1+s11], $0x80, v7, vm0, $0xb8;
	[tilespmem:$0x14480] =	vst v63  }
0x1a1: {  	v7 =	vld [tilespmem:$0x10];
	_ =	sdelay $0x4  }
0x1a2: {  	v8 =	vshll.u32 v7, $0x1  }
0x1a3: {  	v7 =	vand.u32 $0x7, v7;
	v8 =	vand.u32 $0xFFFFFFF0, v8  }
0x1a4: {  	v7 =	vor.u32 v7, v8  }
0x1a5: {  	v8 =	vperm.xlane v7, v1;
	_ =	sdelay $0x1  }
0x1a6: {  	v7 =	vperm.xlane v7, v4;
	v8 =	vadd.s32 v2, v8;
	_ =	sdelay $0x1  }
0x1a7: {  	v7 =	vadd.s32 v2, v7;
	_ =	sdelay $0x1  }
0x1a8: {  	s14 =	simm.s32 $0x1400  }
0x1a9: {  	[tilespmem:s14], [sflag:$0x1] =	stream.indirect_vreg.gather [hbm4b:s1+s11], $0x80, v8, vm0, $0xb8;
	[tilespmem:$0x14480] =	vst v63  }
0x1aa: {  	s13 =	simm.s32 $0x1C00  }
0x1ab: {  	[tilespmem:s13], [sflag:$0x1] =	stream.indirect_vreg.gather [hbm4b:s1+s11], $0x80, v7, vm0, $0xb8;
	[tilespmem:$0x14480] =	vst v63  }
0x1ac: {  	v7 =	vld [tilespmem:$0x20];
	_ =	sdelay $0x4  }
0x1ad: {  	v8 =	vshll.u32 v7, $0x1  }
0x1ae: {  	v7 =	vand.u32 $0x7, v7;
	v8 =	vand.u32 $0xFFFFFFF0, v8  }
0x1af: {  	v7 =	vor.u32 v7, v8  }
0x1b0: {  	v8 =	vperm.xlane v7, v1;
	_ =	sdelay $0x1  }
0x1b1: {  	v7 =	vperm.xlane v7, v4;
	v8 =	vadd.s32 v2, v8;
	_ =	sdelay $0x1  }
0x1b2: {  	v7 =	vadd.s32 v2, v7;
	_ =	sdelay $0x1  }
0x1b3: {  	s14 =	simm.s32 $0x2400  }
0x1b4: {  	[tilespmem:s14], [sflag:$0x1] =	stream.indirect_vreg.gather [hbm4b:s1+s11], $0x80, v8, vm0, $0xb8;
	[tilespmem:$0x14480] =	vst v63  }
0x1b5: {  	s13 =	simm.s32 $0x2C00  }
0x1b6: {  	[tilespmem:s13], [sflag:$0x1] =	stream.indirect_vreg.gather [hbm4b:s1+s11], $0x80, v7, vm0, $0xb8;
	[tilespmem:$0x14480] =	vst v63  }
0x1b7: {  	v7 =	vld [tilespmem:$0x80];
	_ =	sdelay $0x4  }
0x1b8: {  	v8 =	vshll.u32 v7, $0x1  }
0x1b9: {  	v7 =	vand.u32 $0x7, v7;
	v8 =	vand.u32 $0xFFFFFFF0, v8  }
0x1ba: {  	v7 =	vor.u32 v7, v8  }
0x1bb: {  	v8 =	vperm.xlane v7, v1;
	_ =	sdelay $0x1  }
0x1bc: {  	v7 =	vperm.xlane v7, v4;
	v8 =	vadd.s32 v2, v8;
	_ =	sdelay $0x1  }
0x1bd: {  	v7 =	vadd.s32 v2, v7;
	_ =	sdelay $0x1  }
0x1be: {  	s14 =	simm.s32 $0x3400  }
0x1bf: {  	[tilespmem:s14], [sflag:$0x1] =	stream.indirect_vreg.gather [hbm4b:s1+s11], $0x80, v8, vm0, $0xb8;
	[tilespmem:$0x14480] =	vst v63  }
0x1c0: {  	s13 =	simm.s32 $0x3C00  }
0x1c1: {  	[tilespmem:s13], [sflag:$0x1] =	stream.indirect_vreg.gather [hbm4b:s1+s11], $0x80, v7, vm0, $0xb8;
	[tilespmem:$0x14480] =	vst v63  }
0x1c2: {  	v7 =	vld [tilespmem:$0x90];
	_ =	sdelay $0x4  }
0x1c3: {  	v8 =	vshll.u32 v7, $0x1  }
0x1c4: {  	v7 =	vand.u32 $0x7, v7;
	v8 =	vand.u32 $0xFFFFFFF0, v8  }
0x1c5: {  	v7 =	vor.u32 v7, v8  }
0x1c6: {  	v8 =	vperm.xlane v7, v1;
	_ =	sdelay $0x1  }
0x1c7: {  	v7 =	vperm.xlane v7, v4;
	v8 =	vadd.s32 v2, v8;
	_ =	sdelay $0x1  }
0x1c8: {  	v7 =	vadd.s32 v2, v7;
	_ =	sdelay $0x1  }
0x1c9: {  	s14 =	simm.s32 $0x4400  }
0x1ca: {  	[tilespmem:s14], [sflag:$0x1] =	stream.indirect_vreg.gather [hbm4b:s1+s11], $0x80, v8, vm0, $0xb8;
	[tilespmem:$0x14480] =	vst v63  }
0x1cb: {  	_ = 	snop  }
0x1cc: {  	[tilespmem:s15], [sflag:$0x1] =	stream.indirect_vreg.gather [hbm4b:s1+s11], $0x80, v7, vm0, $0xb8;
	[tilespmem:$0x14480] =	vst v63  }
0x1cd: {  	v7 =	vld [tilespmem:$0xA0];
	_ =	sdelay $0x4  }
0x1ce: {  	v8 =	vshll.u32 v7, $0x1  }
0x1cf: {  	v7 =	vand.u32 $0x7, v7;
	v8 =	vand.u32 $0xFFFFFFF0, v8  }
0x1d0: {  	v7 =	vor.u32 v7, v8  }
0x1d1: {  	v8 =	vperm.xlane v7, v1;
	_ =	sdelay $0x1  }
0x1d2: {  	v7 =	vperm.xlane v7, v4;
	v8 =	vadd.s32 v2, v8;
	_ =	sdelay $0x1  }
0x1d3: {  	v7 =	vadd.s32 v2, v7;
	_ =	sdelay $0x2  }
0x1d4: {  	[tilespmem:s16], [sflag:$0x1] =	stream.indirect_vreg.gather [hbm4b:s1+s11], $0x80, v8, vm0, $0xb8;
	[tilespmem:$0x14480] =	vst v63  }
0x1d5: {  	_ = 	snop  }
0x1d6: {  	[tilespmem:s17], [sflag:$0x1] =	stream.indirect_vreg.gather [hbm4b:s1+s11], $0x80, v7, vm0, $0xb8;
	[tilespmem:$0x14480] =	vst v63  }
0x1d7: {  	v7 =	vld [tilespmem:$0x100];
	_ =	sdelay $0x4  }
0x1d8: {  	v8 =	vshll.u32 v7, $0x1  }
0x1d9: {  	v7 =	vand.u32 $0x7, v7;
	v8 =	vand.u32 $0xFFFFFFF0, v8  }
0x1da: {  	v7 =	vor.u32 v7, v8  }
0x1db: {  	v8 =	vperm.xlane v7, v1;
	_ =	sdelay $0x1  }
0x1dc: {  	v7 =	vperm.xlane v7, v4;
	v8 =	vadd.s32 v2, v8;
	_ =	sdelay $0x1  }
0x1dd: {  	v7 =	vadd.s32 v2, v7;
	_ =	sdelay $0x2  }
0x1de: {  	[tilespmem:s18], [sflag:$0x1] =	stream.indirect_vreg.gather [hbm4b:s1+s11], $0x80, v8, vm0, $0xb8;
	[tilespmem:$0x14480] =	vst v63  }
0x1df: {  	_ = 	snop  }
0x1e0: {  	[tilespmem:s19], [sflag:$0x1] =	stream.indirect_vreg.gather [hbm4b:s1+s11], $0x80, v7, vm0, $0xb8;
	[tilespmem:$0x14480] =	vst v63  }
0x1e1: {  	v7 =	vld [tilespmem:$0x110];
	_ =	sdelay $0x4  }
0x1e2: {  	v8 =	vshll.u32 v7, $0x1  }
0x1e3: {  	v7 =	vand.u32 $0x7, v7;
	v8 =	vand.u32 $0xFFFFFFF0, v8  }
0x1e4: {  	v7 =	vor.u32 v7, v8  }
0x1e5: {  	v8 =	vperm.xlane v7, v1;
	_ =	sdelay $0x1  }
0x1e6: {  	v7 =	vperm.xlane v7, v4;
	v8 =	vadd.s32 v2, v8;
	_ =	sdelay $0x1  }
0x1e7: {  	v7 =	vadd.s32 v2, v7;
	_ =	sdelay $0x2  }
0x1e8: {  	[tilespmem:s20], [sflag:$0x1] =	stream.indirect_vreg.gather [hbm4b:s1+s11], $0x80, v8, vm0, $0xb8;
	[tilespmem:$0x14480] =	vst v63  }
0x1e9: {  	_ = 	snop  }
0x1ea: {  	[tilespmem:s21], [sflag:$0x1] =	stream.indirect_vreg.gather [hbm4b:s1+s11], $0x80, v7, vm0, $0xb8;
	[tilespmem:$0x14480] =	vst v63  }
0x1eb: {  	v7 =	vld [tilespmem:$0x120];
	_ =	sdelay $0x4  }
0x1ec: {  	v8 =	vshll.u32 v7, $0x1  }
0x1ed: {  	v7 =	vand.u32 $0x7, v7;
	v8 =	vand.u32 $0xFFFFFFF0, v8  }
0x1ee: {  	v7 =	vor.u32 v7, v8  }
0x1ef: {  	v8 =	vperm.xlane v7, v1;
	_ =	sdelay $0x1  }
0x1f0: {  	v7 =	vperm.xlane v7, v4;
	v8 =	vadd.s32 v2, v8;
	_ =	sdelay $0x1  }
0x1f1: {  	v7 =	vadd.s32 v2, v7;
	_ =	sdelay $0x2  }
0x1f2: {  	[tilespmem:s22], [sflag:$0x1] =	stream.indirect_vreg.gather [hbm4b:s1+s11], $0x80, v8, vm0, $0xb8;
	[tilespmem:$0x14480] =	vst v63  }
0x1f3: {  	_ = 	snop  }
0x1f4: {  	[tilespmem:s23], [sflag:$0x1] =	stream.indirect_vreg.gather [hbm4b:s1+s11], $0x80, v7, vm0, $0xb8;
	[tilespmem:$0x14480] =	vst v63  }
0x1f5: {  	v7 =	vld [tilespmem:$0x180];
	_ =	sdelay $0x4  }
0x1f6: {  	v8 =	vshll.u32 v7, $0x1  }
0x1f7: {  	v7 =	vand.u32 $0x7, v7;
	v8 =	vand.u32 $0xFFFFFFF0, v8  }
0x1f8: {  	v7 =	vor.u32 v7, v8  }
0x1f9: {  	v8 =	vperm.xlane v7, v1;
	_ =	sdelay $0x1  }
0x1fa: {  	v7 =	vperm.xlane v7, v4;
	v8 =	vadd.s32 v2, v8;
	_ =	sdelay $0x1  }
0x1fb: {  	v7 =	vadd.s32 v2, v7;
	_ =	sdelay $0x2  }
0x1fc: {  	[tilespmem:s24], [sflag:$0x1] =	stream.indirect_vreg.gather [hbm4b:s1+s11], $0x80, v8, vm0, $0xb8;
	[tilespmem:$0x14480] =	vst v63  }
0x1fd: {  	_ = 	snop  }
0x1fe: {  	[tilespmem:s25], [sflag:$0x1] =	stream.indirect_vreg.gather [hbm4b:s1+s11], $0x80, v7, vm0, $0xb8;
	[tilespmem:$0x14480] =	vst v63  }
0x1ff: {  	v7 =	vld [tilespmem:$0x190];
	_ =	sdelay $0x4  }
0x200: {  	v8 =	vshll.u32 v7, $0x1  }
0x201: {  	v7 =	vand.u32 $0x7, v7;
	v8 =	vand.u32 $0xFFFFFFF0, v8  }
0x202: {  	v7 =	vor.u32 v7, v8  }
0x203: {  	v8 =	vperm.xlane v7, v1;
	_ =	sdelay $0x1  }
0x204: {  	v7 =	vperm.xlane v7, v4;
	v8 =	vadd.s32 v2, v8;
	_ =	sdelay $0x1  }
0x205: {  	v7 =	vadd.s32 v2, v7;
	_ =	sdelay $0x2  }
0x206: {  	[tilespmem:s26], [sflag:$0x1] =	stream.indirect_vreg.gather [hbm4b:s1+s11], $0x80, v8, vm0, $0xb8;
	[tilespmem:$0x14480] =	vst v63  }
0x207: {  	_ = 	snop  }
0x208: {  	[tilespmem:s28], [sflag:$0x1] =	stream.indirect_vreg.gather [hbm4b:s1+s11], $0x80, v7, vm0, $0xb8;
	[tilespmem:$0x14480] =	vst v63  }
0x209: {  	v7 =	vld [tilespmem:$0x1A0];
	_ =	sdelay $0x4  }
0x20a: {  	v8 =	vshll.u32 v7, $0x1  }
0x20b: {  	v7 =	vand.u32 $0x7, v7;
	v8 =	vand.u32 $0xFFFFFFF0, v8  }
0x20c: {  	v7 =	vor.u32 v7, v8  }
0x20d: {  	v8 =	vperm.xlane v7, v1;
	_ =	sdelay $0x1  }
0x20e: {  	v7 =	vperm.xlane v7, v4;
	v8 =	vadd.s32 v2, v8;
	_ =	sdelay $0x1  }
0x20f: {  	v7 =	vadd.s32 v2, v7;
	_ =	sdelay $0x2  }
0x210: {  	[tilespmem:s4], [sflag:$0x1] =	stream.indirect_vreg.gather [hbm4b:s1+s11], $0x80, v8, vm0, $0xb8;
	[tilespmem:$0x14480] =	vst v63  }
0x211: {  	_ = 	snop  }
0x212: {  	[tilespmem:s3], [sflag:$0x1] =	stream.indirect_vreg.gather [hbm4b:s1+s11], $0x80, v7, vm0, $0xb8;
	[tilespmem:$0x14480] =	vst v63  }
0x213: {  	v7 =	vld [tilespmem:$0x200];
	_ =	sdelay $0x4  }
0x214: {  	v8 =	vshll.u32 v7, $0x1  }
0x215: {  	v7 =	vand.u32 $0x7, v7;
	v8 =	vand.u32 $0xFFFFFFF0, v8  }
0x216: {  	v7 =	vor.u32 v7, v8  }
0x217: {  	v8 =	vperm.xlane v7, v1;
	_ =	sdelay $0x1  }
0x218: {  	v7 =	vperm.xlane v7, v4;
	v8 =	vadd.s32 v2, v8;
	_ =	sdelay $0x1  }
0x219: {  	v7 =	vadd.s32 v2, v7;
	_ =	sdelay $0x2  }
0x21a: {  	[tilespmem:s31], [sflag:$0x1] =	stream.indirect_vreg.gather [hbm4b:s1+s11], $0x80, v8, vm0, $0xb8;
	[tilespmem:$0x14480] =	vst v63  }
0x21b: {  	_ = 	snop  }
0x21c: {  	[tilespmem:s0], [sflag:$0x1] =	stream.indirect_vreg.gather [hbm4b:s1+s11], $0x80, v7, vm0, $0xb8;
	[tilespmem:$0x14480] =	vst v63  }
0x21d: {  	v7 =	vld [tilespmem:$0x210];
	_ =	sdelay $0x4  }
0x21e: {  	v8 =	vshll.u32 v7, $0x1  }
0x21f: {  	v7 =	vand.u32 $0x7, v7;
	v8 =	vand.u32 $0xFFFFFFF0, v8  }
0x220: {  	v7 =	vor.u32 v7, v8  }
0x221: {  	v8 =	vperm.xlane v7, v1;
	_ =	sdelay $0x1  }
0x222: {  	v7 =	vperm.xlane v7, v4;
	v8 =	vadd.s32 v2, v8;
	_ =	sdelay $0x1  }
0x223: {  	v7 =	vadd.s32 v2, v7;
	_ =	sdelay $0x2  }
0x224: {  	[tilespmem:s2], [sflag:$0x1] =	stream.indirect_vreg.gather [hbm4b:s1+s11], $0x80, v8, vm0, $0xb8;
	[tilespmem:$0x14480] =	vst v63  }
0x225: {  	_ = 	snop  }
0x226: {  	[tilespmem:s5], [sflag:$0x1] =	stream.indirect_vreg.gather [hbm4b:s1+s11], $0x80, v7, vm0, $0xb8;
	[tilespmem:$0x14480] =	vst v63  }
0x227: {  	v7 =	vld [tilespmem:$0x220];
	_ =	sdelay $0x4  }
0x228: {  	v8 =	vshll.u32 v7, $0x1  }
0x229: {  	v7 =	vand.u32 $0x7, v7;
	v8 =	vand.u32 $0xFFFFFFF0, v8  }
0x22a: {  	v7 =	vor.u32 v7, v8  }
0x22b: {  	v8 =	vperm.xlane v7, v1;
	_ =	sdelay $0x1  }
0x22c: {  	v7 =	vperm.xlane v7, v4;
	v8 =	vadd.s32 v2, v8;
	_ =	sdelay $0x1  }
0x22d: {  	v7 =	vadd.s32 v2, v7;
	_ =	sdelay $0x2  }
0x22e: {  	[tilespmem:s6], [sflag:$0x1] =	stream.indirect_vreg.gather [hbm4b:s1+s11], $0x80, v8, vm0, $0xb8;
	[tilespmem:$0x14480] =	vst v63  }
0x22f: {  	_ = 	snop  }
0x230: {  	[tilespmem:s7], [sflag:$0x1] =	stream.indirect_vreg.gather [hbm4b:s1+s11], $0x80, v7, vm0, $0xb8;
	[tilespmem:$0x14480] =	vst v63  }
0x231: {  	_ =	swait.ge [sflag:s8], $0x3000  }
0x232: {  	[sflag:s8] =	ssyncset.done $0x0  }
0x233: {  	[sflag:s8] =	ssyncadd.s32 $0xFFFFD000  }
0x234: {  	_ =	swait.ge [sflag:s8], $0x3000  }
0x235: {  	[sflag:s8] =	ssyncset.done $0x0  }
0x236: {  	[sflag:s8] =	ssyncadd.s32 $0xFFFFD000  }
0x237: {  	_ =	swait.ge [sflag:s8], $0x3000  }
0x238: {  	[sflag:s8] =	ssyncset.done $0x0  }
0x239: {  	[sflag:s8] =	ssyncadd.s32 $0xFFFFD000  }
0x23a: {  	_ =	swait.ge [sflag:s8], $0x3000  }
0x23b: {  	[sflag:s8] =	ssyncset.done $0x0  }
0x23c: {  	[sflag:s8] =	ssyncadd.s32 $0xFFFFD000  }
0x23d: {  	_ =	swait.ge [sflag:s8], $0x3000  }
0x23e: {  	[sflag:s8] =	ssyncset.done $0x0  }
0x23f: {  	[sflag:s8] =	ssyncadd.s32 $0xFFFFD000  }
0x240: {  	v7 =	vld [tilespmem:$0x0];
	_ =	sdelay $0x7  }
0x241: {  	[tilespmem:v7+s9+$0x0] =	vst.idx.add.f32.msk $0xffff, v5  }
0x242: {  	v7 =	vld [tilespmem:$0x10];
	_ =	sdelay $0x7  }
0x243: {  	[tilespmem:v7+s9+$0x0] =	vst.idx.add.f32.msk $0xffff, v5  }
0x244: {  	v7 =	vld [tilespmem:$0x20];
	_ =	sdelay $0x7  }
0x245: {  	[tilespmem:v7+s9+$0x0] =	vst.idx.add.f32.msk $0xffff, v5  }
0x246: {  	v7 =	vld [tilespmem:$0x80];
	_ =	sdelay $0x7  }
0x247: {  	[tilespmem:v7+s9+$0x0] =	vst.idx.add.f32.msk $0xffff, v5  }
0x248: {  	v7 =	vld [tilespmem:$0x90];
	_ =	sdelay $0x7  }
0x249: {  	[tilespmem:v7+s9+$0x0] =	vst.idx.add.f32.msk $0xffff, v5  }
0x24a: {  	v7 =	vld [tilespmem:$0xA0];
	_ =	sdelay $0x7  }
0x24b: {  	[tilespmem:v7+s9+$0x0] =	vst.idx.add.f32.msk $0xffff, v5  }
0x24c: {  	v7 =	vld [tilespmem:$0x100];
	_ =	sdelay $0x7  }
0x24d: {  	[tilespmem:v7+s9+$0x0] =	vst.idx.add.f32.msk $0xffff, v5  }
0x24e: {  	v7 =	vld [tilespmem:$0x110];
	_ =	sdelay $0x7  }
0x24f: {  	[tilespmem:v7+s9+$0x0] =	vst.idx.add.f32.msk $0xffff, v5  }
0x250: {  	v7 =	vld [tilespmem:$0x120];
	_ =	sdelay $0x7  }
0x251: {  	[tilespmem:v7+s9+$0x0] =	vst.idx.add.f32.msk $0xffff, v5  }
0x252: {  	v7 =	vld [tilespmem:$0x180];
	_ =	sdelay $0x7  }
0x253: {  	[tilespmem:v7+s9+$0x0] =	vst.idx.add.f32.msk $0xffff, v5  }
0x254: {  	v7 =	vld [tilespmem:$0x190];
	_ =	sdelay $0x7  }
0x255: {  	[tilespmem:v7+s9+$0x0] =	vst.idx.add.f32.msk $0xffff, v5  }
0x256: {  	v7 =	vld [tilespmem:$0x1A0];
	_ =	sdelay $0x7  }
0x257: {  	[tilespmem:v7+s9+$0x0] =	vst.idx.add.f32.msk $0xffff, v5  }
0x258: {  	v7 =	vld [tilespmem:$0x200];
	_ =	sdelay $0x7  }
0x259: {  	[tilespmem:v7+s9+$0x0] =	vst.idx.add.f32.msk $0xffff, v5  }
0x25a: {  	v7 =	vld [tilespmem:$0x210];
	_ =	sdelay $0x7  }
0x25b: {  	[tilespmem:v7+s9+$0x0] =	vst.idx.add.f32.msk $0xffff, v5  }
0x25c: {  	v7 =	vld [tilespmem:$0x220];
	_ =	sdelay $0x7  }
0x25d: {  	s12 =	simm.s32 $0x0;
	[tilespmem:v7+s9+$0x0] =	vst.idx.add.f32.msk $0xffff, v5  }
.LBB2_6:
0x25e: {  	s13 =	sand.u32 $0x3800, s12;
	s14 =	sand.u32 $0x380, s11  }
0x25f: {  	s13 =	sor.u32 s14, s13  }
0x260: {  	v7 =	vld [tilespmem:s13+$0x400]  }
0x261: {  	v8 =	vld [tilespmem:s13+$0x3400]  }
0x262: {  	v9 =	vld [tilespmem:s13+$0x6400]  }
0x263: {  	v10 =	vld [tilespmem:s13+$0x9400]  }
0x264: {  	v11 =	vld [tilespmem:s13+$0xC400]  }
0x265: {  	v12 =	vld [tilespmem:s13+$0xF400]  }
0x266: {  	v13 =	vld [tilespmem:s13+$0x410]  }
0x267: {  	v14 =	vld [tilespmem:s13+$0x3410]  }
0x268: {  	v15 =	vld [tilespmem:s13+$0x6410]  }
0x269: {  	v16 =	vld [tilespmem:s13+$0x9410]  }
0x26a: {  	v17 =	vld [tilespmem:s13+$0xC410]  }
0x26b: {  	v18 =	vld [tilespmem:s13+$0xF410]  }
0x26c: {  	v19 =	vld [tilespmem:s13+$0x420]  }
0x26d: {  	v20 =	vld [tilespmem:s13+$0x3420]  }
0x26e: {  	v21 =	vld [tilespmem:s13+$0x6420]  }
0x26f: {  	v22 =	vld [tilespmem:s13+$0x9420]  }
0x270: {  	v23 =	vld [tilespmem:s13+$0xC420]  }
0x271: {  	v24 =	vld [tilespmem:s13+$0xF420]  }
0x272: {  	v25 =	vld [tilespmem:s13+$0x430]  }
0x273: {  	v26 =	vld [tilespmem:s13+$0x3430]  }
0x274: {  	v27 =	vld [tilespmem:s13+$0x6430]  }
0x275: {  	v28 =	vld [tilespmem:s13+$0x9430]  }
0x276: {  	v29 =	vld [tilespmem:s13+$0xC430]  }
0x277: {  	v30 =	vld [tilespmem:s13+$0xF430]  }
0x278: {  	v31 =	vld [tilespmem:s13+$0x440]  }
0x279: {  	v32 =	vld [tilespmem:s13+$0x3440]  }
0x27a: {  	v33 =	vld [tilespmem:s13+$0x6440]  }
0x27b: {  	v34 =	vld [tilespmem:s13+$0x9440]  }
0x27c: {  	v35 =	vld [tilespmem:s13+$0xC440]  }
0x27d: {  	v36 =	vld [tilespmem:s13+$0xF440]  }
0x27e: {  	v37 =	vld [tilespmem:s13+$0x450]  }
0x27f: {  	v38 =	vld [tilespmem:s13+$0x3450]  }
0x280: {  	v39 =	vld [tilespmem:s13+$0x6450]  }
0x281: {  	v40 =	vld [tilespmem:s13+$0x9450]  }
0x282: {  	v41 =	vld [tilespmem:s13+$0xC450]  }
0x283: {  	v42 =	vld [tilespmem:s13+$0xF450]  }
0x284: {  	v43 =	vld [tilespmem:s13+$0x460]  }
0x285: {  	v44 =	vld [tilespmem:s13+$0x3460]  }
0x286: {  	v45 =	vld [tilespmem:s13+$0x6460]  }
0x287: {  	v46 =	vld [tilespmem:s13+$0x9460]  }
0x288: {  	v47 =	vld [tilespmem:s13+$0xC460]  }
0x289: {  	v48 =	vld [tilespmem:s13+$0x6470]  }
0x28a: {  	v49 =	vld [tilespmem:s13+$0x3800]  }
0x28b: {  	v51 =	vld [tilespmem:s13+$0x9800]  }
0x28c: {  	v7 =	vadd.f32 v8, v7;
	v8 =	vadd.f32 v10, v9;
	v9 =	vld [tilespmem:s13+$0xF460]  }
0x28d: {  	v10 =	vld [tilespmem:s13+$0x470]  }
0x28e: {  	v62 =	vadd.f32 v16, v15;
	v15 =	vld [tilespmem:s13+$0xC470]  }
0x28f: {  	v16 =	vld [tilespmem:s13+$0xF470]  }
0x290: {  	v13 =	vadd.f32 v14, v13;
	v14 =	vld [tilespmem:s13+$0x800]  }
0x291: {  	v52 =	vadd.f32 v22, v21;
	v21 =	vld [tilespmem:s13+$0xF800]  }
0x292: {  	v19 =	vadd.f32 v20, v19;
	v22 =	vld [tilespmem:s13+$0x3810]  }
0x293: {  	v54 =	vadd.f32 v26, v25;
	v55 =	vadd.f32 v28, v27;
	v26 =	vld [tilespmem:s13+$0x6810]  }
0x294: {  	v56 =	vadd.f32 v32, v31;
	v57 =	vadd.f32 v34, v33;
	v31 =	vld [tilespmem:s13+$0x9810]  }
0x295: {  	v25 =	vld [tilespmem:s13+$0xF810];
	v60 =	vadd.f32 v38, v37;
	v61 =	vadd.f32 v40, v39  }
0x296: {  	v32 =	vld [tilespmem:s13+$0x820];
	v40 =	vadd.f32 v46, v45;
	v7 =	vadd.f32 v8, v7  }
0x297: {  	v28 =	vld [tilespmem:s13+$0x6820];
	v13 =	vadd.f32 v62, v13;
	v19 =	vadd.f32 v52, v19  }
0x298: {  	v37 =	vld [tilespmem:s13+$0xC820];
	v20 =	vadd.f32 v55, v54;
	v59 =	vadd.f32 v57, v56  }
0x299: {  	v8 =	vld [tilespmem:s13+$0x3470];
	v27 =	vadd.f32 v61, v60;
	v7 =	vadd.f32 v7, v11  }
0x29a: {  	v62 =	vld [tilespmem:s13+$0x3820];
	v13 =	vadd.f32 v13, v17;
	v58 =	vadd.f32 v19, v23  }
0x29b: {  	v45 =	vld [tilespmem:s13+$0x6830];
	v20 =	vadd.f32 v20, v29;
	v23 =	vadd.f32 v59, v35;
	v7 =	vmul.f32 v7, v3  }
0x29c: {  	v39 =	vld [tilespmem:s13+$0xF830];
	v27 =	vadd.f32 v27, v41;
	v14 =	vadd.f32 v49, v14  }
0x29d: {  	v11 =	vld [tilespmem:s13+$0x9470];
	v59 =	vadd.f32 v31, v26;
	v13 =	vmul.f32 v13, v3;
	v50 =	vsub.f32 v7, v12  }
0x29e: {  	v17 =	vld [tilespmem:s13+$0x6800];
	v20 =	vmul.f32 v20, v3;
	v23 =	vmul.f32 v23, v3;
	v8 =	vadd.f32 v8, v10  }
0x29f: {  	v35 =	vld [tilespmem:s13+$0x9820];
	v62 =	vadd.f32 v62, v32;
	v53 =	vsub.f32 v13, v18;
	v63 =	vmul.f32 v50, v50  }
0x2a0: {  	v38 =	vld [tilespmem:s13+$0x860];
	v27 =	vmul.f32 v27, v3;
	v20 =	vsub.f32 v20, v30;
	v23 =	vsub.f32 v23, v36  }
0x2a1: {  	v52 =	vld [tilespmem:s13+$0x840];
	v7 =	vadd.f32 v50, v12;
	v12 =	vmul.f32 v53, v53;
	v6 =	vadd.f32 v63, v6  }
0x2a2: {  	v55 =	vld [tilespmem:s13+$0x6840];
	v27 =	vsub.f32 v27, v42;
	v41 =	vadd.f32 v11, v48  }
0x2a3: {  	v56 =	vld [tilespmem:s13+$0x9840];
	v17 =	vadd.f32 v51, v17;
	v6 =	vadd.f32 v12, v6;
	v12 =	vmul.f32 v58, v3  }
0x2a4: {  	v57 =	vld [tilespmem:s13+$0xC840];
	v28 =	vadd.f32 v35, v28;
	v18 =	vadd.f32 v53, v18  }
0x2a5: {  	v13 =	vld [tilespmem:s13+$0x810];
	v46 =	vmul.f32 v23, v23;
	v63 =	vadd.f32 v44, v43;
	v12 =	vsub.f32 v12, v24  }
0x2a6: {  	v60 =	vld [tilespmem:s13+$0x3850];
	v51 =	vmul.f32 v27, v27;
	v23 =	vadd.f32 v23, v36;
	v27 =	vadd.f32 v27, v42  }
0x2a7: {  	v50 =	vld [tilespmem:s13+$0xC800];
	v33 =	vadd.f32 v40, v63;
	v24 =	vadd.f32 v12, v24;
	v12 =	vmul.f32 v12, v12  }
0x2a8: {  	v11 =	vld [tilespmem:s13+$0x830];
	v8 =	vadd.f32 v41, v8;
	v14 =	vadd.f32 v17, v14  }
0x2a9: {  	v53 =	vld [tilespmem:s13+$0x3840];
	v43 =	vmul.f32 v20, v20;
	v33 =	vadd.f32 v33, v47;
	v6 =	vadd.f32 v12, v6  }
0x2aa: {  	v42 =	vld [tilespmem:s13+$0x3860];
	v8 =	vadd.f32 v8, v15;
	v13 =	vadd.f32 v22, v13  }
0x2ab: {  	v44 =	vld [tilespmem:s13+$0x3830];
	v20 =	vadd.f32 v20, v30;
	v33 =	vmul.f32 v33, v3;
	v6 =	vadd.f32 v43, v6  }
0x2ac: {  	v58 =	vld [tilespmem:s13+$0x850];
	v8 =	vmul.f32 v8, v3;
	v14 =	vadd.f32 v14, v50;
	v13 =	vadd.f32 v59, v13  }
0x2ad: {  	v47 =	vld [tilespmem:s13+$0x9830];
	v33 =	vsub.f32 v33, v9;
	v6 =	vadd.f32 v46, v6  }
0x2ae: {  	v61 =	vld [tilespmem:s13+$0x6850];
	v17 =	vadd.f32 v53, v52;
	v8 =	vsub.f32 v8, v16  }
0x2af: {  	v19 =	vld [tilespmem:s13+$0xC810];
	[tilespmem:s13+$0xF400] =	vst v7;
	v7 =	vadd.f32 v42, v38;
	v54 =	vmul.f32 v33, v33;
	v6 =	vadd.f32 v51, v6  }
0x2b0: {  	v49 =	vld [tilespmem:s13+$0x6870];
	v14 =	vmul.f32 v14, v3;
	v11 =	vadd.f32 v44, v11;
	v16 =	vadd.f32 v8, v16  }
0x2b1: {  	v48 =	vld [tilespmem:s13+$0xC830];
	v8 =	vmul.f32 v8, v8;
	v26 =	vadd.f32 v60, v58;
	v6 =	vadd.f32 v54, v6  }
0x2b2: {  	v63 =	vld [tilespmem:s13+$0x9850];
	v10 =	vadd.f32 v47, v45;
	v45 =	vadd.f32 v56, v55  }
0x2b3: {  	v50 =	vld [tilespmem:s13+$0x9870];
	v6 =	vadd.f32 v8, v6;
	v8 =	vsub.f32 v14, v21  }
0x2b4: {  	v44 =	vld [tilespmem:s13+$0x6860];
	v9 =	vadd.f32 v33, v9;
	v10 =	vadd.f32 v10, v11  }
0x2b5: {  	v43 =	vadd.f32 v28, v62;
	v46 =	vld [tilespmem:s13+$0x9860];
	v21 =	vadd.f32 v8, v21;
	v8 =	vmul.f32 v8, v8  }
0x2b6: {  	v47 =	vld [tilespmem:s13+$0x870];
	v17 =	vadd.f32 v45, v17;
	v10 =	vadd.f32 v10, v48  }
0x2b7: {  	v48 =	vld [tilespmem:s13+$0x3870];
	v6 =	vadd.f32 v8, v6;
	v8 =	vadd.f32 v13, v19  }
0x2b8: {  	v34 =	vld [tilespmem:s13+$0xF820];
	v12 =	vadd.f32 v17, v57;
	v17 =	vadd.f32 v50, v49  }
0x2b9: {  	v51 =	vld [tilespmem:s13+$0xF840];
	v10 =	vmul.f32 v10, v3;
	v19 =	vadd.f32 v43, v37;
	v8 =	vmul.f32 v8, v3  }
0x2ba: {  	v35 =	vld [tilespmem:s13+$0xC850];
	v11 =	vadd.f32 v46, v44;
	v14 =	vadd.f32 v63, v61  }
0x2bb: {  	v52 =	vld [tilespmem:s13+$0xC860];
	v10 =	vsub.f32 v10, v39;
	v19 =	vmul.f32 v19, v3;
	v8 =	vsub.f32 v8, v25  }
0x2bc: {  	v12 =	vmul.f32 v12, v3;
	v15 =	vadd.f32 v48, v47;
	v14 =	vadd.f32 v14, v26  }
0x2bd: {  	[tilespmem:s13+$0xF410] =	vst v18;
	v54 =	vld [tilespmem:s13+$0xC870];
	v19 =	vsub.f32 v19, v34;
	v25 =	vadd.f32 v8, v25;
	v8 =	vmul.f32 v8, v8  }
0x2be: {  	[tilespmem:s13+$0xF440] =	vst v23;
	v53 =	vld [tilespmem:s13+$0xF850];
	v7 =	vadd.f32 v11, v7;
	v12 =	vsub.f32 v12, v51  }
0x2bf: {  	[tilespmem:s13+$0xF450] =	vst v27;
	v55 =	vld [tilespmem:s13+$0xF860];
	v14 =	vadd.f32 v14, v35;
	v6 =	vadd.f32 v8, v6;
	v8 =	vmul.f32 v19, v19  }
0x2c0: {  	[tilespmem:s13+$0xF430] =	vst v20;
	v56 =	vadd.f32 v17, v15;
	v7 =	vadd.f32 v7, v52  }
0x2c1: {  	v58 =	vld [tilespmem:s13+$0xF870];
	[tilespmem:s13+$0xF420] =	vst v24;
	v14 =	vmul.f32 v14, v3;
	v6 =	vadd.f32 v8, v6;
	v8 =	vmul.f32 v10, v10  }
0x2c2: {  	[tilespmem:s13+$0xF470] =	vst v16;
	v60 =	vadd.f32 v12, v51;
	v11 =	vadd.f32 v56, v54;
	v7 =	vmul.f32 v7, v3  }
0x2c3: {  	[tilespmem:s13+$0xF460] =	vst v9;
	v59 =	vsub.f32 v14, v53;
	v6 =	vadd.f32 v8, v6;
	v8 =	vmul.f32 v12, v12  }
0x2c4: {  	[tilespmem:s13+$0xF800] =	vst v21;
	v11 =	vmul.f32 v11, v3;
	v7 =	vsub.f32 v7, v55  }
0x2c5: {  	[tilespmem:s13+$0xF840] =	vst v60;
	v57 =	vadd.f32 v19, v34;
	v6 =	vadd.f32 v8, v6;
	v8 =	vmul.f32 v59, v59  }
0x2c6: {  	p0 =	sne.s32 s12, $0x2F00;
	v62 =	vsub.f32 v11, v58;
	v61 =	vadd.f32 v59, v53;
	[tilespmem:s13+$0xF810] =	vst v25  }
.Ltmp2:
0x2c7: {  	[tilespmem:s13+$0xF820] =	vst v57;
	v10 =	vadd.f32 v10, v39;
	v6 =	vadd.f32 v8, v6;
	v8 =	vmul.f32 v7, v7;
	(pc) =	sbr.rel @p0 .LBB2_6-.Ltmp2, $4  }
0x2c8: {  	[tilespmem:s13+$0xF850] =	vst v61;
	v7 =	vadd.f32 v7, v55  }
0x2c9: {  	v63 =	vmul.f32 v62, v62;
	[tilespmem:s13+$0xF830] =	vst v10;
	v6 =	vadd.f32 v8, v6;
	v8 =	vadd.f32 v62, v58  }
0x2ca: {  	[tilespmem:s13+$0xF860] =	vst v7  }
0x2cb: {  	s11 =	sadd.s32 $0x80, s11;
	s12 =	sadd.s32 $0x100, s12;
	[tilespmem:s13+$0xF870] =	vst v8;
	v6 =	vadd.f32 v63, v6  }
0x2cc: {  	s11 =	simm.s32 $0x0;
	s12 =	rddreg [dreg:$0x12]  }
0x2cd: {  	[hbm4b:s12+s11] =	stream.linear.scatter [tilespmem:s29], [sflag:$0x2], $0x3000, $0x38;
	[tilespmem:$0x14480] =	vst v63  }
0x2ce: {  	_ =	swait.ge [sflag:s30], $0x3000  }
0x2cf: {  	[sflag:s30] =	ssyncset.done $0x0  }
0x2d0: {  	s14 =	rddreg [dreg:$0x13];
	[sflag:s30] =	ssyncadd.s32 $0xFFFFD000  }
0x2d1: {  	[tilespmem:s29], [sflag:$0x2] =	stream.linear.gather [hbm4b:s14+s11], $0x3000, $0x38;
	[tilespmem:$0x14480] =	vst v63  }
0x2d2: {  	_ =	swait.ge [sflag:s30], $0x3000  }
0x2d3: {  	[sflag:s30] =	ssyncset.done $0x0  }
0x2d4: {  	s13 =	rddreg [dreg:$0x14];
	[sflag:s30] =	ssyncadd.s32 $0xFFFFD000  }
0x2d5: {  	[tilespmem:s11], [sflag:$0x2] =	stream.linear.gather [hbm4b:s13+s11], $0x30, $0x38;
	[tilespmem:$0x14480] =	vst v63  }
0x2d6: {  	_ =	swait.ge [sflag:s30], $0x30  }
0x2d7: {  	[sflag:s30] =	ssyncset.done $0x0  }
0x2d8: {  	s13 =	simm.s32 $0x80;
	s14 =	rddreg [dreg:$0x15];
	[sflag:s30] =	ssyncadd.s32 $0xFFFFFFD0  }
0x2d9: {  	[tilespmem:s13], [sflag:$0x2] =	stream.linear.gather [hbm4b:s14+s11], $0x30, $0x38;
	[tilespmem:$0x14480] =	vst v63  }
0x2da: {  	_ =	swait.ge [sflag:s30], $0x30  }
0x2db: {  	[sflag:s30] =	ssyncset.done $0x0  }
0x2dc: {  	s14 =	simm.s32 $0x100;
	s13 =	rddreg [dreg:$0x17];
	[sflag:s30] =	ssyncadd.s32 $0xFFFFFFD0  }
0x2dd: {  	[tilespmem:s14], [sflag:$0x2] =	stream.linear.gather [hbm4b:s13+s11], $0x30, $0x38;
	[tilespmem:$0x14480] =	vst v63  }
0x2de: {  	_ =	swait.ge [sflag:s30], $0x30  }
0x2df: {  	[sflag:s30] =	ssyncset.done $0x0  }
0x2e0: {  	s14 =	simm.s32 $0x180;
	s13 =	rddreg [dreg:$0x1b];
	[sflag:s30] =	ssyncadd.s32 $0xFFFFFFD0  }
0x2e1: {  	[tilespmem:s14], [sflag:$0x2] =	stream.linear.gather [hbm4b:s13+s11], $0x30, $0x38;
	[tilespmem:$0x14480] =	vst v63  }
0x2e2: {  	_ =	swait.ge [sflag:s30], $0x30  }
0x2e3: {  	[sflag:s30] =	ssyncset.done $0x0  }
0x2e4: {  	s14 =	simm.s32 $0x200;
	s13 =	rddreg [dreg:$0x1c];
	[sflag:s30] =	ssyncadd.s32 $0xFFFFFFD0  }
0x2e5: {  	[tilespmem:s14], [sflag:$0x2] =	stream.linear.gather [hbm4b:s13+s11], $0x30, $0x38;
	[tilespmem:$0x14480] =	vst v63  }
0x2e6: {  	_ =	swait.ge [sflag:s30], $0x30  }
0x2e7: {  	[sflag:s30] =	ssyncset.done $0x0  }
0x2e8: {  	[sflag:s30] =	ssyncadd.s32 $0xFFFFFFD0  }
0x2e9: {  	v7 =	vld [tilespmem:$0x0];
	_ =	sdelay $0x4  }
0x2ea: {  	v8 =	vshll.u32 v7, $0x1  }
0x2eb: {  	v7 =	vand.u32 $0x7, v7;
	v8 =	vand.u32 $0xFFFFFFF0, v8  }
0x2ec: {  	v7 =	vor.u32 v7, v8  }
0x2ed: {  	v8 =	vperm.xlane v7, v1;
	_ =	sdelay $0x1  }
0x2ee: {  	v7 =	vperm.xlane v7, v4;
	v8 =	vadd.s32 v2, v8;
	_ =	sdelay $0x1  }
0x2ef: {  	v7 =	vadd.s32 v2, v7;
	_ =	sdelay $0x1  }
0x2f0: {  	s14 =	simm.s32 $0x400  }
0x2f1: {  	[tilespmem:s14], [sflag:$0x1] =	stream.indirect_vreg.gather [hbm4b:s1+s11], $0x80, v8, vm0, $0xb8;
	[tilespmem:$0x14480] =	vst v63  }
0x2f2: {  	s13 =	simm.s32 $0xC00  }
0x2f3: {  	[tilespmem:s13], [sflag:$0x1] =	stream.indirect_vreg.gather [hbm4b:s1+s11], $0x80, v7, vm0, $0xb8;
	[tilespmem:$0x14480] =	vst v63  }
0x2f4: {  	v7 =	vld [tilespmem:$0x10];
	_ =	sdelay $0x4  }
0x2f5: {  	v8 =	vshll.u32 v7, $0x1  }
0x2f6: {  	v7 =	vand.u32 $0x7, v7;
	v8 =	vand.u32 $0xFFFFFFF0, v8  }
0x2f7: {  	v7 =	vor.u32 v7, v8  }
0x2f8: {  	v8 =	vperm.xlane v7, v1;
	_ =	sdelay $0x1  }
0x2f9: {  	v7 =	vperm.xlane v7, v4;
	v8 =	vadd.s32 v2, v8;
	_ =	sdelay $0x1  }
0x2fa: {  	v7 =	vadd.s32 v2, v7;
	_ =	sdelay $0x1  }
0x2fb: {  	s14 =	simm.s32 $0x1400  }
0x2fc: {  	[tilespmem:s14], [sflag:$0x1] =	stream.indirect_vreg.gather [hbm4b:s1+s11], $0x80, v8, vm0, $0xb8;
	[tilespmem:$0x14480] =	vst v63  }
0x2fd: {  	s13 =	simm.s32 $0x1C00  }
0x2fe: {  	[tilespmem:s13], [sflag:$0x1] =	stream.indirect_vreg.gather [hbm4b:s1+s11], $0x80, v7, vm0, $0xb8;
	[tilespmem:$0x14480] =	vst v63  }
0x2ff: {  	v7 =	vld [tilespmem:$0x20];
	_ =	sdelay $0x4  }
0x300: {  	v8 =	vshll.u32 v7, $0x1  }
0x301: {  	v7 =	vand.u32 $0x7, v7;
	v8 =	vand.u32 $0xFFFFFFF0, v8  }
0x302: {  	v7 =	vor.u32 v7, v8  }
0x303: {  	v8 =	vperm.xlane v7, v1;
	_ =	sdelay $0x1  }
0x304: {  	v7 =	vperm.xlane v7, v4;
	v8 =	vadd.s32 v2, v8;
	_ =	sdelay $0x1  }
0x305: {  	v7 =	vadd.s32 v2, v7;
	_ =	sdelay $0x1  }
0x306: {  	s14 =	simm.s32 $0x2400  }
0x307: {  	[tilespmem:s14], [sflag:$0x1] =	stream.indirect_vreg.gather [hbm4b:s1+s11], $0x80, v8, vm0, $0xb8;
	[tilespmem:$0x14480] =	vst v63  }
0x308: {  	s13 =	simm.s32 $0x2C00  }
0x309: {  	[tilespmem:s13], [sflag:$0x1] =	stream.indirect_vreg.gather [hbm4b:s1+s11], $0x80, v7, vm0, $0xb8;
	[tilespmem:$0x14480] =	vst v63  }
0x30a: {  	v7 =	vld [tilespmem:$0x80];
	_ =	sdelay $0x4  }
0x30b: {  	v8 =	vshll.u32 v7, $0x1  }
0x30c: {  	v7 =	vand.u32 $0x7, v7;
	v8 =	vand.u32 $0xFFFFFFF0, v8  }
0x30d: {  	v7 =	vor.u32 v7, v8  }
0x30e: {  	v8 =	vperm.xlane v7, v1;
	_ =	sdelay $0x1  }
0x30f: {  	v7 =	vperm.xlane v7, v4;
	v8 =	vadd.s32 v2, v8;
	_ =	sdelay $0x1  }
0x310: {  	v7 =	vadd.s32 v2, v7;
	_ =	sdelay $0x1  }
0x311: {  	s14 =	simm.s32 $0x3400  }
0x312: {  	[tilespmem:s14], [sflag:$0x1] =	stream.indirect_vreg.gather [hbm4b:s1+s11], $0x80, v8, vm0, $0xb8;
	[tilespmem:$0x14480] =	vst v63  }
0x313: {  	s13 =	simm.s32 $0x3C00  }
0x314: {  	[tilespmem:s13], [sflag:$0x1] =	stream.indirect_vreg.gather [hbm4b:s1+s11], $0x80, v7, vm0, $0xb8;
	[tilespmem:$0x14480] =	vst v63  }
0x315: {  	v7 =	vld [tilespmem:$0x90];
	_ =	sdelay $0x4  }
0x316: {  	v8 =	vshll.u32 v7, $0x1  }
0x317: {  	v7 =	vand.u32 $0x7, v7;
	v8 =	vand.u32 $0xFFFFFFF0, v8  }
0x318: {  	v7 =	vor.u32 v7, v8  }
0x319: {  	v8 =	vperm.xlane v7, v1;
	_ =	sdelay $0x1  }
0x31a: {  	v7 =	vperm.xlane v7, v4;
	v8 =	vadd.s32 v2, v8;
	_ =	sdelay $0x1  }
0x31b: {  	v7 =	vadd.s32 v2, v7;
	_ =	sdelay $0x1  }
0x31c: {  	s14 =	simm.s32 $0x4400  }
0x31d: {  	[tilespmem:s14], [sflag:$0x1] =	stream.indirect_vreg.gather [hbm4b:s1+s11], $0x80, v8, vm0, $0xb8;
	[tilespmem:$0x14480] =	vst v63  }
0x31e: {  	_ = 	snop  }
0x31f: {  	[tilespmem:s15], [sflag:$0x1] =	stream.indirect_vreg.gather [hbm4b:s1+s11], $0x80, v7, vm0, $0xb8;
	[tilespmem:$0x14480] =	vst v63  }
0x320: {  	v7 =	vld [tilespmem:$0xA0];
	_ =	sdelay $0x4  }
0x321: {  	v8 =	vshll.u32 v7, $0x1  }
0x322: {  	v7 =	vand.u32 $0x7, v7;
	v8 =	vand.u32 $0xFFFFFFF0, v8  }
0x323: {  	v7 =	vor.u32 v7, v8  }
0x324: {  	v8 =	vperm.xlane v7, v1;
	_ =	sdelay $0x1  }
0x325: {  	v7 =	vperm.xlane v7, v4;
	v8 =	vadd.s32 v2, v8;
	_ =	sdelay $0x1  }
0x326: {  	v7 =	vadd.s32 v2, v7;
	_ =	sdelay $0x2  }
0x327: {  	[tilespmem:s16], [sflag:$0x1] =	stream.indirect_vreg.gather [hbm4b:s1+s11], $0x80, v8, vm0, $0xb8;
	[tilespmem:$0x14480] =	vst v63  }
0x328: {  	_ = 	snop  }
0x329: {  	[tilespmem:s17], [sflag:$0x1] =	stream.indirect_vreg.gather [hbm4b:s1+s11], $0x80, v7, vm0, $0xb8;
	[tilespmem:$0x14480] =	vst v63  }
0x32a: {  	v7 =	vld [tilespmem:$0x100];
	_ =	sdelay $0x4  }
0x32b: {  	v8 =	vshll.u32 v7, $0x1  }
0x32c: {  	v7 =	vand.u32 $0x7, v7;
	v8 =	vand.u32 $0xFFFFFFF0, v8  }
0x32d: {  	v7 =	vor.u32 v7, v8  }
0x32e: {  	v8 =	vperm.xlane v7, v1;
	_ =	sdelay $0x1  }
0x32f: {  	v7 =	vperm.xlane v7, v4;
	v8 =	vadd.s32 v2, v8;
	_ =	sdelay $0x1  }
0x330: {  	v7 =	vadd.s32 v2, v7;
	_ =	sdelay $0x2  }
0x331: {  	[tilespmem:s18], [sflag:$0x1] =	stream.indirect_vreg.gather [hbm4b:s1+s11], $0x80, v8, vm0, $0xb8;
	[tilespmem:$0x14480] =	vst v63  }
0x332: {  	_ = 	snop  }
0x333: {  	[tilespmem:s19], [sflag:$0x1] =	stream.indirect_vreg.gather [hbm4b:s1+s11], $0x80, v7, vm0, $0xb8;
	[tilespmem:$0x14480] =	vst v63  }
0x334: {  	v7 =	vld [tilespmem:$0x110];
	_ =	sdelay $0x4  }
0x335: {  	v8 =	vshll.u32 v7, $0x1  }
0x336: {  	v7 =	vand.u32 $0x7, v7;
	v8 =	vand.u32 $0xFFFFFFF0, v8  }
0x337: {  	v7 =	vor.u32 v7, v8  }
0x338: {  	v8 =	vperm.xlane v7, v1;
	_ =	sdelay $0x1  }
0x339: {  	v7 =	vperm.xlane v7, v4;
	v8 =	vadd.s32 v2, v8;
	_ =	sdelay $0x1  }
0x33a: {  	v7 =	vadd.s32 v2, v7;
	_ =	sdelay $0x2  }
0x33b: {  	[tilespmem:s20], [sflag:$0x1] =	stream.indirect_vreg.gather [hbm4b:s1+s11], $0x80, v8, vm0, $0xb8;
	[tilespmem:$0x14480] =	vst v63  }
0x33c: {  	_ = 	snop  }
0x33d: {  	[tilespmem:s21], [sflag:$0x1] =	stream.indirect_vreg.gather [hbm4b:s1+s11], $0x80, v7, vm0, $0xb8;
	[tilespmem:$0x14480] =	vst v63  }
0x33e: {  	v7 =	vld [tilespmem:$0x120];
	_ =	sdelay $0x4  }
0x33f: {  	v8 =	vshll.u32 v7, $0x1  }
0x340: {  	v7 =	vand.u32 $0x7, v7;
	v8 =	vand.u32 $0xFFFFFFF0, v8  }
0x341: {  	v7 =	vor.u32 v7, v8  }
0x342: {  	v8 =	vperm.xlane v7, v1;
	_ =	sdelay $0x1  }
0x343: {  	v7 =	vperm.xlane v7, v4;
	v8 =	vadd.s32 v2, v8;
	_ =	sdelay $0x1  }
0x344: {  	v7 =	vadd.s32 v2, v7;
	_ =	sdelay $0x2  }
0x345: {  	[tilespmem:s22], [sflag:$0x1] =	stream.indirect_vreg.gather [hbm4b:s1+s11], $0x80, v8, vm0, $0xb8;
	[tilespmem:$0x14480] =	vst v63  }
0x346: {  	_ = 	snop  }
0x347: {  	[tilespmem:s23], [sflag:$0x1] =	stream.indirect_vreg.gather [hbm4b:s1+s11], $0x80, v7, vm0, $0xb8;
	[tilespmem:$0x14480] =	vst v63  }
0x348: {  	v7 =	vld [tilespmem:$0x180];
	_ =	sdelay $0x4  }
0x349: {  	v8 =	vshll.u32 v7, $0x1  }
0x34a: {  	v7 =	vand.u32 $0x7, v7;
	v8 =	vand.u32 $0xFFFFFFF0, v8  }
0x34b: {  	v7 =	vor.u32 v7, v8  }
0x34c: {  	v8 =	vperm.xlane v7, v1;
	_ =	sdelay $0x1  }
0x34d: {  	v7 =	vperm.xlane v7, v4;
	v8 =	vadd.s32 v2, v8;
	_ =	sdelay $0x1  }
0x34e: {  	v7 =	vadd.s32 v2, v7;
	_ =	sdelay $0x2  }
0x34f: {  	[tilespmem:s24], [sflag:$0x1] =	stream.indirect_vreg.gather [hbm4b:s1+s11], $0x80, v8, vm0, $0xb8;
	[tilespmem:$0x14480] =	vst v63  }
0x350: {  	_ = 	snop  }
0x351: {  	[tilespmem:s25], [sflag:$0x1] =	stream.indirect_vreg.gather [hbm4b:s1+s11], $0x80, v7, vm0, $0xb8;
	[tilespmem:$0x14480] =	vst v63  }
0x352: {  	v7 =	vld [tilespmem:$0x190];
	_ =	sdelay $0x4  }
0x353: {  	v8 =	vshll.u32 v7, $0x1  }
0x354: {  	v7 =	vand.u32 $0x7, v7;
	v8 =	vand.u32 $0xFFFFFFF0, v8  }
0x355: {  	v7 =	vor.u32 v7, v8  }
0x356: {  	v8 =	vperm.xlane v7, v1;
	_ =	sdelay $0x1  }
0x357: {  	v7 =	vperm.xlane v7, v4;
	v8 =	vadd.s32 v2, v8;
	_ =	sdelay $0x1  }
0x358: {  	v7 =	vadd.s32 v2, v7;
	_ =	sdelay $0x2  }
0x359: {  	[tilespmem:s26], [sflag:$0x1] =	stream.indirect_vreg.gather [hbm4b:s1+s11], $0x80, v8, vm0, $0xb8;
	[tilespmem:$0x14480] =	vst v63  }
0x35a: {  	_ = 	snop  }
0x35b: {  	[tilespmem:s28], [sflag:$0x1] =	stream.indirect_vreg.gather [hbm4b:s1+s11], $0x80, v7, vm0, $0xb8;
	[tilespmem:$0x14480] =	vst v63  }
0x35c: {  	v7 =	vld [tilespmem:$0x1A0];
	_ =	sdelay $0x4  }
0x35d: {  	v8 =	vshll.u32 v7, $0x1  }
0x35e: {  	v7 =	vand.u32 $0x7, v7;
	v8 =	vand.u32 $0xFFFFFFF0, v8  }
0x35f: {  	v7 =	vor.u32 v7, v8  }
0x360: {  	v8 =	vperm.xlane v7, v1;
	_ =	sdelay $0x1  }
0x361: {  	v7 =	vperm.xlane v7, v4;
	v8 =	vadd.s32 v2, v8;
	_ =	sdelay $0x1  }
0x362: {  	v7 =	vadd.s32 v2, v7;
	_ =	sdelay $0x2  }
0x363: {  	[tilespmem:s4], [sflag:$0x1] =	stream.indirect_vreg.gather [hbm4b:s1+s11], $0x80, v8, vm0, $0xb8;
	[tilespmem:$0x14480] =	vst v63  }
0x364: {  	_ = 	snop  }
0x365: {  	[tilespmem:s3], [sflag:$0x1] =	stream.indirect_vreg.gather [hbm4b:s1+s11], $0x80, v7, vm0, $0xb8;
	[tilespmem:$0x14480] =	vst v63  }
0x366: {  	v7 =	vld [tilespmem:$0x200];
	_ =	sdelay $0x4  }
0x367: {  	v8 =	vshll.u32 v7, $0x1  }
0x368: {  	v7 =	vand.u32 $0x7, v7;
	v8 =	vand.u32 $0xFFFFFFF0, v8  }
0x369: {  	v7 =	vor.u32 v7, v8  }
0x36a: {  	v8 =	vperm.xlane v7, v1;
	_ =	sdelay $0x1  }
0x36b: {  	v7 =	vperm.xlane v7, v4;
	v8 =	vadd.s32 v2, v8;
	_ =	sdelay $0x1  }
0x36c: {  	v7 =	vadd.s32 v2, v7;
	_ =	sdelay $0x2  }
0x36d: {  	[tilespmem:s31], [sflag:$0x1] =	stream.indirect_vreg.gather [hbm4b:s1+s11], $0x80, v8, vm0, $0xb8;
	[tilespmem:$0x14480] =	vst v63  }
0x36e: {  	_ = 	snop  }
0x36f: {  	[tilespmem:s0], [sflag:$0x1] =	stream.indirect_vreg.gather [hbm4b:s1+s11], $0x80, v7, vm0, $0xb8;
	[tilespmem:$0x14480] =	vst v63  }
0x370: {  	v7 =	vld [tilespmem:$0x210];
	_ =	sdelay $0x4  }
0x371: {  	v8 =	vshll.u32 v7, $0x1  }
0x372: {  	v7 =	vand.u32 $0x7, v7;
	v8 =	vand.u32 $0xFFFFFFF0, v8  }
0x373: {  	v7 =	vor.u32 v7, v8  }
0x374: {  	v8 =	vperm.xlane v7, v1;
	_ =	sdelay $0x1  }
0x375: {  	v7 =	vperm.xlane v7, v4;
	v8 =	vadd.s32 v2, v8;
	_ =	sdelay $0x1  }
0x376: {  	v7 =	vadd.s32 v2, v7;
	_ =	sdelay $0x2  }
0x377: {  	[tilespmem:s2], [sflag:$0x1] =	stream.indirect_vreg.gather [hbm4b:s1+s11], $0x80, v8, vm0, $0xb8;
	[tilespmem:$0x14480] =	vst v63  }
0x378: {  	_ = 	snop  }
0x379: {  	[tilespmem:s5], [sflag:$0x1] =	stream.indirect_vreg.gather [hbm4b:s1+s11], $0x80, v7, vm0, $0xb8;
	[tilespmem:$0x14480] =	vst v63  }
0x37a: {  	v7 =	vld [tilespmem:$0x220];
	_ =	sdelay $0x4  }
0x37b: {  	v8 =	vshll.u32 v7, $0x1  }
0x37c: {  	v7 =	vand.u32 $0x7, v7;
	v8 =	vand.u32 $0xFFFFFFF0, v8  }
0x37d: {  	v7 =	vor.u32 v7, v8  }
0x37e: {  	v8 =	vperm.xlane v7, v1;
	_ =	sdelay $0x1  }
0x37f: {  	v7 =	vperm.xlane v7, v4;
	v8 =	vadd.s32 v2, v8;
	_ =	sdelay $0x1  }
0x380: {  	v7 =	vadd.s32 v2, v7;
	_ =	sdelay $0x2  }
0x381: {  	[tilespmem:s6], [sflag:$0x1] =	stream.indirect_vreg.gather [hbm4b:s1+s11], $0x80, v8, vm0, $0xb8;
	[tilespmem:$0x14480] =	vst v63  }
0x382: {  	_ = 	snop  }
0x383: {  	[tilespmem:s7], [sflag:$0x1] =	stream.indirect_vreg.gather [hbm4b:s1+s11], $0x80, v7, vm0, $0xb8;
	[tilespmem:$0x14480] =	vst v63  }
0x384: {  	_ =	swait.ge [sflag:s8], $0x3000  }
0x385: {  	[sflag:s8] =	ssyncset.done $0x0  }
0x386: {  	[sflag:s8] =	ssyncadd.s32 $0xFFFFD000  }
0x387: {  	_ =	swait.ge [sflag:s8], $0x3000  }
0x388: {  	[sflag:s8] =	ssyncset.done $0x0  }
0x389: {  	[sflag:s8] =	ssyncadd.s32 $0xFFFFD000  }
0x38a: {  	_ =	swait.ge [sflag:s8], $0x3000  }
0x38b: {  	[sflag:s8] =	ssyncset.done $0x0  }
0x38c: {  	[sflag:s8] =	ssyncadd.s32 $0xFFFFD000  }
0x38d: {  	_ =	swait.ge [sflag:s8], $0x3000  }
0x38e: {  	[sflag:s8] =	ssyncset.done $0x0  }
0x38f: {  	[sflag:s8] =	ssyncadd.s32 $0xFFFFD000  }
0x390: {  	_ =	swait.ge [sflag:s8], $0x3000  }
0x391: {  	[sflag:s8] =	ssyncset.done $0x0  }
0x392: {  	[sflag:s8] =	ssyncadd.s32 $0xFFFFD000  }
0x393: {  	v7 =	vld [tilespmem:$0x0];
	_ =	sdelay $0x7  }
0x394: {  	[tilespmem:v7+s9+$0x0] =	vst.idx.add.f32.msk $0xffff, v5  }
0x395: {  	v7 =	vld [tilespmem:$0x10];
	_ =	sdelay $0x7  }
0x396: {  	[tilespmem:v7+s9+$0x0] =	vst.idx.add.f32.msk $0xffff, v5  }
0x397: {  	v7 =	vld [tilespmem:$0x20];
	_ =	sdelay $0x7  }
0x398: {  	[tilespmem:v7+s9+$0x0] =	vst.idx.add.f32.msk $0xffff, v5  }
0x399: {  	v7 =	vld [tilespmem:$0x80];
	_ =	sdelay $0x7  }
0x39a: {  	[tilespmem:v7+s9+$0x0] =	vst.idx.add.f32.msk $0xffff, v5  }
0x39b: {  	v7 =	vld [tilespmem:$0x90];
	_ =	sdelay $0x7  }
0x39c: {  	[tilespmem:v7+s9+$0x0] =	vst.idx.add.f32.msk $0xffff, v5  }
0x39d: {  	v7 =	vld [tilespmem:$0xA0];
	_ =	sdelay $0x7  }
0x39e: {  	[tilespmem:v7+s9+$0x0] =	vst.idx.add.f32.msk $0xffff, v5  }
0x39f: {  	v7 =	vld [tilespmem:$0x100];
	_ =	sdelay $0x7  }
0x3a0: {  	[tilespmem:v7+s9+$0x0] =	vst.idx.add.f32.msk $0xffff, v5  }
0x3a1: {  	v7 =	vld [tilespmem:$0x110];
	_ =	sdelay $0x7  }
0x3a2: {  	[tilespmem:v7+s9+$0x0] =	vst.idx.add.f32.msk $0xffff, v5  }
0x3a3: {  	v7 =	vld [tilespmem:$0x120];
	_ =	sdelay $0x7  }
0x3a4: {  	[tilespmem:v7+s9+$0x0] =	vst.idx.add.f32.msk $0xffff, v5  }
0x3a5: {  	v7 =	vld [tilespmem:$0x180];
	_ =	sdelay $0x7  }
0x3a6: {  	[tilespmem:v7+s9+$0x0] =	vst.idx.add.f32.msk $0xffff, v5  }
0x3a7: {  	v7 =	vld [tilespmem:$0x190];
	_ =	sdelay $0x7  }
0x3a8: {  	[tilespmem:v7+s9+$0x0] =	vst.idx.add.f32.msk $0xffff, v5  }
0x3a9: {  	v7 =	vld [tilespmem:$0x1A0];
	_ =	sdelay $0x7  }
0x3aa: {  	[tilespmem:v7+s9+$0x0] =	vst.idx.add.f32.msk $0xffff, v5  }
0x3ab: {  	v7 =	vld [tilespmem:$0x200];
	_ =	sdelay $0x7  }
0x3ac: {  	[tilespmem:v7+s9+$0x0] =	vst.idx.add.f32.msk $0xffff, v5  }
0x3ad: {  	v7 =	vld [tilespmem:$0x210];
	_ =	sdelay $0x7  }
0x3ae: {  	[tilespmem:v7+s9+$0x0] =	vst.idx.add.f32.msk $0xffff, v5  }
0x3af: {  	v7 =	vld [tilespmem:$0x220];
	_ =	sdelay $0x7  }
0x3b0: {  	s12 =	simm.s32 $0x0;
	[tilespmem:v7+s9+$0x0] =	vst.idx.add.f32.msk $0xffff, v5  }
.LBB2_8:
0x3b1: {  	s13 =	sand.u32 $0x3800, s12;
	s14 =	sand.u32 $0x380, s11  }
0x3b2: {  	s13 =	sor.u32 s14, s13  }
0x3b3: {  	v7 =	vld [tilespmem:s13+$0x400]  }
0x3b4: {  	v8 =	vld [tilespmem:s13+$0x3400]  }
0x3b5: {  	v9 =	vld [tilespmem:s13+$0x6400]  }
0x3b6: {  	v10 =	vld [tilespmem:s13+$0x9400]  }
0x3b7: {  	v11 =	vld [tilespmem:s13+$0xC400]  }
0x3b8: {  	v12 =	vld [tilespmem:s13+$0xF400]  }
0x3b9: {  	v13 =	vld [tilespmem:s13+$0x410]  }
0x3ba: {  	v14 =	vld [tilespmem:s13+$0x3410]  }
0x3bb: {  	v15 =	vld [tilespmem:s13+$0x6410]  }
0x3bc: {  	v16 =	vld [tilespmem:s13+$0x9410]  }
0x3bd: {  	v17 =	vld [tilespmem:s13+$0xC410]  }
0x3be: {  	v18 =	vld [tilespmem:s13+$0xF410]  }
0x3bf: {  	v19 =	vld [tilespmem:s13+$0x420]  }
0x3c0: {  	v20 =	vld [tilespmem:s13+$0x3420]  }
0x3c1: {  	v21 =	vld [tilespmem:s13+$0x6420]  }
0x3c2: {  	v22 =	vld [tilespmem:s13+$0x9420]  }
0x3c3: {  	v23 =	vld [tilespmem:s13+$0xC420]  }
0x3c4: {  	v24 =	vld [tilespmem:s13+$0xF420]  }
0x3c5: {  	v25 =	vld [tilespmem:s13+$0x430]  }
0x3c6: {  	v26 =	vld [tilespmem:s13+$0x3430]  }
0x3c7: {  	v27 =	vld [tilespmem:s13+$0x6430]  }
0x3c8: {  	v28 =	vld [tilespmem:s13+$0x9430]  }
0x3c9: {  	v29 =	vld [tilespmem:s13+$0xC430]  }
0x3ca: {  	v30 =	vld [tilespmem:s13+$0xF430]  }
0x3cb: {  	v31 =	vld [tilespmem:s13+$0x440]  }
0x3cc: {  	v32 =	vld [tilespmem:s13+$0x3440]  }
0x3cd: {  	v33 =	vld [tilespmem:s13+$0x6440]  }
0x3ce: {  	v34 =	vld [tilespmem:s13+$0x9440]  }
0x3cf: {  	v35 =	vld [tilespmem:s13+$0xC440]  }
0x3d0: {  	v36 =	vld [tilespmem:s13+$0xF440]  }
0x3d1: {  	v37 =	vld [tilespmem:s13+$0x450]  }
0x3d2: {  	v38 =	vld [tilespmem:s13+$0x3450]  }
0x3d3: {  	v39 =	vld [tilespmem:s13+$0x6450]  }
0x3d4: {  	v40 =	vld [tilespmem:s13+$0x9450]  }
0x3d5: {  	v41 =	vld [tilespmem:s13+$0xC450]  }
0x3d6: {  	v42 =	vld [tilespmem:s13+$0xF450]  }
0x3d7: {  	v43 =	vld [tilespmem:s13+$0x460]  }
0x3d8: {  	v44 =	vld [tilespmem:s13+$0x3460]  }
0x3d9: {  	v45 =	vld [tilespmem:s13+$0x6460]  }
0x3da: {  	v46 =	vld [tilespmem:s13+$0x9460]  }
0x3db: {  	v47 =	vld [tilespmem:s13+$0xC460]  }
0x3dc: {  	v48 =	vld [tilespmem:s13+$0x6470]  }
0x3dd: {  	v49 =	vld [tilespmem:s13+$0x3800]  }
0x3de: {  	v51 =	vld [tilespmem:s13+$0x9800]  }
0x3df: {  	v7 =	vadd.f32 v8, v7;
	v8 =	vadd.f32 v10, v9;
	v9 =	vld [tilespmem:s13+$0xF460]  }
0x3e0: {  	v10 =	vld [tilespmem:s13+$0x470]  }
0x3e1: {  	v62 =	vadd.f32 v16, v15;
	v15 =	vld [tilespmem:s13+$0xC470]  }
0x3e2: {  	v16 =	vld [tilespmem:s13+$0xF470]  }
0x3e3: {  	v13 =	vadd.f32 v14, v13;
	v14 =	vld [tilespmem:s13+$0x800]  }
0x3e4: {  	v52 =	vadd.f32 v22, v21;
	v21 =	vld [tilespmem:s13+$0xF800]  }
0x3e5: {  	v19 =	vadd.f32 v20, v19;
	v22 =	vld [tilespmem:s13+$0x3810]  }
0x3e6: {  	v54 =	vadd.f32 v26, v25;
	v55 =	vadd.f32 v28, v27;
	v26 =	vld [tilespmem:s13+$0x6810]  }
0x3e7: {  	v56 =	vadd.f32 v32, v31;
	v57 =	vadd.f32 v34, v33;
	v31 =	vld [tilespmem:s13+$0x9810]  }
0x3e8: {  	v25 =	vld [tilespmem:s13+$0xF810];
	v60 =	vadd.f32 v38, v37;
	v61 =	vadd.f32 v40, v39  }
0x3e9: {  	v32 =	vld [tilespmem:s13+$0x820];
	v40 =	vadd.f32 v46, v45;
	v7 =	vadd.f32 v8, v7  }
0x3ea: {  	v28 =	vld [tilespmem:s13+$0x6820];
	v13 =	vadd.f32 v62, v13;
	v19 =	vadd.f32 v52, v19  }
0x3eb: {  	v37 =	vld [tilespmem:s13+$0xC820];
	v20 =	vadd.f32 v55, v54;
	v59 =	vadd.f32 v57, v56  }
0x3ec: {  	v8 =	vld [tilespmem:s13+$0x3470];
	v27 =	vadd.f32 v61, v60;
	v7 =	vadd.f32 v7, v11  }
0x3ed: {  	v62 =	vld [tilespmem:s13+$0x3820];
	v13 =	vadd.f32 v13, v17;
	v58 =	vadd.f32 v19, v23  }
0x3ee: {  	v45 =	vld [tilespmem:s13+$0x6830];
	v20 =	vadd.f32 v20, v29;
	v23 =	vadd.f32 v59, v35;
	v7 =	vmul.f32 v7, v3  }
0x3ef: {  	v39 =	vld [tilespmem:s13+$0xF830];
	v27 =	vadd.f32 v27, v41;
	v14 =	vadd.f32 v49, v14  }
0x3f0: {  	v11 =	vld [tilespmem:s13+$0x9470];
	v59 =	vadd.f32 v31, v26;
	v13 =	vmul.f32 v13, v3;
	v50 =	vsub.f32 v7, v12  }
0x3f1: {  	v17 =	vld [tilespmem:s13+$0x6800];
	v20 =	vmul.f32 v20, v3;
	v23 =	vmul.f32 v23, v3;
	v8 =	vadd.f32 v8, v10  }
0x3f2: {  	v35 =	vld [tilespmem:s13+$0x9820];
	v62 =	vadd.f32 v62, v32;
	v53 =	vsub.f32 v13, v18;
	v63 =	vmul.f32 v50, v50  }
0x3f3: {  	v38 =	vld [tilespmem:s13+$0x860];
	v27 =	vmul.f32 v27, v3;
	v20 =	vsub.f32 v20, v30;
	v23 =	vsub.f32 v23, v36  }
0x3f4: {  	v52 =	vld [tilespmem:s13+$0x840];
	v7 =	vadd.f32 v50, v12;
	v12 =	vmul.f32 v53, v53;
	v6 =	vadd.f32 v63, v6  }
0x3f5: {  	v55 =	vld [tilespmem:s13+$0x6840];
	v27 =	vsub.f32 v27, v42;
	v41 =	vadd.f32 v11, v48  }
0x3f6: {  	v56 =	vld [tilespmem:s13+$0x9840];
	v17 =	vadd.f32 v51, v17;
	v6 =	vadd.f32 v12, v6;
	v12 =	vmul.f32 v58, v3  }
0x3f7: {  	v57 =	vld [tilespmem:s13+$0xC840];
	v28 =	vadd.f32 v35, v28;
	v18 =	vadd.f32 v53, v18  }
0x3f8: {  	v13 =	vld [tilespmem:s13+$0x810];
	v46 =	vmul.f32 v23, v23;
	v63 =	vadd.f32 v44, v43;
	v12 =	vsub.f32 v12, v24  }
0x3f9: {  	v60 =	vld [tilespmem:s13+$0x3850];
	v51 =	vmul.f32 v27, v27;
	v23 =	vadd.f32 v23, v36;
	v27 =	vadd.f32 v27, v42  }
0x3fa: {  	v50 =	vld [tilespmem:s13+$0xC800];
	v33 =	vadd.f32 v40, v63;
	v24 =	vadd.f32 v12, v24;
	v12 =	vmul.f32 v12, v12  }
0x3fb: {  	v11 =	vld [tilespmem:s13+$0x830];
	v8 =	vadd.f32 v41, v8;
	v14 =	vadd.f32 v17, v14  }
0x3fc: {  	v53 =	vld [tilespmem:s13+$0x3840];
	v43 =	vmul.f32 v20, v20;
	v33 =	vadd.f32 v33, v47;
	v6 =	vadd.f32 v12, v6  }
0x3fd: {  	v42 =	vld [tilespmem:s13+$0x3860];
	v8 =	vadd.f32 v8, v15;
	v13 =	vadd.f32 v22, v13  }
0x3fe: {  	v44 =	vld [tilespmem:s13+$0x3830];
	v20 =	vadd.f32 v20, v30;
	v33 =	vmul.f32 v33, v3;
	v6 =	vadd.f32 v43, v6  }
0x3ff: {  	v58 =	vld [tilespmem:s13+$0x850];
	v8 =	vmul.f32 v8, v3;
	v14 =	vadd.f32 v14, v50;
	v13 =	vadd.f32 v59, v13  }
0x400: {  	v47 =	vld [tilespmem:s13+$0x9830];
	v33 =	vsub.f32 v33, v9;
	v6 =	vadd.f32 v46, v6  }
0x401: {  	v61 =	vld [tilespmem:s13+$0x6850];
	v17 =	vadd.f32 v53, v52;
	v8 =	vsub.f32 v8, v16  }
0x402: {  	v19 =	vld [tilespmem:s13+$0xC810];
	[tilespmem:s13+$0xF400] =	vst v7;
	v7 =	vadd.f32 v42, v38;
	v54 =	vmul.f32 v33, v33;
	v6 =	vadd.f32 v51, v6  }
0x403: {  	v49 =	vld [tilespmem:s13+$0x6870];
	v14 =	vmul.f32 v14, v3;
	v11 =	vadd.f32 v44, v11;
	v16 =	vadd.f32 v8, v16  }
0x404: {  	v48 =	vld [tilespmem:s13+$0xC830];
	v8 =	vmul.f32 v8, v8;
	v26 =	vadd.f32 v60, v58;
	v6 =	vadd.f32 v54, v6  }
0x405: {  	v63 =	vld [tilespmem:s13+$0x9850];
	v10 =	vadd.f32 v47, v45;
	v45 =	vadd.f32 v56, v55  }
0x406: {  	v50 =	vld [tilespmem:s13+$0x9870];
	v6 =	vadd.f32 v8, v6;
	v8 =	vsub.f32 v14, v21  }
0x407: {  	v44 =	vld [tilespmem:s13+$0x6860];
	v9 =	vadd.f32 v33, v9;
	v10 =	vadd.f32 v10, v11  }
0x408: {  	v43 =	vadd.f32 v28, v62;
	v46 =	vld [tilespmem:s13+$0x9860];
	v21 =	vadd.f32 v8, v21;
	v8 =	vmul.f32 v8, v8  }
0x409: {  	v47 =	vld [tilespmem:s13+$0x870];
	v17 =	vadd.f32 v45, v17;
	v10 =	vadd.f32 v10, v48  }
0x40a: {  	v48 =	vld [tilespmem:s13+$0x3870];
	v6 =	vadd.f32 v8, v6;
	v8 =	vadd.f32 v13, v19  }
0x40b: {  	v34 =	vld [tilespmem:s13+$0xF820];
	v12 =	vadd.f32 v17, v57;
	v17 =	vadd.f32 v50, v49  }
0x40c: {  	v51 =	vld [tilespmem:s13+$0xF840];
	v10 =	vmul.f32 v10, v3;
	v19 =	vadd.f32 v43, v37;
	v8 =	vmul.f32 v8, v3  }
0x40d: {  	v35 =	vld [tilespmem:s13+$0xC850];
	v11 =	vadd.f32 v46, v44;
	v14 =	vadd.f32 v63, v61  }
0x40e: {  	v52 =	vld [tilespmem:s13+$0xC860];
	v10 =	vsub.f32 v10, v39;
	v19 =	vmul.f32 v19, v3;
	v8 =	vsub.f32 v8, v25  }
0x40f: {  	v12 =	vmul.f32 v12, v3;
	v15 =	vadd.f32 v48, v47;
	v14 =	vadd.f32 v14, v26  }
0x410: {  	[tilespmem:s13+$0xF410] =	vst v18;
	v54 =	vld [tilespmem:s13+$0xC870];
	v19 =	vsub.f32 v19, v34;
	v25 =	vadd.f32 v8, v25;
	v8 =	vmul.f32 v8, v8  }
0x411: {  	[tilespmem:s13+$0xF440] =	vst v23;
	v53 =	vld [tilespmem:s13+$0xF850];
	v7 =	vadd.f32 v11, v7;
	v12 =	vsub.f32 v12, v51  }
0x412: {  	[tilespmem:s13+$0xF450] =	vst v27;
	v55 =	vld [tilespmem:s13+$0xF860];
	v14 =	vadd.f32 v14, v35;
	v6 =	vadd.f32 v8, v6;
	v8 =	vmul.f32 v19, v19  }
0x413: {  	[tilespmem:s13+$0xF430] =	vst v20;
	v56 =	vadd.f32 v17, v15;
	v7 =	vadd.f32 v7, v52  }
0x414: {  	v58 =	vld [tilespmem:s13+$0xF870];
	[tilespmem:s13+$0xF420] =	vst v24;
	v14 =	vmul.f32 v14, v3;
	v6 =	vadd.f32 v8, v6;
	v8 =	vmul.f32 v10, v10  }
0x415: {  	[tilespmem:s13+$0xF470] =	vst v16;
	v60 =	vadd.f32 v12, v51;
	v11 =	vadd.f32 v56, v54;
	v7 =	vmul.f32 v7, v3  }
0x416: {  	[tilespmem:s13+$0xF460] =	vst v9;
	v59 =	vsub.f32 v14, v53;
	v6 =	vadd.f32 v8, v6;
	v8 =	vmul.f32 v12, v12  }
0x417: {  	[tilespmem:s13+$0xF800] =	vst v21;
	v11 =	vmul.f32 v11, v3;
	v7 =	vsub.f32 v7, v55  }
0x418: {  	[tilespmem:s13+$0xF840] =	vst v60;
	v57 =	vadd.f32 v19, v34;
	v6 =	vadd.f32 v8, v6;
	v8 =	vmul.f32 v59, v59  }
0x419: {  	p0 =	sne.s32 s12, $0x2F00;
	v62 =	vsub.f32 v11, v58;
	v61 =	vadd.f32 v59, v53;
	[tilespmem:s13+$0xF810] =	vst v25  }
.Ltmp3:
0x41a: {  	[tilespmem:s13+$0xF820] =	vst v57;
	v10 =	vadd.f32 v10, v39;
	v6 =	vadd.f32 v8, v6;
	v8 =	vmul.f32 v7, v7;
	(pc) =	sbr.rel @p0 .LBB2_8-.Ltmp3, $4  }
0x41b: {  	[tilespmem:s13+$0xF850] =	vst v61;
	v7 =	vadd.f32 v7, v55  }
0x41c: {  	v63 =	vmul.f32 v62, v62;
	[tilespmem:s13+$0xF830] =	vst v10;
	v6 =	vadd.f32 v8, v6;
	v8 =	vadd.f32 v62, v58  }
0x41d: {  	[tilespmem:s13+$0xF860] =	vst v7  }
0x41e: {  	s11 =	sadd.s32 $0x80, s11;
	s12 =	sadd.s32 $0x100, s12;
	[tilespmem:s13+$0xF870] =	vst v8;
	v6 =	vadd.f32 v63, v6  }
0x41f: {  	s11 =	simm.s32 $0x0;
	s12 =	rddreg [dreg:$0x16]  }
0x420: {  	[hbm4b:s12+s11] =	stream.linear.scatter [tilespmem:s29], [sflag:$0x2], $0x3000, $0x38;
	[tilespmem:$0x14480] =	vst v63  }
0x421: {  	_ =	swait.ge [sflag:s30], $0x3000  }
0x422: {  	[sflag:s30] =	ssyncset.done $0x0  }
0x423: {  	[sflag:s30] =	ssyncadd.s32 $0xFFFFD000  }
0x424: {  	s13 =	simm.s32 $0x14400;
	s14 =	rddreg [dreg:$0x18];
	[tilespmem:$0x14400] =	vst v6  }
0x425: {  	[hbm4b:s14+s11] =	stream.linear.scatter [tilespmem:s13], [sflag:$0x2], $0x10, $0x38;
	[tilespmem:$0x14480] =	vst v63  }
0x426: {  	_ =	swait.ge [sflag:s30], $0x10  }
0x427: {  	[sflag:s30] =	ssyncset.done $0x0  }
0x428: {  	s13 =	rddreg [dreg:$0x19];
	[sflag:s30] =	ssyncadd.s32 $0xFFFFFFF0  }
0x429: {  	[hbm4b:s13+s11] =	stream.linear.scatter [tilespmem:s9], [sflag:$0x2], $0x2000, $0x38;
	[tilespmem:$0x14480] =	vst v63  }
0x42a: {  	_ =	swait.ge [sflag:s30], $0x2000  }
0x42b: {  	s10 =	sadd.s32 $0x1, s10;
	s14 =	rddreg [dreg:$0x1a]  }
0x42c: {  	p0 =	sne.s32 s10, s14  }
.Ltmp4:
0x42d: {  	_ = 	snop;
	(pc) =	sbr.rel @p0 .LBB2_1-.Ltmp4, $3  }
0x42e: {  	_ =	sdelay $0x1  }
0x42f: {  	[sflag:s30] =	ssyncset.done $0x0  }
0x430: {  	[sflag:s30] =	ssyncadd.s32 $0xFFFFE000  }
0x431: {  	_ =	sfence.sel $0x180000  }
0x432: {  	[bflag:$0x0] =	sbarrier.arrive $0xFFFF  }
0x433: {  	_ =	strace $0x90000047  }
0x434: {  	s0 =	stileid.u32;
	[bflag:$0x2] =	sbarrier.arrive $0xFFFF  }
0x435: {  	p0 =	sne.s32 s0, $0x0;
	s0 =	rddreg [dreg:$0x4]  }
0x436: {  	s0 =	sadd.s32 @!p0 $0x100000, s0  }
0x437: {  	[sflag:s0] =	ssyncadd.tile.s32 @!p0 $0x1;
	_ =	shalt  }
.Lfunc_end2:
_tile_overlayer_lowered:
.L_overlay_start_2:
0x438: {  	(tag) =	ssettag $0x2  }
0x439: {  	s0 =	rddreg [dreg:$0x0];
	s2 =	stileid.u32  }
0x43a: {  	s1 =	rddreg [dreg:$0x1];
	p0 =	sne.s32 s2, $0x0  }
0x43b: {  	s3 =	rddreg [dreg:$0x2];
	[bflag:$0x3] =	sbarrier.arrive $0xFFFF;
	s2 =	simm.s32 @!p0 $0x1C02  }
0x43c: {  	[timem:s3], [sflag:s2] =	dma.local @!p0 [hbm:s0], s1  }
0x43d: {  	s0 =	simm.s32 @!p0 $0x2  }
0x43e: {  	_ =	swait.ge @!p0 [sflag:s0], s1  }
0x43f: {  	s1 =	ssub.s32 @!p0 $0x0, s1;
	[sflag:s0] =	ssyncset.done @!p0 $0x0  }
0x440: {  	[sflag:s0] =	ssyncadd.s32 @!p0 s1  }
0x441: {  	[bflag:$0x3] =	sbarrier.arrive $0xFFFF  }
0x442: {  	_ =	shalt  }

</sc_bundles>
